<compile_context>
chip_gen: v7x
topology: tpu7x:2x2x1
jax: 0.10.2.dev20260603
libtpu: 0.0.44.dev20260713+nightly
codegen_flags: <defaults>
</compile_context>

<pallas_src>
import dataclasses
import functools

import jax
import jax.numpy as jnp
from jax import lax
from jax.experimental import pallas as pl
from jax.experimental.pallas import tpu as pltpu
from jax.experimental.pallas import tpu_sc as plsc

GAMMA = 1.0

B = 16384
D = 64
L = 100
LPAD = 112
NBINS = 128

NC, NS = 2, 16
NW = NC * NS
ROWS_W = B // NW
CH = 128


def _sc_compiler_params():
    cp = pltpu.CompilerParams()
    if "needs_layout_passes" in pltpu.CompilerParams.__dataclass_fields__:
        cp = dataclasses.replace(cp, needs_layout_passes=False)
    return cp


def _sc_hist(ids_pad):
    mesh = plsc.VectorSubcoreMesh(core_axis_name="c", subcore_axis_name="s")

    @functools.partial(
        pl.kernel,
        compiler_params=_sc_compiler_params(),
        out_type=jax.ShapeDtypeStruct((B, NBINS), jnp.float32),
        mesh=mesh,
        scratch_types=[
            pltpu.VMEM((CH, LPAD), jnp.int32),
            pltpu.VMEM((CH, NBINS), jnp.float32),
            pltpu.SemaphoreType.DMA,
        ],
    )
    def k(ids_hbm, cnt_out, ids_v, cnt_v, isem):
        wid = lax.axis_index("s") * NC + lax.axis_index("c")
        ones = jnp.ones((16,), jnp.float32)
        zeros16 = jnp.zeros((16,), jnp.float32)
        lastmask = lax.iota(jnp.int32, 16) < (L - (LPAD // 16 - 1) * 16)

        for c in range(ROWS_W // CH):
            base = wid * ROWS_W + c * CH
            icp = pltpu.async_copy(ids_hbm.at[pl.ds(base, CH)], ids_v, isem)

            @pl.loop(0, CH)
            def _(r):
                for kk in range(NBINS // 16):
                    cnt_v[r, pl.ds(kk * 16, 16)] = zeros16

            icp.wait()

            @pl.loop(0, CH)
            def _(r):
                rows = jnp.broadcast_to(r, (16,)).astype(jnp.int32)
                for g in range(LPAD // 16):
                    ids16 = ids_v[r, pl.ds(g * 16, 16)]
                    if g == LPAD // 16 - 1:
                        plsc.addupdate_scatter(
                            cnt_v, [rows, ids16], ones, mask=lastmask)
                    else:
                        plsc.addupdate_scatter(cnt_v, [rows, ids16], ones)

            pltpu.sync_copy(cnt_v, cnt_out.at[pl.ds(base, CH)])

    return k(ids_pad)


KF = 16


def _sc_gather_blk(ent, heads1d, cnt):
    mesh = plsc.VectorSubcoreMesh(core_axis_name="c", subcore_axis_name="s")

    @functools.partial(
        pl.kernel,
        compiler_params=_sc_compiler_params(),
        out_type=jax.ShapeDtypeStruct((B, D), jnp.float32),
        mesh=mesh,
        scratch_types=[
            pltpu.VMEM((ROWS_W,), jnp.int32),
            pltpu.VMEM((2 * KF, 8, D), jnp.float32),
            pltpu.VMEM((ROWS_W, D), jnp.float32),
            pltpu.SemaphoreType.DMA,
        ],
    )
    def k(ent_hbm, heads_hbm, cnt_hbm, h_out, hv, tbuf, rbuf, gsem):
        wid = lax.axis_index("s") * NC + lax.axis_index("c")
        base = wid * ROWS_W
        pltpu.sync_copy(heads_hbm.at[pl.ds(base, ROWS_W)], hv)
        iota16 = lax.iota(jnp.int32, 16)

        @pl.loop(0, ROWS_W, step=2 * KF)
        def _(j0):
            es = []
            cps = []
            for half in range(2):
                hv16 = hv[pl.ds(j0 + half * KF, KF)]
                for jj in range(KF):
                    e = jnp.max(jnp.where(iota16 == jj, hv16, 0))
                    es.append(e)
                    e8 = pl.multiple_of((e >> 3) << 3, 8)
                    cp = pltpu.make_async_copy(
                        ent_hbm.at[pl.ds(e8, 8)],
                        tbuf.at[half * KF + jj], gsem)
                    cp.start()
                    cps.append(cp)
            for cp in cps:
                cp.wait()
            for sj in range(2 * KF):
                r = es[sj] & 7
                for q in range(D // 16):
                    sl = pl.ds(q * 16, 16)
                    rbuf[j0 + sj, sl] = tbuf[sj, r, sl]

        pltpu.sync_copy(rbuf, h_out.at[pl.ds(base, ROWS_W)])

    return k(ent, heads1d, cnt)


BT = 1024


def _tc_loss_body(cnt_ref, h_ref, rel_ref, c_ref, rp_ref, out_ref):
    i = pl.program_id(0)
    t = jnp.dot(cnt_ref[...], c_ref[...], preferred_element_type=jnp.float32)
    oh = (rel_ref[...] == lax.broadcasted_iota(jnp.int32, (1, 128), 1)
          ).astype(jnp.float32)
    r = jnp.dot(oh, rp_ref[...], preferred_element_type=jnp.float32)
    d = jnp.sum(jnp.abs(h_ref[...] + r - t), axis=1)
    p = jnp.sum(jnp.maximum(d + GAMMA, 0.0))

    @pl.when(i == 0)
    def _():
        out_ref[0, 0] = p

    @pl.when(i != 0)
    def _():
        out_ref[0, 0] += p


def _tc_loss(cnt, h, relcol, cemb, rp):
    return pl.pallas_call(
        _tc_loss_body,
        grid=(B // BT,),
        in_specs=[
            pl.BlockSpec((BT, NBINS), lambda i: (i, 0)),
            pl.BlockSpec((BT, D), lambda i: (i, 0)),
            pl.BlockSpec((BT, 1), lambda i: (i, 0)),
            pl.BlockSpec((128, D), lambda i: (0, 0)),
            pl.BlockSpec((128, D), lambda i: (0, 0)),
        ],
        out_specs=pl.BlockSpec(memory_space=pltpu.SMEM),
        out_shape=jax.ShapeDtypeStruct((1, 1), jnp.float32),
    )(cnt, h, relcol, cemb, rp)


def kernel(entity_embeddings, char_embeddings, rel_attr_embeddings, heads, rels, char_ids):
    heads1d = heads.astype(jnp.int32)
    relcol = rels.astype(jnp.int32).reshape(B, 1)
    ids_pad = jnp.pad(char_ids.astype(jnp.int32), ((0, 0), (0, LPAD - L)))
    rp = jnp.pad(rel_attr_embeddings, ((0, 128 - 22), (0, 0)))
    cnt = _sc_hist(ids_pad)
    h = _sc_gather_blk(entity_embeddings, heads1d, cnt)
    out = _tc_loss(cnt, h, relcol, char_embeddings, rp)
    return out[0, 0]

# --- scband reference (transcript-rebuilt; emitter-appended) ---
"""Pipeline reference for scband-attr-model-55448027791636 (READ-ONLY COPY).

The authoritative reference and input builder live on the scoring server;
editing this copy changes nothing except your own understanding.
"""

import jax, jax.numpy as jnp
import numpy as np

CHARSET_SIZE = 128
RELATION_NUM = 22
FEATURES_DIM = 64
GAMMA = 1.0

def setup_inputs(seed: int = 0) -> dict:
    key = jax.random.key(seed)
    k1, k2, k3, k4, k5, k6 = jax.random.split(key, 6)
    B = 16384
    L = 100
    N_ENT = 1000000
    entity_embeddings = jax.random.normal(k1, (N_ENT, FEATURES_DIM), dtype=jnp.float32)
    heads = jax.random.randint(k2, (B,), 0, N_ENT, dtype=jnp.int64) if jax.config.jax_enable_x64 else jax.random.randint(k2, (B,), 0, N_ENT).astype(jnp.int32)
    rels = jax.random.randint(k3, (B,), 0, RELATION_NUM).astype(jnp.int32)
    char_ids = jax.random.randint(k4, (B, L), 0, CHARSET_SIZE).astype(jnp.int32)
    # learned parameters (nn.Parameter in the torch module), init uniform_ like reset_parameters
    char_embeddings = jax.random.uniform(k5, (CHARSET_SIZE, FEATURES_DIM), dtype=jnp.float32)
    rel_attr_embeddings = jax.random.uniform(k6, (RELATION_NUM, FEATURES_DIM), dtype=jnp.float32)
    return {
        'entity_embeddings': entity_embeddings,
        'char_embeddings': char_embeddings,
        'rel_attr_embeddings': rel_attr_embeddings,
        'heads': heads,
        'rels': rels,
        'char_ids': char_ids,
    }

def reference(entity_embeddings, char_embeddings, rel_attr_embeddings, heads, rels, char_ids):
    # t[i] = sum over characters of char embedding (attribute string encoding)
    t = jnp.sum(jnp.take(char_embeddings, char_ids, axis=0), axis=1)  # [B, d]
    # h = entity_embeddings[head], r = rel_attr_embeddings[rel]
    h = jnp.take(entity_embeddings, heads, axis=0)  # [B, d]
    r = jnp.take(rel_attr_embeddings, rels, axis=0)  # [B, d]
    # dis = l1_norm over feature dim; TransE-style margin loss
    d = jnp.sum(jnp.abs(h + r - t), axis=-1)  # [B]
    rt = jnp.maximum(d + GAMMA, 0.0)
    return jnp.sum(rt)

if __name__ == "__main__":
    import jax
    _d = setup_inputs()
    print(jax.jit(kernel)(*tuple(_d.values())))

</pallas_src>

<mosaic_0001>
#map = affine_map<(d0, d1) -> (0, 0)>
#map1 = affine_map<(d0, d1) -> (0)>
module attributes {stable_mosaic.version = 14 : i64} {
  func.func @k(%arg0: i32, %arg1: i32, %arg2: memref<1000000x64xf32, #tpu.memory_space<hbm>>, %arg3: memref<16384xi32, #tpu.memory_space<hbm>>, %arg4: memref<16384x128xf32, #tpu.memory_space<hbm>>, %arg5: memref<16384x64xf32, #tpu.memory_space<hbm>>, %arg6: memref<512xi32, #tpu.memory_space<vmem>>, %arg7: memref<32x8x64xf32, #tpu.memory_space<vmem>>, %arg8: memref<512x64xf32, #tpu.memory_space<vmem>>, %arg9: memref<!tpu.dma_semaphore, #tpu.memory_space<semaphore_mem>>) attributes {dimension_semantics = [#tpu.dimension_semantics<core_parallel>, #tpu.dimension_semantics<subcore_parallel>], iteration_bounds = array<i64: 2, 16>, scalar_prefetch = 0 : i64, scratch_operands = 4 : i64, tpu.core_type = #tpu.core_type<sc_vector_subcore>, window_params = [{transform_indices = #map}, {transform_indices = #map1}, {transform_indices = #map}, {transform_indices = #map}]} {
    %mul3A = arith.constant 2 : i32
    %mul3A_0 = arith.muli %arg1, %mul3A : i32
    %add3A = arith.addi %mul3A_0, %arg0 : i32
    %mul3A_1 = arith.constant 512 : i32
    %mul3A_2 = arith.muli %add3A, %mul3A_1 : i32
    "tpu.region"() ({
      %run_scoped3A = tpu.sem_alloc : memref<!tpu.dma_semaphore, #tpu.memory_space<semaphore_mem>>
      %dma_start3A = tpu.memref_slice %arg3[%mul3A_2] : memref<16384xi32, #tpu.memory_space<hbm>> -> memref<512xi32, #tpu.memory_space<hbm>>
      %dma_start3A_7 = tpu.memref_slice %arg3[%mul3A_2] : memref<16384xi32, #tpu.memory_space<hbm>> -> memref<512xi32, #tpu.memory_space<hbm>>
      tpu.enqueue_dma source(%dma_start3A_7 : memref<512xi32, #tpu.memory_space<hbm>>) target(%arg6 : memref<512xi32, #tpu.memory_space<vmem>>) target_semaphore(%run_scoped3A : memref<!tpu.dma_semaphore, #tpu.memory_space<semaphore_mem>>)
      %dma_wait3A = tpu.memref_slice %arg3[%mul3A_2] : memref<16384xi32, #tpu.memory_space<hbm>> -> memref<512xi32, #tpu.memory_space<hbm>>
      %dma_wait3A_8 = tpu.memref_slice %arg3[%mul3A_2] : memref<16384xi32, #tpu.memory_space<hbm>> -> memref<512xi32, #tpu.memory_space<hbm>>
      tpu.wait_dma2 semaphore(%run_scoped3A : memref<!tpu.dma_semaphore, #tpu.memory_space<semaphore_mem>>) src(%dma_wait3A_8 : memref<512xi32, #tpu.memory_space<hbm>>) dst(%arg6 : memref<512xi32, #tpu.memory_space<vmem>>)
      tpu.yield
    }) : () -> ()
    %iota3A = tpu.iota {dimensions = array<i32: 0>} : vector<16xi32>
    %scan3A = arith.constant 0 : i32
    %scan3A_3 = arith.constant 16 : i32
    %scan3A_4 = arith.addi %scan3A, %scan3A_3 : i32
    %scan3A_5 = arith.constant 1 : i32
    scf.for %scan3A_7 = %scan3A to %scan3A_4 step %scan3A_5  : i32 {
      %mul3A_8 = arith.constant 32 : i32
      %mul3A_9 = arith.muli %scan3A_7, %mul3A_8 : i32
      %add3A_10 = arith.constant 0 : i32
      %add3A_11 = arith.addi %add3A_10, %mul3A_9 : i32
      %add3A_12 = arith.constant 0 : i32
      %add3A_13 = arith.addi %add3A_11, %add3A_12 : i32
      %get3A = arith.index_cast %add3A_13 : i32 to index
      %get3A_14 = tpu.vector_load %arg6[%get3A] {strides = array<i32>} : memref<512xi32, #tpu.memory_space<vmem>>, vector<16xi32>,
      %eq3A = arith.constant 0 : i32
      %eq3A_15 = vector.broadcast %eq3A : i32 to vector<16xi32>
      %eq3A_16 = arith.cmpi eq, %iota3A, %eq3A_15 : vector<16xi32>
      %jit3A = arith.constant 0 : i32
      %broadcast_in_dim3A = vector.broadcast %jit3A : i32 to vector<16xi32>
      %select_n3A = arith.select %eq3A_16, %get3A_14, %broadcast_in_dim3A : vector<16xi1>, vector<16xi32>
      %reduce_max3A = arith.constant true
      %reduce_max3A_17 = vector.broadcast %reduce_max3A : i1 to vector<16xi1>
      %reduce_max3A_18 = arith.constant -2147483648 : i32
      %reduce_max3A_19 = vector.broadcast %reduce_max3A_18 : i32 to vector<16xi32>
      %reduce_max3A_20 = arith.xori %select_n3A, %reduce_max3A_19 : vector<16xi32>
      %reduce_max3A_21 = tpu.scan <max>, %reduce_max3A_20 masked %reduce_max3A_17 : vector<16xi32>, vector<16xi1> -> vector<16xi32>
      %reduce_max3A_22 = arith.xori %reduce_max3A_21, %reduce_max3A_19 : vector<16xi32>
      %reduce_max3A_23 = vector.extract %reduce_max3A_22[15] : i32 from vector<16xi32>
      %shift_right_arithmetic3A = arith.constant 3 : i32
      %shift_right_arithmetic3A_24 = arith.shrsi %reduce_max3A_23, %shift_right_arithmetic3A : i32
      %shift_left3A = arith.constant 3 : i32
      %shift_left3A_25 = arith.shli %shift_right_arithmetic3A_24, %shift_left3A : i32
      %multiple_of3A = tpu.assume_multiple %shift_left3A_25, 8 : i32
      %dma_start3A = arith.constant 0 : i32
      %dma_start3A_26 = arith.constant 0 : i32
      %dma_start3A_27 = arith.constant 0 : i32
      %dma_start3A_28 = tpu.memref_slice %arg7[%dma_start3A, %dma_start3A_26, %dma_start3A_27] : memref<32x8x64xf32, #tpu.memory_space<vmem>> -> memref<1x8x64xf32, #tpu.memory_space<vmem>>
      %dma_start3A_29 = tpu.memref_squeeze %dma_start3A_28 : memref<1x8x64xf32, #tpu.memory_space<vmem>> -> memref<8x64xf32, #tpu.memory_space<vmem>>
      %dma_start3A_30 = arith.constant 0 : i32
      %dma_start3A_31 = tpu.memref_slice %arg2[%multiple_of3A, %dma_start3A_30] : memref<1000000x64xf32, #tpu.memory_space<hbm>> -> memref<8x64xf32, #tpu.memory_space<hbm>>
      %dma_start3A_32 = arith.constant 0 : i32
      %dma_start3A_33 = arith.constant 0 : i32
      %dma_start3A_34 = tpu.memref_slice %arg7[%dma_start3A, %dma_start3A_32, %dma_start3A_33] : memref<32x8x64xf32, #tpu.memory_space<vmem>> -> memref<1x8x64xf32, #tpu.memory_space<vmem>>
      %dma_start3A_35 = tpu.memref_squeeze %dma_start3A_34 : memref<1x8x64xf32, #tpu.memory_space<vmem>> -> memref<8x64xf32, #tpu.memory_space<vmem>>
      %dma_start3A_36 = arith.constant 0 : i32
      %dma_start3A_37 = tpu.memref_slice %arg2[%multiple_of3A, %dma_start3A_36] : memref<1000000x64xf32, #tpu.memory_space<hbm>> -> memref<8x64xf32, #tpu.memory_space<hbm>>
      tpu.enqueue_dma source(%dma_start3A_37 : memref<8x64xf32, #tpu.memory_space<hbm>>) target(%dma_start3A_35 : memref<8x64xf32, #tpu.memory_space<vmem>>) target_semaphore(%arg9 : memref<!tpu.dma_semaphore, #tpu.memory_space<semaphore_mem>>)
      %eq3A_38 = arith.constant 1 : i32
      %eq3A_39 = vector.broadcast %eq3A_38 : i32 to vector<16xi32>
      %eq3A_40 = arith.cmpi eq, %iota3A, %eq3A_39 : vector<16xi32>
      %jit3A_41 = arith.constant 0 : i32
      %broadcast_in_dim3A_42 = vector.broadcast %jit3A_41 : i32 to vector<16xi32>
      %select_n3A_43 = arith.select %eq3A_40, %get3A_14, %broadcast_in_dim3A_42 : vector<16xi1>, vector<16xi32>
      %reduce_max3A_44 = arith.constant true
      %reduce_max3A_45 = vector.broadcast %reduce_max3A_44 : i1 to vector<16xi1>
      %reduce_max3A_46 = arith.constant -2147483648 : i32
      %reduce_max3A_47 = vector.broadcast %reduce_max3A_46 : i32 to vector<16xi32>
      %reduce_max3A_48 = arith.xori %select_n3A_43, %reduce_max3A_47 : vector<16xi32>
      %reduce_max3A_49 = tpu.scan <max>, %reduce_max3A_48 masked %reduce_max3A_45 : vector<16xi32>, vector<16xi1> -> vector<16xi32>
      %reduce_max3A_50 = arith.xori %reduce_max3A_49, %reduce_max3A_47 : vector<16xi32>
      %reduce_max3A_51 = vector.extract %reduce_max3A_50[15] : i32 from vector<16xi32>
      %shift_right_arithmetic3A_52 = arith.constant 3 : i32
      %shift_right_arithmetic3A_53 = arith.shrsi %reduce_max3A_51, %shift_right_arithmetic3A_52 : i32
      %shift_left3A_54 = arith.constant 3 : i32
      %shift_left3A_55 = arith.shli %shift_right_arithmetic3A_53, %shift_left3A_54 : i32
      %multiple_of3A_56 = tpu.assume_multiple %shift_left3A_55, 8 : i32
      %dma_start3A_57 = arith.constant 1 : i32
      %dma_start3A_58 = arith.constant 0 : i32
      %dma_start3A_59 = arith.constant 0 : i32
      %dma_start3A_60 = tpu.memref_slice %arg7[%dma_start3A_57, %dma_start3A_58, %dma_start3A_59] : memref<32x8x64xf32, #tpu.memory_space<vmem>> -> memref<1x8x64xf32, #tpu.memory_space<vmem>>
      %dma_start3A_61 = tpu.memref_squeeze %dma_start3A_60 : memref<1x8x64xf32, #tpu.memory_space<vmem>> -> memref<8x64xf32, #tpu.memory_space<vmem>>
      %dma_start3A_62 = arith.constant 0 : i32
      %dma_start3A_63 = tpu.memref_slice %arg2[%multiple_of3A_56, %dma_start3A_62] : memref<1000000x64xf32, #tpu.memory_space<hbm>> -> memref<8x64xf32, #tpu.memory_space<hbm>>
      %dma_start3A_64 = arith.constant 0 : i32
      %dma_start3A_65 = arith.constant 0 : i32
      %dma_start3A_66 = tpu.memref_slice %arg7[%dma_start3A_57, %dma_start3A_64, %dma_start3A_65] : memref<32x8x64xf32, #tpu.memory_space<vmem>> -> memref<1x8x64xf32, #tpu.memory_space<vmem>>
      %dma_start3A_67 = tpu.memref_squeeze %dma_start3A_66 : memref<1x8x64xf32, #tpu.memory_space<vmem>> -> memref<8x64xf32, #tpu.memory_space<vmem>>
      %dma_start3A_68 = arith.constant 0 : i32
      %dma_start3A_69 = tpu.memref_slice %arg2[%multiple_of3A_56, %dma_start3A_68] : memref<1000000x64xf32, #tpu.memory_space<hbm>> -> memref<8x64xf32, #tpu.memory_space<hbm>>
      tpu.enqueue_dma source(%dma_start3A_69 : memref<8x64xf32, #tpu.memory_space<hbm>>) target(%dma_start3A_67 : memref<8x64xf32, #tpu.memory_space<vmem>>) target_semaphore(%arg9 : memref<!tpu.dma_semaphore, #tpu.memory_space<semaphore_mem>>)
      %eq3A_70 = arith.constant 2 : i32
      %eq3A_71 = vector.broadcast %eq3A_70 : i32 to vector<16xi32>
      %eq3A_72 = arith.cmpi eq, %iota3A, %eq3A_71 : vector<16xi32>
      %jit3A_73 = arith.constant 0 : i32
      %broadcast_in_dim3A_74 = vector.broadcast %jit3A_73 : i32 to vector<16xi32>
      %select_n3A_75 = arith.select %eq3A_72, %get3A_14, %broadcast_in_dim3A_74 : vector<16xi1>, vector<16xi32>
      %reduce_max3A_76 = arith.constant true
      %reduce_max3A_77 = vector.broadcast %reduce_max3A_76 : i1 to vector<16xi1>
      %reduce_max3A_78 = arith.constant -2147483648 : i32
      %reduce_max3A_79 = vector.broadcast %reduce_max3A_78 : i32 to vector<16xi32>
      %reduce_max3A_80 = arith.xori %select_n3A_75, %reduce_max3A_79 : vector<16xi32>
      %reduce_max3A_81 = tpu.scan <max>, %reduce_max3A_80 masked %reduce_max3A_77 : vector<16xi32>, vector<16xi1> -> vector<16xi32>
      %reduce_max3A_82 = arith.xori %reduce_max3A_81, %reduce_max3A_79 : vector<16xi32>
      %reduce_max3A_83 = vector.extract %reduce_max3A_82[15] : i32 from vector<16xi32>
      %shift_right_arithmetic3A_84 = arith.constant 3 : i32
      %shift_right_arithmetic3A_85 = arith.shrsi %reduce_max3A_83, %shift_right_arithmetic3A_84 : i32
      %shift_left3A_86 = arith.constant 3 : i32
      %shift_left3A_87 = arith.shli %shift_right_arithmetic3A_85, %shift_left3A_86 : i32
      %multiple_of3A_88 = tpu.assume_multiple %shift_left3A_87, 8 : i32
      %dma_start3A_89 = arith.constant 2 : i32
      %dma_start3A_90 = arith.constant 0 : i32
      %dma_start3A_91 = arith.constant 0 : i32
      %dma_start3A_92 = tpu.memref_slice %arg7[%dma_start3A_89, %dma_start3A_90, %dma_start3A_91] : memref<32x8x64xf32, #tpu.memory_space<vmem>> -> memref<1x8x64xf32, #tpu.memory_space<vmem>>
      %dma_start3A_93 = tpu.memref_squeeze %dma_start3A_92 : memref<1x8x64xf32, #tpu.memory_space<vmem>> -> memref<8x64xf32, #tpu.memory_space<vmem>>
      %dma_start3A_94 = arith.constant 0 : i32
      %dma_start3A_95 = tpu.memref_slice %arg2[%multiple_of3A_88, %dma_start3A_94] : memref<1000000x64xf32, #tpu.memory_space<hbm>> -> memref<8x64xf32, #tpu.memory_space<hbm>>
      %dma_start3A_96 = arith.constant 0 : i32
      %dma_start3A_97 = arith.constant 0 : i32
      %dma_start3A_98 = tpu.memref_slice %arg7[%dma_start3A_89, %dma_start3A_96, %dma_start3A_97] : memref<32x8x64xf32, #tpu.memory_space<vmem>> -> memref<1x8x64xf32, #tpu.memory_space<vmem>>
      %dma_start3A_99 = tpu.memref_squeeze %dma_start3A_98 : memref<1x8x64xf32, #tpu.memory_space<vmem>> -> memref<8x64xf32, #tpu.memory_space<vmem>>
      %dma_start3A_100 = arith.constant 0 : i32
      %dma_start3A_101 = tpu.memref_slice %arg2[%multiple_of3A_88, %dma_start3A_100] : memref<1000000x64xf32, #tpu.memory_space<hbm>> -> memref<8x64xf32, #tpu.memory_space<hbm>>
      tpu.enqueue_dma source(%dma_start3A_101 : memref<8x64xf32, #tpu.memory_space<hbm>>) target(%dma_start3A_99 : memref<8x64xf32, #tpu.memory_space<vmem>>) target_semaphore(%arg9 : memref<!tpu.dma_semaphore, #tpu.memory_space<semaphore_mem>>)
      %eq3A_102 = arith.constant 3 : i32
      %eq3A_103 = vector.broadcast %eq3A_102 : i32 to vector<16xi32>
      %eq3A_104 = arith.cmpi eq, %iota3A, %eq3A_103 : vector<16xi32>
      %jit3A_105 = arith.constant 0 : i32
      %broadcast_in_dim3A_106 = vector.broadcast %jit3A_105 : i32 to vector<16xi32>
      %select_n3A_107 = arith.select %eq3A_104, %get3A_14, %broadcast_in_dim3A_106 : vector<16xi1>, vector<16xi32>
      %reduce_max3A_108 = arith.constant true
      %reduce_max3A_109 = vector.broadcast %reduce_max3A_108 : i1 to vector<16xi1>
      %reduce_max3A_110 = arith.constant -2147483648 : i32
      %reduce_max3A_111 = vector.broadcast %reduce_max3A_110 : i32 to vector<16xi32>
      %reduce_max3A_112 = arith.xori %select_n3A_107, %reduce_max3A_111 : vector<16xi32>
      %reduce_max3A_113 = tpu.scan <max>, %reduce_max3A_112 masked %reduce_max3A_109 : vector<16xi32>, vector<16xi1> -> vector<16xi32>
      %reduce_max3A_114 = arith.xori %reduce_max3A_113, %reduce_max3A_111 : vector<16xi32>
      %reduce_max3A_115 = vector.extract %reduce_max3A_114[15] : i32 from vector<16xi32>
      %shift_right_arithmetic3A_116 = arith.constant 3 : i32
      %shift_right_arithmetic3A_117 = arith.shrsi %reduce_max3A_115, %shift_right_arithmetic3A_116 : i32
      %shift_left3A_118 = arith.constant 3 : i32
      %shift_left3A_119 = arith.shli %shift_right_arithmetic3A_117, %shift_left3A_118 : i32
      %multiple_of3A_120 = tpu.assume_multiple %shift_left3A_119, 8 : i32
      %dma_start3A_121 = arith.constant 3 : i32
      %dma_start3A_122 = arith.constant 0 : i32
      %dma_start3A_123 = arith.constant 0 : i32
      %dma_start3A_124 = tpu.memref_slice %arg7[%dma_start3A_121, %dma_start3A_122, %dma_start3A_123] : memref<32x8x64xf32, #tpu.memory_space<vmem>> -> memref<1x8x64xf32, #tpu.memory_space<vmem>>
      %dma_start3A_125 = tpu.memref_squeeze %dma_start3A_124 : memref<1x8x64xf32, #tpu.memory_space<vmem>> -> memref<8x64xf32, #tpu.memory_space<vmem>>
      %dma_start3A_126 = arith.constant 0 : i32
      %dma_start3A_127 = tpu.memref_slice %arg2[%multiple_of3A_120, %dma_start3A_126] : memref<1000000x64xf32, #tpu.memory_space<hbm>> -> memref<8x64xf32, #tpu.memory_space<hbm>>
      %dma_start3A_128 = arith.constant 0 : i32
      %dma_start3A_129 = arith.constant 0 : i32
      %dma_start3A_130 = tpu.memref_slice %arg7[%dma_start3A_121, %dma_start3A_128, %dma_start3A_129] : memref<32x8x64xf32, #tpu.memory_space<vmem>> -> memref<1x8x64xf32, #tpu.memory_space<vmem>>
      %dma_start3A_131 = tpu.memref_squeeze %dma_start3A_130 : memref<1x8x64xf32, #tpu.memory_space<vmem>> -> memref<8x64xf32, #tpu.memory_space<vmem>>
      %dma_start3A_132 = arith.constant 0 : i32
      %dma_start3A_133 = tpu.memref_slice %arg2[%multiple_of3A_120, %dma_start3A_132] : memref<1000000x64xf32, #tpu.memory_space<hbm>> -> memref<8x64xf32, #tpu.memory_space<hbm>>
      tpu.enqueue_dma source(%dma_start3A_133 : memref<8x64xf32, #tpu.memory_space<hbm>>) target(%dma_start3A_131 : memref<8x64xf32, #tpu.memory_space<vmem>>) target_semaphore(%arg9 : memref<!tpu.dma_semaphore, #tpu.memory_space<semaphore_mem>>)
      %eq3A_134 = arith.constant 4 : i32
      %eq3A_135 = vector.broadcast %eq3A_134 : i32 to vector<16xi32>
      %eq3A_136 = arith.cmpi eq, %iota3A, %eq3A_135 : vector<16xi32>
      %jit3A_137 = arith.constant 0 : i32
      %broadcast_in_dim3A_138 = vector.broadcast %jit3A_137 : i32 to vector<16xi32>
      %select_n3A_139 = arith.select %eq3A_136, %get3A_14, %broadcast_in_dim3A_138 : vector<16xi1>, vector<16xi32>
      %reduce_max3A_140 = arith.constant true
      %reduce_max3A_141 = vector.broadcast %reduce_max3A_140 : i1 to vector<16xi1>
      %reduce_max3A_142 = arith.constant -2147483648 : i32
      %reduce_max3A_143 = vector.broadcast %reduce_max3A_142 : i32 to vector<16xi32>
      %reduce_max3A_144 = arith.xori %select_n3A_139, %reduce_max3A_143 : vector<16xi32>
      %reduce_max3A_145 = tpu.scan <max>, %reduce_max3A_144 masked %reduce_max3A_141 : vector<16xi32>, vector<16xi1> -> vector<16xi32>
      %reduce_max3A_146 = arith.xori %reduce_max3A_145, %reduce_max3A_143 : vector<16xi32>
      %reduce_max3A_147 = vector.extract %reduce_max3A_146[15] : i32 from vector<16xi32>
      %shift_right_arithmetic3A_148 = arith.constant 3 : i32
      %shift_right_arithmetic3A_149 = arith.shrsi %reduce_max3A_147, %shift_right_arithmetic3A_148 : i32
      %shift_left3A_150 = arith.constant 3 : i32
      %shift_left3A_151 = arith.shli %shift_right_arithmetic3A_149, %shift_left3A_150 : i32
      %multiple_of3A_152 = tpu.assume_multiple %shift_left3A_151, 8 : i32
      %dma_start3A_153 = arith.constant 4 : i32
      %dma_start3A_154 = arith.constant 0 : i32
      %dma_start3A_155 = arith.constant 0 : i32
      %dma_start3A_156 = tpu.memref_slice %arg7[%dma_start3A_153, %dma_start3A_154, %dma_start3A_155] : memref<32x8x64xf32, #tpu.memory_space<vmem>> -> memref<1x8x64xf32, #tpu.memory_space<vmem>>
      %dma_start3A_157 = tpu.memref_squeeze %dma_start3A_156 : memref<1x8x64xf32, #tpu.memory_space<vmem>> -> memref<8x64xf32, #tpu.memory_space<vmem>>
      %dma_start3A_158 = arith.constant 0 : i32
      %dma_start3A_159 = tpu.memref_slice %arg2[%multiple_of3A_152, %dma_start3A_158] : memref<1000000x64xf32, #tpu.memory_space<hbm>> -> memref<8x64xf32, #tpu.memory_space<hbm>>
      %dma_start3A_160 = arith.constant 0 : i32
      %dma_start3A_161 = arith.constant 0 : i32
      %dma_start3A_162 = tpu.memref_slice %arg7[%dma_start3A_153, %dma_start3A_160, %dma_start3A_161] : memref<32x8x64xf32, #tpu.memory_space<vmem>> -> memref<1x8x64xf32, #tpu.memory_space<vmem>>
      %dma_start3A_163 = tpu.memref_squeeze %dma_start3A_162 : memref<1x8x64xf32, #tpu.memory_space<vmem>> -> memref<8x64xf32, #tpu.memory_space<vmem>>
      %dma_start3A_164 = arith.constant 0 : i32
      %dma_start3A_165 = tpu.memref_slice %arg2[%multiple_of3A_152, %dma_start3A_164] : memref<1000000x64xf32, #tpu.memory_space<hbm>> -> memref<8x64xf32, #tpu.memory_space<hbm>>
      tpu.enqueue_dma source(%dma_start3A_165 : memref<8x64xf32, #tpu.memory_space<hbm>>) target(%dma_start3A_163 : memref<8x64xf32, #tpu.memory_space<vmem>>) target_semaphore(%arg9 : memref<!tpu.dma_semaphore, #tpu.memory_space<semaphore_mem>>)
      %eq3A_166 = arith.constant 5 : i32
      %eq3A_167 = vector.broadcast %eq3A_166 : i32 to vector<16xi32>
      %eq3A_168 = arith.cmpi eq, %iota3A, %eq3A_167 : vector<16xi32>
      %jit3A_169 = arith.constant 0 : i32
      %broadcast_in_dim3A_170 = vector.broadcast %jit3A_169 : i32 to vector<16xi32>
      %select_n3A_171 = arith.select %eq3A_168, %get3A_14, %broadcast_in_dim3A_170 : vector<16xi1>, vector<16xi32>
      %reduce_max3A_172 = arith.constant true
      %reduce_max3A_173 = vector.broadcast %reduce_max3A_172 : i1 to vector<16xi1>
      %reduce_max3A_174 = arith.constant -2147483648 : i32
      %reduce_max3A_175 = vector.broadcast %reduce_max3A_174 : i32 to vector<16xi32>
      %reduce_max3A_176 = arith.xori %select_n3A_171, %reduce_max3A_175 : vector<16xi32>
      %reduce_max3A_177 = tpu.scan <max>, %reduce_max3A_176 masked %reduce_max3A_173 : vector<16xi32>, vector<16xi1> -> vector<16xi32>
      %reduce_max3A_178 = arith.xori %reduce_max3A_177, %reduce_max3A_175 : vector<16xi32>
      %reduce_max3A_179 = vector.extract %reduce_max3A_178[15] : i32 from vector<16xi32>
      %shift_right_arithmetic3A_180 = arith.constant 3 : i32
      %shift_right_arithmetic3A_181 = arith.shrsi %reduce_max3A_179, %shift_right_arithmetic3A_180 : i32
      %shift_left3A_182 = arith.constant 3 : i32
      %shift_left3A_183 = arith.shli %shift_right_arithmetic3A_181, %shift_left3A_182 : i32
      %multiple_of3A_184 = tpu.assume_multiple %shift_left3A_183, 8 : i32
      %dma_start3A_185 = arith.constant 5 : i32
      %dma_start3A_186 = arith.constant 0 : i32
      %dma_start3A_187 = arith.constant 0 : i32
      %dma_start3A_188 = tpu.memref_slice %arg7[%dma_start3A_185, %dma_start3A_186, %dma_start3A_187] : memref<32x8x64xf32, #tpu.memory_space<vmem>> -> memref<1x8x64xf32, #tpu.memory_space<vmem>>
      %dma_start3A_189 = tpu.memref_squeeze %dma_start3A_188 : memref<1x8x64xf32, #tpu.memory_space<vmem>> -> memref<8x64xf32, #tpu.memory_space<vmem>>
      %dma_start3A_190 = arith.constant 0 : i32
      %dma_start3A_191 = tpu.memref_slice %arg2[%multiple_of3A_184, %dma_start3A_190] : memref<1000000x64xf32, #tpu.memory_space<hbm>> -> memref<8x64xf32, #tpu.memory_space<hbm>>
      %dma_start3A_192 = arith.constant 0 : i32
      %dma_start3A_193 = arith.constant 0 : i32
      %dma_start3A_194 = tpu.memref_slice %arg7[%dma_start3A_185, %dma_start3A_192, %dma_start3A_193] : memref<32x8x64xf32, #tpu.memory_space<vmem>> -> memref<1x8x64xf32, #tpu.memory_space<vmem>>
      %dma_start3A_195 = tpu.memref_squeeze %dma_start3A_194 : memref<1x8x64xf32, #tpu.memory_space<vmem>> -> memref<8x64xf32, #tpu.memory_space<vmem>>
      %dma_start3A_196 = arith.constant 0 : i32
      %dma_start3A_197 = tpu.memref_slice %arg2[%multiple_of3A_184, %dma_start3A_196] : memref<1000000x64xf32, #tpu.memory_space<hbm>> -> memref<8x64xf32, #tpu.memory_space<hbm>>
      tpu.enqueue_dma source(%dma_start3A_197 : memref<8x64xf32, #tpu.memory_space<hbm>>) target(%dma_start3A_195 : memref<8x64xf32, #tpu.memory_space<vmem>>) target_semaphore(%arg9 : memref<!tpu.dma_semaphore, #tpu.memory_space<semaphore_mem>>)
      %eq3A_198 = arith.constant 6 : i32
      %eq3A_199 = vector.broadcast %eq3A_198 : i32 to vector<16xi32>
      %eq3A_200 = arith.cmpi eq, %iota3A, %eq3A_199 : vector<16xi32>
      %jit3A_201 = arith.constant 0 : i32
      %broadcast_in_dim3A_202 = vector.broadcast %jit3A_201 : i32 to vector<16xi32>
      %select_n3A_203 = arith.select %eq3A_200, %get3A_14, %broadcast_in_dim3A_202 : vector<16xi1>, vector<16xi32>
      %reduce_max3A_204 = arith.constant true
      %reduce_max3A_205 = vector.broadcast %reduce_max3A_204 : i1 to vector<16xi1>
      %reduce_max3A_206 = arith.constant -2147483648 : i32
      %reduce_max3A_207 = vector.broadcast %reduce_max3A_206 : i32 to vector<16xi32>
      %reduce_max3A_208 = arith.xori %select_n3A_203, %reduce_max3A_207 : vector<16xi32>
      %reduce_max3A_209 = tpu.scan <max>, %reduce_max3A_208 masked %reduce_max3A_205 : vector<16xi32>, vector<16xi1> -> vector<16xi32>
      %reduce_max3A_210 = arith.xori %reduce_max3A_209, %reduce_max3A_207 : vector<16xi32>
      %reduce_max3A_211 = vector.extract %reduce_max3A_210[15] : i32 from vector<16xi32>
      %shift_right_arithmetic3A_212 = arith.constant 3 : i32
      %shift_right_arithmetic3A_213 = arith.shrsi %reduce_max3A_211, %shift_right_arithmetic3A_212 : i32
      %shift_left3A_214 = arith.constant 3 : i32
      %shift_left3A_215 = arith.shli %shift_right_arithmetic3A_213, %shift_left3A_214 : i32
      %multiple_of3A_216 = tpu.assume_multiple %shift_left3A_215, 8 : i32
      %dma_start3A_217 = arith.constant 6 : i32
      %dma_start3A_218 = arith.constant 0 : i32
      %dma_start3A_219 = arith.constant 0 : i32
      %dma_start3A_220 = tpu.memref_slice %arg7[%dma_start3A_217, %dma_start3A_218, %dma_start3A_219] : memref<32x8x64xf32, #tpu.memory_space<vmem>> -> memref<1x8x64xf32, #tpu.memory_space<vmem>>
      %dma_start3A_221 = tpu.memref_squeeze %dma_start3A_220 : memref<1x8x64xf32, #tpu.memory_space<vmem>> -> memref<8x64xf32, #tpu.memory_space<vmem>>
      %dma_start3A_222 = arith.constant 0 : i32
      %dma_start3A_223 = tpu.memref_slice %arg2[%multiple_of3A_216, %dma_start3A_222] : memref<1000000x64xf32, #tpu.memory_space<hbm>> -> memref<8x64xf32, #tpu.memory_space<hbm>>
      %dma_start3A_224 = arith.constant 0 : i32
      %dma_start3A_225 = arith.constant 0 : i32
      %dma_start3A_226 = tpu.memref_slice %arg7[%dma_start3A_217, %dma_start3A_224, %dma_start3A_225] : memref<32x8x64xf32, #tpu.memory_space<vmem>> -> memref<1x8x64xf32, #tpu.memory_space<vmem>>
      %dma_start3A_227 = tpu.memref_squeeze %dma_start3A_226 : memref<1x8x64xf32, #tpu.memory_space<vmem>> -> memref<8x64xf32, #tpu.memory_space<vmem>>
      %dma_start3A_228 = arith.constant 0 : i32
      %dma_start3A_229 = tpu.memref_slice %arg2[%multiple_of3A_216, %dma_start3A_228] : memref<1000000x64xf32, #tpu.memory_space<hbm>> -> memref<8x64xf32, #tpu.memory_space<hbm>>
      tpu.enqueue_dma source(%dma_start3A_229 : memref<8x64xf32, #tpu.memory_space<hbm>>) target(%dma_start3A_227 : memref<8x64xf32, #tpu.memory_space<vmem>>) target_semaphore(%arg9 : memref<!tpu.dma_semaphore, #tpu.memory_space<semaphore_mem>>)
      %eq3A_230 = arith.constant 7 : i32
      %eq3A_231 = vector.broadcast %eq3A_230 : i32 to vector<16xi32>
      %eq3A_232 = arith.cmpi eq, %iota3A, %eq3A_231 : vector<16xi32>
      %jit3A_233 = arith.constant 0 : i32
      %broadcast_in_dim3A_234 = vector.broadcast %jit3A_233 : i32 to vector<16xi32>
      %select_n3A_235 = arith.select %eq3A_232, %get3A_14, %broadcast_in_dim3A_234 : vector<16xi1>, vector<16xi32>
      %reduce_max3A_236 = arith.constant true
      %reduce_max3A_237 = vector.broadcast %reduce_max3A_236 : i1 to vector<16xi1>
      %reduce_max3A_238 = arith.constant -2147483648 : i32
      %reduce_max3A_239 = vector.broadcast %reduce_max3A_238 : i32 to vector<16xi32>
      %reduce_max3A_240 = arith.xori %select_n3A_235, %reduce_max3A_239 : vector<16xi32>
      %reduce_max3A_241 = tpu.scan <max>, %reduce_max3A_240 masked %reduce_max3A_237 : vector<16xi32>, vector<16xi1> -> vector<16xi32>
      %reduce_max3A_242 = arith.xori %reduce_max3A_241, %reduce_max3A_239 : vector<16xi32>
      %reduce_max3A_243 = vector.extract %reduce_max3A_242[15] : i32 from vector<16xi32>
      %shift_right_arithmetic3A_244 = arith.constant 3 : i32
      %shift_right_arithmetic3A_245 = arith.shrsi %reduce_max3A_243, %shift_right_arithmetic3A_244 : i32
      %shift_left3A_246 = arith.constant 3 : i32
      %shift_left3A_247 = arith.shli %shift_right_arithmetic3A_245, %shift_left3A_246 : i32
      %multiple_of3A_248 = tpu.assume_multiple %shift_left3A_247, 8 : i32
      %dma_start3A_249 = arith.constant 7 : i32
      %dma_start3A_250 = arith.constant 0 : i32
      %dma_start3A_251 = arith.constant 0 : i32
      %dma_start3A_252 = tpu.memref_slice %arg7[%dma_start3A_249, %dma_start3A_250, %dma_start3A_251] : memref<32x8x64xf32, #tpu.memory_space<vmem>> -> memref<1x8x64xf32, #tpu.memory_space<vmem>>
      %dma_start3A_253 = tpu.memref_squeeze %dma_start3A_252 : memref<1x8x64xf32, #tpu.memory_space<vmem>> -> memref<8x64xf32, #tpu.memory_space<vmem>>
      %dma_start3A_254 = arith.constant 0 : i32
      %dma_start3A_255 = tpu.memref_slice %arg2[%multiple_of3A_248, %dma_start3A_254] : memref<1000000x64xf32, #tpu.memory_space<hbm>> -> memref<8x64xf32, #tpu.memory_space<hbm>>
      %dma_start3A_256 = arith.constant 0 : i32
      %dma_start3A_257 = arith.constant 0 : i32
      %dma_start3A_258 = tpu.memref_slice %arg7[%dma_start3A_249, %dma_start3A_256, %dma_start3A_257] : memref<32x8x64xf32, #tpu.memory_space<vmem>> -> memref<1x8x64xf32, #tpu.memory_space<vmem>>
      %dma_start3A_259 = tpu.memref_squeeze %dma_start3A_258 : memref<1x8x64xf32, #tpu.memory_space<vmem>> -> memref<8x64xf32, #tpu.memory_space<vmem>>
      %dma_start3A_260 = arith.constant 0 : i32
      %dma_start3A_261 = tpu.memref_slice %arg2[%multiple_of3A_248, %dma_start3A_260] : memref<1000000x64xf32, #tpu.memory_space<hbm>> -> memref<8x64xf32, #tpu.memory_space<hbm>>
      tpu.enqueue_dma source(%dma_start3A_261 : memref<8x64xf32, #tpu.memory_space<hbm>>) target(%dma_start3A_259 : memref<8x64xf32, #tpu.memory_space<vmem>>) target_semaphore(%arg9 : memref<!tpu.dma_semaphore, #tpu.memory_space<semaphore_mem>>)
      %eq3A_262 = arith.constant 8 : i32
      %eq3A_263 = vector.broadcast %eq3A_262 : i32 to vector<16xi32>
      %eq3A_264 = arith.cmpi eq, %iota3A, %eq3A_263 : vector<16xi32>
      %jit3A_265 = arith.constant 0 : i32
      %broadcast_in_dim3A_266 = vector.broadcast %jit3A_265 : i32 to vector<16xi32>
      %select_n3A_267 = arith.select %eq3A_264, %get3A_14, %broadcast_in_dim3A_266 : vector<16xi1>, vector<16xi32>
      %reduce_max3A_268 = arith.constant true
      %reduce_max3A_269 = vector.broadcast %reduce_max3A_268 : i1 to vector<16xi1>
      %reduce_max3A_270 = arith.constant -2147483648 : i32
      %reduce_max3A_271 = vector.broadcast %reduce_max3A_270 : i32 to vector<16xi32>
      %reduce_max3A_272 = arith.xori %select_n3A_267, %reduce_max3A_271 : vector<16xi32>
      %reduce_max3A_273 = tpu.scan <max>, %reduce_max3A_272 masked %reduce_max3A_269 : vector<16xi32>, vector<16xi1> -> vector<16xi32>
      %reduce_max3A_274 = arith.xori %reduce_max3A_273, %reduce_max3A_271 : vector<16xi32>
      %reduce_max3A_275 = vector.extract %reduce_max3A_274[15] : i32 from vector<16xi32>
      %shift_right_arithmetic3A_276 = arith.constant 3 : i32
      %shift_right_arithmetic3A_277 = arith.shrsi %reduce_max3A_275, %shift_right_arithmetic3A_276 : i32
      %shift_left3A_278 = arith.constant 3 : i32
      %shift_left3A_279 = arith.shli %shift_right_arithmetic3A_277, %shift_left3A_278 : i32
      %multiple_of3A_280 = tpu.assume_multiple %shift_left3A_279, 8 : i32
      %dma_start3A_281 = arith.constant 8 : i32
      %dma_start3A_282 = arith.constant 0 : i32
      %dma_start3A_283 = arith.constant 0 : i32
      %dma_start3A_284 = tpu.memref_slice %arg7[%dma_start3A_281, %dma_start3A_282, %dma_start3A_283] : memref<32x8x64xf32, #tpu.memory_space<vmem>> -> memref<1x8x64xf32, #tpu.memory_space<vmem>>
      %dma_start3A_285 = tpu.memref_squeeze %dma_start3A_284 : memref<1x8x64xf32, #tpu.memory_space<vmem>> -> memref<8x64xf32, #tpu.memory_space<vmem>>
      %dma_start3A_286 = arith.constant 0 : i32
      %dma_start3A_287 = tpu.memref_slice %arg2[%multiple_of3A_280, %dma_start3A_286] : memref<1000000x64xf32, #tpu.memory_space<hbm>> -> memref<8x64xf32, #tpu.memory_space<hbm>>
      %dma_start3A_288 = arith.constant 0 : i32
      %dma_start3A_289 = arith.constant 0 : i32
      %dma_start3A_290 = tpu.memref_slice %arg7[%dma_start3A_281, %dma_start3A_288, %dma_start3A_289] : memref<32x8x64xf32, #tpu.memory_space<vmem>> -> memref<1x8x64xf32, #tpu.memory_space<vmem>>
      %dma_start3A_291 = tpu.memref_squeeze %dma_start3A_290 : memref<1x8x64xf32, #tpu.memory_space<vmem>> -> memref<8x64xf32, #tpu.memory_space<vmem>>
      %dma_start3A_292 = arith.constant 0 : i32
      %dma_start3A_293 = tpu.memref_slice %arg2[%multiple_of3A_280, %dma_start3A_292] : memref<1000000x64xf32, #tpu.memory_space<hbm>> -> memref<8x64xf32, #tpu.memory_space<hbm>>
      tpu.enqueue_dma source(%dma_start3A_293 : memref<8x64xf32, #tpu.memory_space<hbm>>) target(%dma_start3A_291 : memref<8x64xf32, #tpu.memory_space<vmem>>) target_semaphore(%arg9 : memref<!tpu.dma_semaphore, #tpu.memory_space<semaphore_mem>>)
      %eq3A_294 = arith.constant 9 : i32
      %eq3A_295 = vector.broadcast %eq3A_294 : i32 to vector<16xi32>
      %eq3A_296 = arith.cmpi eq, %iota3A, %eq3A_295 : vector<16xi32>
      %jit3A_297 = arith.constant 0 : i32
      %broadcast_in_dim3A_298 = vector.broadcast %jit3A_297 : i32 to vector<16xi32>
      %select_n3A_299 = arith.select %eq3A_296, %get3A_14, %broadcast_in_dim3A_298 : vector<16xi1>, vector<16xi32>
      %reduce_max3A_300 = arith.constant true
      %reduce_max3A_301 = vector.broadcast %reduce_max3A_300 : i1 to vector<16xi1>
      %reduce_max3A_302 = arith.constant -2147483648 : i32
      %reduce_max3A_303 = vector.broadcast %reduce_max3A_302 : i32 to vector<16xi32>
      %reduce_max3A_304 = arith.xori %select_n3A_299, %reduce_max3A_303 : vector<16xi32>
      %reduce_max3A_305 = tpu.scan <max>, %reduce_max3A_304 masked %reduce_max3A_301 : vector<16xi32>, vector<16xi1> -> vector<16xi32>
      %reduce_max3A_306 = arith.xori %reduce_max3A_305, %reduce_max3A_303 : vector<16xi32>
      %reduce_max3A_307 = vector.extract %reduce_max3A_306[15] : i32 from vector<16xi32>
      %shift_right_arithmetic3A_308 = arith.constant 3 : i32
      %shift_right_arithmetic3A_309 = arith.shrsi %reduce_max3A_307, %shift_right_arithmetic3A_308 : i32
      %shift_left3A_310 = arith.constant 3 : i32
      %shift_left3A_311 = arith.shli %shift_right_arithmetic3A_309, %shift_left3A_310 : i32
      %multiple_of3A_312 = tpu.assume_multiple %shift_left3A_311, 8 : i32
      %dma_start3A_313 = arith.constant 9 : i32
      %dma_start3A_314 = arith.constant 0 : i32
      %dma_start3A_315 = arith.constant 0 : i32
      %dma_start3A_316 = tpu.memref_slice %arg7[%dma_start3A_313, %dma_start3A_314, %dma_start3A_315] : memref<32x8x64xf32, #tpu.memory_space<vmem>> -> memref<1x8x64xf32, #tpu.memory_space<vmem>>
      %dma_start3A_317 = tpu.memref_squeeze %dma_start3A_316 : memref<1x8x64xf32, #tpu.memory_space<vmem>> -> memref<8x64xf32, #tpu.memory_space<vmem>>
      %dma_start3A_318 = arith.constant 0 : i32
      %dma_start3A_319 = tpu.memref_slice %arg2[%multiple_of3A_312, %dma_start3A_318] : memref<1000000x64xf32, #tpu.memory_space<hbm>> -> memref<8x64xf32, #tpu.memory_space<hbm>>
      %dma_start3A_320 = arith.constant 0 : i32
      %dma_start3A_321 = arith.constant 0 : i32
      %dma_start3A_322 = tpu.memref_slice %arg7[%dma_start3A_313, %dma_start3A_320, %dma_start3A_321] : memref<32x8x64xf32, #tpu.memory_space<vmem>> -> memref<1x8x64xf32, #tpu.memory_space<vmem>>
      %dma_start3A_323 = tpu.memref_squeeze %dma_start3A_322 : memref<1x8x64xf32, #tpu.memory_space<vmem>> -> memref<8x64xf32, #tpu.memory_space<vmem>>
      %dma_start3A_324 = arith.constant 0 : i32
      %dma_start3A_325 = tpu.memref_slice %arg2[%multiple_of3A_312, %dma_start3A_324] : memref<1000000x64xf32, #tpu.memory_space<hbm>> -> memref<8x64xf32, #tpu.memory_space<hbm>>
      tpu.enqueue_dma source(%dma_start3A_325 : memref<8x64xf32, #tpu.memory_space<hbm>>) target(%dma_start3A_323 : memref<8x64xf32, #tpu.memory_space<vmem>>) target_semaphore(%arg9 : memref<!tpu.dma_semaphore, #tpu.memory_space<semaphore_mem>>)
      %eq3A_326 = arith.constant 10 : i32
      %eq3A_327 = vector.broadcast %eq3A_326 : i32 to vector<16xi32>
      %eq3A_328 = arith.cmpi eq, %iota3A, %eq3A_327 : vector<16xi32>
      %jit3A_329 = arith.constant 0 : i32
      %broadcast_in_dim3A_330 = vector.broadcast %jit3A_329 : i32 to vector<16xi32>
      %select_n3A_331 = arith.select %eq3A_328, %get3A_14, %broadcast_in_dim3A_330 : vector<16xi1>, vector<16xi32>
      %reduce_max3A_332 = arith.constant true
      %reduce_max3A_333 = vector.broadcast %reduce_max3A_332 : i1 to vector<16xi1>
      %reduce_max3A_334 = arith.constant -2147483648 : i32
      %reduce_max3A_335 = vector.broadcast %reduce_max3A_334 : i32 to vector<16xi32>
      %reduce_max3A_336 = arith.xori %select_n3A_331, %reduce_max3A_335 : vector<16xi32>
      %reduce_max3A_337 = tpu.scan <max>, %reduce_max3A_336 masked %reduce_max3A_333 : vector<16xi32>, vector<16xi1> -> vector<16xi32>
      %reduce_max3A_338 = arith.xori %reduce_max3A_337, %reduce_max3A_335 : vector<16xi32>
      %reduce_max3A_339 = vector.extract %reduce_max3A_338[15] : i32 from vector<16xi32>
      %shift_right_arithmetic3A_340 = arith.constant 3 : i32
      %shift_right_arithmetic3A_341 = arith.shrsi %reduce_max3A_339, %shift_right_arithmetic3A_340 : i32
      %shift_left3A_342 = arith.constant 3 : i32
      %shift_left3A_343 = arith.shli %shift_right_arithmetic3A_341, %shift_left3A_342 : i32
      %multiple_of3A_344 = tpu.assume_multiple %shift_left3A_343, 8 : i32
      %dma_start3A_345 = arith.constant 10 : i32
      %dma_start3A_346 = arith.constant 0 : i32
      %dma_start3A_347 = arith.constant 0 : i32
      %dma_start3A_348 = tpu.memref_slice %arg7[%dma_start3A_345, %dma_start3A_346, %dma_start3A_347] : memref<32x8x64xf32, #tpu.memory_space<vmem>> -> memref<1x8x64xf32, #tpu.memory_space<vmem>>
      %dma_start3A_349 = tpu.memref_squeeze %dma_start3A_348 : memref<1x8x64xf32, #tpu.memory_space<vmem>> -> memref<8x64xf32, #tpu.memory_space<vmem>>
      %dma_start3A_350 = arith.constant 0 : i32
      %dma_start3A_351 = tpu.memref_slice %arg2[%multiple_of3A_344, %dma_start3A_350] : memref<1000000x64xf32, #tpu.memory_space<hbm>> -> memref<8x64xf32, #tpu.memory_space<hbm>>
      %dma_start3A_352 = arith.constant 0 : i32
      %dma_start3A_353 = arith.constant 0 : i32
      %dma_start3A_354 = tpu.memref_slice %arg7[%dma_start3A_345, %dma_start3A_352, %dma_start3A_353] : memref<32x8x64xf32, #tpu.memory_space<vmem>> -> memref<1x8x64xf32, #tpu.memory_space<vmem>>
      %dma_start3A_355 = tpu.memref_squeeze %dma_start3A_354 : memref<1x8x64xf32, #tpu.memory_space<vmem>> -> memref<8x64xf32, #tpu.memory_space<vmem>>
      %dma_start3A_356 = arith.constant 0 : i32
      %dma_start3A_357 = tpu.memref_slice %arg2[%multiple_of3A_344, %dma_start3A_356] : memref<1000000x64xf32, #tpu.memory_space<hbm>> -> memref<8x64xf32, #tpu.memory_space<hbm>>
      tpu.enqueue_dma source(%dma_start3A_357 : memref<8x64xf32, #tpu.memory_space<hbm>>) target(%dma_start3A_355 : memref<8x64xf32, #tpu.memory_space<vmem>>) target_semaphore(%arg9 : memref<!tpu.dma_semaphore, #tpu.memory_space<semaphore_mem>>)
      %eq3A_358 = arith.constant 11 : i32
      %eq3A_359 = vector.broadcast %eq3A_358 : i32 to vector<16xi32>
      %eq3A_360 = arith.cmpi eq, %iota3A, %eq3A_359 : vector<16xi32>
      %jit3A_361 = arith.constant 0 : i32
      %broadcast_in_dim3A_362 = vector.broadcast %jit3A_361 : i32 to vector<16xi32>
      %select_n3A_363 = arith.select %eq3A_360, %get3A_14, %broadcast_in_dim3A_362 : vector<16xi1>, vector<16xi32>
      %reduce_max3A_364 = arith.constant true
      %reduce_max3A_365 = vector.broadcast %reduce_max3A_364 : i1 to vector<16xi1>
      %reduce_max3A_366 = arith.constant -2147483648 : i32
      %reduce_max3A_367 = vector.broadcast %reduce_max3A_366 : i32 to vector<16xi32>
      %reduce_max3A_368 = arith.xori %select_n3A_363, %reduce_max3A_367 : vector<16xi32>
      %reduce_max3A_369 = tpu.scan <max>, %reduce_max3A_368 masked %reduce_max3A_365 : vector<16xi32>, vector<16xi1> -> vector<16xi32>
      %reduce_max3A_370 = arith.xori %reduce_max3A_369, %reduce_max3A_367 : vector<16xi32>
      %reduce_max3A_371 = vector.extract %reduce_max3A_370[15] : i32 from vector<16xi32>
      %shift_right_arithmetic3A_372 = arith.constant 3 : i32
      %shift_right_arithmetic3A_373 = arith.shrsi %reduce_max3A_371, %shift_right_arithmetic3A_372 : i32
      %shift_left3A_374 = arith.constant 3 : i32
      %shift_left3A_375 = arith.shli %shift_right_arithmetic3A_373, %shift_left3A_374 : i32
      %multiple_of3A_376 = tpu.assume_multiple %shift_left3A_375, 8 : i32
      %dma_start3A_377 = arith.constant 11 : i32
      %dma_start3A_378 = arith.constant 0 : i32
      %dma_start3A_379 = arith.constant 0 : i32
      %dma_start3A_380 = tpu.memref_slice %arg7[%dma_start3A_377, %dma_start3A_378, %dma_start3A_379] : memref<32x8x64xf32, #tpu.memory_space<vmem>> -> memref<1x8x64xf32, #tpu.memory_space<vmem>>
      %dma_start3A_381 = tpu.memref_squeeze %dma_start3A_380 : memref<1x8x64xf32, #tpu.memory_space<vmem>> -> memref<8x64xf32, #tpu.memory_space<vmem>>
      %dma_start3A_382 = arith.constant 0 : i32
      %dma_start3A_383 = tpu.memref_slice %arg2[%multiple_of3A_376, %dma_start3A_382] : memref<1000000x64xf32, #tpu.memory_space<hbm>> -> memref<8x64xf32, #tpu.memory_space<hbm>>
      %dma_start3A_384 = arith.constant 0 : i32
      %dma_start3A_385 = arith.constant 0 : i32
      %dma_start3A_386 = tpu.memref_slice %arg7[%dma_start3A_377, %dma_start3A_384, %dma_start3A_385] : memref<32x8x64xf32, #tpu.memory_space<vmem>> -> memref<1x8x64xf32, #tpu.memory_space<vmem>>
      %dma_start3A_387 = tpu.memref_squeeze %dma_start3A_386 : memref<1x8x64xf32, #tpu.memory_space<vmem>> -> memref<8x64xf32, #tpu.memory_space<vmem>>
      %dma_start3A_388 = arith.constant 0 : i32
      %dma_start3A_389 = tpu.memref_slice %arg2[%multiple_of3A_376, %dma_start3A_388] : memref<1000000x64xf32, #tpu.memory_space<hbm>> -> memref<8x64xf32, #tpu.memory_space<hbm>>
      tpu.enqueue_dma source(%dma_start3A_389 : memref<8x64xf32, #tpu.memory_space<hbm>>) target(%dma_start3A_387 : memref<8x64xf32, #tpu.memory_space<vmem>>) target_semaphore(%arg9 : memref<!tpu.dma_semaphore, #tpu.memory_space<semaphore_mem>>)
      %eq3A_390 = arith.constant 12 : i32
      %eq3A_391 = vector.broadcast %eq3A_390 : i32 to vector<16xi32>
      %eq3A_392 = arith.cmpi eq, %iota3A, %eq3A_391 : vector<16xi32>
      %jit3A_393 = arith.constant 0 : i32
      %broadcast_in_dim3A_394 = vector.broadcast %jit3A_393 : i32 to vector<16xi32>
      %select_n3A_395 = arith.select %eq3A_392, %get3A_14, %broadcast_in_dim3A_394 : vector<16xi1>, vector<16xi32>
      %reduce_max3A_396 = arith.constant true
      %reduce_max3A_397 = vector.broadcast %reduce_max3A_396 : i1 to vector<16xi1>
      %reduce_max3A_398 = arith.constant -2147483648 : i32
      %reduce_max3A_399 = vector.broadcast %reduce_max3A_398 : i32 to vector<16xi32>
      %reduce_max3A_400 = arith.xori %select_n3A_395, %reduce_max3A_399 : vector<16xi32>
      %reduce_max3A_401 = tpu.scan <max>, %reduce_max3A_400 masked %reduce_max3A_397 : vector<16xi32>, vector<16xi1> -> vector<16xi32>
      %reduce_max3A_402 = arith.xori %reduce_max3A_401, %reduce_max3A_399 : vector<16xi32>
      %reduce_max3A_403 = vector.extract %reduce_max3A_402[15] : i32 from vector<16xi32>
      %shift_right_arithmetic3A_404 = arith.constant 3 : i32
      %shift_right_arithmetic3A_405 = arith.shrsi %reduce_max3A_403, %shift_right_arithmetic3A_404 : i32
      %shift_left3A_406 = arith.constant 3 : i32
      %shift_left3A_407 = arith.shli %shift_right_arithmetic3A_405, %shift_left3A_406 : i32
      %multiple_of3A_408 = tpu.assume_multiple %shift_left3A_407, 8 : i32
      %dma_start3A_409 = arith.constant 12 : i32
      %dma_start3A_410 = arith.constant 0 : i32
      %dma_start3A_411 = arith.constant 0 : i32
      %dma_start3A_412 = tpu.memref_slice %arg7[%dma_start3A_409, %dma_start3A_410, %dma_start3A_411] : memref<32x8x64xf32, #tpu.memory_space<vmem>> -> memref<1x8x64xf32, #tpu.memory_space<vmem>>
      %dma_start3A_413 = tpu.memref_squeeze %dma_start3A_412 : memref<1x8x64xf32, #tpu.memory_space<vmem>> -> memref<8x64xf32, #tpu.memory_space<vmem>>
      %dma_start3A_414 = arith.constant 0 : i32
      %dma_start3A_415 = tpu.memref_slice %arg2[%multiple_of3A_408, %dma_start3A_414] : memref<1000000x64xf32, #tpu.memory_space<hbm>> -> memref<8x64xf32, #tpu.memory_space<hbm>>
      %dma_start3A_416 = arith.constant 0 : i32
      %dma_start3A_417 = arith.constant 0 : i32
      %dma_start3A_418 = tpu.memref_slice %arg7[%dma_start3A_409, %dma_start3A_416, %dma_start3A_417] : memref<32x8x64xf32, #tpu.memory_space<vmem>> -> memref<1x8x64xf32, #tpu.memory_space<vmem>>
      %dma_start3A_419 = tpu.memref_squeeze %dma_start3A_418 : memref<1x8x64xf32, #tpu.memory_space<vmem>> -> memref<8x64xf32, #tpu.memory_space<vmem>>
      %dma_start3A_420 = arith.constant 0 : i32
      %dma_start3A_421 = tpu.memref_slice %arg2[%multiple_of3A_408, %dma_start3A_420] : memref<1000000x64xf32, #tpu.memory_space<hbm>> -> memref<8x64xf32, #tpu.memory_space<hbm>>
      tpu.enqueue_dma source(%dma_start3A_421 : memref<8x64xf32, #tpu.memory_space<hbm>>) target(%dma_start3A_419 : memref<8x64xf32, #tpu.memory_space<vmem>>) target_semaphore(%arg9 : memref<!tpu.dma_semaphore, #tpu.memory_space<semaphore_mem>>)
      %eq3A_422 = arith.constant 13 : i32
      %eq3A_423 = vector.broadcast %eq3A_422 : i32 to vector<16xi32>
      %eq3A_424 = arith.cmpi eq, %iota3A, %eq3A_423 : vector<16xi32>
      %jit3A_425 = arith.constant 0 : i32
      %broadcast_in_dim3A_426 = vector.broadcast %jit3A_425 : i32 to vector<16xi32>
      %select_n3A_427 = arith.select %eq3A_424, %get3A_14, %broadcast_in_dim3A_426 : vector<16xi1>, vector<16xi32>
      %reduce_max3A_428 = arith.constant true
      %reduce_max3A_429 = vector.broadcast %reduce_max3A_428 : i1 to vector<16xi1>
      %reduce_max3A_430 = arith.constant -2147483648 : i32
      %reduce_max3A_431 = vector.broadcast %reduce_max3A_430 : i32 to vector<16xi32>
      %reduce_max3A_432 = arith.xori %select_n3A_427, %reduce_max3A_431 : vector<16xi32>
      %reduce_max3A_433 = tpu.scan <max>, %reduce_max3A_432 masked %reduce_max3A_429 : vector<16xi32>, vector<16xi1> -> vector<16xi32>
      %reduce_max3A_434 = arith.xori %reduce_max3A_433, %reduce_max3A_431 : vector<16xi32>
      %reduce_max3A_435 = vector.extract %reduce_max3A_434[15] : i32 from vector<16xi32>
      %shift_right_arithmetic3A_436 = arith.constant 3 : i32
      %shift_right_arithmetic3A_437 = arith.shrsi %reduce_max3A_435, %shift_right_arithmetic3A_436 : i32
      %shift_left3A_438 = arith.constant 3 : i32
      %shift_left3A_439 = arith.shli %shift_right_arithmetic3A_437, %shift_left3A_438 : i32
      %multiple_of3A_440 = tpu.assume_multiple %shift_left3A_439, 8 : i32
      %dma_start3A_441 = arith.constant 13 : i32
      %dma_start3A_442 = arith.constant 0 : i32
      %dma_start3A_443 = arith.constant 0 : i32
      %dma_start3A_444 = tpu.memref_slice %arg7[%dma_start3A_441, %dma_start3A_442, %dma_start3A_443] : memref<32x8x64xf32, #tpu.memory_space<vmem>> -> memref<1x8x64xf32, #tpu.memory_space<vmem>>
      %dma_start3A_445 = tpu.memref_squeeze %dma_start3A_444 : memref<1x8x64xf32, #tpu.memory_space<vmem>> -> memref<8x64xf32, #tpu.memory_space<vmem>>
      %dma_start3A_446 = arith.constant 0 : i32
      %dma_start3A_447 = tpu.memref_slice %arg2[%multiple_of3A_440, %dma_start3A_446] : memref<1000000x64xf32, #tpu.memory_space<hbm>> -> memref<8x64xf32, #tpu.memory_space<hbm>>
      %dma_start3A_448 = arith.constant 0 : i32
      %dma_start3A_449 = arith.constant 0 : i32
      %dma_start3A_450 = tpu.memref_slice %arg7[%dma_start3A_441, %dma_start3A_448, %dma_start3A_449] : memref<32x8x64xf32, #tpu.memory_space<vmem>> -> memref<1x8x64xf32, #tpu.memory_space<vmem>>
      %dma_start3A_451 = tpu.memref_squeeze %dma_start3A_450 : memref<1x8x64xf32, #tpu.memory_space<vmem>> -> memref<8x64xf32, #tpu.memory_space<vmem>>
      %dma_start3A_452 = arith.constant 0 : i32
      %dma_start3A_453 = tpu.memref_slice %arg2[%multiple_of3A_440, %dma_start3A_452] : memref<1000000x64xf32, #tpu.memory_space<hbm>> -> memref<8x64xf32, #tpu.memory_space<hbm>>
      tpu.enqueue_dma source(%dma_start3A_453 : memref<8x64xf32, #tpu.memory_space<hbm>>) target(%dma_start3A_451 : memref<8x64xf32, #tpu.memory_space<vmem>>) target_semaphore(%arg9 : memref<!tpu.dma_semaphore, #tpu.memory_space<semaphore_mem>>)
      %eq3A_454 = arith.constant 14 : i32
      %eq3A_455 = vector.broadcast %eq3A_454 : i32 to vector<16xi32>
      %eq3A_456 = arith.cmpi eq, %iota3A, %eq3A_455 : vector<16xi32>
      %jit3A_457 = arith.constant 0 : i32
      %broadcast_in_dim3A_458 = vector.broadcast %jit3A_457 : i32 to vector<16xi32>
      %select_n3A_459 = arith.select %eq3A_456, %get3A_14, %broadcast_in_dim3A_458 : vector<16xi1>, vector<16xi32>
      %reduce_max3A_460 = arith.constant true
      %reduce_max3A_461 = vector.broadcast %reduce_max3A_460 : i1 to vector<16xi1>
      %reduce_max3A_462 = arith.constant -2147483648 : i32
      %reduce_max3A_463 = vector.broadcast %reduce_max3A_462 : i32 to vector<16xi32>
      %reduce_max3A_464 = arith.xori %select_n3A_459, %reduce_max3A_463 : vector<16xi32>
      %reduce_max3A_465 = tpu.scan <max>, %reduce_max3A_464 masked %reduce_max3A_461 : vector<16xi32>, vector<16xi1> -> vector<16xi32>
      %reduce_max3A_466 = arith.xori %reduce_max3A_465, %reduce_max3A_463 : vector<16xi32>
      %reduce_max3A_467 = vector.extract %reduce_max3A_466[15] : i32 from vector<16xi32>
      %shift_right_arithmetic3A_468 = arith.constant 3 : i32
      %shift_right_arithmetic3A_469 = arith.shrsi %reduce_max3A_467, %shift_right_arithmetic3A_468 : i32
      %shift_left3A_470 = arith.constant 3 : i32
      %shift_left3A_471 = arith.shli %shift_right_arithmetic3A_469, %shift_left3A_470 : i32
      %multiple_of3A_472 = tpu.assume_multiple %shift_left3A_471, 8 : i32
      %dma_start3A_473 = arith.constant 14 : i32
      %dma_start3A_474 = arith.constant 0 : i32
      %dma_start3A_475 = arith.constant 0 : i32
      %dma_start3A_476 = tpu.memref_slice %arg7[%dma_start3A_473, %dma_start3A_474, %dma_start3A_475] : memref<32x8x64xf32, #tpu.memory_space<vmem>> -> memref<1x8x64xf32, #tpu.memory_space<vmem>>
      %dma_start3A_477 = tpu.memref_squeeze %dma_start3A_476 : memref<1x8x64xf32, #tpu.memory_space<vmem>> -> memref<8x64xf32, #tpu.memory_space<vmem>>
      %dma_start3A_478 = arith.constant 0 : i32
      %dma_start3A_479 = tpu.memref_slice %arg2[%multiple_of3A_472, %dma_start3A_478] : memref<1000000x64xf32, #tpu.memory_space<hbm>> -> memref<8x64xf32, #tpu.memory_space<hbm>>
      %dma_start3A_480 = arith.constant 0 : i32
      %dma_start3A_481 = arith.constant 0 : i32
      %dma_start3A_482 = tpu.memref_slice %arg7[%dma_start3A_473, %dma_start3A_480, %dma_start3A_481] : memref<32x8x64xf32, #tpu.memory_space<vmem>> -> memref<1x8x64xf32, #tpu.memory_space<vmem>>
      %dma_start3A_483 = tpu.memref_squeeze %dma_start3A_482 : memref<1x8x64xf32, #tpu.memory_space<vmem>> -> memref<8x64xf32, #tpu.memory_space<vmem>>
      %dma_start3A_484 = arith.constant 0 : i32
      %dma_start3A_485 = tpu.memref_slice %arg2[%multiple_of3A_472, %dma_start3A_484] : memref<1000000x64xf32, #tpu.memory_space<hbm>> -> memref<8x64xf32, #tpu.memory_space<hbm>>
      tpu.enqueue_dma source(%dma_start3A_485 : memref<8x64xf32, #tpu.memory_space<hbm>>) target(%dma_start3A_483 : memref<8x64xf32, #tpu.memory_space<vmem>>) target_semaphore(%arg9 : memref<!tpu.dma_semaphore, #tpu.memory_space<semaphore_mem>>)
      %eq3A_486 = arith.constant 15 : i32
      %eq3A_487 = vector.broadcast %eq3A_486 : i32 to vector<16xi32>
      %eq3A_488 = arith.cmpi eq, %iota3A, %eq3A_487 : vector<16xi32>
      %jit3A_489 = arith.constant 0 : i32
      %broadcast_in_dim3A_490 = vector.broadcast %jit3A_489 : i32 to vector<16xi32>
      %select_n3A_491 = arith.select %eq3A_488, %get3A_14, %broadcast_in_dim3A_490 : vector<16xi1>, vector<16xi32>
      %reduce_max3A_492 = arith.constant true
      %reduce_max3A_493 = vector.broadcast %reduce_max3A_492 : i1 to vector<16xi1>
      %reduce_max3A_494 = arith.constant -2147483648 : i32
      %reduce_max3A_495 = vector.broadcast %reduce_max3A_494 : i32 to vector<16xi32>
      %reduce_max3A_496 = arith.xori %select_n3A_491, %reduce_max3A_495 : vector<16xi32>
      %reduce_max3A_497 = tpu.scan <max>, %reduce_max3A_496 masked %reduce_max3A_493 : vector<16xi32>, vector<16xi1> -> vector<16xi32>
      %reduce_max3A_498 = arith.xori %reduce_max3A_497, %reduce_max3A_495 : vector<16xi32>
      %reduce_max3A_499 = vector.extract %reduce_max3A_498[15] : i32 from vector<16xi32>
      %shift_right_arithmetic3A_500 = arith.constant 3 : i32
      %shift_right_arithmetic3A_501 = arith.shrsi %reduce_max3A_499, %shift_right_arithmetic3A_500 : i32
      %shift_left3A_502 = arith.constant 3 : i32
      %shift_left3A_503 = arith.shli %shift_right_arithmetic3A_501, %shift_left3A_502 : i32
      %multiple_of3A_504 = tpu.assume_multiple %shift_left3A_503, 8 : i32
      %dma_start3A_505 = arith.constant 15 : i32
      %dma_start3A_506 = arith.constant 0 : i32
      %dma_start3A_507 = arith.constant 0 : i32
      %dma_start3A_508 = tpu.memref_slice %arg7[%dma_start3A_505, %dma_start3A_506, %dma_start3A_507] : memref<32x8x64xf32, #tpu.memory_space<vmem>> -> memref<1x8x64xf32, #tpu.memory_space<vmem>>
      %dma_start3A_509 = tpu.memref_squeeze %dma_start3A_508 : memref<1x8x64xf32, #tpu.memory_space<vmem>> -> memref<8x64xf32, #tpu.memory_space<vmem>>
      %dma_start3A_510 = arith.constant 0 : i32
      %dma_start3A_511 = tpu.memref_slice %arg2[%multiple_of3A_504, %dma_start3A_510] : memref<1000000x64xf32, #tpu.memory_space<hbm>> -> memref<8x64xf32, #tpu.memory_space<hbm>>
      %dma_start3A_512 = arith.constant 0 : i32
      %dma_start3A_513 = arith.constant 0 : i32
      %dma_start3A_514 = tpu.memref_slice %arg7[%dma_start3A_505, %dma_start3A_512, %dma_start3A_513] : memref<32x8x64xf32, #tpu.memory_space<vmem>> -> memref<1x8x64xf32, #tpu.memory_space<vmem>>
      %dma_start3A_515 = tpu.memref_squeeze %dma_start3A_514 : memref<1x8x64xf32, #tpu.memory_space<vmem>> -> memref<8x64xf32, #tpu.memory_space<vmem>>
      %dma_start3A_516 = arith.constant 0 : i32
      %dma_start3A_517 = tpu.memref_slice %arg2[%multiple_of3A_504, %dma_start3A_516] : memref<1000000x64xf32, #tpu.memory_space<hbm>> -> memref<8x64xf32, #tpu.memory_space<hbm>>
      tpu.enqueue_dma source(%dma_start3A_517 : memref<8x64xf32, #tpu.memory_space<hbm>>) target(%dma_start3A_515 : memref<8x64xf32, #tpu.memory_space<vmem>>) target_semaphore(%arg9 : memref<!tpu.dma_semaphore, #tpu.memory_space<semaphore_mem>>)
      %add3A_518 = arith.constant 16 : i32
      %add3A_519 = arith.addi %add3A_11, %add3A_518 : i32
      %get3A_520 = arith.index_cast %add3A_519 : i32 to index
      %get3A_521 = tpu.vector_load %arg6[%get3A_520] {strides = array<i32>} : memref<512xi32, #tpu.memory_space<vmem>>, vector<16xi32>,
      %eq3A_522 = arith.constant 0 : i32
      %eq3A_523 = vector.broadcast %eq3A_522 : i32 to vector<16xi32>
      %eq3A_524 = arith.cmpi eq, %iota3A, %eq3A_523 : vector<16xi32>
      %jit3A_525 = arith.constant 0 : i32
      %broadcast_in_dim3A_526 = vector.broadcast %jit3A_525 : i32 to vector<16xi32>
      %select_n3A_527 = arith.select %eq3A_524, %get3A_521, %broadcast_in_dim3A_526 : vector<16xi1>, vector<16xi32>
      %reduce_max3A_528 = arith.constant true
      %reduce_max3A_529 = vector.broadcast %reduce_max3A_528 : i1 to vector<16xi1>
      %reduce_max3A_530 = arith.constant -2147483648 : i32
      %reduce_max3A_531 = vector.broadcast %reduce_max3A_530 : i32 to vector<16xi32>
      %reduce_max3A_532 = arith.xori %select_n3A_527, %reduce_max3A_531 : vector<16xi32>
      %reduce_max3A_533 = tpu.scan <max>, %reduce_max3A_532 masked %reduce_max3A_529 : vector<16xi32>, vector<16xi1> -> vector<16xi32>
      %reduce_max3A_534 = arith.xori %reduce_max3A_533, %reduce_max3A_531 : vector<16xi32>
      %reduce_max3A_535 = vector.extract %reduce_max3A_534[15] : i32 from vector<16xi32>
      %shift_right_arithmetic3A_536 = arith.constant 3 : i32
      %shift_right_arithmetic3A_537 = arith.shrsi %reduce_max3A_535, %shift_right_arithmetic3A_536 : i32
      %shift_left3A_538 = arith.constant 3 : i32
      %shift_left3A_539 = arith.shli %shift_right_arithmetic3A_537, %shift_left3A_538 : i32
      %multiple_of3A_540 = tpu.assume_multiple %shift_left3A_539, 8 : i32
      %dma_start3A_541 = arith.constant 16 : i32
      %dma_start3A_542 = arith.constant 0 : i32
      %dma_start3A_543 = arith.constant 0 : i32
      %dma_start3A_544 = tpu.memref_slice %arg7[%dma_start3A_541, %dma_start3A_542, %dma_start3A_543] : memref<32x8x64xf32, #tpu.memory_space<vmem>> -> memref<1x8x64xf32, #tpu.memory_space<vmem>>
      %dma_start3A_545 = tpu.memref_squeeze %dma_start3A_544 : memref<1x8x64xf32, #tpu.memory_space<vmem>> -> memref<8x64xf32, #tpu.memory_space<vmem>>
      %dma_start3A_546 = arith.constant 0 : i32
      %dma_start3A_547 = tpu.memref_slice %arg2[%multiple_of3A_540, %dma_start3A_546] : memref<1000000x64xf32, #tpu.memory_space<hbm>> -> memref<8x64xf32, #tpu.memory_space<hbm>>
      %dma_start3A_548 = arith.constant 0 : i32
      %dma_start3A_549 = arith.constant 0 : i32
      %dma_start3A_550 = tpu.memref_slice %arg7[%dma_start3A_541, %dma_start3A_548, %dma_start3A_549] : memref<32x8x64xf32, #tpu.memory_space<vmem>> -> memref<1x8x64xf32, #tpu.memory_space<vmem>>
      %dma_start3A_551 = tpu.memref_squeeze %dma_start3A_550 : memref<1x8x64xf32, #tpu.memory_space<vmem>> -> memref<8x64xf32, #tpu.memory_space<vmem>>
      %dma_start3A_552 = arith.constant 0 : i32
      %dma_start3A_553 = tpu.memref_slice %arg2[%multiple_of3A_540, %dma_start3A_552] : memref<1000000x64xf32, #tpu.memory_space<hbm>> -> memref<8x64xf32, #tpu.memory_space<hbm>>
      tpu.enqueue_dma source(%dma_start3A_553 : memref<8x64xf32, #tpu.memory_space<hbm>>) target(%dma_start3A_551 : memref<8x64xf32, #tpu.memory_space<vmem>>) target_semaphore(%arg9 : memref<!tpu.dma_semaphore, #tpu.memory_space<semaphore_mem>>)
      %eq3A_554 = arith.constant 1 : i32
      %eq3A_555 = vector.broadcast %eq3A_554 : i32 to vector<16xi32>
      %eq3A_556 = arith.cmpi eq, %iota3A, %eq3A_555 : vector<16xi32>
      %jit3A_557 = arith.constant 0 : i32
      %broadcast_in_dim3A_558 = vector.broadcast %jit3A_557 : i32 to vector<16xi32>
      %select_n3A_559 = arith.select %eq3A_556, %get3A_521, %broadcast_in_dim3A_558 : vector<16xi1>, vector<16xi32>
      %reduce_max3A_560 = arith.constant true
      %reduce_max3A_561 = vector.broadcast %reduce_max3A_560 : i1 to vector<16xi1>
      %reduce_max3A_562 = arith.constant -2147483648 : i32
      %reduce_max3A_563 = vector.broadcast %reduce_max3A_562 : i32 to vector<16xi32>
      %reduce_max3A_564 = arith.xori %select_n3A_559, %reduce_max3A_563 : vector<16xi32>
      %reduce_max3A_565 = tpu.scan <max>, %reduce_max3A_564 masked %reduce_max3A_561 : vector<16xi32>, vector<16xi1> -> vector<16xi32>
      %reduce_max3A_566 = arith.xori %reduce_max3A_565, %reduce_max3A_563 : vector<16xi32>
      %reduce_max3A_567 = vector.extract %reduce_max3A_566[15] : i32 from vector<16xi32>
      %shift_right_arithmetic3A_568 = arith.constant 3 : i32
      %shift_right_arithmetic3A_569 = arith.shrsi %reduce_max3A_567, %shift_right_arithmetic3A_568 : i32
      %shift_left3A_570 = arith.constant 3 : i32
      %shift_left3A_571 = arith.shli %shift_right_arithmetic3A_569, %shift_left3A_570 : i32
      %multiple_of3A_572 = tpu.assume_multiple %shift_left3A_571, 8 : i32
      %dma_start3A_573 = arith.constant 17 : i32
      %dma_start3A_574 = arith.constant 0 : i32
      %dma_start3A_575 = arith.constant 0 : i32
      %dma_start3A_576 = tpu.memref_slice %arg7[%dma_start3A_573, %dma_start3A_574, %dma_start3A_575] : memref<32x8x64xf32, #tpu.memory_space<vmem>> -> memref<1x8x64xf32, #tpu.memory_space<vmem>>
      %dma_start3A_577 = tpu.memref_squeeze %dma_start3A_576 : memref<1x8x64xf32, #tpu.memory_space<vmem>> -> memref<8x64xf32, #tpu.memory_space<vmem>>
      %dma_start3A_578 = arith.constant 0 : i32
      %dma_start3A_579 = tpu.memref_slice %arg2[%multiple_of3A_572, %dma_start3A_578] : memref<1000000x64xf32, #tpu.memory_space<hbm>> -> memref<8x64xf32, #tpu.memory_space<hbm>>
      %dma_start3A_580 = arith.constant 0 : i32
      %dma_start3A_581 = arith.constant 0 : i32
      %dma_start3A_582 = tpu.memref_slice %arg7[%dma_start3A_573, %dma_start3A_580, %dma_start3A_581] : memref<32x8x64xf32, #tpu.memory_space<vmem>> -> memref<1x8x64xf32, #tpu.memory_space<vmem>>
      %dma_start3A_583 = tpu.memref_squeeze %dma_start3A_582 : memref<1x8x64xf32, #tpu.memory_space<vmem>> -> memref<8x64xf32, #tpu.memory_space<vmem>>
      %dma_start3A_584 = arith.constant 0 : i32
      %dma_start3A_585 = tpu.memref_slice %arg2[%multiple_of3A_572, %dma_start3A_584] : memref<1000000x64xf32, #tpu.memory_space<hbm>> -> memref<8x64xf32, #tpu.memory_space<hbm>>
      tpu.enqueue_dma source(%dma_start3A_585 : memref<8x64xf32, #tpu.memory_space<hbm>>) target(%dma_start3A_583 : memref<8x64xf32, #tpu.memory_space<vmem>>) target_semaphore(%arg9 : memref<!tpu.dma_semaphore, #tpu.memory_space<semaphore_mem>>)
      %eq3A_586 = arith.constant 2 : i32
      %eq3A_587 = vector.broadcast %eq3A_586 : i32 to vector<16xi32>
      %eq3A_588 = arith.cmpi eq, %iota3A, %eq3A_587 : vector<16xi32>
      %jit3A_589 = arith.constant 0 : i32
      %broadcast_in_dim3A_590 = vector.broadcast %jit3A_589 : i32 to vector<16xi32>
      %select_n3A_591 = arith.select %eq3A_588, %get3A_521, %broadcast_in_dim3A_590 : vector<16xi1>, vector<16xi32>
      %reduce_max3A_592 = arith.constant true
      %reduce_max3A_593 = vector.broadcast %reduce_max3A_592 : i1 to vector<16xi1>
      %reduce_max3A_594 = arith.constant -2147483648 : i32
      %reduce_max3A_595 = vector.broadcast %reduce_max3A_594 : i32 to vector<16xi32>
      %reduce_max3A_596 = arith.xori %select_n3A_591, %reduce_max3A_595 : vector<16xi32>
      %reduce_max3A_597 = tpu.scan <max>, %reduce_max3A_596 masked %reduce_max3A_593 : vector<16xi32>, vector<16xi1> -> vector<16xi32>
      %reduce_max3A_598 = arith.xori %reduce_max3A_597, %reduce_max3A_595 : vector<16xi32>
      %reduce_max3A_599 = vector.extract %reduce_max3A_598[15] : i32 from vector<16xi32>
      %shift_right_arithmetic3A_600 = arith.constant 3 : i32
      %shift_right_arithmetic3A_601 = arith.shrsi %reduce_max3A_599, %shift_right_arithmetic3A_600 : i32
      %shift_left3A_602 = arith.constant 3 : i32
      %shift_left3A_603 = arith.shli %shift_right_arithmetic3A_601, %shift_left3A_602 : i32
      %multiple_of3A_604 = tpu.assume_multiple %shift_left3A_603, 8 : i32
      %dma_start3A_605 = arith.constant 18 : i32
      %dma_start3A_606 = arith.constant 0 : i32
      %dma_start3A_607 = arith.constant 0 : i32
      %dma_start3A_608 = tpu.memref_slice %arg7[%dma_start3A_605, %dma_start3A_606, %dma_start3A_607] : memref<32x8x64xf32, #tpu.memory_space<vmem>> -> memref<1x8x64xf32, #tpu.memory_space<vmem>>
      %dma_start3A_609 = tpu.memref_squeeze %dma_start3A_608 : memref<1x8x64xf32, #tpu.memory_space<vmem>> -> memref<8x64xf32, #tpu.memory_space<vmem>>
      %dma_start3A_610 = arith.constant 0 : i32
      %dma_start3A_611 = tpu.memref_slice %arg2[%multiple_of3A_604, %dma_start3A_610] : memref<1000000x64xf32, #tpu.memory_space<hbm>> -> memref<8x64xf32, #tpu.memory_space<hbm>>
      %dma_start3A_612 = arith.constant 0 : i32
      %dma_start3A_613 = arith.constant 0 : i32
      %dma_start3A_614 = tpu.memref_slice %arg7[%dma_start3A_605, %dma_start3A_612, %dma_start3A_613] : memref<32x8x64xf32, #tpu.memory_space<vmem>> -> memref<1x8x64xf32, #tpu.memory_space<vmem>>
      %dma_start3A_615 = tpu.memref_squeeze %dma_start3A_614 : memref<1x8x64xf32, #tpu.memory_space<vmem>> -> memref<8x64xf32, #tpu.memory_space<vmem>>
      %dma_start3A_616 = arith.constant 0 : i32
      %dma_start3A_617 = tpu.memref_slice %arg2[%multiple_of3A_604, %dma_start3A_616] : memref<1000000x64xf32, #tpu.memory_space<hbm>> -> memref<8x64xf32, #tpu.memory_space<hbm>>
      tpu.enqueue_dma source(%dma_start3A_617 : memref<8x64xf32, #tpu.memory_space<hbm>>) target(%dma_start3A_615 : memref<8x64xf32, #tpu.memory_space<vmem>>) target_semaphore(%arg9 : memref<!tpu.dma_semaphore, #tpu.memory_space<semaphore_mem>>)
      %eq3A_618 = arith.constant 3 : i32
      %eq3A_619 = vector.broadcast %eq3A_618 : i32 to vector<16xi32>
      %eq3A_620 = arith.cmpi eq, %iota3A, %eq3A_619 : vector<16xi32>
      %jit3A_621 = arith.constant 0 : i32
      %broadcast_in_dim3A_622 = vector.broadcast %jit3A_621 : i32 to vector<16xi32>
      %select_n3A_623 = arith.select %eq3A_620, %get3A_521, %broadcast_in_dim3A_622 : vector<16xi1>, vector<16xi32>
      %reduce_max3A_624 = arith.constant true
      %reduce_max3A_625 = vector.broadcast %reduce_max3A_624 : i1 to vector<16xi1>
      %reduce_max3A_626 = arith.constant -2147483648 : i32
      %reduce_max3A_627 = vector.broadcast %reduce_max3A_626 : i32 to vector<16xi32>
      %reduce_max3A_628 = arith.xori %select_n3A_623, %reduce_max3A_627 : vector<16xi32>
      %reduce_max3A_629 = tpu.scan <max>, %reduce_max3A_628 masked %reduce_max3A_625 : vector<16xi32>, vector<16xi1> -> vector<16xi32>
      %reduce_max3A_630 = arith.xori %reduce_max3A_629, %reduce_max3A_627 : vector<16xi32>
      %reduce_max3A_631 = vector.extract %reduce_max3A_630[15] : i32 from vector<16xi32>
      %shift_right_arithmetic3A_632 = arith.constant 3 : i32
      %shift_right_arithmetic3A_633 = arith.shrsi %reduce_max3A_631, %shift_right_arithmetic3A_632 : i32
      %shift_left3A_634 = arith.constant 3 : i32
      %shift_left3A_635 = arith.shli %shift_right_arithmetic3A_633, %shift_left3A_634 : i32
      %multiple_of3A_636 = tpu.assume_multiple %shift_left3A_635, 8 : i32
      %dma_start3A_637 = arith.constant 19 : i32
      %dma_start3A_638 = arith.constant 0 : i32
      %dma_start3A_639 = arith.constant 0 : i32
      %dma_start3A_640 = tpu.memref_slice %arg7[%dma_start3A_637, %dma_start3A_638, %dma_start3A_639] : memref<32x8x64xf32, #tpu.memory_space<vmem>> -> memref<1x8x64xf32, #tpu.memory_space<vmem>>
      %dma_start3A_641 = tpu.memref_squeeze %dma_start3A_640 : memref<1x8x64xf32, #tpu.memory_space<vmem>> -> memref<8x64xf32, #tpu.memory_space<vmem>>
      %dma_start3A_642 = arith.constant 0 : i32
      %dma_start3A_643 = tpu.memref_slice %arg2[%multiple_of3A_636, %dma_start3A_642] : memref<1000000x64xf32, #tpu.memory_space<hbm>> -> memref<8x64xf32, #tpu.memory_space<hbm>>
      %dma_start3A_644 = arith.constant 0 : i32
      %dma_start3A_645 = arith.constant 0 : i32
      %dma_start3A_646 = tpu.memref_slice %arg7[%dma_start3A_637, %dma_start3A_644, %dma_start3A_645] : memref<32x8x64xf32, #tpu.memory_space<vmem>> -> memref<1x8x64xf32, #tpu.memory_space<vmem>>
      %dma_start3A_647 = tpu.memref_squeeze %dma_start3A_646 : memref<1x8x64xf32, #tpu.memory_space<vmem>> -> memref<8x64xf32, #tpu.memory_space<vmem>>
      %dma_start3A_648 = arith.constant 0 : i32
      %dma_start3A_649 = tpu.memref_slice %arg2[%multiple_of3A_636, %dma_start3A_648] : memref<1000000x64xf32, #tpu.memory_space<hbm>> -> memref<8x64xf32, #tpu.memory_space<hbm>>
      tpu.enqueue_dma source(%dma_start3A_649 : memref<8x64xf32, #tpu.memory_space<hbm>>) target(%dma_start3A_647 : memref<8x64xf32, #tpu.memory_space<vmem>>) target_semaphore(%arg9 : memref<!tpu.dma_semaphore, #tpu.memory_space<semaphore_mem>>)
      %eq3A_650 = arith.constant 4 : i32
      %eq3A_651 = vector.broadcast %eq3A_650 : i32 to vector<16xi32>
      %eq3A_652 = arith.cmpi eq, %iota3A, %eq3A_651 : vector<16xi32>
      %jit3A_653 = arith.constant 0 : i32
      %broadcast_in_dim3A_654 = vector.broadcast %jit3A_653 : i32 to vector<16xi32>
      %select_n3A_655 = arith.select %eq3A_652, %get3A_521, %broadcast_in_dim3A_654 : vector<16xi1>, vector<16xi32>
      %reduce_max3A_656 = arith.constant true
      %reduce_max3A_657 = vector.broadcast %reduce_max3A_656 : i1 to vector<16xi1>
      %reduce_max3A_658 = arith.constant -2147483648 : i32
      %reduce_max3A_659 = vector.broadcast %reduce_max3A_658 : i32 to vector<16xi32>
      %reduce_max3A_660 = arith.xori %select_n3A_655, %reduce_max3A_659 : vector<16xi32>
      %reduce_max3A_661 = tpu.scan <max>, %reduce_max3A_660 masked %reduce_max3A_657 : vector<16xi32>, vector<16xi1> -> vector<16xi32>
      %reduce_max3A_662 = arith.xori %reduce_max3A_661, %reduce_max3A_659 : vector<16xi32>
      %reduce_max3A_663 = vector.extract %reduce_max3A_662[15] : i32 from vector<16xi32>
      %shift_right_arithmetic3A_664 = arith.constant 3 : i32
      %shift_right_arithmetic3A_665 = arith.shrsi %reduce_max3A_663, %shift_right_arithmetic3A_664 : i32
      %shift_left3A_666 = arith.constant 3 : i32
      %shift_left3A_667 = arith.shli %shift_right_arithmetic3A_665, %shift_left3A_666 : i32
      %multiple_of3A_668 = tpu.assume_multiple %shift_left3A_667, 8 : i32
      %dma_start3A_669 = arith.constant 20 : i32
      %dma_start3A_670 = arith.constant 0 : i32
      %dma_start3A_671 = arith.constant 0 : i32
      %dma_start3A_672 = tpu.memref_slice %arg7[%dma_start3A_669, %dma_start3A_670, %dma_start3A_671] : memref<32x8x64xf32, #tpu.memory_space<vmem>> -> memref<1x8x64xf32, #tpu.memory_space<vmem>>
      %dma_start3A_673 = tpu.memref_squeeze %dma_start3A_672 : memref<1x8x64xf32, #tpu.memory_space<vmem>> -> memref<8x64xf32, #tpu.memory_space<vmem>>
      %dma_start3A_674 = arith.constant 0 : i32
      %dma_start3A_675 = tpu.memref_slice %arg2[%multiple_of3A_668, %dma_start3A_674] : memref<1000000x64xf32, #tpu.memory_space<hbm>> -> memref<8x64xf32, #tpu.memory_space<hbm>>
      %dma_start3A_676 = arith.constant 0 : i32
      %dma_start3A_677 = arith.constant 0 : i32
      %dma_start3A_678 = tpu.memref_slice %arg7[%dma_start3A_669, %dma_start3A_676, %dma_start3A_677] : memref<32x8x64xf32, #tpu.memory_space<vmem>> -> memref<1x8x64xf32, #tpu.memory_space<vmem>>
      %dma_start3A_679 = tpu.memref_squeeze %dma_start3A_678 : memref<1x8x64xf32, #tpu.memory_space<vmem>> -> memref<8x64xf32, #tpu.memory_space<vmem>>
      %dma_start3A_680 = arith.constant 0 : i32
      %dma_start3A_681 = tpu.memref_slice %arg2[%multiple_of3A_668, %dma_start3A_680] : memref<1000000x64xf32, #tpu.memory_space<hbm>> -> memref<8x64xf32, #tpu.memory_space<hbm>>
      tpu.enqueue_dma source(%dma_start3A_681 : memref<8x64xf32, #tpu.memory_space<hbm>>) target(%dma_start3A_679 : memref<8x64xf32, #tpu.memory_space<vmem>>) target_semaphore(%arg9 : memref<!tpu.dma_semaphore, #tpu.memory_space<semaphore_mem>>)
      %eq3A_682 = arith.constant 5 : i32
      %eq3A_683 = vector.broadcast %eq3A_682 : i32 to vector<16xi32>
      %eq3A_684 = arith.cmpi eq, %iota3A, %eq3A_683 : vector<16xi32>
      %jit3A_685 = arith.constant 0 : i32
      %broadcast_in_dim3A_686 = vector.broadcast %jit3A_685 : i32 to vector<16xi32>
      %select_n3A_687 = arith.select %eq3A_684, %get3A_521, %broadcast_in_dim3A_686 : vector<16xi1>, vector<16xi32>
      %reduce_max3A_688 = arith.constant true
      %reduce_max3A_689 = vector.broadcast %reduce_max3A_688 : i1 to vector<16xi1>
      %reduce_max3A_690 = arith.constant -2147483648 : i32
      %reduce_max3A_691 = vector.broadcast %reduce_max3A_690 : i32 to vector<16xi32>
      %reduce_max3A_692 = arith.xori %select_n3A_687, %reduce_max3A_691 : vector<16xi32>
      %reduce_max3A_693 = tpu.scan <max>, %reduce_max3A_692 masked %reduce_max3A_689 : vector<16xi32>, vector<16xi1> -> vector<16xi32>
      %reduce_max3A_694 = arith.xori %reduce_max3A_693, %reduce_max3A_691 : vector<16xi32>
      %reduce_max3A_695 = vector.extract %reduce_max3A_694[15] : i32 from vector<16xi32>
      %shift_right_arithmetic3A_696 = arith.constant 3 : i32
      %shift_right_arithmetic3A_697 = arith.shrsi %reduce_max3A_695, %shift_right_arithmetic3A_696 : i32
      %shift_left3A_698 = arith.constant 3 : i32
      %shift_left3A_699 = arith.shli %shift_right_arithmetic3A_697, %shift_left3A_698 : i32
      %multiple_of3A_700 = tpu.assume_multiple %shift_left3A_699, 8 : i32
      %dma_start3A_701 = arith.constant 21 : i32
      %dma_start3A_702 = arith.constant 0 : i32
      %dma_start3A_703 = arith.constant 0 : i32
      %dma_start3A_704 = tpu.memref_slice %arg7[%dma_start3A_701, %dma_start3A_702, %dma_start3A_703] : memref<32x8x64xf32, #tpu.memory_space<vmem>> -> memref<1x8x64xf32, #tpu.memory_space<vmem>>
      %dma_start3A_705 = tpu.memref_squeeze %dma_start3A_704 : memref<1x8x64xf32, #tpu.memory_space<vmem>> -> memref<8x64xf32, #tpu.memory_space<vmem>>
      %dma_start3A_706 = arith.constant 0 : i32
      %dma_start3A_707 = tpu.memref_slice %arg2[%multiple_of3A_700, %dma_start3A_706] : memref<1000000x64xf32, #tpu.memory_space<hbm>> -> memref<8x64xf32, #tpu.memory_space<hbm>>
      %dma_start3A_708 = arith.constant 0 : i32
      %dma_start3A_709 = arith.constant 0 : i32
      %dma_start3A_710 = tpu.memref_slice %arg7[%dma_start3A_701, %dma_start3A_708, %dma_start3A_709] : memref<32x8x64xf32, #tpu.memory_space<vmem>> -> memref<1x8x64xf32, #tpu.memory_space<vmem>>
      %dma_start3A_711 = tpu.memref_squeeze %dma_start3A_710 : memref<1x8x64xf32, #tpu.memory_space<vmem>> -> memref<8x64xf32, #tpu.memory_space<vmem>>
      %dma_start3A_712 = arith.constant 0 : i32
      %dma_start3A_713 = tpu.memref_slice %arg2[%multiple_of3A_700, %dma_start3A_712] : memref<1000000x64xf32, #tpu.memory_space<hbm>> -> memref<8x64xf32, #tpu.memory_space<hbm>>
      tpu.enqueue_dma source(%dma_start3A_713 : memref<8x64xf32, #tpu.memory_space<hbm>>) target(%dma_start3A_711 : memref<8x64xf32, #tpu.memory_space<vmem>>) target_semaphore(%arg9 : memref<!tpu.dma_semaphore, #tpu.memory_space<semaphore_mem>>)
      %eq3A_714 = arith.constant 6 : i32
      %eq3A_715 = vector.broadcast %eq3A_714 : i32 to vector<16xi32>
      %eq3A_716 = arith.cmpi eq, %iota3A, %eq3A_715 : vector<16xi32>
      %jit3A_717 = arith.constant 0 : i32
      %broadcast_in_dim3A_718 = vector.broadcast %jit3A_717 : i32 to vector<16xi32>
      %select_n3A_719 = arith.select %eq3A_716, %get3A_521, %broadcast_in_dim3A_718 : vector<16xi1>, vector<16xi32>
      %reduce_max3A_720 = arith.constant true
      %reduce_max3A_721 = vector.broadcast %reduce_max3A_720 : i1 to vector<16xi1>
      %reduce_max3A_722 = arith.constant -2147483648 : i32
      %reduce_max3A_723 = vector.broadcast %reduce_max3A_722 : i32 to vector<16xi32>
      %reduce_max3A_724 = arith.xori %select_n3A_719, %reduce_max3A_723 : vector<16xi32>
      %reduce_max3A_725 = tpu.scan <max>, %reduce_max3A_724 masked %reduce_max3A_721 : vector<16xi32>, vector<16xi1> -> vector<16xi32>
      %reduce_max3A_726 = arith.xori %reduce_max3A_725, %reduce_max3A_723 : vector<16xi32>
      %reduce_max3A_727 = vector.extract %reduce_max3A_726[15] : i32 from vector<16xi32>
      %shift_right_arithmetic3A_728 = arith.constant 3 : i32
      %shift_right_arithmetic3A_729 = arith.shrsi %reduce_max3A_727, %shift_right_arithmetic3A_728 : i32
      %shift_left3A_730 = arith.constant 3 : i32
      %shift_left3A_731 = arith.shli %shift_right_arithmetic3A_729, %shift_left3A_730 : i32
      %multiple_of3A_732 = tpu.assume_multiple %shift_left3A_731, 8 : i32
      %dma_start3A_733 = arith.constant 22 : i32
      %dma_start3A_734 = arith.constant 0 : i32
      %dma_start3A_735 = arith.constant 0 : i32
      %dma_start3A_736 = tpu.memref_slice %arg7[%dma_start3A_733, %dma_start3A_734, %dma_start3A_735] : memref<32x8x64xf32, #tpu.memory_space<vmem>> -> memref<1x8x64xf32, #tpu.memory_space<vmem>>
      %dma_start3A_737 = tpu.memref_squeeze %dma_start3A_736 : memref<1x8x64xf32, #tpu.memory_space<vmem>> -> memref<8x64xf32, #tpu.memory_space<vmem>>
      %dma_start3A_738 = arith.constant 0 : i32
      %dma_start3A_739 = tpu.memref_slice %arg2[%multiple_of3A_732, %dma_start3A_738] : memref<1000000x64xf32, #tpu.memory_space<hbm>> -> memref<8x64xf32, #tpu.memory_space<hbm>>
      %dma_start3A_740 = arith.constant 0 : i32
      %dma_start3A_741 = arith.constant 0 : i32
      %dma_start3A_742 = tpu.memref_slice %arg7[%dma_start3A_733, %dma_start3A_740, %dma_start3A_741] : memref<32x8x64xf32, #tpu.memory_space<vmem>> -> memref<1x8x64xf32, #tpu.memory_space<vmem>>
      %dma_start3A_743 = tpu.memref_squeeze %dma_start3A_742 : memref<1x8x64xf32, #tpu.memory_space<vmem>> -> memref<8x64xf32, #tpu.memory_space<vmem>>
      %dma_start3A_744 = arith.constant 0 : i32
      %dma_start3A_745 = tpu.memref_slice %arg2[%multiple_of3A_732, %dma_start3A_744] : memref<1000000x64xf32, #tpu.memory_space<hbm>> -> memref<8x64xf32, #tpu.memory_space<hbm>>
      tpu.enqueue_dma source(%dma_start3A_745 : memref<8x64xf32, #tpu.memory_space<hbm>>) target(%dma_start3A_743 : memref<8x64xf32, #tpu.memory_space<vmem>>) target_semaphore(%arg9 : memref<!tpu.dma_semaphore, #tpu.memory_space<semaphore_mem>>)
      %eq3A_746 = arith.constant 7 : i32
      %eq3A_747 = vector.broadcast %eq3A_746 : i32 to vector<16xi32>
      %eq3A_748 = arith.cmpi eq, %iota3A, %eq3A_747 : vector<16xi32>
      %jit3A_749 = arith.constant 0 : i32
      %broadcast_in_dim3A_750 = vector.broadcast %jit3A_749 : i32 to vector<16xi32>
      %select_n3A_751 = arith.select %eq3A_748, %get3A_521, %broadcast_in_dim3A_750 : vector<16xi1>, vector<16xi32>
      %reduce_max3A_752 = arith.constant true
      %reduce_max3A_753 = vector.broadcast %reduce_max3A_752 : i1 to vector<16xi1>
      %reduce_max3A_754 = arith.constant -2147483648 : i32
      %reduce_max3A_755 = vector.broadcast %reduce_max3A_754 : i32 to vector<16xi32>
      %reduce_max3A_756 = arith.xori %select_n3A_751, %reduce_max3A_755 : vector<16xi32>
      %reduce_max3A_757 = tpu.scan <max>, %reduce_max3A_756 masked %reduce_max3A_753 : vector<16xi32>, vector<16xi1> -> vector<16xi32>
      %reduce_max3A_758 = arith.xori %reduce_max3A_757, %reduce_max3A_755 : vector<16xi32>
      %reduce_max3A_759 = vector.extract %reduce_max3A_758[15] : i32 from vector<16xi32>
      %shift_right_arithmetic3A_760 = arith.constant 3 : i32
      %shift_right_arithmetic3A_761 = arith.shrsi %reduce_max3A_759, %shift_right_arithmetic3A_760 : i32
      %shift_left3A_762 = arith.constant 3 : i32
      %shift_left3A_763 = arith.shli %shift_right_arithmetic3A_761, %shift_left3A_762 : i32
      %multiple_of3A_764 = tpu.assume_multiple %shift_left3A_763, 8 : i32
      %dma_start3A_765 = arith.constant 23 : i32
      %dma_start3A_766 = arith.constant 0 : i32
      %dma_start3A_767 = arith.constant 0 : i32
      %dma_start3A_768 = tpu.memref_slice %arg7[%dma_start3A_765, %dma_start3A_766, %dma_start3A_767] : memref<32x8x64xf32, #tpu.memory_space<vmem>> -> memref<1x8x64xf32, #tpu.memory_space<vmem>>
      %dma_start3A_769 = tpu.memref_squeeze %dma_start3A_768 : memref<1x8x64xf32, #tpu.memory_space<vmem>> -> memref<8x64xf32, #tpu.memory_space<vmem>>
      %dma_start3A_770 = arith.constant 0 : i32
      %dma_start3A_771 = tpu.memref_slice %arg2[%multiple_of3A_764, %dma_start3A_770] : memref<1000000x64xf32, #tpu.memory_space<hbm>> -> memref<8x64xf32, #tpu.memory_space<hbm>>
      %dma_start3A_772 = arith.constant 0 : i32
      %dma_start3A_773 = arith.constant 0 : i32
      %dma_start3A_774 = tpu.memref_slice %arg7[%dma_start3A_765, %dma_start3A_772, %dma_start3A_773] : memref<32x8x64xf32, #tpu.memory_space<vmem>> -> memref<1x8x64xf32, #tpu.memory_space<vmem>>
      %dma_start3A_775 = tpu.memref_squeeze %dma_start3A_774 : memref<1x8x64xf32, #tpu.memory_space<vmem>> -> memref<8x64xf32, #tpu.memory_space<vmem>>
      %dma_start3A_776 = arith.constant 0 : i32
      %dma_start3A_777 = tpu.memref_slice %arg2[%multiple_of3A_764, %dma_start3A_776] : memref<1000000x64xf32, #tpu.memory_space<hbm>> -> memref<8x64xf32, #tpu.memory_space<hbm>>
      tpu.enqueue_dma source(%dma_start3A_777 : memref<8x64xf32, #tpu.memory_space<hbm>>) target(%dma_start3A_775 : memref<8x64xf32, #tpu.memory_space<vmem>>) target_semaphore(%arg9 : memref<!tpu.dma_semaphore, #tpu.memory_space<semaphore_mem>>)
      %eq3A_778 = arith.constant 8 : i32
      %eq3A_779 = vector.broadcast %eq3A_778 : i32 to vector<16xi32>
      %eq3A_780 = arith.cmpi eq, %iota3A, %eq3A_779 : vector<16xi32>
      %jit3A_781 = arith.constant 0 : i32
      %broadcast_in_dim3A_782 = vector.broadcast %jit3A_781 : i32 to vector<16xi32>
      %select_n3A_783 = arith.select %eq3A_780, %get3A_521, %broadcast_in_dim3A_782 : vector<16xi1>, vector<16xi32>
      %reduce_max3A_784 = arith.constant true
      %reduce_max3A_785 = vector.broadcast %reduce_max3A_784 : i1 to vector<16xi1>
      %reduce_max3A_786 = arith.constant -2147483648 : i32
      %reduce_max3A_787 = vector.broadcast %reduce_max3A_786 : i32 to vector<16xi32>
      %reduce_max3A_788 = arith.xori %select_n3A_783, %reduce_max3A_787 : vector<16xi32>
      %reduce_max3A_789 = tpu.scan <max>, %reduce_max3A_788 masked %reduce_max3A_785 : vector<16xi32>, vector<16xi1> -> vector<16xi32>
      %reduce_max3A_790 = arith.xori %reduce_max3A_789, %reduce_max3A_787 : vector<16xi32>
      %reduce_max3A_791 = vector.extract %reduce_max3A_790[15] : i32 from vector<16xi32>
      %shift_right_arithmetic3A_792 = arith.constant 3 : i32
      %shift_right_arithmetic3A_793 = arith.shrsi %reduce_max3A_791, %shift_right_arithmetic3A_792 : i32
      %shift_left3A_794 = arith.constant 3 : i32
      %shift_left3A_795 = arith.shli %shift_right_arithmetic3A_793, %shift_left3A_794 : i32
      %multiple_of3A_796 = tpu.assume_multiple %shift_left3A_795, 8 : i32
      %dma_start3A_797 = arith.constant 24 : i32
      %dma_start3A_798 = arith.constant 0 : i32
      %dma_start3A_799 = arith.constant 0 : i32
      %dma_start3A_800 = tpu.memref_slice %arg7[%dma_start3A_797, %dma_start3A_798, %dma_start3A_799] : memref<32x8x64xf32, #tpu.memory_space<vmem>> -> memref<1x8x64xf32, #tpu.memory_space<vmem>>
      %dma_start3A_801 = tpu.memref_squeeze %dma_start3A_800 : memref<1x8x64xf32, #tpu.memory_space<vmem>> -> memref<8x64xf32, #tpu.memory_space<vmem>>
      %dma_start3A_802 = arith.constant 0 : i32
      %dma_start3A_803 = tpu.memref_slice %arg2[%multiple_of3A_796, %dma_start3A_802] : memref<1000000x64xf32, #tpu.memory_space<hbm>> -> memref<8x64xf32, #tpu.memory_space<hbm>>
      %dma_start3A_804 = arith.constant 0 : i32
      %dma_start3A_805 = arith.constant 0 : i32
      %dma_start3A_806 = tpu.memref_slice %arg7[%dma_start3A_797, %dma_start3A_804, %dma_start3A_805] : memref<32x8x64xf32, #tpu.memory_space<vmem>> -> memref<1x8x64xf32, #tpu.memory_space<vmem>>
      %dma_start3A_807 = tpu.memref_squeeze %dma_start3A_806 : memref<1x8x64xf32, #tpu.memory_space<vmem>> -> memref<8x64xf32, #tpu.memory_space<vmem>>
      %dma_start3A_808 = arith.constant 0 : i32
      %dma_start3A_809 = tpu.memref_slice %arg2[%multiple_of3A_796, %dma_start3A_808] : memref<1000000x64xf32, #tpu.memory_space<hbm>> -> memref<8x64xf32, #tpu.memory_space<hbm>>
      tpu.enqueue_dma source(%dma_start3A_809 : memref<8x64xf32, #tpu.memory_space<hbm>>) target(%dma_start3A_807 : memref<8x64xf32, #tpu.memory_space<vmem>>) target_semaphore(%arg9 : memref<!tpu.dma_semaphore, #tpu.memory_space<semaphore_mem>>)
      %eq3A_810 = arith.constant 9 : i32
      %eq3A_811 = vector.broadcast %eq3A_810 : i32 to vector<16xi32>
      %eq3A_812 = arith.cmpi eq, %iota3A, %eq3A_811 : vector<16xi32>
      %jit3A_813 = arith.constant 0 : i32
      %broadcast_in_dim3A_814 = vector.broadcast %jit3A_813 : i32 to vector<16xi32>
      %select_n3A_815 = arith.select %eq3A_812, %get3A_521, %broadcast_in_dim3A_814 : vector<16xi1>, vector<16xi32>
      %reduce_max3A_816 = arith.constant true
      %reduce_max3A_817 = vector.broadcast %reduce_max3A_816 : i1 to vector<16xi1>
      %reduce_max3A_818 = arith.constant -2147483648 : i32
      %reduce_max3A_819 = vector.broadcast %reduce_max3A_818 : i32 to vector<16xi32>
      %reduce_max3A_820 = arith.xori %select_n3A_815, %reduce_max3A_819 : vector<16xi32>
      %reduce_max3A_821 = tpu.scan <max>, %reduce_max3A_820 masked %reduce_max3A_817 : vector<16xi32>, vector<16xi1> -> vector<16xi32>
      %reduce_max3A_822 = arith.xori %reduce_max3A_821, %reduce_max3A_819 : vector<16xi32>
      %reduce_max3A_823 = vector.extract %reduce_max3A_822[15] : i32 from vector<16xi32>
      %shift_right_arithmetic3A_824 = arith.constant 3 : i32
      %shift_right_arithmetic3A_825 = arith.shrsi %reduce_max3A_823, %shift_right_arithmetic3A_824 : i32
      %shift_left3A_826 = arith.constant 3 : i32
      %shift_left3A_827 = arith.shli %shift_right_arithmetic3A_825, %shift_left3A_826 : i32
      %multiple_of3A_828 = tpu.assume_multiple %shift_left3A_827, 8 : i32
      %dma_start3A_829 = arith.constant 25 : i32
      %dma_start3A_830 = arith.constant 0 : i32
      %dma_start3A_831 = arith.constant 0 : i32
      %dma_start3A_832 = tpu.memref_slice %arg7[%dma_start3A_829, %dma_start3A_830, %dma_start3A_831] : memref<32x8x64xf32, #tpu.memory_space<vmem>> -> memref<1x8x64xf32, #tpu.memory_space<vmem>>
      %dma_start3A_833 = tpu.memref_squeeze %dma_start3A_832 : memref<1x8x64xf32, #tpu.memory_space<vmem>> -> memref<8x64xf32, #tpu.memory_space<vmem>>
      %dma_start3A_834 = arith.constant 0 : i32
      %dma_start3A_835 = tpu.memref_slice %arg2[%multiple_of3A_828, %dma_start3A_834] : memref<1000000x64xf32, #tpu.memory_space<hbm>> -> memref<8x64xf32, #tpu.memory_space<hbm>>
      %dma_start3A_836 = arith.constant 0 : i32
      %dma_start3A_837 = arith.constant 0 : i32
      %dma_start3A_838 = tpu.memref_slice %arg7[%dma_start3A_829, %dma_start3A_836, %dma_start3A_837] : memref<32x8x64xf32, #tpu.memory_space<vmem>> -> memref<1x8x64xf32, #tpu.memory_space<vmem>>
      %dma_start3A_839 = tpu.memref_squeeze %dma_start3A_838 : memref<1x8x64xf32, #tpu.memory_space<vmem>> -> memref<8x64xf32, #tpu.memory_space<vmem>>
      %dma_start3A_840 = arith.constant 0 : i32
      %dma_start3A_841 = tpu.memref_slice %arg2[%multiple_of3A_828, %dma_start3A_840] : memref<1000000x64xf32, #tpu.memory_space<hbm>> -> memref<8x64xf32, #tpu.memory_space<hbm>>
      tpu.enqueue_dma source(%dma_start3A_841 : memref<8x64xf32, #tpu.memory_space<hbm>>) target(%dma_start3A_839 : memref<8x64xf32, #tpu.memory_space<vmem>>) target_semaphore(%arg9 : memref<!tpu.dma_semaphore, #tpu.memory_space<semaphore_mem>>)
      %eq3A_842 = arith.constant 10 : i32
      %eq3A_843 = vector.broadcast %eq3A_842 : i32 to vector<16xi32>
      %eq3A_844 = arith.cmpi eq, %iota3A, %eq3A_843 : vector<16xi32>
      %jit3A_845 = arith.constant 0 : i32
      %broadcast_in_dim3A_846 = vector.broadcast %jit3A_845 : i32 to vector<16xi32>
      %select_n3A_847 = arith.select %eq3A_844, %get3A_521, %broadcast_in_dim3A_846 : vector<16xi1>, vector<16xi32>
      %reduce_max3A_848 = arith.constant true
      %reduce_max3A_849 = vector.broadcast %reduce_max3A_848 : i1 to vector<16xi1>
      %reduce_max3A_850 = arith.constant -2147483648 : i32
      %reduce_max3A_851 = vector.broadcast %reduce_max3A_850 : i32 to vector<16xi32>
      %reduce_max3A_852 = arith.xori %select_n3A_847, %reduce_max3A_851 : vector<16xi32>
      %reduce_max3A_853 = tpu.scan <max>, %reduce_max3A_852 masked %reduce_max3A_849 : vector<16xi32>, vector<16xi1> -> vector<16xi32>
      %reduce_max3A_854 = arith.xori %reduce_max3A_853, %reduce_max3A_851 : vector<16xi32>
      %reduce_max3A_855 = vector.extract %reduce_max3A_854[15] : i32 from vector<16xi32>
      %shift_right_arithmetic3A_856 = arith.constant 3 : i32
      %shift_right_arithmetic3A_857 = arith.shrsi %reduce_max3A_855, %shift_right_arithmetic3A_856 : i32
      %shift_left3A_858 = arith.constant 3 : i32
      %shift_left3A_859 = arith.shli %shift_right_arithmetic3A_857, %shift_left3A_858 : i32
      %multiple_of3A_860 = tpu.assume_multiple %shift_left3A_859, 8 : i32
      %dma_start3A_861 = arith.constant 26 : i32
      %dma_start3A_862 = arith.constant 0 : i32
      %dma_start3A_863 = arith.constant 0 : i32
      %dma_start3A_864 = tpu.memref_slice %arg7[%dma_start3A_861, %dma_start3A_862, %dma_start3A_863] : memref<32x8x64xf32, #tpu.memory_space<vmem>> -> memref<1x8x64xf32, #tpu.memory_space<vmem>>
      %dma_start3A_865 = tpu.memref_squeeze %dma_start3A_864 : memref<1x8x64xf32, #tpu.memory_space<vmem>> -> memref<8x64xf32, #tpu.memory_space<vmem>>
      %dma_start3A_866 = arith.constant 0 : i32
      %dma_start3A_867 = tpu.memref_slice %arg2[%multiple_of3A_860, %dma_start3A_866] : memref<1000000x64xf32, #tpu.memory_space<hbm>> -> memref<8x64xf32, #tpu.memory_space<hbm>>
      %dma_start3A_868 = arith.constant 0 : i32
      %dma_start3A_869 = arith.constant 0 : i32
      %dma_start3A_870 = tpu.memref_slice %arg7[%dma_start3A_861, %dma_start3A_868, %dma_start3A_869] : memref<32x8x64xf32, #tpu.memory_space<vmem>> -> memref<1x8x64xf32, #tpu.memory_space<vmem>>
      %dma_start3A_871 = tpu.memref_squeeze %dma_start3A_870 : memref<1x8x64xf32, #tpu.memory_space<vmem>> -> memref<8x64xf32, #tpu.memory_space<vmem>>
      %dma_start3A_872 = arith.constant 0 : i32
      %dma_start3A_873 = tpu.memref_slice %arg2[%multiple_of3A_860, %dma_start3A_872] : memref<1000000x64xf32, #tpu.memory_space<hbm>> -> memref<8x64xf32, #tpu.memory_space<hbm>>
      tpu.enqueue_dma source(%dma_start3A_873 : memref<8x64xf32, #tpu.memory_space<hbm>>) target(%dma_start3A_871 : memref<8x64xf32, #tpu.memory_space<vmem>>) target_semaphore(%arg9 : memref<!tpu.dma_semaphore, #tpu.memory_space<semaphore_mem>>)
      %eq3A_874 = arith.constant 11 : i32
      %eq3A_875 = vector.broadcast %eq3A_874 : i32 to vector<16xi32>
      %eq3A_876 = arith.cmpi eq, %iota3A, %eq3A_875 : vector<16xi32>
      %jit3A_877 = arith.constant 0 : i32
      %broadcast_in_dim3A_878 = vector.broadcast %jit3A_877 : i32 to vector<16xi32>
      %select_n3A_879 = arith.select %eq3A_876, %get3A_521, %broadcast_in_dim3A_878 : vector<16xi1>, vector<16xi32>
      %reduce_max3A_880 = arith.constant true
      %reduce_max3A_881 = vector.broadcast %reduce_max3A_880 : i1 to vector<16xi1>
      %reduce_max3A_882 = arith.constant -2147483648 : i32
      %reduce_max3A_883 = vector.broadcast %reduce_max3A_882 : i32 to vector<16xi32>
      %reduce_max3A_884 = arith.xori %select_n3A_879, %reduce_max3A_883 : vector<16xi32>
      %reduce_max3A_885 = tpu.scan <max>, %reduce_max3A_884 masked %reduce_max3A_881 : vector<16xi32>, vector<16xi1> -> vector<16xi32>
      %reduce_max3A_886 = arith.xori %reduce_max3A_885, %reduce_max3A_883 : vector<16xi32>
      %reduce_max3A_887 = vector.extract %reduce_max3A_886[15] : i32 from vector<16xi32>
      %shift_right_arithmetic3A_888 = arith.constant 3 : i32
      %shift_right_arithmetic3A_889 = arith.shrsi %reduce_max3A_887, %shift_right_arithmetic3A_888 : i32
      %shift_left3A_890 = arith.constant 3 : i32
      %shift_left3A_891 = arith.shli %shift_right_arithmetic3A_889, %shift_left3A_890 : i32
      %multiple_of3A_892 = tpu.assume_multiple %shift_left3A_891, 8 : i32
      %dma_start3A_893 = arith.constant 27 : i32
      %dma_start3A_894 = arith.constant 0 : i32
      %dma_start3A_895 = arith.constant 0 : i32
      %dma_start3A_896 = tpu.memref_slice %arg7[%dma_start3A_893, %dma_start3A_894, %dma_start3A_895] : memref<32x8x64xf32, #tpu.memory_space<vmem>> -> memref<1x8x64xf32, #tpu.memory_space<vmem>>
      %dma_start3A_897 = tpu.memref_squeeze %dma_start3A_896 : memref<1x8x64xf32, #tpu.memory_space<vmem>> -> memref<8x64xf32, #tpu.memory_space<vmem>>
      %dma_start3A_898 = arith.constant 0 : i32
      %dma_start3A_899 = tpu.memref_slice %arg2[%multiple_of3A_892, %dma_start3A_898] : memref<1000000x64xf32, #tpu.memory_space<hbm>> -> memref<8x64xf32, #tpu.memory_space<hbm>>
      %dma_start3A_900 = arith.constant 0 : i32
      %dma_start3A_901 = arith.constant 0 : i32
      %dma_start3A_902 = tpu.memref_slice %arg7[%dma_start3A_893, %dma_start3A_900, %dma_start3A_901] : memref<32x8x64xf32, #tpu.memory_space<vmem>> -> memref<1x8x64xf32, #tpu.memory_space<vmem>>
      %dma_start3A_903 = tpu.memref_squeeze %dma_start3A_902 : memref<1x8x64xf32, #tpu.memory_space<vmem>> -> memref<8x64xf32, #tpu.memory_space<vmem>>
      %dma_start3A_904 = arith.constant 0 : i32
      %dma_start3A_905 = tpu.memref_slice %arg2[%multiple_of3A_892, %dma_start3A_904] : memref<1000000x64xf32, #tpu.memory_space<hbm>> -> memref<8x64xf32, #tpu.memory_space<hbm>>
      tpu.enqueue_dma source(%dma_start3A_905 : memref<8x64xf32, #tpu.memory_space<hbm>>) target(%dma_start3A_903 : memref<8x64xf32, #tpu.memory_space<vmem>>) target_semaphore(%arg9 : memref<!tpu.dma_semaphore, #tpu.memory_space<semaphore_mem>>)
      %eq3A_906 = arith.constant 12 : i32
      %eq3A_907 = vector.broadcast %eq3A_906 : i32 to vector<16xi32>
      %eq3A_908 = arith.cmpi eq, %iota3A, %eq3A_907 : vector<16xi32>
      %jit3A_909 = arith.constant 0 : i32
      %broadcast_in_dim3A_910 = vector.broadcast %jit3A_909 : i32 to vector<16xi32>
      %select_n3A_911 = arith.select %eq3A_908, %get3A_521, %broadcast_in_dim3A_910 : vector<16xi1>, vector<16xi32>
      %reduce_max3A_912 = arith.constant true
      %reduce_max3A_913 = vector.broadcast %reduce_max3A_912 : i1 to vector<16xi1>
      %reduce_max3A_914 = arith.constant -2147483648 : i32
      %reduce_max3A_915 = vector.broadcast %reduce_max3A_914 : i32 to vector<16xi32>
      %reduce_max3A_916 = arith.xori %select_n3A_911, %reduce_max3A_915 : vector<16xi32>
      %reduce_max3A_917 = tpu.scan <max>, %reduce_max3A_916 masked %reduce_max3A_913 : vector<16xi32>, vector<16xi1> -> vector<16xi32>
      %reduce_max3A_918 = arith.xori %reduce_max3A_917, %reduce_max3A_915 : vector<16xi32>
      %reduce_max3A_919 = vector.extract %reduce_max3A_918[15] : i32 from vector<16xi32>
      %shift_right_arithmetic3A_920 = arith.constant 3 : i32
      %shift_right_arithmetic3A_921 = arith.shrsi %reduce_max3A_919, %shift_right_arithmetic3A_920 : i32
      %shift_left3A_922 = arith.constant 3 : i32
      %shift_left3A_923 = arith.shli %shift_right_arithmetic3A_921, %shift_left3A_922 : i32
      %multiple_of3A_924 = tpu.assume_multiple %shift_left3A_923, 8 : i32
      %dma_start3A_925 = arith.constant 28 : i32
      %dma_start3A_926 = arith.constant 0 : i32
      %dma_start3A_927 = arith.constant 0 : i32
      %dma_start3A_928 = tpu.memref_slice %arg7[%dma_start3A_925, %dma_start3A_926, %dma_start3A_927] : memref<32x8x64xf32, #tpu.memory_space<vmem>> -> memref<1x8x64xf32, #tpu.memory_space<vmem>>
      %dma_start3A_929 = tpu.memref_squeeze %dma_start3A_928 : memref<1x8x64xf32, #tpu.memory_space<vmem>> -> memref<8x64xf32, #tpu.memory_space<vmem>>
      %dma_start3A_930 = arith.constant 0 : i32
      %dma_start3A_931 = tpu.memref_slice %arg2[%multiple_of3A_924, %dma_start3A_930] : memref<1000000x64xf32, #tpu.memory_space<hbm>> -> memref<8x64xf32, #tpu.memory_space<hbm>>
      %dma_start3A_932 = arith.constant 0 : i32
      %dma_start3A_933 = arith.constant 0 : i32
      %dma_start3A_934 = tpu.memref_slice %arg7[%dma_start3A_925, %dma_start3A_932, %dma_start3A_933] : memref<32x8x64xf32, #tpu.memory_space<vmem>> -> memref<1x8x64xf32, #tpu.memory_space<vmem>>
      %dma_start3A_935 = tpu.memref_squeeze %dma_start3A_934 : memref<1x8x64xf32, #tpu.memory_space<vmem>> -> memref<8x64xf32, #tpu.memory_space<vmem>>
      %dma_start3A_936 = arith.constant 0 : i32
      %dma_start3A_937 = tpu.memref_slice %arg2[%multiple_of3A_924, %dma_start3A_936] : memref<1000000x64xf32, #tpu.memory_space<hbm>> -> memref<8x64xf32, #tpu.memory_space<hbm>>
      tpu.enqueue_dma source(%dma_start3A_937 : memref<8x64xf32, #tpu.memory_space<hbm>>) target(%dma_start3A_935 : memref<8x64xf32, #tpu.memory_space<vmem>>) target_semaphore(%arg9 : memref<!tpu.dma_semaphore, #tpu.memory_space<semaphore_mem>>)
      %eq3A_938 = arith.constant 13 : i32
      %eq3A_939 = vector.broadcast %eq3A_938 : i32 to vector<16xi32>
      %eq3A_940 = arith.cmpi eq, %iota3A, %eq3A_939 : vector<16xi32>
      %jit3A_941 = arith.constant 0 : i32
      %broadcast_in_dim3A_942 = vector.broadcast %jit3A_941 : i32 to vector<16xi32>
      %select_n3A_943 = arith.select %eq3A_940, %get3A_521, %broadcast_in_dim3A_942 : vector<16xi1>, vector<16xi32>
      %reduce_max3A_944 = arith.constant true
      %reduce_max3A_945 = vector.broadcast %reduce_max3A_944 : i1 to vector<16xi1>
      %reduce_max3A_946 = arith.constant -2147483648 : i32
      %reduce_max3A_947 = vector.broadcast %reduce_max3A_946 : i32 to vector<16xi32>
      %reduce_max3A_948 = arith.xori %select_n3A_943, %reduce_max3A_947 : vector<16xi32>
      %reduce_max3A_949 = tpu.scan <max>, %reduce_max3A_948 masked %reduce_max3A_945 : vector<16xi32>, vector<16xi1> -> vector<16xi32>
      %reduce_max3A_950 = arith.xori %reduce_max3A_949, %reduce_max3A_947 : vector<16xi32>
      %reduce_max3A_951 = vector.extract %reduce_max3A_950[15] : i32 from vector<16xi32>
      %shift_right_arithmetic3A_952 = arith.constant 3 : i32
      %shift_right_arithmetic3A_953 = arith.shrsi %reduce_max3A_951, %shift_right_arithmetic3A_952 : i32
      %shift_left3A_954 = arith.constant 3 : i32
      %shift_left3A_955 = arith.shli %shift_right_arithmetic3A_953, %shift_left3A_954 : i32
      %multiple_of3A_956 = tpu.assume_multiple %shift_left3A_955, 8 : i32
      %dma_start3A_957 = arith.constant 29 : i32
      %dma_start3A_958 = arith.constant 0 : i32
      %dma_start3A_959 = arith.constant 0 : i32
      %dma_start3A_960 = tpu.memref_slice %arg7[%dma_start3A_957, %dma_start3A_958, %dma_start3A_959] : memref<32x8x64xf32, #tpu.memory_space<vmem>> -> memref<1x8x64xf32, #tpu.memory_space<vmem>>
      %dma_start3A_961 = tpu.memref_squeeze %dma_start3A_960 : memref<1x8x64xf32, #tpu.memory_space<vmem>> -> memref<8x64xf32, #tpu.memory_space<vmem>>
      %dma_start3A_962 = arith.constant 0 : i32
      %dma_start3A_963 = tpu.memref_slice %arg2[%multiple_of3A_956, %dma_start3A_962] : memref<1000000x64xf32, #tpu.memory_space<hbm>> -> memref<8x64xf32, #tpu.memory_space<hbm>>
      %dma_start3A_964 = arith.constant 0 : i32
      %dma_start3A_965 = arith.constant 0 : i32
      %dma_start3A_966 = tpu.memref_slice %arg7[%dma_start3A_957, %dma_start3A_964, %dma_start3A_965] : memref<32x8x64xf32, #tpu.memory_space<vmem>> -> memref<1x8x64xf32, #tpu.memory_space<vmem>>
      %dma_start3A_967 = tpu.memref_squeeze %dma_start3A_966 : memref<1x8x64xf32, #tpu.memory_space<vmem>> -> memref<8x64xf32, #tpu.memory_space<vmem>>
      %dma_start3A_968 = arith.constant 0 : i32
      %dma_start3A_969 = tpu.memref_slice %arg2[%multiple_of3A_956, %dma_start3A_968] : memref<1000000x64xf32, #tpu.memory_space<hbm>> -> memref<8x64xf32, #tpu.memory_space<hbm>>
      tpu.enqueue_dma source(%dma_start3A_969 : memref<8x64xf32, #tpu.memory_space<hbm>>) target(%dma_start3A_967 : memref<8x64xf32, #tpu.memory_space<vmem>>) target_semaphore(%arg9 : memref<!tpu.dma_semaphore, #tpu.memory_space<semaphore_mem>>)
      %eq3A_970 = arith.constant 14 : i32
      %eq3A_971 = vector.broadcast %eq3A_970 : i32 to vector<16xi32>
      %eq3A_972 = arith.cmpi eq, %iota3A, %eq3A_971 : vector<16xi32>
      %jit3A_973 = arith.constant 0 : i32
      %broadcast_in_dim3A_974 = vector.broadcast %jit3A_973 : i32 to vector<16xi32>
      %select_n3A_975 = arith.select %eq3A_972, %get3A_521, %broadcast_in_dim3A_974 : vector<16xi1>, vector<16xi32>
      %reduce_max3A_976 = arith.constant true
      %reduce_max3A_977 = vector.broadcast %reduce_max3A_976 : i1 to vector<16xi1>
      %reduce_max3A_978 = arith.constant -2147483648 : i32
      %reduce_max3A_979 = vector.broadcast %reduce_max3A_978 : i32 to vector<16xi32>
      %reduce_max3A_980 = arith.xori %select_n3A_975, %reduce_max3A_979 : vector<16xi32>
      %reduce_max3A_981 = tpu.scan <max>, %reduce_max3A_980 masked %reduce_max3A_977 : vector<16xi32>, vector<16xi1> -> vector<16xi32>
      %reduce_max3A_982 = arith.xori %reduce_max3A_981, %reduce_max3A_979 : vector<16xi32>
      %reduce_max3A_983 = vector.extract %reduce_max3A_982[15] : i32 from vector<16xi32>
      %shift_right_arithmetic3A_984 = arith.constant 3 : i32
      %shift_right_arithmetic3A_985 = arith.shrsi %reduce_max3A_983, %shift_right_arithmetic3A_984 : i32
      %shift_left3A_986 = arith.constant 3 : i32
      %shift_left3A_987 = arith.shli %shift_right_arithmetic3A_985, %shift_left3A_986 : i32
      %multiple_of3A_988 = tpu.assume_multiple %shift_left3A_987, 8 : i32
      %dma_start3A_989 = arith.constant 30 : i32
      %dma_start3A_990 = arith.constant 0 : i32
      %dma_start3A_991 = arith.constant 0 : i32
      %dma_start3A_992 = tpu.memref_slice %arg7[%dma_start3A_989, %dma_start3A_990, %dma_start3A_991] : memref<32x8x64xf32, #tpu.memory_space<vmem>> -> memref<1x8x64xf32, #tpu.memory_space<vmem>>
      %dma_start3A_993 = tpu.memref_squeeze %dma_start3A_992 : memref<1x8x64xf32, #tpu.memory_space<vmem>> -> memref<8x64xf32, #tpu.memory_space<vmem>>
      %dma_start3A_994 = arith.constant 0 : i32
      %dma_start3A_995 = tpu.memref_slice %arg2[%multiple_of3A_988, %dma_start3A_994] : memref<1000000x64xf32, #tpu.memory_space<hbm>> -> memref<8x64xf32, #tpu.memory_space<hbm>>
      %dma_start3A_996 = arith.constant 0 : i32
      %dma_start3A_997 = arith.constant 0 : i32
      %dma_start3A_998 = tpu.memref_slice %arg7[%dma_start3A_989, %dma_start3A_996, %dma_start3A_997] : memref<32x8x64xf32, #tpu.memory_space<vmem>> -> memref<1x8x64xf32, #tpu.memory_space<vmem>>
      %dma_start3A_999 = tpu.memref_squeeze %dma_start3A_998 : memref<1x8x64xf32, #tpu.memory_space<vmem>> -> memref<8x64xf32, #tpu.memory_space<vmem>>
      %dma_start3A_1000 = arith.constant 0 : i32
      %dma_start3A_1001 = tpu.memref_slice %arg2[%multiple_of3A_988, %dma_start3A_1000] : memref<1000000x64xf32, #tpu.memory_space<hbm>> -> memref<8x64xf32, #tpu.memory_space<hbm>>
      tpu.enqueue_dma source(%dma_start3A_1001 : memref<8x64xf32, #tpu.memory_space<hbm>>) target(%dma_start3A_999 : memref<8x64xf32, #tpu.memory_space<vmem>>) target_semaphore(%arg9 : memref<!tpu.dma_semaphore, #tpu.memory_space<semaphore_mem>>)
      %eq3A_1002 = arith.constant 15 : i32
      %eq3A_1003 = vector.broadcast %eq3A_1002 : i32 to vector<16xi32>
      %eq3A_1004 = arith.cmpi eq, %iota3A, %eq3A_1003 : vector<16xi32>
      %jit3A_1005 = arith.constant 0 : i32
      %broadcast_in_dim3A_1006 = vector.broadcast %jit3A_1005 : i32 to vector<16xi32>
      %select_n3A_1007 = arith.select %eq3A_1004, %get3A_521, %broadcast_in_dim3A_1006 : vector<16xi1>, vector<16xi32>
      %reduce_max3A_1008 = arith.constant true
      %reduce_max3A_1009 = vector.broadcast %reduce_max3A_1008 : i1 to vector<16xi1>
      %reduce_max3A_1010 = arith.constant -2147483648 : i32
      %reduce_max3A_1011 = vector.broadcast %reduce_max3A_1010 : i32 to vector<16xi32>
      %reduce_max3A_1012 = arith.xori %select_n3A_1007, %reduce_max3A_1011 : vector<16xi32>
      %reduce_max3A_1013 = tpu.scan <max>, %reduce_max3A_1012 masked %reduce_max3A_1009 : vector<16xi32>, vector<16xi1> -> vector<16xi32>
      %reduce_max3A_1014 = arith.xori %reduce_max3A_1013, %reduce_max3A_1011 : vector<16xi32>
      %reduce_max3A_1015 = vector.extract %reduce_max3A_1014[15] : i32 from vector<16xi32>
      %shift_right_arithmetic3A_1016 = arith.constant 3 : i32
      %shift_right_arithmetic3A_1017 = arith.shrsi %reduce_max3A_1015, %shift_right_arithmetic3A_1016 : i32
      %shift_left3A_1018 = arith.constant 3 : i32
      %shift_left3A_1019 = arith.shli %shift_right_arithmetic3A_1017, %shift_left3A_1018 : i32
      %multiple_of3A_1020 = tpu.assume_multiple %shift_left3A_1019, 8 : i32
      %dma_start3A_1021 = arith.constant 31 : i32
      %dma_start3A_1022 = arith.constant 0 : i32
      %dma_start3A_1023 = arith.constant 0 : i32
      %dma_start3A_1024 = tpu.memref_slice %arg7[%dma_start3A_1021, %dma_start3A_1022, %dma_start3A_1023] : memref<32x8x64xf32, #tpu.memory_space<vmem>> -> memref<1x8x64xf32, #tpu.memory_space<vmem>>
      %dma_start3A_1025 = tpu.memref_squeeze %dma_start3A_1024 : memref<1x8x64xf32, #tpu.memory_space<vmem>> -> memref<8x64xf32, #tpu.memory_space<vmem>>
      %dma_start3A_1026 = arith.constant 0 : i32
      %dma_start3A_1027 = tpu.memref_slice %arg2[%multiple_of3A_1020, %dma_start3A_1026] : memref<1000000x64xf32, #tpu.memory_space<hbm>> -> memref<8x64xf32, #tpu.memory_space<hbm>>
      %dma_start3A_1028 = arith.constant 0 : i32
      %dma_start3A_1029 = arith.constant 0 : i32
      %dma_start3A_1030 = tpu.memref_slice %arg7[%dma_start3A_1021, %dma_start3A_1028, %dma_start3A_1029] : memref<32x8x64xf32, #tpu.memory_space<vmem>> -> memref<1x8x64xf32, #tpu.memory_space<vmem>>
      %dma_start3A_1031 = tpu.memref_squeeze %dma_start3A_1030 : memref<1x8x64xf32, #tpu.memory_space<vmem>> -> memref<8x64xf32, #tpu.memory_space<vmem>>
      %dma_start3A_1032 = arith.constant 0 : i32
      %dma_start3A_1033 = tpu.memref_slice %arg2[%multiple_of3A_1020, %dma_start3A_1032] : memref<1000000x64xf32, #tpu.memory_space<hbm>> -> memref<8x64xf32, #tpu.memory_space<hbm>>
      tpu.enqueue_dma source(%dma_start3A_1033 : memref<8x64xf32, #tpu.memory_space<hbm>>) target(%dma_start3A_1031 : memref<8x64xf32, #tpu.memory_space<vmem>>) target_semaphore(%arg9 : memref<!tpu.dma_semaphore, #tpu.memory_space<semaphore_mem>>)
      %dma_wait3A = arith.constant 0 : i32
      %dma_wait3A_1034 = arith.constant 0 : i32
      %dma_wait3A_1035 = arith.constant 0 : i32
      %dma_wait3A_1036 = tpu.memref_slice %arg7[%dma_wait3A, %dma_wait3A_1034, %dma_wait3A_1035] : memref<32x8x64xf32, #tpu.memory_space<vmem>> -> memref<1x8x64xf32, #tpu.memory_space<vmem>>
      %dma_wait3A_1037 = tpu.memref_squeeze %dma_wait3A_1036 : memref<1x8x64xf32, #tpu.memory_space<vmem>> -> memref<8x64xf32, #tpu.memory_space<vmem>>
      %dma_wait3A_1038 = arith.constant 0 : i32
      %dma_wait3A_1039 = tpu.memref_slice %arg2[%multiple_of3A, %dma_wait3A_1038] : memref<1000000x64xf32, #tpu.memory_space<hbm>> -> memref<8x64xf32, #tpu.memory_space<hbm>>
      %dma_wait3A_1040 = arith.constant 0 : i32
      %dma_wait3A_1041 = arith.constant 0 : i32
      %dma_wait3A_1042 = tpu.memref_slice %arg7[%dma_wait3A, %dma_wait3A_1040, %dma_wait3A_1041] : memref<32x8x64xf32, #tpu.memory_space<vmem>> -> memref<1x8x64xf32, #tpu.memory_space<vmem>>
      %dma_wait3A_1043 = tpu.memref_squeeze %dma_wait3A_1042 : memref<1x8x64xf32, #tpu.memory_space<vmem>> -> memref<8x64xf32, #tpu.memory_space<vmem>>
      %dma_wait3A_1044 = arith.constant 0 : i32
      %dma_wait3A_1045 = tpu.memref_slice %arg2[%multiple_of3A, %dma_wait3A_1044] : memref<1000000x64xf32, #tpu.memory_space<hbm>> -> memref<8x64xf32, #tpu.memory_space<hbm>>
      tpu.wait_dma2 semaphore(%arg9 : memref<!tpu.dma_semaphore, #tpu.memory_space<semaphore_mem>>) src(%dma_wait3A_1045 : memref<8x64xf32, #tpu.memory_space<hbm>>) dst(%dma_wait3A_1043 : memref<8x64xf32, #tpu.memory_space<vmem>>)
      %dma_wait3A_1046 = arith.constant 1 : i32
      %dma_wait3A_1047 = arith.constant 0 : i32
      %dma_wait3A_1048 = arith.constant 0 : i32
      %dma_wait3A_1049 = tpu.memref_slice %arg7[%dma_wait3A_1046, %dma_wait3A_1047, %dma_wait3A_1048] : memref<32x8x64xf32, #tpu.memory_space<vmem>> -> memref<1x8x64xf32, #tpu.memory_space<vmem>>
      %dma_wait3A_1050 = tpu.memref_squeeze %dma_wait3A_1049 : memref<1x8x64xf32, #tpu.memory_space<vmem>> -> memref<8x64xf32, #tpu.memory_space<vmem>>
      %dma_wait3A_1051 = arith.constant 0 : i32
      %dma_wait3A_1052 = tpu.memref_slice %arg2[%multiple_of3A_56, %dma_wait3A_1051] : memref<1000000x64xf32, #tpu.memory_space<hbm>> -> memref<8x64xf32, #tpu.memory_space<hbm>>
      %dma_wait3A_1053 = arith.constant 0 : i32
      %dma_wait3A_1054 = arith.constant 0 : i32
      %dma_wait3A_1055 = tpu.memref_slice %arg7[%dma_wait3A_1046, %dma_wait3A_1053, %dma_wait3A_1054] : memref<32x8x64xf32, #tpu.memory_space<vmem>> -> memref<1x8x64xf32, #tpu.memory_space<vmem>>
      %dma_wait3A_1056 = tpu.memref_squeeze %dma_wait3A_1055 : memref<1x8x64xf32, #tpu.memory_space<vmem>> -> memref<8x64xf32, #tpu.memory_space<vmem>>
      %dma_wait3A_1057 = arith.constant 0 : i32
      %dma_wait3A_1058 = tpu.memref_slice %arg2[%multiple_of3A_56, %dma_wait3A_1057] : memref<1000000x64xf32, #tpu.memory_space<hbm>> -> memref<8x64xf32, #tpu.memory_space<hbm>>
      tpu.wait_dma2 semaphore(%arg9 : memref<!tpu.dma_semaphore, #tpu.memory_space<semaphore_mem>>) src(%dma_wait3A_1058 : memref<8x64xf32, #tpu.memory_space<hbm>>) dst(%dma_wait3A_1056 : memref<8x64xf32, #tpu.memory_space<vmem>>)
      %dma_wait3A_1059 = arith.constant 2 : i32
      %dma_wait3A_1060 = arith.constant 0 : i32
      %dma_wait3A_1061 = arith.constant 0 : i32
      %dma_wait3A_1062 = tpu.memref_slice %arg7[%dma_wait3A_1059, %dma_wait3A_1060, %dma_wait3A_1061] : memref<32x8x64xf32, #tpu.memory_space<vmem>> -> memref<1x8x64xf32, #tpu.memory_space<vmem>>
      %dma_wait3A_1063 = tpu.memref_squeeze %dma_wait3A_1062 : memref<1x8x64xf32, #tpu.memory_space<vmem>> -> memref<8x64xf32, #tpu.memory_space<vmem>>
      %dma_wait3A_1064 = arith.constant 0 : i32
      %dma_wait3A_1065 = tpu.memref_slice %arg2[%multiple_of3A_88, %dma_wait3A_1064] : memref<1000000x64xf32, #tpu.memory_space<hbm>> -> memref<8x64xf32, #tpu.memory_space<hbm>>
      %dma_wait3A_1066 = arith.constant 0 : i32
      %dma_wait3A_1067 = arith.constant 0 : i32
      %dma_wait3A_1068 = tpu.memref_slice %arg7[%dma_wait3A_1059, %dma_wait3A_1066, %dma_wait3A_1067] : memref<32x8x64xf32, #tpu.memory_space<vmem>> -> memref<1x8x64xf32, #tpu.memory_space<vmem>>
      %dma_wait3A_1069 = tpu.memref_squeeze %dma_wait3A_1068 : memref<1x8x64xf32, #tpu.memory_space<vmem>> -> memref<8x64xf32, #tpu.memory_space<vmem>>
      %dma_wait3A_1070 = arith.constant 0 : i32
      %dma_wait3A_1071 = tpu.memref_slice %arg2[%multiple_of3A_88, %dma_wait3A_1070] : memref<1000000x64xf32, #tpu.memory_space<hbm>> -> memref<8x64xf32, #tpu.memory_space<hbm>>
      tpu.wait_dma2 semaphore(%arg9 : memref<!tpu.dma_semaphore, #tpu.memory_space<semaphore_mem>>) src(%dma_wait3A_1071 : memref<8x64xf32, #tpu.memory_space<hbm>>) dst(%dma_wait3A_1069 : memref<8x64xf32, #tpu.memory_space<vmem>>)
      %dma_wait3A_1072 = arith.constant 3 : i32
      %dma_wait3A_1073 = arith.constant 0 : i32
      %dma_wait3A_1074 = arith.constant 0 : i32
      %dma_wait3A_1075 = tpu.memref_slice %arg7[%dma_wait3A_1072, %dma_wait3A_1073, %dma_wait3A_1074] : memref<32x8x64xf32, #tpu.memory_space<vmem>> -> memref<1x8x64xf32, #tpu.memory_space<vmem>>
      %dma_wait3A_1076 = tpu.memref_squeeze %dma_wait3A_1075 : memref<1x8x64xf32, #tpu.memory_space<vmem>> -> memref<8x64xf32, #tpu.memory_space<vmem>>
      %dma_wait3A_1077 = arith.constant 0 : i32
      %dma_wait3A_1078 = tpu.memref_slice %arg2[%multiple_of3A_120, %dma_wait3A_1077] : memref<1000000x64xf32, #tpu.memory_space<hbm>> -> memref<8x64xf32, #tpu.memory_space<hbm>>
      %dma_wait3A_1079 = arith.constant 0 : i32
      %dma_wait3A_1080 = arith.constant 0 : i32
      %dma_wait3A_1081 = tpu.memref_slice %arg7[%dma_wait3A_1072, %dma_wait3A_1079, %dma_wait3A_1080] : memref<32x8x64xf32, #tpu.memory_space<vmem>> -> memref<1x8x64xf32, #tpu.memory_space<vmem>>
      %dma_wait3A_1082 = tpu.memref_squeeze %dma_wait3A_1081 : memref<1x8x64xf32, #tpu.memory_space<vmem>> -> memref<8x64xf32, #tpu.memory_space<vmem>>
      %dma_wait3A_1083 = arith.constant 0 : i32
      %dma_wait3A_1084 = tpu.memref_slice %arg2[%multiple_of3A_120, %dma_wait3A_1083] : memref<1000000x64xf32, #tpu.memory_space<hbm>> -> memref<8x64xf32, #tpu.memory_space<hbm>>
      tpu.wait_dma2 semaphore(%arg9 : memref<!tpu.dma_semaphore, #tpu.memory_space<semaphore_mem>>) src(%dma_wait3A_1084 : memref<8x64xf32, #tpu.memory_space<hbm>>) dst(%dma_wait3A_1082 : memref<8x64xf32, #tpu.memory_space<vmem>>)
      %dma_wait3A_1085 = arith.constant 4 : i32
      %dma_wait3A_1086 = arith.constant 0 : i32
      %dma_wait3A_1087 = arith.constant 0 : i32
      %dma_wait3A_1088 = tpu.memref_slice %arg7[%dma_wait3A_1085, %dma_wait3A_1086, %dma_wait3A_1087] : memref<32x8x64xf32, #tpu.memory_space<vmem>> -> memref<1x8x64xf32, #tpu.memory_space<vmem>>
      %dma_wait3A_1089 = tpu.memref_squeeze %dma_wait3A_1088 : memref<1x8x64xf32, #tpu.memory_space<vmem>> -> memref<8x64xf32, #tpu.memory_space<vmem>>
      %dma_wait3A_1090 = arith.constant 0 : i32
      %dma_wait3A_1091 = tpu.memref_slice %arg2[%multiple_of3A_152, %dma_wait3A_1090] : memref<1000000x64xf32, #tpu.memory_space<hbm>> -> memref<8x64xf32, #tpu.memory_space<hbm>>
      %dma_wait3A_1092 = arith.constant 0 : i32
      %dma_wait3A_1093 = arith.constant 0 : i32
      %dma_wait3A_1094 = tpu.memref_slice %arg7[%dma_wait3A_1085, %dma_wait3A_1092, %dma_wait3A_1093] : memref<32x8x64xf32, #tpu.memory_space<vmem>> -> memref<1x8x64xf32, #tpu.memory_space<vmem>>
      %dma_wait3A_1095 = tpu.memref_squeeze %dma_wait3A_1094 : memref<1x8x64xf32, #tpu.memory_space<vmem>> -> memref<8x64xf32, #tpu.memory_space<vmem>>
      %dma_wait3A_1096 = arith.constant 0 : i32
      %dma_wait3A_1097 = tpu.memref_slice %arg2[%multiple_of3A_152, %dma_wait3A_1096] : memref<1000000x64xf32, #tpu.memory_space<hbm>> -> memref<8x64xf32, #tpu.memory_space<hbm>>
      tpu.wait_dma2 semaphore(%arg9 : memref<!tpu.dma_semaphore, #tpu.memory_space<semaphore_mem>>) src(%dma_wait3A_1097 : memref<8x64xf32, #tpu.memory_space<hbm>>) dst(%dma_wait3A_1095 : memref<8x64xf32, #tpu.memory_space<vmem>>)
      %dma_wait3A_1098 = arith.constant 5 : i32
      %dma_wait3A_1099 = arith.constant 0 : i32
      %dma_wait3A_1100 = arith.constant 0 : i32
      %dma_wait3A_1101 = tpu.memref_slice %arg7[%dma_wait3A_1098, %dma_wait3A_1099, %dma_wait3A_1100] : memref<32x8x64xf32, #tpu.memory_space<vmem>> -> memref<1x8x64xf32, #tpu.memory_space<vmem>>
      %dma_wait3A_1102 = tpu.memref_squeeze %dma_wait3A_1101 : memref<1x8x64xf32, #tpu.memory_space<vmem>> -> memref<8x64xf32, #tpu.memory_space<vmem>>
      %dma_wait3A_1103 = arith.constant 0 : i32
      %dma_wait3A_1104 = tpu.memref_slice %arg2[%multiple_of3A_184, %dma_wait3A_1103] : memref<1000000x64xf32, #tpu.memory_space<hbm>> -> memref<8x64xf32, #tpu.memory_space<hbm>>
      %dma_wait3A_1105 = arith.constant 0 : i32
      %dma_wait3A_1106 = arith.constant 0 : i32
      %dma_wait3A_1107 = tpu.memref_slice %arg7[%dma_wait3A_1098, %dma_wait3A_1105, %dma_wait3A_1106] : memref<32x8x64xf32, #tpu.memory_space<vmem>> -> memref<1x8x64xf32, #tpu.memory_space<vmem>>
      %dma_wait3A_1108 = tpu.memref_squeeze %dma_wait3A_1107 : memref<1x8x64xf32, #tpu.memory_space<vmem>> -> memref<8x64xf32, #tpu.memory_space<vmem>>
      %dma_wait3A_1109 = arith.constant 0 : i32
      %dma_wait3A_1110 = tpu.memref_slice %arg2[%multiple_of3A_184, %dma_wait3A_1109] : memref<1000000x64xf32, #tpu.memory_space<hbm>> -> memref<8x64xf32, #tpu.memory_space<hbm>>
      tpu.wait_dma2 semaphore(%arg9 : memref<!tpu.dma_semaphore, #tpu.memory_space<semaphore_mem>>) src(%dma_wait3A_1110 : memref<8x64xf32, #tpu.memory_space<hbm>>) dst(%dma_wait3A_1108 : memref<8x64xf32, #tpu.memory_space<vmem>>)
      %dma_wait3A_1111 = arith.constant 6 : i32
      %dma_wait3A_1112 = arith.constant 0 : i32
      %dma_wait3A_1113 = arith.constant 0 : i32
      %dma_wait3A_1114 = tpu.memref_slice %arg7[%dma_wait3A_1111, %dma_wait3A_1112, %dma_wait3A_1113] : memref<32x8x64xf32, #tpu.memory_space<vmem>> -> memref<1x8x64xf32, #tpu.memory_space<vmem>>
      %dma_wait3A_1115 = tpu.memref_squeeze %dma_wait3A_1114 : memref<1x8x64xf32, #tpu.memory_space<vmem>> -> memref<8x64xf32, #tpu.memory_space<vmem>>
      %dma_wait3A_1116 = arith.constant 0 : i32
      %dma_wait3A_1117 = tpu.memref_slice %arg2[%multiple_of3A_216, %dma_wait3A_1116] : memref<1000000x64xf32, #tpu.memory_space<hbm>> -> memref<8x64xf32, #tpu.memory_space<hbm>>
      %dma_wait3A_1118 = arith.constant 0 : i32
      %dma_wait3A_1119 = arith.constant 0 : i32
      %dma_wait3A_1120 = tpu.memref_slice %arg7[%dma_wait3A_1111, %dma_wait3A_1118, %dma_wait3A_1119] : memref<32x8x64xf32, #tpu.memory_space<vmem>> -> memref<1x8x64xf32, #tpu.memory_space<vmem>>
      %dma_wait3A_1121 = tpu.memref_squeeze %dma_wait3A_1120 : memref<1x8x64xf32, #tpu.memory_space<vmem>> -> memref<8x64xf32, #tpu.memory_space<vmem>>
      %dma_wait3A_1122 = arith.constant 0 : i32
      %dma_wait3A_1123 = tpu.memref_slice %arg2[%multiple_of3A_216, %dma_wait3A_1122] : memref<1000000x64xf32, #tpu.memory_space<hbm>> -> memref<8x64xf32, #tpu.memory_space<hbm>>
      tpu.wait_dma2 semaphore(%arg9 : memref<!tpu.dma_semaphore, #tpu.memory_space<semaphore_mem>>) src(%dma_wait3A_1123 : memref<8x64xf32, #tpu.memory_space<hbm>>) dst(%dma_wait3A_1121 : memref<8x64xf32, #tpu.memory_space<vmem>>)
      %dma_wait3A_1124 = arith.constant 7 : i32
      %dma_wait3A_1125 = arith.constant 0 : i32
      %dma_wait3A_1126 = arith.constant 0 : i32
      %dma_wait3A_1127 = tpu.memref_slice %arg7[%dma_wait3A_1124, %dma_wait3A_1125, %dma_wait3A_1126] : memref<32x8x64xf32, #tpu.memory_space<vmem>> -> memref<1x8x64xf32, #tpu.memory_space<vmem>>
      %dma_wait3A_1128 = tpu.memref_squeeze %dma_wait3A_1127 : memref<1x8x64xf32, #tpu.memory_space<vmem>> -> memref<8x64xf32, #tpu.memory_space<vmem>>
      %dma_wait3A_1129 = arith.constant 0 : i32
      %dma_wait3A_1130 = tpu.memref_slice %arg2[%multiple_of3A_248, %dma_wait3A_1129] : memref<1000000x64xf32, #tpu.memory_space<hbm>> -> memref<8x64xf32, #tpu.memory_space<hbm>>
      %dma_wait3A_1131 = arith.constant 0 : i32
      %dma_wait3A_1132 = arith.constant 0 : i32
      %dma_wait3A_1133 = tpu.memref_slice %arg7[%dma_wait3A_1124, %dma_wait3A_1131, %dma_wait3A_1132] : memref<32x8x64xf32, #tpu.memory_space<vmem>> -> memref<1x8x64xf32, #tpu.memory_space<vmem>>
      %dma_wait3A_1134 = tpu.memref_squeeze %dma_wait3A_1133 : memref<1x8x64xf32, #tpu.memory_space<vmem>> -> memref<8x64xf32, #tpu.memory_space<vmem>>
      %dma_wait3A_1135 = arith.constant 0 : i32
      %dma_wait3A_1136 = tpu.memref_slice %arg2[%multiple_of3A_248, %dma_wait3A_1135] : memref<1000000x64xf32, #tpu.memory_space<hbm>> -> memref<8x64xf32, #tpu.memory_space<hbm>>
      tpu.wait_dma2 semaphore(%arg9 : memref<!tpu.dma_semaphore, #tpu.memory_space<semaphore_mem>>) src(%dma_wait3A_1136 : memref<8x64xf32, #tpu.memory_space<hbm>>) dst(%dma_wait3A_1134 : memref<8x64xf32, #tpu.memory_space<vmem>>)
      %dma_wait3A_1137 = arith.constant 8 : i32
      %dma_wait3A_1138 = arith.constant 0 : i32
      %dma_wait3A_1139 = arith.constant 0 : i32
      %dma_wait3A_1140 = tpu.memref_slice %arg7[%dma_wait3A_1137, %dma_wait3A_1138, %dma_wait3A_1139] : memref<32x8x64xf32, #tpu.memory_space<vmem>> -> memref<1x8x64xf32, #tpu.memory_space<vmem>>
      %dma_wait3A_1141 = tpu.memref_squeeze %dma_wait3A_1140 : memref<1x8x64xf32, #tpu.memory_space<vmem>> -> memref<8x64xf32, #tpu.memory_space<vmem>>
      %dma_wait3A_1142 = arith.constant 0 : i32
      %dma_wait3A_1143 = tpu.memref_slice %arg2[%multiple_of3A_280, %dma_wait3A_1142] : memref<1000000x64xf32, #tpu.memory_space<hbm>> -> memref<8x64xf32, #tpu.memory_space<hbm>>
      %dma_wait3A_1144 = arith.constant 0 : i32
      %dma_wait3A_1145 = arith.constant 0 : i32
      %dma_wait3A_1146 = tpu.memref_slice %arg7[%dma_wait3A_1137, %dma_wait3A_1144, %dma_wait3A_1145] : memref<32x8x64xf32, #tpu.memory_space<vmem>> -> memref<1x8x64xf32, #tpu.memory_space<vmem>>
      %dma_wait3A_1147 = tpu.memref_squeeze %dma_wait3A_1146 : memref<1x8x64xf32, #tpu.memory_space<vmem>> -> memref<8x64xf32, #tpu.memory_space<vmem>>
      %dma_wait3A_1148 = arith.constant 0 : i32
      %dma_wait3A_1149 = tpu.memref_slice %arg2[%multiple_of3A_280, %dma_wait3A_1148] : memref<1000000x64xf32, #tpu.memory_space<hbm>> -> memref<8x64xf32, #tpu.memory_space<hbm>>
      tpu.wait_dma2 semaphore(%arg9 : memref<!tpu.dma_semaphore, #tpu.memory_space<semaphore_mem>>) src(%dma_wait3A_1149 : memref<8x64xf32, #tpu.memory_space<hbm>>) dst(%dma_wait3A_1147 : memref<8x64xf32, #tpu.memory_space<vmem>>)
      %dma_wait3A_1150 = arith.constant 9 : i32
      %dma_wait3A_1151 = arith.constant 0 : i32
      %dma_wait3A_1152 = arith.constant 0 : i32
      %dma_wait3A_1153 = tpu.memref_slice %arg7[%dma_wait3A_1150, %dma_wait3A_1151, %dma_wait3A_1152] : memref<32x8x64xf32, #tpu.memory_space<vmem>> -> memref<1x8x64xf32, #tpu.memory_space<vmem>>
      %dma_wait3A_1154 = tpu.memref_squeeze %dma_wait3A_1153 : memref<1x8x64xf32, #tpu.memory_space<vmem>> -> memref<8x64xf32, #tpu.memory_space<vmem>>
      %dma_wait3A_1155 = arith.constant 0 : i32
      %dma_wait3A_1156 = tpu.memref_slice %arg2[%multiple_of3A_312, %dma_wait3A_1155] : memref<1000000x64xf32, #tpu.memory_space<hbm>> -> memref<8x64xf32, #tpu.memory_space<hbm>>
      %dma_wait3A_1157 = arith.constant 0 : i32
      %dma_wait3A_1158 = arith.constant 0 : i32
      %dma_wait3A_1159 = tpu.memref_slice %arg7[%dma_wait3A_1150, %dma_wait3A_1157, %dma_wait3A_1158] : memref<32x8x64xf32, #tpu.memory_space<vmem>> -> memref<1x8x64xf32, #tpu.memory_space<vmem>>
      %dma_wait3A_1160 = tpu.memref_squeeze %dma_wait3A_1159 : memref<1x8x64xf32, #tpu.memory_space<vmem>> -> memref<8x64xf32, #tpu.memory_space<vmem>>
      %dma_wait3A_1161 = arith.constant 0 : i32
      %dma_wait3A_1162 = tpu.memref_slice %arg2[%multiple_of3A_312, %dma_wait3A_1161] : memref<1000000x64xf32, #tpu.memory_space<hbm>> -> memref<8x64xf32, #tpu.memory_space<hbm>>
      tpu.wait_dma2 semaphore(%arg9 : memref<!tpu.dma_semaphore, #tpu.memory_space<semaphore_mem>>) src(%dma_wait3A_1162 : memref<8x64xf32, #tpu.memory_space<hbm>>) dst(%dma_wait3A_1160 : memref<8x64xf32, #tpu.memory_space<vmem>>)
      %dma_wait3A_1163 = arith.constant 10 : i32
      %dma_wait3A_1164 = arith.constant 0 : i32
      %dma_wait3A_1165 = arith.constant 0 : i32
      %dma_wait3A_1166 = tpu.memref_slice %arg7[%dma_wait3A_1163, %dma_wait3A_1164, %dma_wait3A_1165] : memref<32x8x64xf32, #tpu.memory_space<vmem>> -> memref<1x8x64xf32, #tpu.memory_space<vmem>>
      %dma_wait3A_1167 = tpu.memref_squeeze %dma_wait3A_1166 : memref<1x8x64xf32, #tpu.memory_space<vmem>> -> memref<8x64xf32, #tpu.memory_space<vmem>>
      %dma_wait3A_1168 = arith.constant 0 : i32
      %dma_wait3A_1169 = tpu.memref_slice %arg2[%multiple_of3A_344, %dma_wait3A_1168] : memref<1000000x64xf32, #tpu.memory_space<hbm>> -> memref<8x64xf32, #tpu.memory_space<hbm>>
      %dma_wait3A_1170 = arith.constant 0 : i32
      %dma_wait3A_1171 = arith.constant 0 : i32
      %dma_wait3A_1172 = tpu.memref_slice %arg7[%dma_wait3A_1163, %dma_wait3A_1170, %dma_wait3A_1171] : memref<32x8x64xf32, #tpu.memory_space<vmem>> -> memref<1x8x64xf32, #tpu.memory_space<vmem>>
      %dma_wait3A_1173 = tpu.memref_squeeze %dma_wait3A_1172 : memref<1x8x64xf32, #tpu.memory_space<vmem>> -> memref<8x64xf32, #tpu.memory_space<vmem>>
      %dma_wait3A_1174 = arith.constant 0 : i32
      %dma_wait3A_1175 = tpu.memref_slice %arg2[%multiple_of3A_344, %dma_wait3A_1174] : memref<1000000x64xf32, #tpu.memory_space<hbm>> -> memref<8x64xf32, #tpu.memory_space<hbm>>
      tpu.wait_dma2 semaphore(%arg9 : memref<!tpu.dma_semaphore, #tpu.memory_space<semaphore_mem>>) src(%dma_wait3A_1175 : memref<8x64xf32, #tpu.memory_space<hbm>>) dst(%dma_wait3A_1173 : memref<8x64xf32, #tpu.memory_space<vmem>>)
      %dma_wait3A_1176 = arith.constant 11 : i32
      %dma_wait3A_1177 = arith.constant 0 : i32
      %dma_wait3A_1178 = arith.constant 0 : i32
      %dma_wait3A_1179 = tpu.memref_slice %arg7[%dma_wait3A_1176, %dma_wait3A_1177, %dma_wait3A_1178] : memref<32x8x64xf32, #tpu.memory_space<vmem>> -> memref<1x8x64xf32, #tpu.memory_space<vmem>>
      %dma_wait3A_1180 = tpu.memref_squeeze %dma_wait3A_1179 : memref<1x8x64xf32, #tpu.memory_space<vmem>> -> memref<8x64xf32, #tpu.memory_space<vmem>>
      %dma_wait3A_1181 = arith.constant 0 : i32
      %dma_wait3A_1182 = tpu.memref_slice %arg2[%multiple_of3A_376, %dma_wait3A_1181] : memref<1000000x64xf32, #tpu.memory_space<hbm>> -> memref<8x64xf32, #tpu.memory_space<hbm>>
      %dma_wait3A_1183 = arith.constant 0 : i32
      %dma_wait3A_1184 = arith.constant 0 : i32
      %dma_wait3A_1185 = tpu.memref_slice %arg7[%dma_wait3A_1176, %dma_wait3A_1183, %dma_wait3A_1184] : memref<32x8x64xf32, #tpu.memory_space<vmem>> -> memref<1x8x64xf32, #tpu.memory_space<vmem>>
      %dma_wait3A_1186 = tpu.memref_squeeze %dma_wait3A_1185 : memref<1x8x64xf32, #tpu.memory_space<vmem>> -> memref<8x64xf32, #tpu.memory_space<vmem>>
      %dma_wait3A_1187 = arith.constant 0 : i32
      %dma_wait3A_1188 = tpu.memref_slice %arg2[%multiple_of3A_376, %dma_wait3A_1187] : memref<1000000x64xf32, #tpu.memory_space<hbm>> -> memref<8x64xf32, #tpu.memory_space<hbm>>
      tpu.wait_dma2 semaphore(%arg9 : memref<!tpu.dma_semaphore, #tpu.memory_space<semaphore_mem>>) src(%dma_wait3A_1188 : memref<8x64xf32, #tpu.memory_space<hbm>>) dst(%dma_wait3A_1186 : memref<8x64xf32, #tpu.memory_space<vmem>>)
      %dma_wait3A_1189 = arith.constant 12 : i32
      %dma_wait3A_1190 = arith.constant 0 : i32
      %dma_wait3A_1191 = arith.constant 0 : i32
      %dma_wait3A_1192 = tpu.memref_slice %arg7[%dma_wait3A_1189, %dma_wait3A_1190, %dma_wait3A_1191] : memref<32x8x64xf32, #tpu.memory_space<vmem>> -> memref<1x8x64xf32, #tpu.memory_space<vmem>>
      %dma_wait3A_1193 = tpu.memref_squeeze %dma_wait3A_1192 : memref<1x8x64xf32, #tpu.memory_space<vmem>> -> memref<8x64xf32, #tpu.memory_space<vmem>>
      %dma_wait3A_1194 = arith.constant 0 : i32
      %dma_wait3A_1195 = tpu.memref_slice %arg2[%multiple_of3A_408, %dma_wait3A_1194] : memref<1000000x64xf32, #tpu.memory_space<hbm>> -> memref<8x64xf32, #tpu.memory_space<hbm>>
      %dma_wait3A_1196 = arith.constant 0 : i32
      %dma_wait3A_1197 = arith.constant 0 : i32
      %dma_wait3A_1198 = tpu.memref_slice %arg7[%dma_wait3A_1189, %dma_wait3A_1196, %dma_wait3A_1197] : memref<32x8x64xf32, #tpu.memory_space<vmem>> -> memref<1x8x64xf32, #tpu.memory_space<vmem>>
      %dma_wait3A_1199 = tpu.memref_squeeze %dma_wait3A_1198 : memref<1x8x64xf32, #tpu.memory_space<vmem>> -> memref<8x64xf32, #tpu.memory_space<vmem>>
      %dma_wait3A_1200 = arith.constant 0 : i32
      %dma_wait3A_1201 = tpu.memref_slice %arg2[%multiple_of3A_408, %dma_wait3A_1200] : memref<1000000x64xf32, #tpu.memory_space<hbm>> -> memref<8x64xf32, #tpu.memory_space<hbm>>
      tpu.wait_dma2 semaphore(%arg9 : memref<!tpu.dma_semaphore, #tpu.memory_space<semaphore_mem>>) src(%dma_wait3A_1201 : memref<8x64xf32, #tpu.memory_space<hbm>>) dst(%dma_wait3A_1199 : memref<8x64xf32, #tpu.memory_space<vmem>>)
      %dma_wait3A_1202 = arith.constant 13 : i32
      %dma_wait3A_1203 = arith.constant 0 : i32
      %dma_wait3A_1204 = arith.constant 0 : i32
      %dma_wait3A_1205 = tpu.memref_slice %arg7[%dma_wait3A_1202, %dma_wait3A_1203, %dma_wait3A_1204] : memref<32x8x64xf32, #tpu.memory_space<vmem>> -> memref<1x8x64xf32, #tpu.memory_space<vmem>>
      %dma_wait3A_1206 = tpu.memref_squeeze %dma_wait3A_1205 : memref<1x8x64xf32, #tpu.memory_space<vmem>> -> memref<8x64xf32, #tpu.memory_space<vmem>>
      %dma_wait3A_1207 = arith.constant 0 : i32
      %dma_wait3A_1208 = tpu.memref_slice %arg2[%multiple_of3A_440, %dma_wait3A_1207] : memref<1000000x64xf32, #tpu.memory_space<hbm>> -> memref<8x64xf32, #tpu.memory_space<hbm>>
      %dma_wait3A_1209 = arith.constant 0 : i32
      %dma_wait3A_1210 = arith.constant 0 : i32
      %dma_wait3A_1211 = tpu.memref_slice %arg7[%dma_wait3A_1202, %dma_wait3A_1209, %dma_wait3A_1210] : memref<32x8x64xf32, #tpu.memory_space<vmem>> -> memref<1x8x64xf32, #tpu.memory_space<vmem>>
      %dma_wait3A_1212 = tpu.memref_squeeze %dma_wait3A_1211 : memref<1x8x64xf32, #tpu.memory_space<vmem>> -> memref<8x64xf32, #tpu.memory_space<vmem>>
      %dma_wait3A_1213 = arith.constant 0 : i32
      %dma_wait3A_1214 = tpu.memref_slice %arg2[%multiple_of3A_440, %dma_wait3A_1213] : memref<1000000x64xf32, #tpu.memory_space<hbm>> -> memref<8x64xf32, #tpu.memory_space<hbm>>
      tpu.wait_dma2 semaphore(%arg9 : memref<!tpu.dma_semaphore, #tpu.memory_space<semaphore_mem>>) src(%dma_wait3A_1214 : memref<8x64xf32, #tpu.memory_space<hbm>>) dst(%dma_wait3A_1212 : memref<8x64xf32, #tpu.memory_space<vmem>>)
      %dma_wait3A_1215 = arith.constant 14 : i32
      %dma_wait3A_1216 = arith.constant 0 : i32
      %dma_wait3A_1217 = arith.constant 0 : i32
      %dma_wait3A_1218 = tpu.memref_slice %arg7[%dma_wait3A_1215, %dma_wait3A_1216, %dma_wait3A_1217] : memref<32x8x64xf32, #tpu.memory_space<vmem>> -> memref<1x8x64xf32, #tpu.memory_space<vmem>>
      %dma_wait3A_1219 = tpu.memref_squeeze %dma_wait3A_1218 : memref<1x8x64xf32, #tpu.memory_space<vmem>> -> memref<8x64xf32, #tpu.memory_space<vmem>>
      %dma_wait3A_1220 = arith.constant 0 : i32
      %dma_wait3A_1221 = tpu.memref_slice %arg2[%multiple_of3A_472, %dma_wait3A_1220] : memref<1000000x64xf32, #tpu.memory_space<hbm>> -> memref<8x64xf32, #tpu.memory_space<hbm>>
      %dma_wait3A_1222 = arith.constant 0 : i32
      %dma_wait3A_1223 = arith.constant 0 : i32
      %dma_wait3A_1224 = tpu.memref_slice %arg7[%dma_wait3A_1215, %dma_wait3A_1222, %dma_wait3A_1223] : memref<32x8x64xf32, #tpu.memory_space<vmem>> -> memref<1x8x64xf32, #tpu.memory_space<vmem>>
      %dma_wait3A_1225 = tpu.memref_squeeze %dma_wait3A_1224 : memref<1x8x64xf32, #tpu.memory_space<vmem>> -> memref<8x64xf32, #tpu.memory_space<vmem>>
      %dma_wait3A_1226 = arith.constant 0 : i32
      %dma_wait3A_1227 = tpu.memref_slice %arg2[%multiple_of3A_472, %dma_wait3A_1226] : memref<1000000x64xf32, #tpu.memory_space<hbm>> -> memref<8x64xf32, #tpu.memory_space<hbm>>
      tpu.wait_dma2 semaphore(%arg9 : memref<!tpu.dma_semaphore, #tpu.memory_space<semaphore_mem>>) src(%dma_wait3A_1227 : memref<8x64xf32, #tpu.memory_space<hbm>>) dst(%dma_wait3A_1225 : memref<8x64xf32, #tpu.memory_space<vmem>>)
      %dma_wait3A_1228 = arith.constant 15 : i32
      %dma_wait3A_1229 = arith.constant 0 : i32
      %dma_wait3A_1230 = arith.constant 0 : i32
      %dma_wait3A_1231 = tpu.memref_slice %arg7[%dma_wait3A_1228, %dma_wait3A_1229, %dma_wait3A_1230] : memref<32x8x64xf32, #tpu.memory_space<vmem>> -> memref<1x8x64xf32, #tpu.memory_space<vmem>>
      %dma_wait3A_1232 = tpu.memref_squeeze %dma_wait3A_1231 : memref<1x8x64xf32, #tpu.memory_space<vmem>> -> memref<8x64xf32, #tpu.memory_space<vmem>>
      %dma_wait3A_1233 = arith.constant 0 : i32
      %dma_wait3A_1234 = tpu.memref_slice %arg2[%multiple_of3A_504, %dma_wait3A_1233] : memref<1000000x64xf32, #tpu.memory_space<hbm>> -> memref<8x64xf32, #tpu.memory_space<hbm>>
      %dma_wait3A_1235 = arith.constant 0 : i32
      %dma_wait3A_1236 = arith.constant 0 : i32
      %dma_wait3A_1237 = tpu.memref_slice %arg7[%dma_wait3A_1228, %dma_wait3A_1235, %dma_wait3A_1236] : memref<32x8x64xf32, #tpu.memory_space<vmem>> -> memref<1x8x64xf32, #tpu.memory_space<vmem>>
      %dma_wait3A_1238 = tpu.memref_squeeze %dma_wait3A_1237 : memref<1x8x64xf32, #tpu.memory_space<vmem>> -> memref<8x64xf32, #tpu.memory_space<vmem>>
      %dma_wait3A_1239 = arith.constant 0 : i32
      %dma_wait3A_1240 = tpu.memref_slice %arg2[%multiple_of3A_504, %dma_wait3A_1239] : memref<1000000x64xf32, #tpu.memory_space<hbm>> -> memref<8x64xf32, #tpu.memory_space<hbm>>
      tpu.wait_dma2 semaphore(%arg9 : memref<!tpu.dma_semaphore, #tpu.memory_space<semaphore_mem>>) src(%dma_wait3A_1240 : memref<8x64xf32, #tpu.memory_space<hbm>>) dst(%dma_wait3A_1238 : memref<8x64xf32, #tpu.memory_space<vmem>>)
      %dma_wait3A_1241 = arith.constant 16 : i32
      %dma_wait3A_1242 = arith.constant 0 : i32
      %dma_wait3A_1243 = arith.constant 0 : i32
      %dma_wait3A_1244 = tpu.memref_slice %arg7[%dma_wait3A_1241, %dma_wait3A_1242, %dma_wait3A_1243] : memref<32x8x64xf32, #tpu.memory_space<vmem>> -> memref<1x8x64xf32, #tpu.memory_space<vmem>>
      %dma_wait3A_1245 = tpu.memref_squeeze %dma_wait3A_1244 : memref<1x8x64xf32, #tpu.memory_space<vmem>> -> memref<8x64xf32, #tpu.memory_space<vmem>>
      %dma_wait3A_1246 = arith.constant 0 : i32
      %dma_wait3A_1247 = tpu.memref_slice %arg2[%multiple_of3A_540, %dma_wait3A_1246] : memref<1000000x64xf32, #tpu.memory_space<hbm>> -> memref<8x64xf32, #tpu.memory_space<hbm>>
      %dma_wait3A_1248 = arith.constant 0 : i32
      %dma_wait3A_1249 = arith.constant 0 : i32
      %dma_wait3A_1250 = tpu.memref_slice %arg7[%dma_wait3A_1241, %dma_wait3A_1248, %dma_wait3A_1249] : memref<32x8x64xf32, #tpu.memory_space<vmem>> -> memref<1x8x64xf32, #tpu.memory_space<vmem>>
      %dma_wait3A_1251 = tpu.memref_squeeze %dma_wait3A_1250 : memref<1x8x64xf32, #tpu.memory_space<vmem>> -> memref<8x64xf32, #tpu.memory_space<vmem>>
      %dma_wait3A_1252 = arith.constant 0 : i32
      %dma_wait3A_1253 = tpu.memref_slice %arg2[%multiple_of3A_540, %dma_wait3A_1252] : memref<1000000x64xf32, #tpu.memory_space<hbm>> -> memref<8x64xf32, #tpu.memory_space<hbm>>
      tpu.wait_dma2 semaphore(%arg9 : memref<!tpu.dma_semaphore, #tpu.memory_space<semaphore_mem>>) src(%dma_wait3A_1253 : memref<8x64xf32, #tpu.memory_space<hbm>>) dst(%dma_wait3A_1251 : memref<8x64xf32, #tpu.memory_space<vmem>>)
      %dma_wait3A_1254 = arith.constant 17 : i32
      %dma_wait3A_1255 = arith.constant 0 : i32
      %dma_wait3A_1256 = arith.constant 0 : i32
      %dma_wait3A_1257 = tpu.memref_slice %arg7[%dma_wait3A_1254, %dma_wait3A_1255, %dma_wait3A_1256] : memref<32x8x64xf32, #tpu.memory_space<vmem>> -> memref<1x8x64xf32, #tpu.memory_space<vmem>>
      %dma_wait3A_1258 = tpu.memref_squeeze %dma_wait3A_1257 : memref<1x8x64xf32, #tpu.memory_space<vmem>> -> memref<8x64xf32, #tpu.memory_space<vmem>>
      %dma_wait3A_1259 = arith.constant 0 : i32
      %dma_wait3A_1260 = tpu.memref_slice %arg2[%multiple_of3A_572, %dma_wait3A_1259] : memref<1000000x64xf32, #tpu.memory_space<hbm>> -> memref<8x64xf32, #tpu.memory_space<hbm>>
      %dma_wait3A_1261 = arith.constant 0 : i32
      %dma_wait3A_1262 = arith.constant 0 : i32
      %dma_wait3A_1263 = tpu.memref_slice %arg7[%dma_wait3A_1254, %dma_wait3A_1261, %dma_wait3A_1262] : memref<32x8x64xf32, #tpu.memory_space<vmem>> -> memref<1x8x64xf32, #tpu.memory_space<vmem>>
      %dma_wait3A_1264 = tpu.memref_squeeze %dma_wait3A_1263 : memref<1x8x64xf32, #tpu.memory_space<vmem>> -> memref<8x64xf32, #tpu.memory_space<vmem>>
      %dma_wait3A_1265 = arith.constant 0 : i32
      %dma_wait3A_1266 = tpu.memref_slice %arg2[%multiple_of3A_572, %dma_wait3A_1265] : memref<1000000x64xf32, #tpu.memory_space<hbm>> -> memref<8x64xf32, #tpu.memory_space<hbm>>
      tpu.wait_dma2 semaphore(%arg9 : memref<!tpu.dma_semaphore, #tpu.memory_space<semaphore_mem>>) src(%dma_wait3A_1266 : memref<8x64xf32, #tpu.memory_space<hbm>>) dst(%dma_wait3A_1264 : memref<8x64xf32, #tpu.memory_space<vmem>>)
      %dma_wait3A_1267 = arith.constant 18 : i32
      %dma_wait3A_1268 = arith.constant 0 : i32
      %dma_wait3A_1269 = arith.constant 0 : i32
      %dma_wait3A_1270 = tpu.memref_slice %arg7[%dma_wait3A_1267, %dma_wait3A_1268, %dma_wait3A_1269] : memref<32x8x64xf32, #tpu.memory_space<vmem>> -> memref<1x8x64xf32, #tpu.memory_space<vmem>>
      %dma_wait3A_1271 = tpu.memref_squeeze %dma_wait3A_1270 : memref<1x8x64xf32, #tpu.memory_space<vmem>> -> memref<8x64xf32, #tpu.memory_space<vmem>>
      %dma_wait3A_1272 = arith.constant 0 : i32
      %dma_wait3A_1273 = tpu.memref_slice %arg2[%multiple_of3A_604, %dma_wait3A_1272] : memref<1000000x64xf32, #tpu.memory_space<hbm>> -> memref<8x64xf32, #tpu.memory_space<hbm>>
      %dma_wait3A_1274 = arith.constant 0 : i32
      %dma_wait3A_1275 = arith.constant 0 : i32
      %dma_wait3A_1276 = tpu.memref_slice %arg7[%dma_wait3A_1267, %dma_wait3A_1274, %dma_wait3A_1275] : memref<32x8x64xf32, #tpu.memory_space<vmem>> -> memref<1x8x64xf32, #tpu.memory_space<vmem>>
      %dma_wait3A_1277 = tpu.memref_squeeze %dma_wait3A_1276 : memref<1x8x64xf32, #tpu.memory_space<vmem>> -> memref<8x64xf32, #tpu.memory_space<vmem>>
      %dma_wait3A_1278 = arith.constant 0 : i32
      %dma_wait3A_1279 = tpu.memref_slice %arg2[%multiple_of3A_604, %dma_wait3A_1278] : memref<1000000x64xf32, #tpu.memory_space<hbm>> -> memref<8x64xf32, #tpu.memory_space<hbm>>
      tpu.wait_dma2 semaphore(%arg9 : memref<!tpu.dma_semaphore, #tpu.memory_space<semaphore_mem>>) src(%dma_wait3A_1279 : memref<8x64xf32, #tpu.memory_space<hbm>>) dst(%dma_wait3A_1277 : memref<8x64xf32, #tpu.memory_space<vmem>>)
      %dma_wait3A_1280 = arith.constant 19 : i32
      %dma_wait3A_1281 = arith.constant 0 : i32
      %dma_wait3A_1282 = arith.constant 0 : i32
      %dma_wait3A_1283 = tpu.memref_slice %arg7[%dma_wait3A_1280, %dma_wait3A_1281, %dma_wait3A_1282] : memref<32x8x64xf32, #tpu.memory_space<vmem>> -> memref<1x8x64xf32, #tpu.memory_space<vmem>>
      %dma_wait3A_1284 = tpu.memref_squeeze %dma_wait3A_1283 : memref<1x8x64xf32, #tpu.memory_space<vmem>> -> memref<8x64xf32, #tpu.memory_space<vmem>>
      %dma_wait3A_1285 = arith.constant 0 : i32
      %dma_wait3A_1286 = tpu.memref_slice %arg2[%multiple_of3A_636, %dma_wait3A_1285] : memref<1000000x64xf32, #tpu.memory_space<hbm>> -> memref<8x64xf32, #tpu.memory_space<hbm>>
      %dma_wait3A_1287 = arith.constant 0 : i32
      %dma_wait3A_1288 = arith.constant 0 : i32
      %dma_wait3A_1289 = tpu.memref_slice %arg7[%dma_wait3A_1280, %dma_wait3A_1287, %dma_wait3A_1288] : memref<32x8x64xf32, #tpu.memory_space<vmem>> -> memref<1x8x64xf32, #tpu.memory_space<vmem>>
      %dma_wait3A_1290 = tpu.memref_squeeze %dma_wait3A_1289 : memref<1x8x64xf32, #tpu.memory_space<vmem>> -> memref<8x64xf32, #tpu.memory_space<vmem>>
      %dma_wait3A_1291 = arith.constant 0 : i32
      %dma_wait3A_1292 = tpu.memref_slice %arg2[%multiple_of3A_636, %dma_wait3A_1291] : memref<1000000x64xf32, #tpu.memory_space<hbm>> -> memref<8x64xf32, #tpu.memory_space<hbm>>
      tpu.wait_dma2 semaphore(%arg9 : memref<!tpu.dma_semaphore, #tpu.memory_space<semaphore_mem>>) src(%dma_wait3A_1292 : memref<8x64xf32, #tpu.memory_space<hbm>>) dst(%dma_wait3A_1290 : memref<8x64xf32, #tpu.memory_space<vmem>>)
      %dma_wait3A_1293 = arith.constant 20 : i32
      %dma_wait3A_1294 = arith.constant 0 : i32
      %dma_wait3A_1295 = arith.constant 0 : i32
      %dma_wait3A_1296 = tpu.memref_slice %arg7[%dma_wait3A_1293, %dma_wait3A_1294, %dma_wait3A_1295] : memref<32x8x64xf32, #tpu.memory_space<vmem>> -> memref<1x8x64xf32, #tpu.memory_space<vmem>>
      %dma_wait3A_1297 = tpu.memref_squeeze %dma_wait3A_1296 : memref<1x8x64xf32, #tpu.memory_space<vmem>> -> memref<8x64xf32, #tpu.memory_space<vmem>>
      %dma_wait3A_1298 = arith.constant 0 : i32
      %dma_wait3A_1299 = tpu.memref_slice %arg2[%multiple_of3A_668, %dma_wait3A_1298] : memref<1000000x64xf32, #tpu.memory_space<hbm>> -> memref<8x64xf32, #tpu.memory_space<hbm>>
      %dma_wait3A_1300 = arith.constant 0 : i32
      %dma_wait3A_1301 = arith.constant 0 : i32
      %dma_wait3A_1302 = tpu.memref_slice %arg7[%dma_wait3A_1293, %dma_wait3A_1300, %dma_wait3A_1301] : memref<32x8x64xf32, #tpu.memory_space<vmem>> -> memref<1x8x64xf32, #tpu.memory_space<vmem>>
      %dma_wait3A_1303 = tpu.memref_squeeze %dma_wait3A_1302 : memref<1x8x64xf32, #tpu.memory_space<vmem>> -> memref<8x64xf32, #tpu.memory_space<vmem>>
      %dma_wait3A_1304 = arith.constant 0 : i32
      %dma_wait3A_1305 = tpu.memref_slice %arg2[%multiple_of3A_668, %dma_wait3A_1304] : memref<1000000x64xf32, #tpu.memory_space<hbm>> -> memref<8x64xf32, #tpu.memory_space<hbm>>
      tpu.wait_dma2 semaphore(%arg9 : memref<!tpu.dma_semaphore, #tpu.memory_space<semaphore_mem>>) src(%dma_wait3A_1305 : memref<8x64xf32, #tpu.memory_space<hbm>>) dst(%dma_wait3A_1303 : memref<8x64xf32, #tpu.memory_space<vmem>>)
      %dma_wait3A_1306 = arith.constant 21 : i32
      %dma_wait3A_1307 = arith.constant 0 : i32
      %dma_wait3A_1308 = arith.constant 0 : i32
      %dma_wait3A_1309 = tpu.memref_slice %arg7[%dma_wait3A_1306, %dma_wait3A_1307, %dma_wait3A_1308] : memref<32x8x64xf32, #tpu.memory_space<vmem>> -> memref<1x8x64xf32, #tpu.memory_space<vmem>>
      %dma_wait3A_1310 = tpu.memref_squeeze %dma_wait3A_1309 : memref<1x8x64xf32, #tpu.memory_space<vmem>> -> memref<8x64xf32, #tpu.memory_space<vmem>>
      %dma_wait3A_1311 = arith.constant 0 : i32
      %dma_wait3A_1312 = tpu.memref_slice %arg2[%multiple_of3A_700, %dma_wait3A_1311] : memref<1000000x64xf32, #tpu.memory_space<hbm>> -> memref<8x64xf32, #tpu.memory_space<hbm>>
      %dma_wait3A_1313 = arith.constant 0 : i32
      %dma_wait3A_1314 = arith.constant 0 : i32
      %dma_wait3A_1315 = tpu.memref_slice %arg7[%dma_wait3A_1306, %dma_wait3A_1313, %dma_wait3A_1314] : memref<32x8x64xf32, #tpu.memory_space<vmem>> -> memref<1x8x64xf32, #tpu.memory_space<vmem>>
      %dma_wait3A_1316 = tpu.memref_squeeze %dma_wait3A_1315 : memref<1x8x64xf32, #tpu.memory_space<vmem>> -> memref<8x64xf32, #tpu.memory_space<vmem>>
      %dma_wait3A_1317 = arith.constant 0 : i32
      %dma_wait3A_1318 = tpu.memref_slice %arg2[%multiple_of3A_700, %dma_wait3A_1317] : memref<1000000x64xf32, #tpu.memory_space<hbm>> -> memref<8x64xf32, #tpu.memory_space<hbm>>
      tpu.wait_dma2 semaphore(%arg9 : memref<!tpu.dma_semaphore, #tpu.memory_space<semaphore_mem>>) src(%dma_wait3A_1318 : memref<8x64xf32, #tpu.memory_space<hbm>>) dst(%dma_wait3A_1316 : memref<8x64xf32, #tpu.memory_space<vmem>>)
      %dma_wait3A_1319 = arith.constant 22 : i32
      %dma_wait3A_1320 = arith.constant 0 : i32
      %dma_wait3A_1321 = arith.constant 0 : i32
      %dma_wait3A_1322 = tpu.memref_slice %arg7[%dma_wait3A_1319, %dma_wait3A_1320, %dma_wait3A_1321] : memref<32x8x64xf32, #tpu.memory_space<vmem>> -> memref<1x8x64xf32, #tpu.memory_space<vmem>>
      %dma_wait3A_1323 = tpu.memref_squeeze %dma_wait3A_1322 : memref<1x8x64xf32, #tpu.memory_space<vmem>> -> memref<8x64xf32, #tpu.memory_space<vmem>>
      %dma_wait3A_1324 = arith.constant 0 : i32
      %dma_wait3A_1325 = tpu.memref_slice %arg2[%multiple_of3A_732, %dma_wait3A_1324] : memref<1000000x64xf32, #tpu.memory_space<hbm>> -> memref<8x64xf32, #tpu.memory_space<hbm>>
      %dma_wait3A_1326 = arith.constant 0 : i32
      %dma_wait3A_1327 = arith.constant 0 : i32
      %dma_wait3A_1328 = tpu.memref_slice %arg7[%dma_wait3A_1319, %dma_wait3A_1326, %dma_wait3A_1327] : memref<32x8x64xf32, #tpu.memory_space<vmem>> -> memref<1x8x64xf32, #tpu.memory_space<vmem>>
      %dma_wait3A_1329 = tpu.memref_squeeze %dma_wait3A_1328 : memref<1x8x64xf32, #tpu.memory_space<vmem>> -> memref<8x64xf32, #tpu.memory_space<vmem>>
      %dma_wait3A_1330 = arith.constant 0 : i32
      %dma_wait3A_1331 = tpu.memref_slice %arg2[%multiple_of3A_732, %dma_wait3A_1330] : memref<1000000x64xf32, #tpu.memory_space<hbm>> -> memref<8x64xf32, #tpu.memory_space<hbm>>
      tpu.wait_dma2 semaphore(%arg9 : memref<!tpu.dma_semaphore, #tpu.memory_space<semaphore_mem>>) src(%dma_wait3A_1331 : memref<8x64xf32, #tpu.memory_space<hbm>>) dst(%dma_wait3A_1329 : memref<8x64xf32, #tpu.memory_space<vmem>>)
      %dma_wait3A_1332 = arith.constant 23 : i32
      %dma_wait3A_1333 = arith.constant 0 : i32
      %dma_wait3A_1334 = arith.constant 0 : i32
      %dma_wait3A_1335 = tpu.memref_slice %arg7[%dma_wait3A_1332, %dma_wait3A_1333, %dma_wait3A_1334] : memref<32x8x64xf32, #tpu.memory_space<vmem>> -> memref<1x8x64xf32, #tpu.memory_space<vmem>>
      %dma_wait3A_1336 = tpu.memref_squeeze %dma_wait3A_1335 : memref<1x8x64xf32, #tpu.memory_space<vmem>> -> memref<8x64xf32, #tpu.memory_space<vmem>>
      %dma_wait3A_1337 = arith.constant 0 : i32
      %dma_wait3A_1338 = tpu.memref_slice %arg2[%multiple_of3A_764, %dma_wait3A_1337] : memref<1000000x64xf32, #tpu.memory_space<hbm>> -> memref<8x64xf32, #tpu.memory_space<hbm>>
      %dma_wait3A_1339 = arith.constant 0 : i32
      %dma_wait3A_1340 = arith.constant 0 : i32
      %dma_wait3A_1341 = tpu.memref_slice %arg7[%dma_wait3A_1332, %dma_wait3A_1339, %dma_wait3A_1340] : memref<32x8x64xf32, #tpu.memory_space<vmem>> -> memref<1x8x64xf32, #tpu.memory_space<vmem>>
      %dma_wait3A_1342 = tpu.memref_squeeze %dma_wait3A_1341 : memref<1x8x64xf32, #tpu.memory_space<vmem>> -> memref<8x64xf32, #tpu.memory_space<vmem>>
      %dma_wait3A_1343 = arith.constant 0 : i32
      %dma_wait3A_1344 = tpu.memref_slice %arg2[%multiple_of3A_764, %dma_wait3A_1343] : memref<1000000x64xf32, #tpu.memory_space<hbm>> -> memref<8x64xf32, #tpu.memory_space<hbm>>
      tpu.wait_dma2 semaphore(%arg9 : memref<!tpu.dma_semaphore, #tpu.memory_space<semaphore_mem>>) src(%dma_wait3A_1344 : memref<8x64xf32, #tpu.memory_space<hbm>>) dst(%dma_wait3A_1342 : memref<8x64xf32, #tpu.memory_space<vmem>>)
      %dma_wait3A_1345 = arith.constant 24 : i32
      %dma_wait3A_1346 = arith.constant 0 : i32
      %dma_wait3A_1347 = arith.constant 0 : i32
      %dma_wait3A_1348 = tpu.memref_slice %arg7[%dma_wait3A_1345, %dma_wait3A_1346, %dma_wait3A_1347] : memref<32x8x64xf32, #tpu.memory_space<vmem>> -> memref<1x8x64xf32, #tpu.memory_space<vmem>>
      %dma_wait3A_1349 = tpu.memref_squeeze %dma_wait3A_1348 : memref<1x8x64xf32, #tpu.memory_space<vmem>> -> memref<8x64xf32, #tpu.memory_space<vmem>>
      %dma_wait3A_1350 = arith.constant 0 : i32
      %dma_wait3A_1351 = tpu.memref_slice %arg2[%multiple_of3A_796, %dma_wait3A_1350] : memref<1000000x64xf32, #tpu.memory_space<hbm>> -> memref<8x64xf32, #tpu.memory_space<hbm>>
      %dma_wait3A_1352 = arith.constant 0 : i32
      %dma_wait3A_1353 = arith.constant 0 : i32
      %dma_wait3A_1354 = tpu.memref_slice %arg7[%dma_wait3A_1345, %dma_wait3A_1352, %dma_wait3A_1353] : memref<32x8x64xf32, #tpu.memory_space<vmem>> -> memref<1x8x64xf32, #tpu.memory_space<vmem>>
      %dma_wait3A_1355 = tpu.memref_squeeze %dma_wait3A_1354 : memref<1x8x64xf32, #tpu.memory_space<vmem>> -> memref<8x64xf32, #tpu.memory_space<vmem>>
      %dma_wait3A_1356 = arith.constant 0 : i32
      %dma_wait3A_1357 = tpu.memref_slice %arg2[%multiple_of3A_796, %dma_wait3A_1356] : memref<1000000x64xf32, #tpu.memory_space<hbm>> -> memref<8x64xf32, #tpu.memory_space<hbm>>
      tpu.wait_dma2 semaphore(%arg9 : memref<!tpu.dma_semaphore, #tpu.memory_space<semaphore_mem>>) src(%dma_wait3A_1357 : memref<8x64xf32, #tpu.memory_space<hbm>>) dst(%dma_wait3A_1355 : memref<8x64xf32, #tpu.memory_space<vmem>>)
      %dma_wait3A_1358 = arith.constant 25 : i32
      %dma_wait3A_1359 = arith.constant 0 : i32
      %dma_wait3A_1360 = arith.constant 0 : i32
      %dma_wait3A_1361 = tpu.memref_slice %arg7[%dma_wait3A_1358, %dma_wait3A_1359, %dma_wait3A_1360] : memref<32x8x64xf32, #tpu.memory_space<vmem>> -> memref<1x8x64xf32, #tpu.memory_space<vmem>>
      %dma_wait3A_1362 = tpu.memref_squeeze %dma_wait3A_1361 : memref<1x8x64xf32, #tpu.memory_space<vmem>> -> memref<8x64xf32, #tpu.memory_space<vmem>>
      %dma_wait3A_1363 = arith.constant 0 : i32
      %dma_wait3A_1364 = tpu.memref_slice %arg2[%multiple_of3A_828, %dma_wait3A_1363] : memref<1000000x64xf32, #tpu.memory_space<hbm>> -> memref<8x64xf32, #tpu.memory_space<hbm>>
      %dma_wait3A_1365 = arith.constant 0 : i32
      %dma_wait3A_1366 = arith.constant 0 : i32
      %dma_wait3A_1367 = tpu.memref_slice %arg7[%dma_wait3A_1358, %dma_wait3A_1365, %dma_wait3A_1366] : memref<32x8x64xf32, #tpu.memory_space<vmem>> -> memref<1x8x64xf32, #tpu.memory_space<vmem>>
      %dma_wait3A_1368 = tpu.memref_squeeze %dma_wait3A_1367 : memref<1x8x64xf32, #tpu.memory_space<vmem>> -> memref<8x64xf32, #tpu.memory_space<vmem>>
      %dma_wait3A_1369 = arith.constant 0 : i32
      %dma_wait3A_1370 = tpu.memref_slice %arg2[%multiple_of3A_828, %dma_wait3A_1369] : memref<1000000x64xf32, #tpu.memory_space<hbm>> -> memref<8x64xf32, #tpu.memory_space<hbm>>
      tpu.wait_dma2 semaphore(%arg9 : memref<!tpu.dma_semaphore, #tpu.memory_space<semaphore_mem>>) src(%dma_wait3A_1370 : memref<8x64xf32, #tpu.memory_space<hbm>>) dst(%dma_wait3A_1368 : memref<8x64xf32, #tpu.memory_space<vmem>>)
      %dma_wait3A_1371 = arith.constant 26 : i32
      %dma_wait3A_1372 = arith.constant 0 : i32
      %dma_wait3A_1373 = arith.constant 0 : i32
      %dma_wait3A_1374 = tpu.memref_slice %arg7[%dma_wait3A_1371, %dma_wait3A_1372, %dma_wait3A_1373] : memref<32x8x64xf32, #tpu.memory_space<vmem>> -> memref<1x8x64xf32, #tpu.memory_space<vmem>>
      %dma_wait3A_1375 = tpu.memref_squeeze %dma_wait3A_1374 : memref<1x8x64xf32, #tpu.memory_space<vmem>> -> memref<8x64xf32, #tpu.memory_space<vmem>>
      %dma_wait3A_1376 = arith.constant 0 : i32
      %dma_wait3A_1377 = tpu.memref_slice %arg2[%multiple_of3A_860, %dma_wait3A_1376] : memref<1000000x64xf32, #tpu.memory_space<hbm>> -> memref<8x64xf32, #tpu.memory_space<hbm>>
      %dma_wait3A_1378 = arith.constant 0 : i32
      %dma_wait3A_1379 = arith.constant 0 : i32
      %dma_wait3A_1380 = tpu.memref_slice %arg7[%dma_wait3A_1371, %dma_wait3A_1378, %dma_wait3A_1379] : memref<32x8x64xf32, #tpu.memory_space<vmem>> -> memref<1x8x64xf32, #tpu.memory_space<vmem>>
      %dma_wait3A_1381 = tpu.memref_squeeze %dma_wait3A_1380 : memref<1x8x64xf32, #tpu.memory_space<vmem>> -> memref<8x64xf32, #tpu.memory_space<vmem>>
      %dma_wait3A_1382 = arith.constant 0 : i32
      %dma_wait3A_1383 = tpu.memref_slice %arg2[%multiple_of3A_860, %dma_wait3A_1382] : memref<1000000x64xf32, #tpu.memory_space<hbm>> -> memref<8x64xf32, #tpu.memory_space<hbm>>
      tpu.wait_dma2 semaphore(%arg9 : memref<!tpu.dma_semaphore, #tpu.memory_space<semaphore_mem>>) src(%dma_wait3A_1383 : memref<8x64xf32, #tpu.memory_space<hbm>>) dst(%dma_wait3A_1381 : memref<8x64xf32, #tpu.memory_space<vmem>>)
      %dma_wait3A_1384 = arith.constant 27 : i32
      %dma_wait3A_1385 = arith.constant 0 : i32
      %dma_wait3A_1386 = arith.constant 0 : i32
      %dma_wait3A_1387 = tpu.memref_slice %arg7[%dma_wait3A_1384, %dma_wait3A_1385, %dma_wait3A_1386] : memref<32x8x64xf32, #tpu.memory_space<vmem>> -> memref<1x8x64xf32, #tpu.memory_space<vmem>>
      %dma_wait3A_1388 = tpu.memref_squeeze %dma_wait3A_1387 : memref<1x8x64xf32, #tpu.memory_space<vmem>> -> memref<8x64xf32, #tpu.memory_space<vmem>>
      %dma_wait3A_1389 = arith.constant 0 : i32
      %dma_wait3A_1390 = tpu.memref_slice %arg2[%multiple_of3A_892, %dma_wait3A_1389] : memref<1000000x64xf32, #tpu.memory_space<hbm>> -> memref<8x64xf32, #tpu.memory_space<hbm>>
      %dma_wait3A_1391 = arith.constant 0 : i32
      %dma_wait3A_1392 = arith.constant 0 : i32
      %dma_wait3A_1393 = tpu.memref_slice %arg7[%dma_wait3A_1384, %dma_wait3A_1391, %dma_wait3A_1392] : memref<32x8x64xf32, #tpu.memory_space<vmem>> -> memref<1x8x64xf32, #tpu.memory_space<vmem>>
      %dma_wait3A_1394 = tpu.memref_squeeze %dma_wait3A_1393 : memref<1x8x64xf32, #tpu.memory_space<vmem>> -> memref<8x64xf32, #tpu.memory_space<vmem>>
      %dma_wait3A_1395 = arith.constant 0 : i32
      %dma_wait3A_1396 = tpu.memref_slice %arg2[%multiple_of3A_892, %dma_wait3A_1395] : memref<1000000x64xf32, #tpu.memory_space<hbm>> -> memref<8x64xf32, #tpu.memory_space<hbm>>
      tpu.wait_dma2 semaphore(%arg9 : memref<!tpu.dma_semaphore, #tpu.memory_space<semaphore_mem>>) src(%dma_wait3A_1396 : memref<8x64xf32, #tpu.memory_space<hbm>>) dst(%dma_wait3A_1394 : memref<8x64xf32, #tpu.memory_space<vmem>>)
      %dma_wait3A_1397 = arith.constant 28 : i32
      %dma_wait3A_1398 = arith.constant 0 : i32
      %dma_wait3A_1399 = arith.constant 0 : i32
      %dma_wait3A_1400 = tpu.memref_slice %arg7[%dma_wait3A_1397, %dma_wait3A_1398, %dma_wait3A_1399] : memref<32x8x64xf32, #tpu.memory_space<vmem>> -> memref<1x8x64xf32, #tpu.memory_space<vmem>>
      %dma_wait3A_1401 = tpu.memref_squeeze %dma_wait3A_1400 : memref<1x8x64xf32, #tpu.memory_space<vmem>> -> memref<8x64xf32, #tpu.memory_space<vmem>>
      %dma_wait3A_1402 = arith.constant 0 : i32
      %dma_wait3A_1403 = tpu.memref_slice %arg2[%multiple_of3A_924, %dma_wait3A_1402] : memref<1000000x64xf32, #tpu.memory_space<hbm>> -> memref<8x64xf32, #tpu.memory_space<hbm>>
      %dma_wait3A_1404 = arith.constant 0 : i32
      %dma_wait3A_1405 = arith.constant 0 : i32
      %dma_wait3A_1406 = tpu.memref_slice %arg7[%dma_wait3A_1397, %dma_wait3A_1404, %dma_wait3A_1405] : memref<32x8x64xf32, #tpu.memory_space<vmem>> -> memref<1x8x64xf32, #tpu.memory_space<vmem>>
      %dma_wait3A_1407 = tpu.memref_squeeze %dma_wait3A_1406 : memref<1x8x64xf32, #tpu.memory_space<vmem>> -> memref<8x64xf32, #tpu.memory_space<vmem>>
      %dma_wait3A_1408 = arith.constant 0 : i32
      %dma_wait3A_1409 = tpu.memref_slice %arg2[%multiple_of3A_924, %dma_wait3A_1408] : memref<1000000x64xf32, #tpu.memory_space<hbm>> -> memref<8x64xf32, #tpu.memory_space<hbm>>
      tpu.wait_dma2 semaphore(%arg9 : memref<!tpu.dma_semaphore, #tpu.memory_space<semaphore_mem>>) src(%dma_wait3A_1409 : memref<8x64xf32, #tpu.memory_space<hbm>>) dst(%dma_wait3A_1407 : memref<8x64xf32, #tpu.memory_space<vmem>>)
      %dma_wait3A_1410 = arith.constant 29 : i32
      %dma_wait3A_1411 = arith.constant 0 : i32
      %dma_wait3A_1412 = arith.constant 0 : i32
      %dma_wait3A_1413 = tpu.memref_slice %arg7[%dma_wait3A_1410, %dma_wait3A_1411, %dma_wait3A_1412] : memref<32x8x64xf32, #tpu.memory_space<vmem>> -> memref<1x8x64xf32, #tpu.memory_space<vmem>>
      %dma_wait3A_1414 = tpu.memref_squeeze %dma_wait3A_1413 : memref<1x8x64xf32, #tpu.memory_space<vmem>> -> memref<8x64xf32, #tpu.memory_space<vmem>>
      %dma_wait3A_1415 = arith.constant 0 : i32
      %dma_wait3A_1416 = tpu.memref_slice %arg2[%multiple_of3A_956, %dma_wait3A_1415] : memref<1000000x64xf32, #tpu.memory_space<hbm>> -> memref<8x64xf32, #tpu.memory_space<hbm>>
      %dma_wait3A_1417 = arith.constant 0 : i32
      %dma_wait3A_1418 = arith.constant 0 : i32
      %dma_wait3A_1419 = tpu.memref_slice %arg7[%dma_wait3A_1410, %dma_wait3A_1417, %dma_wait3A_1418] : memref<32x8x64xf32, #tpu.memory_space<vmem>> -> memref<1x8x64xf32, #tpu.memory_space<vmem>>
      %dma_wait3A_1420 = tpu.memref_squeeze %dma_wait3A_1419 : memref<1x8x64xf32, #tpu.memory_space<vmem>> -> memref<8x64xf32, #tpu.memory_space<vmem>>
      %dma_wait3A_1421 = arith.constant 0 : i32
      %dma_wait3A_1422 = tpu.memref_slice %arg2[%multiple_of3A_956, %dma_wait3A_1421] : memref<1000000x64xf32, #tpu.memory_space<hbm>> -> memref<8x64xf32, #tpu.memory_space<hbm>>
      tpu.wait_dma2 semaphore(%arg9 : memref<!tpu.dma_semaphore, #tpu.memory_space<semaphore_mem>>) src(%dma_wait3A_1422 : memref<8x64xf32, #tpu.memory_space<hbm>>) dst(%dma_wait3A_1420 : memref<8x64xf32, #tpu.memory_space<vmem>>)
      %dma_wait3A_1423 = arith.constant 30 : i32
      %dma_wait3A_1424 = arith.constant 0 : i32
      %dma_wait3A_1425 = arith.constant 0 : i32
      %dma_wait3A_1426 = tpu.memref_slice %arg7[%dma_wait3A_1423, %dma_wait3A_1424, %dma_wait3A_1425] : memref<32x8x64xf32, #tpu.memory_space<vmem>> -> memref<1x8x64xf32, #tpu.memory_space<vmem>>
      %dma_wait3A_1427 = tpu.memref_squeeze %dma_wait3A_1426 : memref<1x8x64xf32, #tpu.memory_space<vmem>> -> memref<8x64xf32, #tpu.memory_space<vmem>>
      %dma_wait3A_1428 = arith.constant 0 : i32
      %dma_wait3A_1429 = tpu.memref_slice %arg2[%multiple_of3A_988, %dma_wait3A_1428] : memref<1000000x64xf32, #tpu.memory_space<hbm>> -> memref<8x64xf32, #tpu.memory_space<hbm>>
      %dma_wait3A_1430 = arith.constant 0 : i32
      %dma_wait3A_1431 = arith.constant 0 : i32
      %dma_wait3A_1432 = tpu.memref_slice %arg7[%dma_wait3A_1423, %dma_wait3A_1430, %dma_wait3A_1431] : memref<32x8x64xf32, #tpu.memory_space<vmem>> -> memref<1x8x64xf32, #tpu.memory_space<vmem>>
      %dma_wait3A_1433 = tpu.memref_squeeze %dma_wait3A_1432 : memref<1x8x64xf32, #tpu.memory_space<vmem>> -> memref<8x64xf32, #tpu.memory_space<vmem>>
      %dma_wait3A_1434 = arith.constant 0 : i32
      %dma_wait3A_1435 = tpu.memref_slice %arg2[%multiple_of3A_988, %dma_wait3A_1434] : memref<1000000x64xf32, #tpu.memory_space<hbm>> -> memref<8x64xf32, #tpu.memory_space<hbm>>
      tpu.wait_dma2 semaphore(%arg9 : memref<!tpu.dma_semaphore, #tpu.memory_space<semaphore_mem>>) src(%dma_wait3A_1435 : memref<8x64xf32, #tpu.memory_space<hbm>>) dst(%dma_wait3A_1433 : memref<8x64xf32, #tpu.memory_space<vmem>>)
      %dma_wait3A_1436 = arith.constant 31 : i32
      %dma_wait3A_1437 = arith.constant 0 : i32
      %dma_wait3A_1438 = arith.constant 0 : i32
      %dma_wait3A_1439 = tpu.memref_slice %arg7[%dma_wait3A_1436, %dma_wait3A_1437, %dma_wait3A_1438] : memref<32x8x64xf32, #tpu.memory_space<vmem>> -> memref<1x8x64xf32, #tpu.memory_space<vmem>>
      %dma_wait3A_1440 = tpu.memref_squeeze %dma_wait3A_1439 : memref<1x8x64xf32, #tpu.memory_space<vmem>> -> memref<8x64xf32, #tpu.memory_space<vmem>>
      %dma_wait3A_1441 = arith.constant 0 : i32
      %dma_wait3A_1442 = tpu.memref_slice %arg2[%multiple_of3A_1020, %dma_wait3A_1441] : memref<1000000x64xf32, #tpu.memory_space<hbm>> -> memref<8x64xf32, #tpu.memory_space<hbm>>
      %dma_wait3A_1443 = arith.constant 0 : i32
      %dma_wait3A_1444 = arith.constant 0 : i32
      %dma_wait3A_1445 = tpu.memref_slice %arg7[%dma_wait3A_1436, %dma_wait3A_1443, %dma_wait3A_1444] : memref<32x8x64xf32, #tpu.memory_space<vmem>> -> memref<1x8x64xf32, #tpu.memory_space<vmem>>
      %dma_wait3A_1446 = tpu.memref_squeeze %dma_wait3A_1445 : memref<1x8x64xf32, #tpu.memory_space<vmem>> -> memref<8x64xf32, #tpu.memory_space<vmem>>
      %dma_wait3A_1447 = arith.constant 0 : i32
      %dma_wait3A_1448 = tpu.memref_slice %arg2[%multiple_of3A_1020, %dma_wait3A_1447] : memref<1000000x64xf32, #tpu.memory_space<hbm>> -> memref<8x64xf32, #tpu.memory_space<hbm>>
      tpu.wait_dma2 semaphore(%arg9 : memref<!tpu.dma_semaphore, #tpu.memory_space<semaphore_mem>>) src(%dma_wait3A_1448 : memref<8x64xf32, #tpu.memory_space<hbm>>) dst(%dma_wait3A_1446 : memref<8x64xf32, #tpu.memory_space<vmem>>)
      %and3A = arith.constant 7 : i32
      %and3A_1449 = arith.andi %reduce_max3A_23, %and3A : i32
      %get3A_1450 = arith.constant 0 : i32
      %get3A_1451 = arith.index_cast %get3A_1450 : i32 to index
      %get3A_1452 = arith.index_cast %and3A_1449 : i32 to index
      %get3A_1453 = arith.constant 0 : index
      %get3A_1454 = tpu.vector_load %arg7[%get3A_1451, %get3A_1452, %get3A_1453] {strides = array<i32>} : memref<32x8x64xf32, #tpu.memory_space<vmem>>, vector<16xf32>,
      %add3A_1455 = arith.constant 0 : i32
      %add3A_1456 = arith.addi %add3A_11, %add3A_1455 : i32
      %swap3A = arith.index_cast %add3A_1456 : i32 to index
      %swap3A_1457 = arith.constant 0 : index
      %swap3A_1458 = tpu.vector_load %arg8[%swap3A, %swap3A_1457] {strides = array<i32>} : memref<512x64xf32, #tpu.memory_space<vmem>>, vector<16xf32>,
      tpu.vector_store %arg8[%swap3A, %swap3A_1457], %get3A_1454 {strides = array<i32>} : memref<512x64xf32, #tpu.memory_space<vmem>>, vector<16xf32>,
      %get3A_1459 = arith.constant 0 : i32
      %get3A_1460 = arith.index_cast %get3A_1459 : i32 to index
      %get3A_1461 = arith.index_cast %and3A_1449 : i32 to index
      %get3A_1462 = arith.constant 16 : index
      %get3A_1463 = tpu.vector_load %arg7[%get3A_1460, %get3A_1461, %get3A_1462] {strides = array<i32>} : memref<32x8x64xf32, #tpu.memory_space<vmem>>, vector<16xf32>,
      %add3A_1464 = arith.constant 0 : i32
      %add3A_1465 = arith.addi %add3A_11, %add3A_1464 : i32
      %swap3A_1466 = arith.index_cast %add3A_1465 : i32 to index
      %swap3A_1467 = arith.constant 16 : index
      %swap3A_1468 = tpu.vector_load %arg8[%swap3A_1466, %swap3A_1467] {strides = array<i32>} : memref<512x64xf32, #tpu.memory_space<vmem>>, vector<16xf32>,
      tpu.vector_store %arg8[%swap3A_1466, %swap3A_1467], %get3A_1463 {strides = array<i32>} : memref<512x64xf32, #tpu.memory_space<vmem>>, vector<16xf32>,
      %get3A_1469 = arith.constant 0 : i32
      %get3A_1470 = arith.index_cast %get3A_1469 : i32 to index
      %get3A_1471 = arith.index_cast %and3A_1449 : i32 to index
      %get3A_1472 = arith.constant 32 : index
      %get3A_1473 = tpu.vector_load %arg7[%get3A_1470, %get3A_1471, %get3A_1472] {strides = array<i32>} : memref<32x8x64xf32, #tpu.memory_space<vmem>>, vector<16xf32>,
      %add3A_1474 = arith.constant 0 : i32
      %add3A_1475 = arith.addi %add3A_11, %add3A_1474 : i32
      %swap3A_1476 = arith.index_cast %add3A_1475 : i32 to index
      %swap3A_1477 = arith.constant 32 : index
      %swap3A_1478 = tpu.vector_load %arg8[%swap3A_1476, %swap3A_1477] {strides = array<i32>} : memref<512x64xf32, #tpu.memory_space<vmem>>, vector<16xf32>,
      tpu.vector_store %arg8[%swap3A_1476, %swap3A_1477], %get3A_1473 {strides = array<i32>} : memref<512x64xf32, #tpu.memory_space<vmem>>, vector<16xf32>,
      %get3A_1479 = arith.constant 0 : i32
      %get3A_1480 = arith.index_cast %get3A_1479 : i32 to index
      %get3A_1481 = arith.index_cast %and3A_1449 : i32 to index
      %get3A_1482 = arith.constant 48 : index
      %get3A_1483 = tpu.vector_load %arg7[%get3A_1480, %get3A_1481, %get3A_1482] {strides = array<i32>} : memref<32x8x64xf32, #tpu.memory_space<vmem>>, vector<16xf32>,
      %add3A_1484 = arith.constant 0 : i32
      %add3A_1485 = arith.addi %add3A_11, %add3A_1484 : i32
      %swap3A_1486 = arith.index_cast %add3A_1485 : i32 to index
      %swap3A_1487 = arith.constant 48 : index
      %swap3A_1488 = tpu.vector_load %arg8[%swap3A_1486, %swap3A_1487] {strides = array<i32>} : memref<512x64xf32, #tpu.memory_space<vmem>>, vector<16xf32>,
      tpu.vector_store %arg8[%swap3A_1486, %swap3A_1487], %get3A_1483 {strides = array<i32>} : memref<512x64xf32, #tpu.memory_space<vmem>>, vector<16xf32>,
      %and3A_1489 = arith.constant 7 : i32
      %and3A_1490 = arith.andi %reduce_max3A_51, %and3A_1489 : i32
      %get3A_1491 = arith.constant 1 : i32
      %get3A_1492 = arith.index_cast %get3A_1491 : i32 to index
      %get3A_1493 = arith.index_cast %and3A_1490 : i32 to index
      %get3A_1494 = arith.constant 0 : index
      %get3A_1495 = tpu.vector_load %arg7[%get3A_1492, %get3A_1493, %get3A_1494] {strides = array<i32>} : memref<32x8x64xf32, #tpu.memory_space<vmem>>, vector<16xf32>,
      %add3A_1496 = arith.constant 1 : i32
      %add3A_1497 = arith.addi %add3A_11, %add3A_1496 : i32
      %swap3A_1498 = arith.index_cast %add3A_1497 : i32 to index
      %swap3A_1499 = arith.constant 0 : index
      %swap3A_1500 = tpu.vector_load %arg8[%swap3A_1498, %swap3A_1499] {strides = array<i32>} : memref<512x64xf32, #tpu.memory_space<vmem>>, vector<16xf32>,
      tpu.vector_store %arg8[%swap3A_1498, %swap3A_1499], %get3A_1495 {strides = array<i32>} : memref<512x64xf32, #tpu.memory_space<vmem>>, vector<16xf32>,
      %get3A_1501 = arith.constant 1 : i32
      %get3A_1502 = arith.index_cast %get3A_1501 : i32 to index
      %get3A_1503 = arith.index_cast %and3A_1490 : i32 to index
      %get3A_1504 = arith.constant 16 : index
      %get3A_1505 = tpu.vector_load %arg7[%get3A_1502, %get3A_1503, %get3A_1504] {strides = array<i32>} : memref<32x8x64xf32, #tpu.memory_space<vmem>>, vector<16xf32>,
      %add3A_1506 = arith.constant 1 : i32
      %add3A_1507 = arith.addi %add3A_11, %add3A_1506 : i32
      %swap3A_1508 = arith.index_cast %add3A_1507 : i32 to index
      %swap3A_1509 = arith.constant 16 : index
      %swap3A_1510 = tpu.vector_load %arg8[%swap3A_1508, %swap3A_1509] {strides = array<i32>} : memref<512x64xf32, #tpu.memory_space<vmem>>, vector<16xf32>,
      tpu.vector_store %arg8[%swap3A_1508, %swap3A_1509], %get3A_1505 {strides = array<i32>} : memref<512x64xf32, #tpu.memory_space<vmem>>, vector<16xf32>,
      %get3A_1511 = arith.constant 1 : i32
      %get3A_1512 = arith.index_cast %get3A_1511 : i32 to index
      %get3A_1513 = arith.index_cast %and3A_1490 : i32 to index
      %get3A_1514 = arith.constant 32 : index
      %get3A_1515 = tpu.vector_load %arg7[%get3A_1512, %get3A_1513, %get3A_1514] {strides = array<i32>} : memref<32x8x64xf32, #tpu.memory_space<vmem>>, vector<16xf32>,
      %add3A_1516 = arith.constant 1 : i32
      %add3A_1517 = arith.addi %add3A_11, %add3A_1516 : i32
      %swap3A_1518 = arith.index_cast %add3A_1517 : i32 to index
      %swap3A_1519 = arith.constant 32 : index
      %swap3A_1520 = tpu.vector_load %arg8[%swap3A_1518, %swap3A_1519] {strides = array<i32>} : memref<512x64xf32, #tpu.memory_space<vmem>>, vector<16xf32>,
      tpu.vector_store %arg8[%swap3A_1518, %swap3A_1519], %get3A_1515 {strides = array<i32>} : memref<512x64xf32, #tpu.memory_space<vmem>>, vector<16xf32>,
      %get3A_1521 = arith.constant 1 : i32
      %get3A_1522 = arith.index_cast %get3A_1521 : i32 to index
      %get3A_1523 = arith.index_cast %and3A_1490 : i32 to index
      %get3A_1524 = arith.constant 48 : index
      %get3A_1525 = tpu.vector_load %arg7[%get3A_1522, %get3A_1523, %get3A_1524] {strides = array<i32>} : memref<32x8x64xf32, #tpu.memory_space<vmem>>, vector<16xf32>,
      %add3A_1526 = arith.constant 1 : i32
      %add3A_1527 = arith.addi %add3A_11, %add3A_1526 : i32
      %swap3A_1528 = arith.index_cast %add3A_1527 : i32 to index
      %swap3A_1529 = arith.constant 48 : index
      %swap3A_1530 = tpu.vector_load %arg8[%swap3A_1528, %swap3A_1529] {strides = array<i32>} : memref<512x64xf32, #tpu.memory_space<vmem>>, vector<16xf32>,
      tpu.vector_store %arg8[%swap3A_1528, %swap3A_1529], %get3A_1525 {strides = array<i32>} : memref<512x64xf32, #tpu.memory_space<vmem>>, vector<16xf32>,
      %and3A_1531 = arith.constant 7 : i32
      %and3A_1532 = arith.andi %reduce_max3A_83, %and3A_1531 : i32
      %get3A_1533 = arith.constant 2 : i32
      %get3A_1534 = arith.index_cast %get3A_1533 : i32 to index
      %get3A_1535 = arith.index_cast %and3A_1532 : i32 to index
      %get3A_1536 = arith.constant 0 : index
      %get3A_1537 = tpu.vector_load %arg7[%get3A_1534, %get3A_1535, %get3A_1536] {strides = array<i32>} : memref<32x8x64xf32, #tpu.memory_space<vmem>>, vector<16xf32>,
      %add3A_1538 = arith.constant 2 : i32
      %add3A_1539 = arith.addi %add3A_11, %add3A_1538 : i32
      %swap3A_1540 = arith.index_cast %add3A_1539 : i32 to index
      %swap3A_1541 = arith.constant 0 : index
      %swap3A_1542 = tpu.vector_load %arg8[%swap3A_1540, %swap3A_1541] {strides = array<i32>} : memref<512x64xf32, #tpu.memory_space<vmem>>, vector<16xf32>,
      tpu.vector_store %arg8[%swap3A_1540, %swap3A_1541], %get3A_1537 {strides = array<i32>} : memref<512x64xf32, #tpu.memory_space<vmem>>, vector<16xf32>,
      %get3A_1543 = arith.constant 2 : i32
      %get3A_1544 = arith.index_cast %get3A_1543 : i32 to index
      %get3A_1545 = arith.index_cast %and3A_1532 : i32 to index
      %get3A_1546 = arith.constant 16 : index
      %get3A_1547 = tpu.vector_load %arg7[%get3A_1544, %get3A_1545, %get3A_1546] {strides = array<i32>} : memref<32x8x64xf32, #tpu.memory_space<vmem>>, vector<16xf32>,
      %add3A_1548 = arith.constant 2 : i32
      %add3A_1549 = arith.addi %add3A_11, %add3A_1548 : i32
      %swap3A_1550 = arith.index_cast %add3A_1549 : i32 to index
      %swap3A_1551 = arith.constant 16 : index
      %swap3A_1552 = tpu.vector_load %arg8[%swap3A_1550, %swap3A_1551] {strides = array<i32>} : memref<512x64xf32, #tpu.memory_space<vmem>>, vector<16xf32>,
      tpu.vector_store %arg8[%swap3A_1550, %swap3A_1551], %get3A_1547 {strides = array<i32>} : memref<512x64xf32, #tpu.memory_space<vmem>>, vector<16xf32>,
      %get3A_1553 = arith.constant 2 : i32
      %get3A_1554 = arith.index_cast %get3A_1553 : i32 to index
      %get3A_1555 = arith.index_cast %and3A_1532 : i32 to index
      %get3A_1556 = arith.constant 32 : index
      %get3A_1557 = tpu.vector_load %arg7[%get3A_1554, %get3A_1555, %get3A_1556] {strides = array<i32>} : memref<32x8x64xf32, #tpu.memory_space<vmem>>, vector<16xf32>,
      %add3A_1558 = arith.constant 2 : i32
      %add3A_1559 = arith.addi %add3A_11, %add3A_1558 : i32
      %swap3A_1560 = arith.index_cast %add3A_1559 : i32 to index
      %swap3A_1561 = arith.constant 32 : index
      %swap3A_1562 = tpu.vector_load %arg8[%swap3A_1560, %swap3A_1561] {strides = array<i32>} : memref<512x64xf32, #tpu.memory_space<vmem>>, vector<16xf32>,
      tpu.vector_store %arg8[%swap3A_1560, %swap3A_1561], %get3A_1557 {strides = array<i32>} : memref<512x64xf32, #tpu.memory_space<vmem>>, vector<16xf32>,
      %get3A_1563 = arith.constant 2 : i32
      %get3A_1564 = arith.index_cast %get3A_1563 : i32 to index
      %get3A_1565 = arith.index_cast %and3A_1532 : i32 to index
      %get3A_1566 = arith.constant 48 : index
      %get3A_1567 = tpu.vector_load %arg7[%get3A_1564, %get3A_1565, %get3A_1566] {strides = array<i32>} : memref<32x8x64xf32, #tpu.memory_space<vmem>>, vector<16xf32>,
      %add3A_1568 = arith.constant 2 : i32
      %add3A_1569 = arith.addi %add3A_11, %add3A_1568 : i32
      %swap3A_1570 = arith.index_cast %add3A_1569 : i32 to index
      %swap3A_1571 = arith.constant 48 : index
      %swap3A_1572 = tpu.vector_load %arg8[%swap3A_1570, %swap3A_1571] {strides = array<i32>} : memref<512x64xf32, #tpu.memory_space<vmem>>, vector<16xf32>,
      tpu.vector_store %arg8[%swap3A_1570, %swap3A_1571], %get3A_1567 {strides = array<i32>} : memref<512x64xf32, #tpu.memory_space<vmem>>, vector<16xf32>,
      %and3A_1573 = arith.constant 7 : i32
      %and3A_1574 = arith.andi %reduce_max3A_115, %and3A_1573 : i32
      %get3A_1575 = arith.constant 3 : i32
      %get3A_1576 = arith.index_cast %get3A_1575 : i32 to index
      %get3A_1577 = arith.index_cast %and3A_1574 : i32 to index
      %get3A_1578 = arith.constant 0 : index
      %get3A_1579 = tpu.vector_load %arg7[%get3A_1576, %get3A_1577, %get3A_1578] {strides = array<i32>} : memref<32x8x64xf32, #tpu.memory_space<vmem>>, vector<16xf32>,
      %add3A_1580 = arith.constant 3 : i32
      %add3A_1581 = arith.addi %add3A_11, %add3A_1580 : i32
      %swap3A_1582 = arith.index_cast %add3A_1581 : i32 to index
      %swap3A_1583 = arith.constant 0 : index
      %swap3A_1584 = tpu.vector_load %arg8[%swap3A_1582, %swap3A_1583] {strides = array<i32>} : memref<512x64xf32, #tpu.memory_space<vmem>>, vector<16xf32>,
      tpu.vector_store %arg8[%swap3A_1582, %swap3A_1583], %get3A_1579 {strides = array<i32>} : memref<512x64xf32, #tpu.memory_space<vmem>>, vector<16xf32>,
      %get3A_1585 = arith.constant 3 : i32
      %get3A_1586 = arith.index_cast %get3A_1585 : i32 to index
      %get3A_1587 = arith.index_cast %and3A_1574 : i32 to index
      %get3A_1588 = arith.constant 16 : index
      %get3A_1589 = tpu.vector_load %arg7[%get3A_1586, %get3A_1587, %get3A_1588] {strides = array<i32>} : memref<32x8x64xf32, #tpu.memory_space<vmem>>, vector<16xf32>,
      %add3A_1590 = arith.constant 3 : i32
      %add3A_1591 = arith.addi %add3A_11, %add3A_1590 : i32
      %swap3A_1592 = arith.index_cast %add3A_1591 : i32 to index
      %swap3A_1593 = arith.constant 16 : index
      %swap3A_1594 = tpu.vector_load %arg8[%swap3A_1592, %swap3A_1593] {strides = array<i32>} : memref<512x64xf32, #tpu.memory_space<vmem>>, vector<16xf32>,
      tpu.vector_store %arg8[%swap3A_1592, %swap3A_1593], %get3A_1589 {strides = array<i32>} : memref<512x64xf32, #tpu.memory_space<vmem>>, vector<16xf32>,
      %get3A_1595 = arith.constant 3 : i32
      %get3A_1596 = arith.index_cast %get3A_1595 : i32 to index
      %get3A_1597 = arith.index_cast %and3A_1574 : i32 to index
      %get3A_1598 = arith.constant 32 : index
      %get3A_1599 = tpu.vector_load %arg7[%get3A_1596, %get3A_1597, %get3A_1598] {strides = array<i32>} : memref<32x8x64xf32, #tpu.memory_space<vmem>>, vector<16xf32>,
      %add3A_1600 = arith.constant 3 : i32
      %add3A_1601 = arith.addi %add3A_11, %add3A_1600 : i32
      %swap3A_1602 = arith.index_cast %add3A_1601 : i32 to index
      %swap3A_1603 = arith.constant 32 : index
      %swap3A_1604 = tpu.vector_load %arg8[%swap3A_1602, %swap3A_1603] {strides = array<i32>} : memref<512x64xf32, #tpu.memory_space<vmem>>, vector<16xf32>,
      tpu.vector_store %arg8[%swap3A_1602, %swap3A_1603], %get3A_1599 {strides = array<i32>} : memref<512x64xf32, #tpu.memory_space<vmem>>, vector<16xf32>,
      %get3A_1605 = arith.constant 3 : i32
      %get3A_1606 = arith.index_cast %get3A_1605 : i32 to index
      %get3A_1607 = arith.index_cast %and3A_1574 : i32 to index
      %get3A_1608 = arith.constant 48 : index
      %get3A_1609 = tpu.vector_load %arg7[%get3A_1606, %get3A_1607, %get3A_1608] {strides = array<i32>} : memref<32x8x64xf32, #tpu.memory_space<vmem>>, vector<16xf32>,
      %add3A_1610 = arith.constant 3 : i32
      %add3A_1611 = arith.addi %add3A_11, %add3A_1610 : i32
      %swap3A_1612 = arith.index_cast %add3A_1611 : i32 to index
      %swap3A_1613 = arith.constant 48 : index
      %swap3A_1614 = tpu.vector_load %arg8[%swap3A_1612, %swap3A_1613] {strides = array<i32>} : memref<512x64xf32, #tpu.memory_space<vmem>>, vector<16xf32>,
      tpu.vector_store %arg8[%swap3A_1612, %swap3A_1613], %get3A_1609 {strides = array<i32>} : memref<512x64xf32, #tpu.memory_space<vmem>>, vector<16xf32>,
      %and3A_1615 = arith.constant 7 : i32
      %and3A_1616 = arith.andi %reduce_max3A_147, %and3A_1615 : i32
      %get3A_1617 = arith.constant 4 : i32
      %get3A_1618 = arith.index_cast %get3A_1617 : i32 to index
      %get3A_1619 = arith.index_cast %and3A_1616 : i32 to index
      %get3A_1620 = arith.constant 0 : index
      %get3A_1621 = tpu.vector_load %arg7[%get3A_1618, %get3A_1619, %get3A_1620] {strides = array<i32>} : memref<32x8x64xf32, #tpu.memory_space<vmem>>, vector<16xf32>,
      %add3A_1622 = arith.constant 4 : i32
      %add3A_1623 = arith.addi %add3A_11, %add3A_1622 : i32
      %swap3A_1624 = arith.index_cast %add3A_1623 : i32 to index
      %swap3A_1625 = arith.constant 0 : index
      %swap3A_1626 = tpu.vector_load %arg8[%swap3A_1624, %swap3A_1625] {strides = array<i32>} : memref<512x64xf32, #tpu.memory_space<vmem>>, vector<16xf32>,
      tpu.vector_store %arg8[%swap3A_1624, %swap3A_1625], %get3A_1621 {strides = array<i32>} : memref<512x64xf32, #tpu.memory_space<vmem>>, vector<16xf32>,
      %get3A_1627 = arith.constant 4 : i32
      %get3A_1628 = arith.index_cast %get3A_1627 : i32 to index
      %get3A_1629 = arith.index_cast %and3A_1616 : i32 to index
      %get3A_1630 = arith.constant 16 : index
      %get3A_1631 = tpu.vector_load %arg7[%get3A_1628, %get3A_1629, %get3A_1630] {strides = array<i32>} : memref<32x8x64xf32, #tpu.memory_space<vmem>>, vector<16xf32>,
      %add3A_1632 = arith.constant 4 : i32
      %add3A_1633 = arith.addi %add3A_11, %add3A_1632 : i32
      %swap3A_1634 = arith.index_cast %add3A_1633 : i32 to index
      %swap3A_1635 = arith.constant 16 : index
      %swap3A_1636 = tpu.vector_load %arg8[%swap3A_1634, %swap3A_1635] {strides = array<i32>} : memref<512x64xf32, #tpu.memory_space<vmem>>, vector<16xf32>,
      tpu.vector_store %arg8[%swap3A_1634, %swap3A_1635], %get3A_1631 {strides = array<i32>} : memref<512x64xf32, #tpu.memory_space<vmem>>, vector<16xf32>,
      %get3A_1637 = arith.constant 4 : i32
      %get3A_1638 = arith.index_cast %get3A_1637 : i32 to index
      %get3A_1639 = arith.index_cast %and3A_1616 : i32 to index
      %get3A_1640 = arith.constant 32 : index
      %get3A_1641 = tpu.vector_load %arg7[%get3A_1638, %get3A_1639, %get3A_1640] {strides = array<i32>} : memref<32x8x64xf32, #tpu.memory_space<vmem>>, vector<16xf32>,
      %add3A_1642 = arith.constant 4 : i32
      %add3A_1643 = arith.addi %add3A_11, %add3A_1642 : i32
      %swap3A_1644 = arith.index_cast %add3A_1643 : i32 to index
      %swap3A_1645 = arith.constant 32 : index
      %swap3A_1646 = tpu.vector_load %arg8[%swap3A_1644, %swap3A_1645] {strides = array<i32>} : memref<512x64xf32, #tpu.memory_space<vmem>>, vector<16xf32>,
      tpu.vector_store %arg8[%swap3A_1644, %swap3A_1645], %get3A_1641 {strides = array<i32>} : memref<512x64xf32, #tpu.memory_space<vmem>>, vector<16xf32>,
      %get3A_1647 = arith.constant 4 : i32
      %get3A_1648 = arith.index_cast %get3A_1647 : i32 to index
      %get3A_1649 = arith.index_cast %and3A_1616 : i32 to index
      %get3A_1650 = arith.constant 48 : index
      %get3A_1651 = tpu.vector_load %arg7[%get3A_1648, %get3A_1649, %get3A_1650] {strides = array<i32>} : memref<32x8x64xf32, #tpu.memory_space<vmem>>, vector<16xf32>,
      %add3A_1652 = arith.constant 4 : i32
      %add3A_1653 = arith.addi %add3A_11, %add3A_1652 : i32
      %swap3A_1654 = arith.index_cast %add3A_1653 : i32 to index
      %swap3A_1655 = arith.constant 48 : index
      %swap3A_1656 = tpu.vector_load %arg8[%swap3A_1654, %swap3A_1655] {strides = array<i32>} : memref<512x64xf32, #tpu.memory_space<vmem>>, vector<16xf32>,
      tpu.vector_store %arg8[%swap3A_1654, %swap3A_1655], %get3A_1651 {strides = array<i32>} : memref<512x64xf32, #tpu.memory_space<vmem>>, vector<16xf32>,
      %and3A_1657 = arith.constant 7 : i32
      %and3A_1658 = arith.andi %reduce_max3A_179, %and3A_1657 : i32
      %get3A_1659 = arith.constant 5 : i32
      %get3A_1660 = arith.index_cast %get3A_1659 : i32 to index
      %get3A_1661 = arith.index_cast %and3A_1658 : i32 to index
      %get3A_1662 = arith.constant 0 : index
      %get3A_1663 = tpu.vector_load %arg7[%get3A_1660, %get3A_1661, %get3A_1662] {strides = array<i32>} : memref<32x8x64xf32, #tpu.memory_space<vmem>>, vector<16xf32>,
      %add3A_1664 = arith.constant 5 : i32
      %add3A_1665 = arith.addi %add3A_11, %add3A_1664 : i32
      %swap3A_1666 = arith.index_cast %add3A_1665 : i32 to index
      %swap3A_1667 = arith.constant 0 : index
      %swap3A_1668 = tpu.vector_load %arg8[%swap3A_1666, %swap3A_1667] {strides = array<i32>} : memref<512x64xf32, #tpu.memory_space<vmem>>, vector<16xf32>,
      tpu.vector_store %arg8[%swap3A_1666, %swap3A_1667], %get3A_1663 {strides = array<i32>} : memref<512x64xf32, #tpu.memory_space<vmem>>, vector<16xf32>,
      %get3A_1669 = arith.constant 5 : i32
      %get3A_1670 = arith.index_cast %get3A_1669 : i32 to index
      %get3A_1671 = arith.index_cast %and3A_1658 : i32 to index
      %get3A_1672 = arith.constant 16 : index
      %get3A_1673 = tpu.vector_load %arg7[%get3A_1670, %get3A_1671, %get3A_1672] {strides = array<i32>} : memref<32x8x64xf32, #tpu.memory_space<vmem>>, vector<16xf32>,
      %add3A_1674 = arith.constant 5 : i32
      %add3A_1675 = arith.addi %add3A_11, %add3A_1674 : i32
      %swap3A_1676 = arith.index_cast %add3A_1675 : i32 to index
      %swap3A_1677 = arith.constant 16 : index
      %swap3A_1678 = tpu.vector_load %arg8[%swap3A_1676, %swap3A_1677] {strides = array<i32>} : memref<512x64xf32, #tpu.memory_space<vmem>>, vector<16xf32>,
      tpu.vector_store %arg8[%swap3A_1676, %swap3A_1677], %get3A_1673 {strides = array<i32>} : memref<512x64xf32, #tpu.memory_space<vmem>>, vector<16xf32>,
      %get3A_1679 = arith.constant 5 : i32
      %get3A_1680 = arith.index_cast %get3A_1679 : i32 to index
      %get3A_1681 = arith.index_cast %and3A_1658 : i32 to index
      %get3A_1682 = arith.constant 32 : index
      %get3A_1683 = tpu.vector_load %arg7[%get3A_1680, %get3A_1681, %get3A_1682] {strides = array<i32>} : memref<32x8x64xf32, #tpu.memory_space<vmem>>, vector<16xf32>,
      %add3A_1684 = arith.constant 5 : i32
      %add3A_1685 = arith.addi %add3A_11, %add3A_1684 : i32
      %swap3A_1686 = arith.index_cast %add3A_1685 : i32 to index
      %swap3A_1687 = arith.constant 32 : index
      %swap3A_1688 = tpu.vector_load %arg8[%swap3A_1686, %swap3A_1687] {strides = array<i32>} : memref<512x64xf32, #tpu.memory_space<vmem>>, vector<16xf32>,
      tpu.vector_store %arg8[%swap3A_1686, %swap3A_1687], %get3A_1683 {strides = array<i32>} : memref<512x64xf32, #tpu.memory_space<vmem>>, vector<16xf32>,
      %get3A_1689 = arith.constant 5 : i32
      %get3A_1690 = arith.index_cast %get3A_1689 : i32 to index
      %get3A_1691 = arith.index_cast %and3A_1658 : i32 to index
      %get3A_1692 = arith.constant 48 : index
      %get3A_1693 = tpu.vector_load %arg7[%get3A_1690, %get3A_1691, %get3A_1692] {strides = array<i32>} : memref<32x8x64xf32, #tpu.memory_space<vmem>>, vector<16xf32>,
      %add3A_1694 = arith.constant 5 : i32
      %add3A_1695 = arith.addi %add3A_11, %add3A_1694 : i32
      %swap3A_1696 = arith.index_cast %add3A_1695 : i32 to index
      %swap3A_1697 = arith.constant 48 : index
      %swap3A_1698 = tpu.vector_load %arg8[%swap3A_1696, %swap3A_1697] {strides = array<i32>} : memref<512x64xf32, #tpu.memory_space<vmem>>, vector<16xf32>,
      tpu.vector_store %arg8[%swap3A_1696, %swap3A_1697], %get3A_1693 {strides = array<i32>} : memref<512x64xf32, #tpu.memory_space<vmem>>, vector<16xf32>,
      %and3A_1699 = arith.constant 7 : i32
      %and3A_1700 = arith.andi %reduce_max3A_211, %and3A_1699 : i32
      %get3A_1701 = arith.constant 6 : i32
      %get3A_1702 = arith.index_cast %get3A_1701 : i32 to index
      %get3A_1703 = arith.index_cast %and3A_1700 : i32 to index
      %get3A_1704 = arith.constant 0 : index
      %get3A_1705 = tpu.vector_load %arg7[%get3A_1702, %get3A_1703, %get3A_1704] {strides = array<i32>} : memref<32x8x64xf32, #tpu.memory_space<vmem>>, vector<16xf32>,
      %add3A_1706 = arith.constant 6 : i32
      %add3A_1707 = arith.addi %add3A_11, %add3A_1706 : i32
      %swap3A_1708 = arith.index_cast %add3A_1707 : i32 to index
      %swap3A_1709 = arith.constant 0 : index
      %swap3A_1710 = tpu.vector_load %arg8[%swap3A_1708, %swap3A_1709] {strides = array<i32>} : memref<512x64xf32, #tpu.memory_space<vmem>>, vector<16xf32>,
      tpu.vector_store %arg8[%swap3A_1708, %swap3A_1709], %get3A_1705 {strides = array<i32>} : memref<512x64xf32, #tpu.memory_space<vmem>>, vector<16xf32>,
      %get3A_1711 = arith.constant 6 : i32
      %get3A_1712 = arith.index_cast %get3A_1711 : i32 to index
      %get3A_1713 = arith.index_cast %and3A_1700 : i32 to index
      %get3A_1714 = arith.constant 16 : index
      %get3A_1715 = tpu.vector_load %arg7[%get3A_1712, %get3A_1713, %get3A_1714] {strides = array<i32>} : memref<32x8x64xf32, #tpu.memory_space<vmem>>, vector<16xf32>,
      %add3A_1716 = arith.constant 6 : i32
      %add3A_1717 = arith.addi %add3A_11, %add3A_1716 : i32
      %swap3A_1718 = arith.index_cast %add3A_1717 : i32 to index
      %swap3A_1719 = arith.constant 16 : index
      %swap3A_1720 = tpu.vector_load %arg8[%swap3A_1718, %swap3A_1719] {strides = array<i32>} : memref<512x64xf32, #tpu.memory_space<vmem>>, vector<16xf32>,
      tpu.vector_store %arg8[%swap3A_1718, %swap3A_1719], %get3A_1715 {strides = array<i32>} : memref<512x64xf32, #tpu.memory_space<vmem>>, vector<16xf32>,
      %get3A_1721 = arith.constant 6 : i32
      %get3A_1722 = arith.index_cast %get3A_1721 : i32 to index
      %get3A_1723 = arith.index_cast %and3A_1700 : i32 to index
      %get3A_1724 = arith.constant 32 : index
      %get3A_1725 = tpu.vector_load %arg7[%get3A_1722, %get3A_1723, %get3A_1724] {strides = array<i32>} : memref<32x8x64xf32, #tpu.memory_space<vmem>>, vector<16xf32>,
      %add3A_1726 = arith.constant 6 : i32
      %add3A_1727 = arith.addi %add3A_11, %add3A_1726 : i32
      %swap3A_1728 = arith.index_cast %add3A_1727 : i32 to index
      %swap3A_1729 = arith.constant 32 : index
      %swap3A_1730 = tpu.vector_load %arg8[%swap3A_1728, %swap3A_1729] {strides = array<i32>} : memref<512x64xf32, #tpu.memory_space<vmem>>, vector<16xf32>,
      tpu.vector_store %arg8[%swap3A_1728, %swap3A_1729], %get3A_1725 {strides = array<i32>} : memref<512x64xf32, #tpu.memory_space<vmem>>, vector<16xf32>,
      %get3A_1731 = arith.constant 6 : i32
      %get3A_1732 = arith.index_cast %get3A_1731 : i32 to index
      %get3A_1733 = arith.index_cast %and3A_1700 : i32 to index
      %get3A_1734 = arith.constant 48 : index
      %get3A_1735 = tpu.vector_load %arg7[%get3A_1732, %get3A_1733, %get3A_1734] {strides = array<i32>} : memref<32x8x64xf32, #tpu.memory_space<vmem>>, vector<16xf32>,
      %add3A_1736 = arith.constant 6 : i32
      %add3A_1737 = arith.addi %add3A_11, %add3A_1736 : i32
      %swap3A_1738 = arith.index_cast %add3A_1737 : i32 to index
      %swap3A_1739 = arith.constant 48 : index
      %swap3A_1740 = tpu.vector_load %arg8[%swap3A_1738, %swap3A_1739] {strides = array<i32>} : memref<512x64xf32, #tpu.memory_space<vmem>>, vector<16xf32>,
      tpu.vector_store %arg8[%swap3A_1738, %swap3A_1739], %get3A_1735 {strides = array<i32>} : memref<512x64xf32, #tpu.memory_space<vmem>>, vector<16xf32>,
      %and3A_1741 = arith.constant 7 : i32
      %and3A_1742 = arith.andi %reduce_max3A_243, %and3A_1741 : i32
      %get3A_1743 = arith.constant 7 : i32
      %get3A_1744 = arith.index_cast %get3A_1743 : i32 to index
      %get3A_1745 = arith.index_cast %and3A_1742 : i32 to index
      %get3A_1746 = arith.constant 0 : index
      %get3A_1747 = tpu.vector_load %arg7[%get3A_1744, %get3A_1745, %get3A_1746] {strides = array<i32>} : memref<32x8x64xf32, #tpu.memory_space<vmem>>, vector<16xf32>,
      %add3A_1748 = arith.constant 7 : i32
      %add3A_1749 = arith.addi %add3A_11, %add3A_1748 : i32
      %swap3A_1750 = arith.index_cast %add3A_1749 : i32 to index
      %swap3A_1751 = arith.constant 0 : index
      %swap3A_1752 = tpu.vector_load %arg8[%swap3A_1750, %swap3A_1751] {strides = array<i32>} : memref<512x64xf32, #tpu.memory_space<vmem>>, vector<16xf32>,
      tpu.vector_store %arg8[%swap3A_1750, %swap3A_1751], %get3A_1747 {strides = array<i32>} : memref<512x64xf32, #tpu.memory_space<vmem>>, vector<16xf32>,
      %get3A_1753 = arith.constant 7 : i32
      %get3A_1754 = arith.index_cast %get3A_1753 : i32 to index
      %get3A_1755 = arith.index_cast %and3A_1742 : i32 to index
      %get3A_1756 = arith.constant 16 : index
      %get3A_1757 = tpu.vector_load %arg7[%get3A_1754, %get3A_1755, %get3A_1756] {strides = array<i32>} : memref<32x8x64xf32, #tpu.memory_space<vmem>>, vector<16xf32>,
      %add3A_1758 = arith.constant 7 : i32
      %add3A_1759 = arith.addi %add3A_11, %add3A_1758 : i32
      %swap3A_1760 = arith.index_cast %add3A_1759 : i32 to index
      %swap3A_1761 = arith.constant 16 : index
      %swap3A_1762 = tpu.vector_load %arg8[%swap3A_1760, %swap3A_1761] {strides = array<i32>} : memref<512x64xf32, #tpu.memory_space<vmem>>, vector<16xf32>,
      tpu.vector_store %arg8[%swap3A_1760, %swap3A_1761], %get3A_1757 {strides = array<i32>} : memref<512x64xf32, #tpu.memory_space<vmem>>, vector<16xf32>,
      %get3A_1763 = arith.constant 7 : i32
      %get3A_1764 = arith.index_cast %get3A_1763 : i32 to index
      %get3A_1765 = arith.index_cast %and3A_1742 : i32 to index
      %get3A_1766 = arith.constant 32 : index
      %get3A_1767 = tpu.vector_load %arg7[%get3A_1764, %get3A_1765, %get3A_1766] {strides = array<i32>} : memref<32x8x64xf32, #tpu.memory_space<vmem>>, vector<16xf32>,
      %add3A_1768 = arith.constant 7 : i32
      %add3A_1769 = arith.addi %add3A_11, %add3A_1768 : i32
      %swap3A_1770 = arith.index_cast %add3A_1769 : i32 to index
      %swap3A_1771 = arith.constant 32 : index
      %swap3A_1772 = tpu.vector_load %arg8[%swap3A_1770, %swap3A_1771] {strides = array<i32>} : memref<512x64xf32, #tpu.memory_space<vmem>>, vector<16xf32>,
      tpu.vector_store %arg8[%swap3A_1770, %swap3A_1771], %get3A_1767 {strides = array<i32>} : memref<512x64xf32, #tpu.memory_space<vmem>>, vector<16xf32>,
      %get3A_1773 = arith.constant 7 : i32
      %get3A_1774 = arith.index_cast %get3A_1773 : i32 to index
      %get3A_1775 = arith.index_cast %and3A_1742 : i32 to index
      %get3A_1776 = arith.constant 48 : index
      %get3A_1777 = tpu.vector_load %arg7[%get3A_1774, %get3A_1775, %get3A_1776] {strides = array<i32>} : memref<32x8x64xf32, #tpu.memory_space<vmem>>, vector<16xf32>,
      %add3A_1778 = arith.constant 7 : i32
      %add3A_1779 = arith.addi %add3A_11, %add3A_1778 : i32
      %swap3A_1780 = arith.index_cast %add3A_1779 : i32 to index
      %swap3A_1781 = arith.constant 48 : index
      %swap3A_1782 = tpu.vector_load %arg8[%swap3A_1780, %swap3A_1781] {strides = array<i32>} : memref<512x64xf32, #tpu.memory_space<vmem>>, vector<16xf32>,
      tpu.vector_store %arg8[%swap3A_1780, %swap3A_1781], %get3A_1777 {strides = array<i32>} : memref<512x64xf32, #tpu.memory_space<vmem>>, vector<16xf32>,
      %and3A_1783 = arith.constant 7 : i32
      %and3A_1784 = arith.andi %reduce_max3A_275, %and3A_1783 : i32
      %get3A_1785 = arith.constant 8 : i32
      %get3A_1786 = arith.index_cast %get3A_1785 : i32 to index
      %get3A_1787 = arith.index_cast %and3A_1784 : i32 to index
      %get3A_1788 = arith.constant 0 : index
      %get3A_1789 = tpu.vector_load %arg7[%get3A_1786, %get3A_1787, %get3A_1788] {strides = array<i32>} : memref<32x8x64xf32, #tpu.memory_space<vmem>>, vector<16xf32>,
      %add3A_1790 = arith.constant 8 : i32
      %add3A_1791 = arith.addi %add3A_11, %add3A_1790 : i32
      %swap3A_1792 = arith.index_cast %add3A_1791 : i32 to index
      %swap3A_1793 = arith.constant 0 : index
      %swap3A_1794 = tpu.vector_load %arg8[%swap3A_1792, %swap3A_1793] {strides = array<i32>} : memref<512x64xf32, #tpu.memory_space<vmem>>, vector<16xf32>,
      tpu.vector_store %arg8[%swap3A_1792, %swap3A_1793], %get3A_1789 {strides = array<i32>} : memref<512x64xf32, #tpu.memory_space<vmem>>, vector<16xf32>,
      %get3A_1795 = arith.constant 8 : i32
      %get3A_1796 = arith.index_cast %get3A_1795 : i32 to index
      %get3A_1797 = arith.index_cast %and3A_1784 : i32 to index
      %get3A_1798 = arith.constant 16 : index
      %get3A_1799 = tpu.vector_load %arg7[%get3A_1796, %get3A_1797, %get3A_1798] {strides = array<i32>} : memref<32x8x64xf32, #tpu.memory_space<vmem>>, vector<16xf32>,
      %add3A_1800 = arith.constant 8 : i32
      %add3A_1801 = arith.addi %add3A_11, %add3A_1800 : i32
      %swap3A_1802 = arith.index_cast %add3A_1801 : i32 to index
      %swap3A_1803 = arith.constant 16 : index
      %swap3A_1804 = tpu.vector_load %arg8[%swap3A_1802, %swap3A_1803] {strides = array<i32>} : memref<512x64xf32, #tpu.memory_space<vmem>>, vector<16xf32>,
      tpu.vector_store %arg8[%swap3A_1802, %swap3A_1803], %get3A_1799 {strides = array<i32>} : memref<512x64xf32, #tpu.memory_space<vmem>>, vector<16xf32>,
      %get3A_1805 = arith.constant 8 : i32
      %get3A_1806 = arith.index_cast %get3A_1805 : i32 to index
      %get3A_1807 = arith.index_cast %and3A_1784 : i32 to index
      %get3A_1808 = arith.constant 32 : index
      %get3A_1809 = tpu.vector_load %arg7[%get3A_1806, %get3A_1807, %get3A_1808] {strides = array<i32>} : memref<32x8x64xf32, #tpu.memory_space<vmem>>, vector<16xf32>,
      %add3A_1810 = arith.constant 8 : i32
      %add3A_1811 = arith.addi %add3A_11, %add3A_1810 : i32
      %swap3A_1812 = arith.index_cast %add3A_1811 : i32 to index
      %swap3A_1813 = arith.constant 32 : index
      %swap3A_1814 = tpu.vector_load %arg8[%swap3A_1812, %swap3A_1813] {strides = array<i32>} : memref<512x64xf32, #tpu.memory_space<vmem>>, vector<16xf32>,
      tpu.vector_store %arg8[%swap3A_1812, %swap3A_1813], %get3A_1809 {strides = array<i32>} : memref<512x64xf32, #tpu.memory_space<vmem>>, vector<16xf32>,
      %get3A_1815 = arith.constant 8 : i32
      %get3A_1816 = arith.index_cast %get3A_1815 : i32 to index
      %get3A_1817 = arith.index_cast %and3A_1784 : i32 to index
      %get3A_1818 = arith.constant 48 : index
      %get3A_1819 = tpu.vector_load %arg7[%get3A_1816, %get3A_1817, %get3A_1818] {strides = array<i32>} : memref<32x8x64xf32, #tpu.memory_space<vmem>>, vector<16xf32>,
      %add3A_1820 = arith.constant 8 : i32
      %add3A_1821 = arith.addi %add3A_11, %add3A_1820 : i32
      %swap3A_1822 = arith.index_cast %add3A_1821 : i32 to index
      %swap3A_1823 = arith.constant 48 : index
      %swap3A_1824 = tpu.vector_load %arg8[%swap3A_1822, %swap3A_1823] {strides = array<i32>} : memref<512x64xf32, #tpu.memory_space<vmem>>, vector<16xf32>,
      tpu.vector_store %arg8[%swap3A_1822, %swap3A_1823], %get3A_1819 {strides = array<i32>} : memref<512x64xf32, #tpu.memory_space<vmem>>, vector<16xf32>,
      %and3A_1825 = arith.constant 7 : i32
      %and3A_1826 = arith.andi %reduce_max3A_307, %and3A_1825 : i32
      %get3A_1827 = arith.constant 9 : i32
      %get3A_1828 = arith.index_cast %get3A_1827 : i32 to index
      %get3A_1829 = arith.index_cast %and3A_1826 : i32 to index
      %get3A_1830 = arith.constant 0 : index
      %get3A_1831 = tpu.vector_load %arg7[%get3A_1828, %get3A_1829, %get3A_1830] {strides = array<i32>} : memref<32x8x64xf32, #tpu.memory_space<vmem>>, vector<16xf32>,
      %add3A_1832 = arith.constant 9 : i32
      %add3A_1833 = arith.addi %add3A_11, %add3A_1832 : i32
      %swap3A_1834 = arith.index_cast %add3A_1833 : i32 to index
      %swap3A_1835 = arith.constant 0 : index
      %swap3A_1836 = tpu.vector_load %arg8[%swap3A_1834, %swap3A_1835] {strides = array<i32>} : memref<512x64xf32, #tpu.memory_space<vmem>>, vector<16xf32>,
      tpu.vector_store %arg8[%swap3A_1834, %swap3A_1835], %get3A_1831 {strides = array<i32>} : memref<512x64xf32, #tpu.memory_space<vmem>>, vector<16xf32>,
      %get3A_1837 = arith.constant 9 : i32
      %get3A_1838 = arith.index_cast %get3A_1837 : i32 to index
      %get3A_1839 = arith.index_cast %and3A_1826 : i32 to index
      %get3A_1840 = arith.constant 16 : index
      %get3A_1841 = tpu.vector_load %arg7[%get3A_1838, %get3A_1839, %get3A_1840] {strides = array<i32>} : memref<32x8x64xf32, #tpu.memory_space<vmem>>, vector<16xf32>,
      %add3A_1842 = arith.constant 9 : i32
      %add3A_1843 = arith.addi %add3A_11, %add3A_1842 : i32
      %swap3A_1844 = arith.index_cast %add3A_1843 : i32 to index
      %swap3A_1845 = arith.constant 16 : index
      %swap3A_1846 = tpu.vector_load %arg8[%swap3A_1844, %swap3A_1845] {strides = array<i32>} : memref<512x64xf32, #tpu.memory_space<vmem>>, vector<16xf32>,
      tpu.vector_store %arg8[%swap3A_1844, %swap3A_1845], %get3A_1841 {strides = array<i32>} : memref<512x64xf32, #tpu.memory_space<vmem>>, vector<16xf32>,
      %get3A_1847 = arith.constant 9 : i32
      %get3A_1848 = arith.index_cast %get3A_1847 : i32 to index
      %get3A_1849 = arith.index_cast %and3A_1826 : i32 to index
      %get3A_1850 = arith.constant 32 : index
      %get3A_1851 = tpu.vector_load %arg7[%get3A_1848, %get3A_1849, %get3A_1850] {strides = array<i32>} : memref<32x8x64xf32, #tpu.memory_space<vmem>>, vector<16xf32>,
      %add3A_1852 = arith.constant 9 : i32
      %add3A_1853 = arith.addi %add3A_11, %add3A_1852 : i32
      %swap3A_1854 = arith.index_cast %add3A_1853 : i32 to index
      %swap3A_1855 = arith.constant 32 : index
      %swap3A_1856 = tpu.vector_load %arg8[%swap3A_1854, %swap3A_1855] {strides = array<i32>} : memref<512x64xf32, #tpu.memory_space<vmem>>, vector<16xf32>,
      tpu.vector_store %arg8[%swap3A_1854, %swap3A_1855], %get3A_1851 {strides = array<i32>} : memref<512x64xf32, #tpu.memory_space<vmem>>, vector<16xf32>,
      %get3A_1857 = arith.constant 9 : i32
      %get3A_1858 = arith.index_cast %get3A_1857 : i32 to index
      %get3A_1859 = arith.index_cast %and3A_1826 : i32 to index
      %get3A_1860 = arith.constant 48 : index
      %get3A_1861 = tpu.vector_load %arg7[%get3A_1858, %get3A_1859, %get3A_1860] {strides = array<i32>} : memref<32x8x64xf32, #tpu.memory_space<vmem>>, vector<16xf32>,
      %add3A_1862 = arith.constant 9 : i32
      %add3A_1863 = arith.addi %add3A_11, %add3A_1862 : i32
      %swap3A_1864 = arith.index_cast %add3A_1863 : i32 to index
      %swap3A_1865 = arith.constant 48 : index
      %swap3A_1866 = tpu.vector_load %arg8[%swap3A_1864, %swap3A_1865] {strides = array<i32>} : memref<512x64xf32, #tpu.memory_space<vmem>>, vector<16xf32>,
      tpu.vector_store %arg8[%swap3A_1864, %swap3A_1865], %get3A_1861 {strides = array<i32>} : memref<512x64xf32, #tpu.memory_space<vmem>>, vector<16xf32>,
      %and3A_1867 = arith.constant 7 : i32
      %and3A_1868 = arith.andi %reduce_max3A_339, %and3A_1867 : i32
      %get3A_1869 = arith.constant 10 : i32
      %get3A_1870 = arith.index_cast %get3A_1869 : i32 to index
      %get3A_1871 = arith.index_cast %and3A_1868 : i32 to index
      %get3A_1872 = arith.constant 0 : index
      %get3A_1873 = tpu.vector_load %arg7[%get3A_1870, %get3A_1871, %get3A_1872] {strides = array<i32>} : memref<32x8x64xf32, #tpu.memory_space<vmem>>, vector<16xf32>,
      %add3A_1874 = arith.constant 10 : i32
      %add3A_1875 = arith.addi %add3A_11, %add3A_1874 : i32
      %swap3A_1876 = arith.index_cast %add3A_1875 : i32 to index
      %swap3A_1877 = arith.constant 0 : index
      %swap3A_1878 = tpu.vector_load %arg8[%swap3A_1876, %swap3A_1877] {strides = array<i32>} : memref<512x64xf32, #tpu.memory_space<vmem>>, vector<16xf32>,
      tpu.vector_store %arg8[%swap3A_1876, %swap3A_1877], %get3A_1873 {strides = array<i32>} : memref<512x64xf32, #tpu.memory_space<vmem>>, vector<16xf32>,
      %get3A_1879 = arith.constant 10 : i32
      %get3A_1880 = arith.index_cast %get3A_1879 : i32 to index
      %get3A_1881 = arith.index_cast %and3A_1868 : i32 to index
      %get3A_1882 = arith.constant 16 : index
      %get3A_1883 = tpu.vector_load %arg7[%get3A_1880, %get3A_1881, %get3A_1882] {strides = array<i32>} : memref<32x8x64xf32, #tpu.memory_space<vmem>>, vector<16xf32>,
      %add3A_1884 = arith.constant 10 : i32
      %add3A_1885 = arith.addi %add3A_11, %add3A_1884 : i32
      %swap3A_1886 = arith.index_cast %add3A_1885 : i32 to index
      %swap3A_1887 = arith.constant 16 : index
      %swap3A_1888 = tpu.vector_load %arg8[%swap3A_1886, %swap3A_1887] {strides = array<i32>} : memref<512x64xf32, #tpu.memory_space<vmem>>, vector<16xf32>,
      tpu.vector_store %arg8[%swap3A_1886, %swap3A_1887], %get3A_1883 {strides = array<i32>} : memref<512x64xf32, #tpu.memory_space<vmem>>, vector<16xf32>,
      %get3A_1889 = arith.constant 10 : i32
      %get3A_1890 = arith.index_cast %get3A_1889 : i32 to index
      %get3A_1891 = arith.index_cast %and3A_1868 : i32 to index
      %get3A_1892 = arith.constant 32 : index
      %get3A_1893 = tpu.vector_load %arg7[%get3A_1890, %get3A_1891, %get3A_1892] {strides = array<i32>} : memref<32x8x64xf32, #tpu.memory_space<vmem>>, vector<16xf32>,
      %add3A_1894 = arith.constant 10 : i32
      %add3A_1895 = arith.addi %add3A_11, %add3A_1894 : i32
      %swap3A_1896 = arith.index_cast %add3A_1895 : i32 to index
      %swap3A_1897 = arith.constant 32 : index
      %swap3A_1898 = tpu.vector_load %arg8[%swap3A_1896, %swap3A_1897] {strides = array<i32>} : memref<512x64xf32, #tpu.memory_space<vmem>>, vector<16xf32>,
      tpu.vector_store %arg8[%swap3A_1896, %swap3A_1897], %get3A_1893 {strides = array<i32>} : memref<512x64xf32, #tpu.memory_space<vmem>>, vector<16xf32>,
      %get3A_1899 = arith.constant 10 : i32
      %get3A_1900 = arith.index_cast %get3A_1899 : i32 to index
      %get3A_1901 = arith.index_cast %and3A_1868 : i32 to index
      %get3A_1902 = arith.constant 48 : index
      %get3A_1903 = tpu.vector_load %arg7[%get3A_1900, %get3A_1901, %get3A_1902] {strides = array<i32>} : memref<32x8x64xf32, #tpu.memory_space<vmem>>, vector<16xf32>,
      %add3A_1904 = arith.constant 10 : i32
      %add3A_1905 = arith.addi %add3A_11, %add3A_1904 : i32
      %swap3A_1906 = arith.index_cast %add3A_1905 : i32 to index
      %swap3A_1907 = arith.constant 48 : index
      %swap3A_1908 = tpu.vector_load %arg8[%swap3A_1906, %swap3A_1907] {strides = array<i32>} : memref<512x64xf32, #tpu.memory_space<vmem>>, vector<16xf32>,
      tpu.vector_store %arg8[%swap3A_1906, %swap3A_1907], %get3A_1903 {strides = array<i32>} : memref<512x64xf32, #tpu.memory_space<vmem>>, vector<16xf32>,
      %and3A_1909 = arith.constant 7 : i32
      %and3A_1910 = arith.andi %reduce_max3A_371, %and3A_1909 : i32
      %get3A_1911 = arith.constant 11 : i32
      %get3A_1912 = arith.index_cast %get3A_1911 : i32 to index
      %get3A_1913 = arith.index_cast %and3A_1910 : i32 to index
      %get3A_1914 = arith.constant 0 : index
      %get3A_1915 = tpu.vector_load %arg7[%get3A_1912, %get3A_1913, %get3A_1914] {strides = array<i32>} : memref<32x8x64xf32, #tpu.memory_space<vmem>>, vector<16xf32>,
      %add3A_1916 = arith.constant 11 : i32
      %add3A_1917 = arith.addi %add3A_11, %add3A_1916 : i32
      %swap3A_1918 = arith.index_cast %add3A_1917 : i32 to index
      %swap3A_1919 = arith.constant 0 : index
      %swap3A_1920 = tpu.vector_load %arg8[%swap3A_1918, %swap3A_1919] {strides = array<i32>} : memref<512x64xf32, #tpu.memory_space<vmem>>, vector<16xf32>,
      tpu.vector_store %arg8[%swap3A_1918, %swap3A_1919], %get3A_1915 {strides = array<i32>} : memref<512x64xf32, #tpu.memory_space<vmem>>, vector<16xf32>,
      %get3A_1921 = arith.constant 11 : i32
      %get3A_1922 = arith.index_cast %get3A_1921 : i32 to index
      %get3A_1923 = arith.index_cast %and3A_1910 : i32 to index
      %get3A_1924 = arith.constant 16 : index
      %get3A_1925 = tpu.vector_load %arg7[%get3A_1922, %get3A_1923, %get3A_1924] {strides = array<i32>} : memref<32x8x64xf32, #tpu.memory_space<vmem>>, vector<16xf32>,
      %add3A_1926 = arith.constant 11 : i32
      %add3A_1927 = arith.addi %add3A_11, %add3A_1926 : i32
      %swap3A_1928 = arith.index_cast %add3A_1927 : i32 to index
      %swap3A_1929 = arith.constant 16 : index
      %swap3A_1930 = tpu.vector_load %arg8[%swap3A_1928, %swap3A_1929] {strides = array<i32>} : memref<512x64xf32, #tpu.memory_space<vmem>>, vector<16xf32>,
      tpu.vector_store %arg8[%swap3A_1928, %swap3A_1929], %get3A_1925 {strides = array<i32>} : memref<512x64xf32, #tpu.memory_space<vmem>>, vector<16xf32>,
      %get3A_1931 = arith.constant 11 : i32
      %get3A_1932 = arith.index_cast %get3A_1931 : i32 to index
      %get3A_1933 = arith.index_cast %and3A_1910 : i32 to index
      %get3A_1934 = arith.constant 32 : index
      %get3A_1935 = tpu.vector_load %arg7[%get3A_1932, %get3A_1933, %get3A_1934] {strides = array<i32>} : memref<32x8x64xf32, #tpu.memory_space<vmem>>, vector<16xf32>,
      %add3A_1936 = arith.constant 11 : i32
      %add3A_1937 = arith.addi %add3A_11, %add3A_1936 : i32
      %swap3A_1938 = arith.index_cast %add3A_1937 : i32 to index
      %swap3A_1939 = arith.constant 32 : index
      %swap3A_1940 = tpu.vector_load %arg8[%swap3A_1938, %swap3A_1939] {strides = array<i32>} : memref<512x64xf32, #tpu.memory_space<vmem>>, vector<16xf32>,
      tpu.vector_store %arg8[%swap3A_1938, %swap3A_1939], %get3A_1935 {strides = array<i32>} : memref<512x64xf32, #tpu.memory_space<vmem>>, vector<16xf32>,
      %get3A_1941 = arith.constant 11 : i32
      %get3A_1942 = arith.index_cast %get3A_1941 : i32 to index
      %get3A_1943 = arith.index_cast %and3A_1910 : i32 to index
      %get3A_1944 = arith.constant 48 : index
      %get3A_1945 = tpu.vector_load %arg7[%get3A_1942, %get3A_1943, %get3A_1944] {strides = array<i32>} : memref<32x8x64xf32, #tpu.memory_space<vmem>>, vector<16xf32>,
      %add3A_1946 = arith.constant 11 : i32
      %add3A_1947 = arith.addi %add3A_11, %add3A_1946 : i32
      %swap3A_1948 = arith.index_cast %add3A_1947 : i32 to index
      %swap3A_1949 = arith.constant 48 : index
      %swap3A_1950 = tpu.vector_load %arg8[%swap3A_1948, %swap3A_1949] {strides = array<i32>} : memref<512x64xf32, #tpu.memory_space<vmem>>, vector<16xf32>,
      tpu.vector_store %arg8[%swap3A_1948, %swap3A_1949], %get3A_1945 {strides = array<i32>} : memref<512x64xf32, #tpu.memory_space<vmem>>, vector<16xf32>,
      %and3A_1951 = arith.constant 7 : i32
      %and3A_1952 = arith.andi %reduce_max3A_403, %and3A_1951 : i32
      %get3A_1953 = arith.constant 12 : i32
      %get3A_1954 = arith.index_cast %get3A_1953 : i32 to index
      %get3A_1955 = arith.index_cast %and3A_1952 : i32 to index
      %get3A_1956 = arith.constant 0 : index
      %get3A_1957 = tpu.vector_load %arg7[%get3A_1954, %get3A_1955, %get3A_1956] {strides = array<i32>} : memref<32x8x64xf32, #tpu.memory_space<vmem>>, vector<16xf32>,
      %add3A_1958 = arith.constant 12 : i32
      %add3A_1959 = arith.addi %add3A_11, %add3A_1958 : i32
      %swap3A_1960 = arith.index_cast %add3A_1959 : i32 to index
      %swap3A_1961 = arith.constant 0 : index
      %swap3A_1962 = tpu.vector_load %arg8[%swap3A_1960, %swap3A_1961] {strides = array<i32>} : memref<512x64xf32, #tpu.memory_space<vmem>>, vector<16xf32>,
      tpu.vector_store %arg8[%swap3A_1960, %swap3A_1961], %get3A_1957 {strides = array<i32>} : memref<512x64xf32, #tpu.memory_space<vmem>>, vector<16xf32>,
      %get3A_1963 = arith.constant 12 : i32
      %get3A_1964 = arith.index_cast %get3A_1963 : i32 to index
      %get3A_1965 = arith.index_cast %and3A_1952 : i32 to index
      %get3A_1966 = arith.constant 16 : index
      %get3A_1967 = tpu.vector_load %arg7[%get3A_1964, %get3A_1965, %get3A_1966] {strides = array<i32>} : memref<32x8x64xf32, #tpu.memory_space<vmem>>, vector<16xf32>,
      %add3A_1968 = arith.constant 12 : i32
      %add3A_1969 = arith.addi %add3A_11, %add3A_1968 : i32
      %swap3A_1970 = arith.index_cast %add3A_1969 : i32 to index
      %swap3A_1971 = arith.constant 16 : index
      %swap3A_1972 = tpu.vector_load %arg8[%swap3A_1970, %swap3A_1971] {strides = array<i32>} : memref<512x64xf32, #tpu.memory_space<vmem>>, vector<16xf32>,
      tpu.vector_store %arg8[%swap3A_1970, %swap3A_1971], %get3A_1967 {strides = array<i32>} : memref<512x64xf32, #tpu.memory_space<vmem>>, vector<16xf32>,
      %get3A_1973 = arith.constant 12 : i32
      %get3A_1974 = arith.index_cast %get3A_1973 : i32 to index
      %get3A_1975 = arith.index_cast %and3A_1952 : i32 to index
      %get3A_1976 = arith.constant 32 : index
      %get3A_1977 = tpu.vector_load %arg7[%get3A_1974, %get3A_1975, %get3A_1976] {strides = array<i32>} : memref<32x8x64xf32, #tpu.memory_space<vmem>>, vector<16xf32>,
      %add3A_1978 = arith.constant 12 : i32
      %add3A_1979 = arith.addi %add3A_11, %add3A_1978 : i32
      %swap3A_1980 = arith.index_cast %add3A_1979 : i32 to index
      %swap3A_1981 = arith.constant 32 : index
      %swap3A_1982 = tpu.vector_load %arg8[%swap3A_1980, %swap3A_1981] {strides = array<i32>} : memref<512x64xf32, #tpu.memory_space<vmem>>, vector<16xf32>,
      tpu.vector_store %arg8[%swap3A_1980, %swap3A_1981], %get3A_1977 {strides = array<i32>} : memref<512x64xf32, #tpu.memory_space<vmem>>, vector<16xf32>,
      %get3A_1983 = arith.constant 12 : i32
      %get3A_1984 = arith.index_cast %get3A_1983 : i32 to index
      %get3A_1985 = arith.index_cast %and3A_1952 : i32 to index
      %get3A_1986 = arith.constant 48 : index
      %get3A_1987 = tpu.vector_load %arg7[%get3A_1984, %get3A_1985, %get3A_1986] {strides = array<i32>} : memref<32x8x64xf32, #tpu.memory_space<vmem>>, vector<16xf32>,
      %add3A_1988 = arith.constant 12 : i32
      %add3A_1989 = arith.addi %add3A_11, %add3A_1988 : i32
      %swap3A_1990 = arith.index_cast %add3A_1989 : i32 to index
      %swap3A_1991 = arith.constant 48 : index
      %swap3A_1992 = tpu.vector_load %arg8[%swap3A_1990, %swap3A_1991] {strides = array<i32>} : memref<512x64xf32, #tpu.memory_space<vmem>>, vector<16xf32>,
      tpu.vector_store %arg8[%swap3A_1990, %swap3A_1991], %get3A_1987 {strides = array<i32>} : memref<512x64xf32, #tpu.memory_space<vmem>>, vector<16xf32>,
      %and3A_1993 = arith.constant 7 : i32
      %and3A_1994 = arith.andi %reduce_max3A_435, %and3A_1993 : i32
      %get3A_1995 = arith.constant 13 : i32
      %get3A_1996 = arith.index_cast %get3A_1995 : i32 to index
      %get3A_1997 = arith.index_cast %and3A_1994 : i32 to index
      %get3A_1998 = arith.constant 0 : index
      %get3A_1999 = tpu.vector_load %arg7[%get3A_1996, %get3A_1997, %get3A_1998] {strides = array<i32>} : memref<32x8x64xf32, #tpu.memory_space<vmem>>, vector<16xf32>,
      %add3A_2000 = arith.constant 13 : i32
      %add3A_2001 = arith.addi %add3A_11, %add3A_2000 : i32
      %swap3A_2002 = arith.index_cast %add3A_2001 : i32 to index
      %swap3A_2003 = arith.constant 0 : index
      %swap3A_2004 = tpu.vector_load %arg8[%swap3A_2002, %swap3A_2003] {strides = array<i32>} : memref<512x64xf32, #tpu.memory_space<vmem>>, vector<16xf32>,
      tpu.vector_store %arg8[%swap3A_2002, %swap3A_2003], %get3A_1999 {strides = array<i32>} : memref<512x64xf32, #tpu.memory_space<vmem>>, vector<16xf32>,
      %get3A_2005 = arith.constant 13 : i32
      %get3A_2006 = arith.index_cast %get3A_2005 : i32 to index
      %get3A_2007 = arith.index_cast %and3A_1994 : i32 to index
      %get3A_2008 = arith.constant 16 : index
      %get3A_2009 = tpu.vector_load %arg7[%get3A_2006, %get3A_2007, %get3A_2008] {strides = array<i32>} : memref<32x8x64xf32, #tpu.memory_space<vmem>>, vector<16xf32>,
      %add3A_2010 = arith.constant 13 : i32
      %add3A_2011 = arith.addi %add3A_11, %add3A_2010 : i32
      %swap3A_2012 = arith.index_cast %add3A_2011 : i32 to index
      %swap3A_2013 = arith.constant 16 : index
      %swap3A_2014 = tpu.vector_load %arg8[%swap3A_2012, %swap3A_2013] {strides = array<i32>} : memref<512x64xf32, #tpu.memory_space<vmem>>, vector<16xf32>,
      tpu.vector_store %arg8[%swap3A_2012, %swap3A_2013], %get3A_2009 {strides = array<i32>} : memref<512x64xf32, #tpu.memory_space<vmem>>, vector<16xf32>,
      %get3A_2015 = arith.constant 13 : i32
      %get3A_2016 = arith.index_cast %get3A_2015 : i32 to index
      %get3A_2017 = arith.index_cast %and3A_1994 : i32 to index
      %get3A_2018 = arith.constant 32 : index
      %get3A_2019 = tpu.vector_load %arg7[%get3A_2016, %get3A_2017, %get3A_2018] {strides = array<i32>} : memref<32x8x64xf32, #tpu.memory_space<vmem>>, vector<16xf32>,
      %add3A_2020 = arith.constant 13 : i32
      %add3A_2021 = arith.addi %add3A_11, %add3A_2020 : i32
      %swap3A_2022 = arith.index_cast %add3A_2021 : i32 to index
      %swap3A_2023 = arith.constant 32 : index
      %swap3A_2024 = tpu.vector_load %arg8[%swap3A_2022, %swap3A_2023] {strides = array<i32>} : memref<512x64xf32, #tpu.memory_space<vmem>>, vector<16xf32>,
      tpu.vector_store %arg8[%swap3A_2022, %swap3A_2023], %get3A_2019 {strides = array<i32>} : memref<512x64xf32, #tpu.memory_space<vmem>>, vector<16xf32>,
      %get3A_2025 = arith.constant 13 : i32
      %get3A_2026 = arith.index_cast %get3A_2025 : i32 to index
      %get3A_2027 = arith.index_cast %and3A_1994 : i32 to index
      %get3A_2028 = arith.constant 48 : index
      %get3A_2029 = tpu.vector_load %arg7[%get3A_2026, %get3A_2027, %get3A_2028] {strides = array<i32>} : memref<32x8x64xf32, #tpu.memory_space<vmem>>, vector<16xf32>,
      %add3A_2030 = arith.constant 13 : i32
      %add3A_2031 = arith.addi %add3A_11, %add3A_2030 : i32
      %swap3A_2032 = arith.index_cast %add3A_2031 : i32 to index
      %swap3A_2033 = arith.constant 48 : index
      %swap3A_2034 = tpu.vector_load %arg8[%swap3A_2032, %swap3A_2033] {strides = array<i32>} : memref<512x64xf32, #tpu.memory_space<vmem>>, vector<16xf32>,
      tpu.vector_store %arg8[%swap3A_2032, %swap3A_2033], %get3A_2029 {strides = array<i32>} : memref<512x64xf32, #tpu.memory_space<vmem>>, vector<16xf32>,
      %and3A_2035 = arith.constant 7 : i32
      %and3A_2036 = arith.andi %reduce_max3A_467, %and3A_2035 : i32
      %get3A_2037 = arith.constant 14 : i32
      %get3A_2038 = arith.index_cast %get3A_2037 : i32 to index
      %get3A_2039 = arith.index_cast %and3A_2036 : i32 to index
      %get3A_2040 = arith.constant 0 : index
      %get3A_2041 = tpu.vector_load %arg7[%get3A_2038, %get3A_2039, %get3A_2040] {strides = array<i32>} : memref<32x8x64xf32, #tpu.memory_space<vmem>>, vector<16xf32>,
      %add3A_2042 = arith.constant 14 : i32
      %add3A_2043 = arith.addi %add3A_11, %add3A_2042 : i32
      %swap3A_2044 = arith.index_cast %add3A_2043 : i32 to index
      %swap3A_2045 = arith.constant 0 : index
      %swap3A_2046 = tpu.vector_load %arg8[%swap3A_2044, %swap3A_2045] {strides = array<i32>} : memref<512x64xf32, #tpu.memory_space<vmem>>, vector<16xf32>,
      tpu.vector_store %arg8[%swap3A_2044, %swap3A_2045], %get3A_2041 {strides = array<i32>} : memref<512x64xf32, #tpu.memory_space<vmem>>, vector<16xf32>,
      %get3A_2047 = arith.constant 14 : i32
      %get3A_2048 = arith.index_cast %get3A_2047 : i32 to index
      %get3A_2049 = arith.index_cast %and3A_2036 : i32 to index
      %get3A_2050 = arith.constant 16 : index
      %get3A_2051 = tpu.vector_load %arg7[%get3A_2048, %get3A_2049, %get3A_2050] {strides = array<i32>} : memref<32x8x64xf32, #tpu.memory_space<vmem>>, vector<16xf32>,
      %add3A_2052 = arith.constant 14 : i32
      %add3A_2053 = arith.addi %add3A_11, %add3A_2052 : i32
      %swap3A_2054 = arith.index_cast %add3A_2053 : i32 to index
      %swap3A_2055 = arith.constant 16 : index
      %swap3A_2056 = tpu.vector_load %arg8[%swap3A_2054, %swap3A_2055] {strides = array<i32>} : memref<512x64xf32, #tpu.memory_space<vmem>>, vector<16xf32>,
      tpu.vector_store %arg8[%swap3A_2054, %swap3A_2055], %get3A_2051 {strides = array<i32>} : memref<512x64xf32, #tpu.memory_space<vmem>>, vector<16xf32>,
      %get3A_2057 = arith.constant 14 : i32
      %get3A_2058 = arith.index_cast %get3A_2057 : i32 to index
      %get3A_2059 = arith.index_cast %and3A_2036 : i32 to index
      %get3A_2060 = arith.constant 32 : index
      %get3A_2061 = tpu.vector_load %arg7[%get3A_2058, %get3A_2059, %get3A_2060] {strides = array<i32>} : memref<32x8x64xf32, #tpu.memory_space<vmem>>, vector<16xf32>,
      %add3A_2062 = arith.constant 14 : i32
      %add3A_2063 = arith.addi %add3A_11, %add3A_2062 : i32
      %swap3A_2064 = arith.index_cast %add3A_2063 : i32 to index
      %swap3A_2065 = arith.constant 32 : index
      %swap3A_2066 = tpu.vector_load %arg8[%swap3A_2064, %swap3A_2065] {strides = array<i32>} : memref<512x64xf32, #tpu.memory_space<vmem>>, vector<16xf32>,
      tpu.vector_store %arg8[%swap3A_2064, %swap3A_2065], %get3A_2061 {strides = array<i32>} : memref<512x64xf32, #tpu.memory_space<vmem>>, vector<16xf32>,
      %get3A_2067 = arith.constant 14 : i32
      %get3A_2068 = arith.index_cast %get3A_2067 : i32 to index
      %get3A_2069 = arith.index_cast %and3A_2036 : i32 to index
      %get3A_2070 = arith.constant 48 : index
      %get3A_2071 = tpu.vector_load %arg7[%get3A_2068, %get3A_2069, %get3A_2070] {strides = array<i32>} : memref<32x8x64xf32, #tpu.memory_space<vmem>>, vector<16xf32>,
      %add3A_2072 = arith.constant 14 : i32
      %add3A_2073 = arith.addi %add3A_11, %add3A_2072 : i32
      %swap3A_2074 = arith.index_cast %add3A_2073 : i32 to index
      %swap3A_2075 = arith.constant 48 : index
      %swap3A_2076 = tpu.vector_load %arg8[%swap3A_2074, %swap3A_2075] {strides = array<i32>} : memref<512x64xf32, #tpu.memory_space<vmem>>, vector<16xf32>,
      tpu.vector_store %arg8[%swap3A_2074, %swap3A_2075], %get3A_2071 {strides = array<i32>} : memref<512x64xf32, #tpu.memory_space<vmem>>, vector<16xf32>,
      %and3A_2077 = arith.constant 7 : i32
      %and3A_2078 = arith.andi %reduce_max3A_499, %and3A_2077 : i32
      %get3A_2079 = arith.constant 15 : i32
      %get3A_2080 = arith.index_cast %get3A_2079 : i32 to index
      %get3A_2081 = arith.index_cast %and3A_2078 : i32 to index
      %get3A_2082 = arith.constant 0 : index
      %get3A_2083 = tpu.vector_load %arg7[%get3A_2080, %get3A_2081, %get3A_2082] {strides = array<i32>} : memref<32x8x64xf32, #tpu.memory_space<vmem>>, vector<16xf32>,
      %add3A_2084 = arith.constant 15 : i32
      %add3A_2085 = arith.addi %add3A_11, %add3A_2084 : i32
      %swap3A_2086 = arith.index_cast %add3A_2085 : i32 to index
      %swap3A_2087 = arith.constant 0 : index
      %swap3A_2088 = tpu.vector_load %arg8[%swap3A_2086, %swap3A_2087] {strides = array<i32>} : memref<512x64xf32, #tpu.memory_space<vmem>>, vector<16xf32>,
      tpu.vector_store %arg8[%swap3A_2086, %swap3A_2087], %get3A_2083 {strides = array<i32>} : memref<512x64xf32, #tpu.memory_space<vmem>>, vector<16xf32>,
      %get3A_2089 = arith.constant 15 : i32
      %get3A_2090 = arith.index_cast %get3A_2089 : i32 to index
      %get3A_2091 = arith.index_cast %and3A_2078 : i32 to index
      %get3A_2092 = arith.constant 16 : index
      %get3A_2093 = tpu.vector_load %arg7[%get3A_2090, %get3A_2091, %get3A_2092] {strides = array<i32>} : memref<32x8x64xf32, #tpu.memory_space<vmem>>, vector<16xf32>,
      %add3A_2094 = arith.constant 15 : i32
      %add3A_2095 = arith.addi %add3A_11, %add3A_2094 : i32
      %swap3A_2096 = arith.index_cast %add3A_2095 : i32 to index
      %swap3A_2097 = arith.constant 16 : index
      %swap3A_2098 = tpu.vector_load %arg8[%swap3A_2096, %swap3A_2097] {strides = array<i32>} : memref<512x64xf32, #tpu.memory_space<vmem>>, vector<16xf32>,
      tpu.vector_store %arg8[%swap3A_2096, %swap3A_2097], %get3A_2093 {strides = array<i32>} : memref<512x64xf32, #tpu.memory_space<vmem>>, vector<16xf32>,
      %get3A_2099 = arith.constant 15 : i32
      %get3A_2100 = arith.index_cast %get3A_2099 : i32 to index
      %get3A_2101 = arith.index_cast %and3A_2078 : i32 to index
      %get3A_2102 = arith.constant 32 : index
      %get3A_2103 = tpu.vector_load %arg7[%get3A_2100, %get3A_2101, %get3A_2102] {strides = array<i32>} : memref<32x8x64xf32, #tpu.memory_space<vmem>>, vector<16xf32>,
      %add3A_2104 = arith.constant 15 : i32
      %add3A_2105 = arith.addi %add3A_11, %add3A_2104 : i32
      %swap3A_2106 = arith.index_cast %add3A_2105 : i32 to index
      %swap3A_2107 = arith.constant 32 : index
      %swap3A_2108 = tpu.vector_load %arg8[%swap3A_2106, %swap3A_2107] {strides = array<i32>} : memref<512x64xf32, #tpu.memory_space<vmem>>, vector<16xf32>,
      tpu.vector_store %arg8[%swap3A_2106, %swap3A_2107], %get3A_2103 {strides = array<i32>} : memref<512x64xf32, #tpu.memory_space<vmem>>, vector<16xf32>,
      %get3A_2109 = arith.constant 15 : i32
      %get3A_2110 = arith.index_cast %get3A_2109 : i32 to index
      %get3A_2111 = arith.index_cast %and3A_2078 : i32 to index
      %get3A_2112 = arith.constant 48 : index
      %get3A_2113 = tpu.vector_load %arg7[%get3A_2110, %get3A_2111, %get3A_2112] {strides = array<i32>} : memref<32x8x64xf32, #tpu.memory_space<vmem>>, vector<16xf32>,
      %add3A_2114 = arith.constant 15 : i32
      %add3A_2115 = arith.addi %add3A_11, %add3A_2114 : i32
      %swap3A_2116 = arith.index_cast %add3A_2115 : i32 to index
      %swap3A_2117 = arith.constant 48 : index
      %swap3A_2118 = tpu.vector_load %arg8[%swap3A_2116, %swap3A_2117] {strides = array<i32>} : memref<512x64xf32, #tpu.memory_space<vmem>>, vector<16xf32>,
      tpu.vector_store %arg8[%swap3A_2116, %swap3A_2117], %get3A_2113 {strides = array<i32>} : memref<512x64xf32, #tpu.memory_space<vmem>>, vector<16xf32>,
      %and3A_2119 = arith.constant 7 : i32
      %and3A_2120 = arith.andi %reduce_max3A_535, %and3A_2119 : i32
      %get3A_2121 = arith.constant 16 : i32
      %get3A_2122 = arith.index_cast %get3A_2121 : i32 to index
      %get3A_2123 = arith.index_cast %and3A_2120 : i32 to index
      %get3A_2124 = arith.constant 0 : index
      %get3A_2125 = tpu.vector_load %arg7[%get3A_2122, %get3A_2123, %get3A_2124] {strides = array<i32>} : memref<32x8x64xf32, #tpu.memory_space<vmem>>, vector<16xf32>,
      %add3A_2126 = arith.constant 16 : i32
      %add3A_2127 = arith.addi %add3A_11, %add3A_2126 : i32
      %swap3A_2128 = arith.index_cast %add3A_2127 : i32 to index
      %swap3A_2129 = arith.constant 0 : index
      %swap3A_2130 = tpu.vector_load %arg8[%swap3A_2128, %swap3A_2129] {strides = array<i32>} : memref<512x64xf32, #tpu.memory_space<vmem>>, vector<16xf32>,
      tpu.vector_store %arg8[%swap3A_2128, %swap3A_2129], %get3A_2125 {strides = array<i32>} : memref<512x64xf32, #tpu.memory_space<vmem>>, vector<16xf32>,
      %get3A_2131 = arith.constant 16 : i32
      %get3A_2132 = arith.index_cast %get3A_2131 : i32 to index
      %get3A_2133 = arith.index_cast %and3A_2120 : i32 to index
      %get3A_2134 = arith.constant 16 : index
      %get3A_2135 = tpu.vector_load %arg7[%get3A_2132, %get3A_2133, %get3A_2134] {strides = array<i32>} : memref<32x8x64xf32, #tpu.memory_space<vmem>>, vector<16xf32>,
      %add3A_2136 = arith.constant 16 : i32
      %add3A_2137 = arith.addi %add3A_11, %add3A_2136 : i32
      %swap3A_2138 = arith.index_cast %add3A_2137 : i32 to index
      %swap3A_2139 = arith.constant 16 : index
      %swap3A_2140 = tpu.vector_load %arg8[%swap3A_2138, %swap3A_2139] {strides = array<i32>} : memref<512x64xf32, #tpu.memory_space<vmem>>, vector<16xf32>,
      tpu.vector_store %arg8[%swap3A_2138, %swap3A_2139], %get3A_2135 {strides = array<i32>} : memref<512x64xf32, #tpu.memory_space<vmem>>, vector<16xf32>,
      %get3A_2141 = arith.constant 16 : i32
      %get3A_2142 = arith.index_cast %get3A_2141 : i32 to index
      %get3A_2143 = arith.index_cast %and3A_2120 : i32 to index
      %get3A_2144 = arith.constant 32 : index
      %get3A_2145 = tpu.vector_load %arg7[%get3A_2142, %get3A_2143, %get3A_2144] {strides = array<i32>} : memref<32x8x64xf32, #tpu.memory_space<vmem>>, vector<16xf32>,
      %add3A_2146 = arith.constant 16 : i32
      %add3A_2147 = arith.addi %add3A_11, %add3A_2146 : i32
      %swap3A_2148 = arith.index_cast %add3A_2147 : i32 to index
      %swap3A_2149 = arith.constant 32 : index
      %swap3A_2150 = tpu.vector_load %arg8[%swap3A_2148, %swap3A_2149] {strides = array<i32>} : memref<512x64xf32, #tpu.memory_space<vmem>>, vector<16xf32>,
      tpu.vector_store %arg8[%swap3A_2148, %swap3A_2149], %get3A_2145 {strides = array<i32>} : memref<512x64xf32, #tpu.memory_space<vmem>>, vector<16xf32>,
      %get3A_2151 = arith.constant 16 : i32
      %get3A_2152 = arith.index_cast %get3A_2151 : i32 to index
      %get3A_2153 = arith.index_cast %and3A_2120 : i32 to index
      %get3A_2154 = arith.constant 48 : index
      %get3A_2155 = tpu.vector_load %arg7[%get3A_2152, %get3A_2153, %get3A_2154] {strides = array<i32>} : memref<32x8x64xf32, #tpu.memory_space<vmem>>, vector<16xf32>,
      %add3A_2156 = arith.constant 16 : i32
      %add3A_2157 = arith.addi %add3A_11, %add3A_2156 : i32
      %swap3A_2158 = arith.index_cast %add3A_2157 : i32 to index
      %swap3A_2159 = arith.constant 48 : index
      %swap3A_2160 = tpu.vector_load %arg8[%swap3A_2158, %swap3A_2159] {strides = array<i32>} : memref<512x64xf32, #tpu.memory_space<vmem>>, vector<16xf32>,
      tpu.vector_store %arg8[%swap3A_2158, %swap3A_2159], %get3A_2155 {strides = array<i32>} : memref<512x64xf32, #tpu.memory_space<vmem>>, vector<16xf32>,
      %and3A_2161 = arith.constant 7 : i32
      %and3A_2162 = arith.andi %reduce_max3A_567, %and3A_2161 : i32
      %get3A_2163 = arith.constant 17 : i32
      %get3A_2164 = arith.index_cast %get3A_2163 : i32 to index
      %get3A_2165 = arith.index_cast %and3A_2162 : i32 to index
      %get3A_2166 = arith.constant 0 : index
      %get3A_2167 = tpu.vector_load %arg7[%get3A_2164, %get3A_2165, %get3A_2166] {strides = array<i32>} : memref<32x8x64xf32, #tpu.memory_space<vmem>>, vector<16xf32>,
      %add3A_2168 = arith.constant 17 : i32
      %add3A_2169 = arith.addi %add3A_11, %add3A_2168 : i32
      %swap3A_2170 = arith.index_cast %add3A_2169 : i32 to index
      %swap3A_2171 = arith.constant 0 : index
      %swap3A_2172 = tpu.vector_load %arg8[%swap3A_2170, %swap3A_2171] {strides = array<i32>} : memref<512x64xf32, #tpu.memory_space<vmem>>, vector<16xf32>,
      tpu.vector_store %arg8[%swap3A_2170, %swap3A_2171], %get3A_2167 {strides = array<i32>} : memref<512x64xf32, #tpu.memory_space<vmem>>, vector<16xf32>,
      %get3A_2173 = arith.constant 17 : i32
      %get3A_2174 = arith.index_cast %get3A_2173 : i32 to index
      %get3A_2175 = arith.index_cast %and3A_2162 : i32 to index
      %get3A_2176 = arith.constant 16 : index
      %get3A_2177 = tpu.vector_load %arg7[%get3A_2174, %get3A_2175, %get3A_2176] {strides = array<i32>} : memref<32x8x64xf32, #tpu.memory_space<vmem>>, vector<16xf32>,
      %add3A_2178 = arith.constant 17 : i32
      %add3A_2179 = arith.addi %add3A_11, %add3A_2178 : i32
      %swap3A_2180 = arith.index_cast %add3A_2179 : i32 to index
      %swap3A_2181 = arith.constant 16 : index
      %swap3A_2182 = tpu.vector_load %arg8[%swap3A_2180, %swap3A_2181] {strides = array<i32>} : memref<512x64xf32, #tpu.memory_space<vmem>>, vector<16xf32>,
      tpu.vector_store %arg8[%swap3A_2180, %swap3A_2181], %get3A_2177 {strides = array<i32>} : memref<512x64xf32, #tpu.memory_space<vmem>>, vector<16xf32>,
      %get3A_2183 = arith.constant 17 : i32
      %get3A_2184 = arith.index_cast %get3A_2183 : i32 to index
      %get3A_2185 = arith.index_cast %and3A_2162 : i32 to index
      %get3A_2186 = arith.constant 32 : index
      %get3A_2187 = tpu.vector_load %arg7[%get3A_2184, %get3A_2185, %get3A_2186] {strides = array<i32>} : memref<32x8x64xf32, #tpu.memory_space<vmem>>, vector<16xf32>,
      %add3A_2188 = arith.constant 17 : i32
      %add3A_2189 = arith.addi %add3A_11, %add3A_2188 : i32
      %swap3A_2190 = arith.index_cast %add3A_2189 : i32 to index
      %swap3A_2191 = arith.constant 32 : index
      %swap3A_2192 = tpu.vector_load %arg8[%swap3A_2190, %swap3A_2191] {strides = array<i32>} : memref<512x64xf32, #tpu.memory_space<vmem>>, vector<16xf32>,
      tpu.vector_store %arg8[%swap3A_2190, %swap3A_2191], %get3A_2187 {strides = array<i32>} : memref<512x64xf32, #tpu.memory_space<vmem>>, vector<16xf32>,
      %get3A_2193 = arith.constant 17 : i32
      %get3A_2194 = arith.index_cast %get3A_2193 : i32 to index
      %get3A_2195 = arith.index_cast %and3A_2162 : i32 to index
      %get3A_2196 = arith.constant 48 : index
      %get3A_2197 = tpu.vector_load %arg7[%get3A_2194, %get3A_2195, %get3A_2196] {strides = array<i32>} : memref<32x8x64xf32, #tpu.memory_space<vmem>>, vector<16xf32>,
      %add3A_2198 = arith.constant 17 : i32
      %add3A_2199 = arith.addi %add3A_11, %add3A_2198 : i32
      %swap3A_2200 = arith.index_cast %add3A_2199 : i32 to index
      %swap3A_2201 = arith.constant 48 : index
      %swap3A_2202 = tpu.vector_load %arg8[%swap3A_2200, %swap3A_2201] {strides = array<i32>} : memref<512x64xf32, #tpu.memory_space<vmem>>, vector<16xf32>,
      tpu.vector_store %arg8[%swap3A_2200, %swap3A_2201], %get3A_2197 {strides = array<i32>} : memref<512x64xf32, #tpu.memory_space<vmem>>, vector<16xf32>,
      %and3A_2203 = arith.constant 7 : i32
      %and3A_2204 = arith.andi %reduce_max3A_599, %and3A_2203 : i32
      %get3A_2205 = arith.constant 18 : i32
      %get3A_2206 = arith.index_cast %get3A_2205 : i32 to index
      %get3A_2207 = arith.index_cast %and3A_2204 : i32 to index
      %get3A_2208 = arith.constant 0 : index
      %get3A_2209 = tpu.vector_load %arg7[%get3A_2206, %get3A_2207, %get3A_2208] {strides = array<i32>} : memref<32x8x64xf32, #tpu.memory_space<vmem>>, vector<16xf32>,
      %add3A_2210 = arith.constant 18 : i32
      %add3A_2211 = arith.addi %add3A_11, %add3A_2210 : i32
      %swap3A_2212 = arith.index_cast %add3A_2211 : i32 to index
      %swap3A_2213 = arith.constant 0 : index
      %swap3A_2214 = tpu.vector_load %arg8[%swap3A_2212, %swap3A_2213] {strides = array<i32>} : memref<512x64xf32, #tpu.memory_space<vmem>>, vector<16xf32>,
      tpu.vector_store %arg8[%swap3A_2212, %swap3A_2213], %get3A_2209 {strides = array<i32>} : memref<512x64xf32, #tpu.memory_space<vmem>>, vector<16xf32>,
      %get3A_2215 = arith.constant 18 : i32
      %get3A_2216 = arith.index_cast %get3A_2215 : i32 to index
      %get3A_2217 = arith.index_cast %and3A_2204 : i32 to index
      %get3A_2218 = arith.constant 16 : index
      %get3A_2219 = tpu.vector_load %arg7[%get3A_2216, %get3A_2217, %get3A_2218] {strides = array<i32>} : memref<32x8x64xf32, #tpu.memory_space<vmem>>, vector<16xf32>,
      %add3A_2220 = arith.constant 18 : i32
      %add3A_2221 = arith.addi %add3A_11, %add3A_2220 : i32
      %swap3A_2222 = arith.index_cast %add3A_2221 : i32 to index
      %swap3A_2223 = arith.constant 16 : index
      %swap3A_2224 = tpu.vector_load %arg8[%swap3A_2222, %swap3A_2223] {strides = array<i32>} : memref<512x64xf32, #tpu.memory_space<vmem>>, vector<16xf32>,
      tpu.vector_store %arg8[%swap3A_2222, %swap3A_2223], %get3A_2219 {strides = array<i32>} : memref<512x64xf32, #tpu.memory_space<vmem>>, vector<16xf32>,
      %get3A_2225 = arith.constant 18 : i32
      %get3A_2226 = arith.index_cast %get3A_2225 : i32 to index
      %get3A_2227 = arith.index_cast %and3A_2204 : i32 to index
      %get3A_2228 = arith.constant 32 : index
      %get3A_2229 = tpu.vector_load %arg7[%get3A_2226, %get3A_2227, %get3A_2228] {strides = array<i32>} : memref<32x8x64xf32, #tpu.memory_space<vmem>>, vector<16xf32>,
      %add3A_2230 = arith.constant 18 : i32
      %add3A_2231 = arith.addi %add3A_11, %add3A_2230 : i32
      %swap3A_2232 = arith.index_cast %add3A_2231 : i32 to index
      %swap3A_2233 = arith.constant 32 : index
      %swap3A_2234 = tpu.vector_load %arg8[%swap3A_2232, %swap3A_2233] {strides = array<i32>} : memref<512x64xf32, #tpu.memory_space<vmem>>, vector<16xf32>,
      tpu.vector_store %arg8[%swap3A_2232, %swap3A_2233], %get3A_2229 {strides = array<i32>} : memref<512x64xf32, #tpu.memory_space<vmem>>, vector<16xf32>,
      %get3A_2235 = arith.constant 18 : i32
      %get3A_2236 = arith.index_cast %get3A_2235 : i32 to index
      %get3A_2237 = arith.index_cast %and3A_2204 : i32 to index
      %get3A_2238 = arith.constant 48 : index
      %get3A_2239 = tpu.vector_load %arg7[%get3A_2236, %get3A_2237, %get3A_2238] {strides = array<i32>} : memref<32x8x64xf32, #tpu.memory_space<vmem>>, vector<16xf32>,
      %add3A_2240 = arith.constant 18 : i32
      %add3A_2241 = arith.addi %add3A_11, %add3A_2240 : i32
      %swap3A_2242 = arith.index_cast %add3A_2241 : i32 to index
      %swap3A_2243 = arith.constant 48 : index
      %swap3A_2244 = tpu.vector_load %arg8[%swap3A_2242, %swap3A_2243] {strides = array<i32>} : memref<512x64xf32, #tpu.memory_space<vmem>>, vector<16xf32>,
      tpu.vector_store %arg8[%swap3A_2242, %swap3A_2243], %get3A_2239 {strides = array<i32>} : memref<512x64xf32, #tpu.memory_space<vmem>>, vector<16xf32>,
      %and3A_2245 = arith.constant 7 : i32
      %and3A_2246 = arith.andi %reduce_max3A_631, %and3A_2245 : i32
      %get3A_2247 = arith.constant 19 : i32
      %get3A_2248 = arith.index_cast %get3A_2247 : i32 to index
      %get3A_2249 = arith.index_cast %and3A_2246 : i32 to index
      %get3A_2250 = arith.constant 0 : index
      %get3A_2251 = tpu.vector_load %arg7[%get3A_2248, %get3A_2249, %get3A_2250] {strides = array<i32>} : memref<32x8x64xf32, #tpu.memory_space<vmem>>, vector<16xf32>,
      %add3A_2252 = arith.constant 19 : i32
      %add3A_2253 = arith.addi %add3A_11, %add3A_2252 : i32
      %swap3A_2254 = arith.index_cast %add3A_2253 : i32 to index
      %swap3A_2255 = arith.constant 0 : index
      %swap3A_2256 = tpu.vector_load %arg8[%swap3A_2254, %swap3A_2255] {strides = array<i32>} : memref<512x64xf32, #tpu.memory_space<vmem>>, vector<16xf32>,
      tpu.vector_store %arg8[%swap3A_2254, %swap3A_2255], %get3A_2251 {strides = array<i32>} : memref<512x64xf32, #tpu.memory_space<vmem>>, vector<16xf32>,
      %get3A_2257 = arith.constant 19 : i32
      %get3A_2258 = arith.index_cast %get3A_2257 : i32 to index
      %get3A_2259 = arith.index_cast %and3A_2246 : i32 to index
      %get3A_2260 = arith.constant 16 : index
      %get3A_2261 = tpu.vector_load %arg7[%get3A_2258, %get3A_2259, %get3A_2260] {strides = array<i32>} : memref<32x8x64xf32, #tpu.memory_space<vmem>>, vector<16xf32>,
      %add3A_2262 = arith.constant 19 : i32
      %add3A_2263 = arith.addi %add3A_11, %add3A_2262 : i32
      %swap3A_2264 = arith.index_cast %add3A_2263 : i32 to index
      %swap3A_2265 = arith.constant 16 : index
      %swap3A_2266 = tpu.vector_load %arg8[%swap3A_2264, %swap3A_2265] {strides = array<i32>} : memref<512x64xf32, #tpu.memory_space<vmem>>, vector<16xf32>,
      tpu.vector_store %arg8[%swap3A_2264, %swap3A_2265], %get3A_2261 {strides = array<i32>} : memref<512x64xf32, #tpu.memory_space<vmem>>, vector<16xf32>,
      %get3A_2267 = arith.constant 19 : i32
      %get3A_2268 = arith.index_cast %get3A_2267 : i32 to index
      %get3A_2269 = arith.index_cast %and3A_2246 : i32 to index
      %get3A_2270 = arith.constant 32 : index
      %get3A_2271 = tpu.vector_load %arg7[%get3A_2268, %get3A_2269, %get3A_2270] {strides = array<i32>} : memref<32x8x64xf32, #tpu.memory_space<vmem>>, vector<16xf32>,
      %add3A_2272 = arith.constant 19 : i32
      %add3A_2273 = arith.addi %add3A_11, %add3A_2272 : i32
      %swap3A_2274 = arith.index_cast %add3A_2273 : i32 to index
      %swap3A_2275 = arith.constant 32 : index
      %swap3A_2276 = tpu.vector_load %arg8[%swap3A_2274, %swap3A_2275] {strides = array<i32>} : memref<512x64xf32, #tpu.memory_space<vmem>>, vector<16xf32>,
      tpu.vector_store %arg8[%swap3A_2274, %swap3A_2275], %get3A_2271 {strides = array<i32>} : memref<512x64xf32, #tpu.memory_space<vmem>>, vector<16xf32>,
      %get3A_2277 = arith.constant 19 : i32
      %get3A_2278 = arith.index_cast %get3A_2277 : i32 to index
      %get3A_2279 = arith.index_cast %and3A_2246 : i32 to index
      %get3A_2280 = arith.constant 48 : index
      %get3A_2281 = tpu.vector_load %arg7[%get3A_2278, %get3A_2279, %get3A_2280] {strides = array<i32>} : memref<32x8x64xf32, #tpu.memory_space<vmem>>, vector<16xf32>,
      %add3A_2282 = arith.constant 19 : i32
      %add3A_2283 = arith.addi %add3A_11, %add3A_2282 : i32
      %swap3A_2284 = arith.index_cast %add3A_2283 : i32 to index
      %swap3A_2285 = arith.constant 48 : index
      %swap3A_2286 = tpu.vector_load %arg8[%swap3A_2284, %swap3A_2285] {strides = array<i32>} : memref<512x64xf32, #tpu.memory_space<vmem>>, vector<16xf32>,
      tpu.vector_store %arg8[%swap3A_2284, %swap3A_2285], %get3A_2281 {strides = array<i32>} : memref<512x64xf32, #tpu.memory_space<vmem>>, vector<16xf32>,
      %and3A_2287 = arith.constant 7 : i32
      %and3A_2288 = arith.andi %reduce_max3A_663, %and3A_2287 : i32
      %get3A_2289 = arith.constant 20 : i32
      %get3A_2290 = arith.index_cast %get3A_2289 : i32 to index
      %get3A_2291 = arith.index_cast %and3A_2288 : i32 to index
      %get3A_2292 = arith.constant 0 : index
      %get3A_2293 = tpu.vector_load %arg7[%get3A_2290, %get3A_2291, %get3A_2292] {strides = array<i32>} : memref<32x8x64xf32, #tpu.memory_space<vmem>>, vector<16xf32>,
      %add3A_2294 = arith.constant 20 : i32
      %add3A_2295 = arith.addi %add3A_11, %add3A_2294 : i32
      %swap3A_2296 = arith.index_cast %add3A_2295 : i32 to index
      %swap3A_2297 = arith.constant 0 : index
      %swap3A_2298 = tpu.vector_load %arg8[%swap3A_2296, %swap3A_2297] {strides = array<i32>} : memref<512x64xf32, #tpu.memory_space<vmem>>, vector<16xf32>,
      tpu.vector_store %arg8[%swap3A_2296, %swap3A_2297], %get3A_2293 {strides = array<i32>} : memref<512x64xf32, #tpu.memory_space<vmem>>, vector<16xf32>,
      %get3A_2299 = arith.constant 20 : i32
      %get3A_2300 = arith.index_cast %get3A_2299 : i32 to index
      %get3A_2301 = arith.index_cast %and3A_2288 : i32 to index
      %get3A_2302 = arith.constant 16 : index
      %get3A_2303 = tpu.vector_load %arg7[%get3A_2300, %get3A_2301, %get3A_2302] {strides = array<i32>} : memref<32x8x64xf32, #tpu.memory_space<vmem>>, vector<16xf32>,
      %add3A_2304 = arith.constant 20 : i32
      %add3A_2305 = arith.addi %add3A_11, %add3A_2304 : i32
      %swap3A_2306 = arith.index_cast %add3A_2305 : i32 to index
      %swap3A_2307 = arith.constant 16 : index
      %swap3A_2308 = tpu.vector_load %arg8[%swap3A_2306, %swap3A_2307] {strides = array<i32>} : memref<512x64xf32, #tpu.memory_space<vmem>>, vector<16xf32>,
      tpu.vector_store %arg8[%swap3A_2306, %swap3A_2307], %get3A_2303 {strides = array<i32>} : memref<512x64xf32, #tpu.memory_space<vmem>>, vector<16xf32>,
      %get3A_2309 = arith.constant 20 : i32
      %get3A_2310 = arith.index_cast %get3A_2309 : i32 to index
      %get3A_2311 = arith.index_cast %and3A_2288 : i32 to index
      %get3A_2312 = arith.constant 32 : index
      %get3A_2313 = tpu.vector_load %arg7[%get3A_2310, %get3A_2311, %get3A_2312] {strides = array<i32>} : memref<32x8x64xf32, #tpu.memory_space<vmem>>, vector<16xf32>,
      %add3A_2314 = arith.constant 20 : i32
      %add3A_2315 = arith.addi %add3A_11, %add3A_2314 : i32
      %swap3A_2316 = arith.index_cast %add3A_2315 : i32 to index
      %swap3A_2317 = arith.constant 32 : index
      %swap3A_2318 = tpu.vector_load %arg8[%swap3A_2316, %swap3A_2317] {strides = array<i32>} : memref<512x64xf32, #tpu.memory_space<vmem>>, vector<16xf32>,
      tpu.vector_store %arg8[%swap3A_2316, %swap3A_2317], %get3A_2313 {strides = array<i32>} : memref<512x64xf32, #tpu.memory_space<vmem>>, vector<16xf32>,
      %get3A_2319 = arith.constant 20 : i32
      %get3A_2320 = arith.index_cast %get3A_2319 : i32 to index
      %get3A_2321 = arith.index_cast %and3A_2288 : i32 to index
      %get3A_2322 = arith.constant 48 : index
      %get3A_2323 = tpu.vector_load %arg7[%get3A_2320, %get3A_2321, %get3A_2322] {strides = array<i32>} : memref<32x8x64xf32, #tpu.memory_space<vmem>>, vector<16xf32>,
      %add3A_2324 = arith.constant 20 : i32
      %add3A_2325 = arith.addi %add3A_11, %add3A_2324 : i32
      %swap3A_2326 = arith.index_cast %add3A_2325 : i32 to index
      %swap3A_2327 = arith.constant 48 : index
      %swap3A_2328 = tpu.vector_load %arg8[%swap3A_2326, %swap3A_2327] {strides = array<i32>} : memref<512x64xf32, #tpu.memory_space<vmem>>, vector<16xf32>,
      tpu.vector_store %arg8[%swap3A_2326, %swap3A_2327], %get3A_2323 {strides = array<i32>} : memref<512x64xf32, #tpu.memory_space<vmem>>, vector<16xf32>,
      %and3A_2329 = arith.constant 7 : i32
      %and3A_2330 = arith.andi %reduce_max3A_695, %and3A_2329 : i32
      %get3A_2331 = arith.constant 21 : i32
      %get3A_2332 = arith.index_cast %get3A_2331 : i32 to index
      %get3A_2333 = arith.index_cast %and3A_2330 : i32 to index
      %get3A_2334 = arith.constant 0 : index
      %get3A_2335 = tpu.vector_load %arg7[%get3A_2332, %get3A_2333, %get3A_2334] {strides = array<i32>} : memref<32x8x64xf32, #tpu.memory_space<vmem>>, vector<16xf32>,
      %add3A_2336 = arith.constant 21 : i32
      %add3A_2337 = arith.addi %add3A_11, %add3A_2336 : i32
      %swap3A_2338 = arith.index_cast %add3A_2337 : i32 to index
      %swap3A_2339 = arith.constant 0 : index
      %swap3A_2340 = tpu.vector_load %arg8[%swap3A_2338, %swap3A_2339] {strides = array<i32>} : memref<512x64xf32, #tpu.memory_space<vmem>>, vector<16xf32>,
      tpu.vector_store %arg8[%swap3A_2338, %swap3A_2339], %get3A_2335 {strides = array<i32>} : memref<512x64xf32, #tpu.memory_space<vmem>>, vector<16xf32>,
      %get3A_2341 = arith.constant 21 : i32
      %get3A_2342 = arith.index_cast %get3A_2341 : i32 to index
      %get3A_2343 = arith.index_cast %and3A_2330 : i32 to index
      %get3A_2344 = arith.constant 16 : index
      %get3A_2345 = tpu.vector_load %arg7[%get3A_2342, %get3A_2343, %get3A_2344] {strides = array<i32>} : memref<32x8x64xf32, #tpu.memory_space<vmem>>, vector<16xf32>,
      %add3A_2346 = arith.constant 21 : i32
      %add3A_2347 = arith.addi %add3A_11, %add3A_2346 : i32
      %swap3A_2348 = arith.index_cast %add3A_2347 : i32 to index
      %swap3A_2349 = arith.constant 16 : index
      %swap3A_2350 = tpu.vector_load %arg8[%swap3A_2348, %swap3A_2349] {strides = array<i32>} : memref<512x64xf32, #tpu.memory_space<vmem>>, vector<16xf32>,
      tpu.vector_store %arg8[%swap3A_2348, %swap3A_2349], %get3A_2345 {strides = array<i32>} : memref<512x64xf32, #tpu.memory_space<vmem>>, vector<16xf32>,
      %get3A_2351 = arith.constant 21 : i32
      %get3A_2352 = arith.index_cast %get3A_2351 : i32 to index
      %get3A_2353 = arith.index_cast %and3A_2330 : i32 to index
      %get3A_2354 = arith.constant 32 : index
      %get3A_2355 = tpu.vector_load %arg7[%get3A_2352, %get3A_2353, %get3A_2354] {strides = array<i32>} : memref<32x8x64xf32, #tpu.memory_space<vmem>>, vector<16xf32>,
      %add3A_2356 = arith.constant 21 : i32
      %add3A_2357 = arith.addi %add3A_11, %add3A_2356 : i32
      %swap3A_2358 = arith.index_cast %add3A_2357 : i32 to index
      %swap3A_2359 = arith.constant 32 : index
      %swap3A_2360 = tpu.vector_load %arg8[%swap3A_2358, %swap3A_2359] {strides = array<i32>} : memref<512x64xf32, #tpu.memory_space<vmem>>, vector<16xf32>,
      tpu.vector_store %arg8[%swap3A_2358, %swap3A_2359], %get3A_2355 {strides = array<i32>} : memref<512x64xf32, #tpu.memory_space<vmem>>, vector<16xf32>,
      %get3A_2361 = arith.constant 21 : i32
      %get3A_2362 = arith.index_cast %get3A_2361 : i32 to index
      %get3A_2363 = arith.index_cast %and3A_2330 : i32 to index
      %get3A_2364 = arith.constant 48 : index
      %get3A_2365 = tpu.vector_load %arg7[%get3A_2362, %get3A_2363, %get3A_2364] {strides = array<i32>} : memref<32x8x64xf32, #tpu.memory_space<vmem>>, vector<16xf32>,
      %add3A_2366 = arith.constant 21 : i32
      %add3A_2367 = arith.addi %add3A_11, %add3A_2366 : i32
      %swap3A_2368 = arith.index_cast %add3A_2367 : i32 to index
      %swap3A_2369 = arith.constant 48 : index
      %swap3A_2370 = tpu.vector_load %arg8[%swap3A_2368, %swap3A_2369] {strides = array<i32>} : memref<512x64xf32, #tpu.memory_space<vmem>>, vector<16xf32>,
      tpu.vector_store %arg8[%swap3A_2368, %swap3A_2369], %get3A_2365 {strides = array<i32>} : memref<512x64xf32, #tpu.memory_space<vmem>>, vector<16xf32>,
      %and3A_2371 = arith.constant 7 : i32
      %and3A_2372 = arith.andi %reduce_max3A_727, %and3A_2371 : i32
      %get3A_2373 = arith.constant 22 : i32
      %get3A_2374 = arith.index_cast %get3A_2373 : i32 to index
      %get3A_2375 = arith.index_cast %and3A_2372 : i32 to index
      %get3A_2376 = arith.constant 0 : index
      %get3A_2377 = tpu.vector_load %arg7[%get3A_2374, %get3A_2375, %get3A_2376] {strides = array<i32>} : memref<32x8x64xf32, #tpu.memory_space<vmem>>, vector<16xf32>,
      %add3A_2378 = arith.constant 22 : i32
      %add3A_2379 = arith.addi %add3A_11, %add3A_2378 : i32
      %swap3A_2380 = arith.index_cast %add3A_2379 : i32 to index
      %swap3A_2381 = arith.constant 0 : index
      %swap3A_2382 = tpu.vector_load %arg8[%swap3A_2380, %swap3A_2381] {strides = array<i32>} : memref<512x64xf32, #tpu.memory_space<vmem>>, vector<16xf32>,
      tpu.vector_store %arg8[%swap3A_2380, %swap3A_2381], %get3A_2377 {strides = array<i32>} : memref<512x64xf32, #tpu.memory_space<vmem>>, vector<16xf32>,
      %get3A_2383 = arith.constant 22 : i32
      %get3A_2384 = arith.index_cast %get3A_2383 : i32 to index
      %get3A_2385 = arith.index_cast %and3A_2372 : i32 to index
      %get3A_2386 = arith.constant 16 : index
      %get3A_2387 = tpu.vector_load %arg7[%get3A_2384, %get3A_2385, %get3A_2386] {strides = array<i32>} : memref<32x8x64xf32, #tpu.memory_space<vmem>>, vector<16xf32>,
      %add3A_2388 = arith.constant 22 : i32
      %add3A_2389 = arith.addi %add3A_11, %add3A_2388 : i32
      %swap3A_2390 = arith.index_cast %add3A_2389 : i32 to index
      %swap3A_2391 = arith.constant 16 : index
      %swap3A_2392 = tpu.vector_load %arg8[%swap3A_2390, %swap3A_2391] {strides = array<i32>} : memref<512x64xf32, #tpu.memory_space<vmem>>, vector<16xf32>,
      tpu.vector_store %arg8[%swap3A_2390, %swap3A_2391], %get3A_2387 {strides = array<i32>} : memref<512x64xf32, #tpu.memory_space<vmem>>, vector<16xf32>,
      %get3A_2393 = arith.constant 22 : i32
      %get3A_2394 = arith.index_cast %get3A_2393 : i32 to index
      %get3A_2395 = arith.index_cast %and3A_2372 : i32 to index
      %get3A_2396 = arith.constant 32 : index
      %get3A_2397 = tpu.vector_load %arg7[%get3A_2394, %get3A_2395, %get3A_2396] {strides = array<i32>} : memref<32x8x64xf32, #tpu.memory_space<vmem>>, vector<16xf32>,
      %add3A_2398 = arith.constant 22 : i32
      %add3A_2399 = arith.addi %add3A_11, %add3A_2398 : i32
      %swap3A_2400 = arith.index_cast %add3A_2399 : i32 to index
      %swap3A_2401 = arith.constant 32 : index
      %swap3A_2402 = tpu.vector_load %arg8[%swap3A_2400, %swap3A_2401] {strides = array<i32>} : memref<512x64xf32, #tpu.memory_space<vmem>>, vector<16xf32>,
      tpu.vector_store %arg8[%swap3A_2400, %swap3A_2401], %get3A_2397 {strides = array<i32>} : memref<512x64xf32, #tpu.memory_space<vmem>>, vector<16xf32>,
      %get3A_2403 = arith.constant 22 : i32
      %get3A_2404 = arith.index_cast %get3A_2403 : i32 to index
      %get3A_2405 = arith.index_cast %and3A_2372 : i32 to index
      %get3A_2406 = arith.constant 48 : index
      %get3A_2407 = tpu.vector_load %arg7[%get3A_2404, %get3A_2405, %get3A_2406] {strides = array<i32>} : memref<32x8x64xf32, #tpu.memory_space<vmem>>, vector<16xf32>,
      %add3A_2408 = arith.constant 22 : i32
      %add3A_2409 = arith.addi %add3A_11, %add3A_2408 : i32
      %swap3A_2410 = arith.index_cast %add3A_2409 : i32 to index
      %swap3A_2411 = arith.constant 48 : index
      %swap3A_2412 = tpu.vector_load %arg8[%swap3A_2410, %swap3A_2411] {strides = array<i32>} : memref<512x64xf32, #tpu.memory_space<vmem>>, vector<16xf32>,
      tpu.vector_store %arg8[%swap3A_2410, %swap3A_2411], %get3A_2407 {strides = array<i32>} : memref<512x64xf32, #tpu.memory_space<vmem>>, vector<16xf32>,
      %and3A_2413 = arith.constant 7 : i32
      %and3A_2414 = arith.andi %reduce_max3A_759, %and3A_2413 : i32
      %get3A_2415 = arith.constant 23 : i32
      %get3A_2416 = arith.index_cast %get3A_2415 : i32 to index
      %get3A_2417 = arith.index_cast %and3A_2414 : i32 to index
      %get3A_2418 = arith.constant 0 : index
      %get3A_2419 = tpu.vector_load %arg7[%get3A_2416, %get3A_2417, %get3A_2418] {strides = array<i32>} : memref<32x8x64xf32, #tpu.memory_space<vmem>>, vector<16xf32>,
      %add3A_2420 = arith.constant 23 : i32
      %add3A_2421 = arith.addi %add3A_11, %add3A_2420 : i32
      %swap3A_2422 = arith.index_cast %add3A_2421 : i32 to index
      %swap3A_2423 = arith.constant 0 : index
      %swap3A_2424 = tpu.vector_load %arg8[%swap3A_2422, %swap3A_2423] {strides = array<i32>} : memref<512x64xf32, #tpu.memory_space<vmem>>, vector<16xf32>,
      tpu.vector_store %arg8[%swap3A_2422, %swap3A_2423], %get3A_2419 {strides = array<i32>} : memref<512x64xf32, #tpu.memory_space<vmem>>, vector<16xf32>,
      %get3A_2425 = arith.constant 23 : i32
      %get3A_2426 = arith.index_cast %get3A_2425 : i32 to index
      %get3A_2427 = arith.index_cast %and3A_2414 : i32 to index
      %get3A_2428 = arith.constant 16 : index
      %get3A_2429 = tpu.vector_load %arg7[%get3A_2426, %get3A_2427, %get3A_2428] {strides = array<i32>} : memref<32x8x64xf32, #tpu.memory_space<vmem>>, vector<16xf32>,
      %add3A_2430 = arith.constant 23 : i32
      %add3A_2431 = arith.addi %add3A_11, %add3A_2430 : i32
      %swap3A_2432 = arith.index_cast %add3A_2431 : i32 to index
      %swap3A_2433 = arith.constant 16 : index
      %swap3A_2434 = tpu.vector_load %arg8[%swap3A_2432, %swap3A_2433] {strides = array<i32>} : memref<512x64xf32, #tpu.memory_space<vmem>>, vector<16xf32>,
      tpu.vector_store %arg8[%swap3A_2432, %swap3A_2433], %get3A_2429 {strides = array<i32>} : memref<512x64xf32, #tpu.memory_space<vmem>>, vector<16xf32>,
      %get3A_2435 = arith.constant 23 : i32
      %get3A_2436 = arith.index_cast %get3A_2435 : i32 to index
      %get3A_2437 = arith.index_cast %and3A_2414 : i32 to index
      %get3A_2438 = arith.constant 32 : index
      %get3A_2439 = tpu.vector_load %arg7[%get3A_2436, %get3A_2437, %get3A_2438] {strides = array<i32>} : memref<32x8x64xf32, #tpu.memory_space<vmem>>, vector<16xf32>,
      %add3A_2440 = arith.constant 23 : i32
      %add3A_2441 = arith.addi %add3A_11, %add3A_2440 : i32
      %swap3A_2442 = arith.index_cast %add3A_2441 : i32 to index
      %swap3A_2443 = arith.constant 32 : index
      %swap3A_2444 = tpu.vector_load %arg8[%swap3A_2442, %swap3A_2443] {strides = array<i32>} : memref<512x64xf32, #tpu.memory_space<vmem>>, vector<16xf32>,
      tpu.vector_store %arg8[%swap3A_2442, %swap3A_2443], %get3A_2439 {strides = array<i32>} : memref<512x64xf32, #tpu.memory_space<vmem>>, vector<16xf32>,
      %get3A_2445 = arith.constant 23 : i32
      %get3A_2446 = arith.index_cast %get3A_2445 : i32 to index
      %get3A_2447 = arith.index_cast %and3A_2414 : i32 to index
      %get3A_2448 = arith.constant 48 : index
      %get3A_2449 = tpu.vector_load %arg7[%get3A_2446, %get3A_2447, %get3A_2448] {strides = array<i32>} : memref<32x8x64xf32, #tpu.memory_space<vmem>>, vector<16xf32>,
      %add3A_2450 = arith.constant 23 : i32
      %add3A_2451 = arith.addi %add3A_11, %add3A_2450 : i32
      %swap3A_2452 = arith.index_cast %add3A_2451 : i32 to index
      %swap3A_2453 = arith.constant 48 : index
      %swap3A_2454 = tpu.vector_load %arg8[%swap3A_2452, %swap3A_2453] {strides = array<i32>} : memref<512x64xf32, #tpu.memory_space<vmem>>, vector<16xf32>,
      tpu.vector_store %arg8[%swap3A_2452, %swap3A_2453], %get3A_2449 {strides = array<i32>} : memref<512x64xf32, #tpu.memory_space<vmem>>, vector<16xf32>,
      %and3A_2455 = arith.constant 7 : i32
      %and3A_2456 = arith.andi %reduce_max3A_791, %and3A_2455 : i32
      %get3A_2457 = arith.constant 24 : i32
      %get3A_2458 = arith.index_cast %get3A_2457 : i32 to index
      %get3A_2459 = arith.index_cast %and3A_2456 : i32 to index
      %get3A_2460 = arith.constant 0 : index
      %get3A_2461 = tpu.vector_load %arg7[%get3A_2458, %get3A_2459, %get3A_2460] {strides = array<i32>} : memref<32x8x64xf32, #tpu.memory_space<vmem>>, vector<16xf32>,
      %add3A_2462 = arith.constant 24 : i32
      %add3A_2463 = arith.addi %add3A_11, %add3A_2462 : i32
      %swap3A_2464 = arith.index_cast %add3A_2463 : i32 to index
      %swap3A_2465 = arith.constant 0 : index
      %swap3A_2466 = tpu.vector_load %arg8[%swap3A_2464, %swap3A_2465] {strides = array<i32>} : memref<512x64xf32, #tpu.memory_space<vmem>>, vector<16xf32>,
      tpu.vector_store %arg8[%swap3A_2464, %swap3A_2465], %get3A_2461 {strides = array<i32>} : memref<512x64xf32, #tpu.memory_space<vmem>>, vector<16xf32>,
      %get3A_2467 = arith.constant 24 : i32
      %get3A_2468 = arith.index_cast %get3A_2467 : i32 to index
      %get3A_2469 = arith.index_cast %and3A_2456 : i32 to index
      %get3A_2470 = arith.constant 16 : index
      %get3A_2471 = tpu.vector_load %arg7[%get3A_2468, %get3A_2469, %get3A_2470] {strides = array<i32>} : memref<32x8x64xf32, #tpu.memory_space<vmem>>, vector<16xf32>,
      %add3A_2472 = arith.constant 24 : i32
      %add3A_2473 = arith.addi %add3A_11, %add3A_2472 : i32
      %swap3A_2474 = arith.index_cast %add3A_2473 : i32 to index
      %swap3A_2475 = arith.constant 16 : index
      %swap3A_2476 = tpu.vector_load %arg8[%swap3A_2474, %swap3A_2475] {strides = array<i32>} : memref<512x64xf32, #tpu.memory_space<vmem>>, vector<16xf32>,
      tpu.vector_store %arg8[%swap3A_2474, %swap3A_2475], %get3A_2471 {strides = array<i32>} : memref<512x64xf32, #tpu.memory_space<vmem>>, vector<16xf32>,
      %get3A_2477 = arith.constant 24 : i32
      %get3A_2478 = arith.index_cast %get3A_2477 : i32 to index
      %get3A_2479 = arith.index_cast %and3A_2456 : i32 to index
      %get3A_2480 = arith.constant 32 : index
      %get3A_2481 = tpu.vector_load %arg7[%get3A_2478, %get3A_2479, %get3A_2480] {strides = array<i32>} : memref<32x8x64xf32, #tpu.memory_space<vmem>>, vector<16xf32>,
      %add3A_2482 = arith.constant 24 : i32
      %add3A_2483 = arith.addi %add3A_11, %add3A_2482 : i32
      %swap3A_2484 = arith.index_cast %add3A_2483 : i32 to index
      %swap3A_2485 = arith.constant 32 : index
      %swap3A_2486 = tpu.vector_load %arg8[%swap3A_2484, %swap3A_2485] {strides = array<i32>} : memref<512x64xf32, #tpu.memory_space<vmem>>, vector<16xf32>,
      tpu.vector_store %arg8[%swap3A_2484, %swap3A_2485], %get3A_2481 {strides = array<i32>} : memref<512x64xf32, #tpu.memory_space<vmem>>, vector<16xf32>,
      %get3A_2487 = arith.constant 24 : i32
      %get3A_2488 = arith.index_cast %get3A_2487 : i32 to index
      %get3A_2489 = arith.index_cast %and3A_2456 : i32 to index
      %get3A_2490 = arith.constant 48 : index
      %get3A_2491 = tpu.vector_load %arg7[%get3A_2488, %get3A_2489, %get3A_2490] {strides = array<i32>} : memref<32x8x64xf32, #tpu.memory_space<vmem>>, vector<16xf32>,
      %add3A_2492 = arith.constant 24 : i32
      %add3A_2493 = arith.addi %add3A_11, %add3A_2492 : i32
      %swap3A_2494 = arith.index_cast %add3A_2493 : i32 to index
      %swap3A_2495 = arith.constant 48 : index
      %swap3A_2496 = tpu.vector_load %arg8[%swap3A_2494, %swap3A_2495] {strides = array<i32>} : memref<512x64xf32, #tpu.memory_space<vmem>>, vector<16xf32>,
      tpu.vector_store %arg8[%swap3A_2494, %swap3A_2495], %get3A_2491 {strides = array<i32>} : memref<512x64xf32, #tpu.memory_space<vmem>>, vector<16xf32>,
      %and3A_2497 = arith.constant 7 : i32
      %and3A_2498 = arith.andi %reduce_max3A_823, %and3A_2497 : i32
      %get3A_2499 = arith.constant 25 : i32
      %get3A_2500 = arith.index_cast %get3A_2499 : i32 to index
      %get3A_2501 = arith.index_cast %and3A_2498 : i32 to index
      %get3A_2502 = arith.constant 0 : index
      %get3A_2503 = tpu.vector_load %arg7[%get3A_2500, %get3A_2501, %get3A_2502] {strides = array<i32>} : memref<32x8x64xf32, #tpu.memory_space<vmem>>, vector<16xf32>,
      %add3A_2504 = arith.constant 25 : i32
      %add3A_2505 = arith.addi %add3A_11, %add3A_2504 : i32
      %swap3A_2506 = arith.index_cast %add3A_2505 : i32 to index
      %swap3A_2507 = arith.constant 0 : index
      %swap3A_2508 = tpu.vector_load %arg8[%swap3A_2506, %swap3A_2507] {strides = array<i32>} : memref<512x64xf32, #tpu.memory_space<vmem>>, vector<16xf32>,
      tpu.vector_store %arg8[%swap3A_2506, %swap3A_2507], %get3A_2503 {strides = array<i32>} : memref<512x64xf32, #tpu.memory_space<vmem>>, vector<16xf32>,
      %get3A_2509 = arith.constant 25 : i32
      %get3A_2510 = arith.index_cast %get3A_2509 : i32 to index
      %get3A_2511 = arith.index_cast %and3A_2498 : i32 to index
      %get3A_2512 = arith.constant 16 : index
      %get3A_2513 = tpu.vector_load %arg7[%get3A_2510, %get3A_2511, %get3A_2512] {strides = array<i32>} : memref<32x8x64xf32, #tpu.memory_space<vmem>>, vector<16xf32>,
      %add3A_2514 = arith.constant 25 : i32
      %add3A_2515 = arith.addi %add3A_11, %add3A_2514 : i32
      %swap3A_2516 = arith.index_cast %add3A_2515 : i32 to index
      %swap3A_2517 = arith.constant 16 : index
      %swap3A_2518 = tpu.vector_load %arg8[%swap3A_2516, %swap3A_2517] {strides = array<i32>} : memref<512x64xf32, #tpu.memory_space<vmem>>, vector<16xf32>,
      tpu.vector_store %arg8[%swap3A_2516, %swap3A_2517], %get3A_2513 {strides = array<i32>} : memref<512x64xf32, #tpu.memory_space<vmem>>, vector<16xf32>,
      %get3A_2519 = arith.constant 25 : i32
      %get3A_2520 = arith.index_cast %get3A_2519 : i32 to index
      %get3A_2521 = arith.index_cast %and3A_2498 : i32 to index
      %get3A_2522 = arith.constant 32 : index
      %get3A_2523 = tpu.vector_load %arg7[%get3A_2520, %get3A_2521, %get3A_2522] {strides = array<i32>} : memref<32x8x64xf32, #tpu.memory_space<vmem>>, vector<16xf32>,
      %add3A_2524 = arith.constant 25 : i32
      %add3A_2525 = arith.addi %add3A_11, %add3A_2524 : i32
      %swap3A_2526 = arith.index_cast %add3A_2525 : i32 to index
      %swap3A_2527 = arith.constant 32 : index
      %swap3A_2528 = tpu.vector_load %arg8[%swap3A_2526, %swap3A_2527] {strides = array<i32>} : memref<512x64xf32, #tpu.memory_space<vmem>>, vector<16xf32>,
      tpu.vector_store %arg8[%swap3A_2526, %swap3A_2527], %get3A_2523 {strides = array<i32>} : memref<512x64xf32, #tpu.memory_space<vmem>>, vector<16xf32>,
      %get3A_2529 = arith.constant 25 : i32
      %get3A_2530 = arith.index_cast %get3A_2529 : i32 to index
      %get3A_2531 = arith.index_cast %and3A_2498 : i32 to index
      %get3A_2532 = arith.constant 48 : index
      %get3A_2533 = tpu.vector_load %arg7[%get3A_2530, %get3A_2531, %get3A_2532] {strides = array<i32>} : memref<32x8x64xf32, #tpu.memory_space<vmem>>, vector<16xf32>,
      %add3A_2534 = arith.constant 25 : i32
      %add3A_2535 = arith.addi %add3A_11, %add3A_2534 : i32
      %swap3A_2536 = arith.index_cast %add3A_2535 : i32 to index
      %swap3A_2537 = arith.constant 48 : index
      %swap3A_2538 = tpu.vector_load %arg8[%swap3A_2536, %swap3A_2537] {strides = array<i32>} : memref<512x64xf32, #tpu.memory_space<vmem>>, vector<16xf32>,
      tpu.vector_store %arg8[%swap3A_2536, %swap3A_2537], %get3A_2533 {strides = array<i32>} : memref<512x64xf32, #tpu.memory_space<vmem>>, vector<16xf32>,
      %and3A_2539 = arith.constant 7 : i32
      %and3A_2540 = arith.andi %reduce_max3A_855, %and3A_2539 : i32
      %get3A_2541 = arith.constant 26 : i32
      %get3A_2542 = arith.index_cast %get3A_2541 : i32 to index
      %get3A_2543 = arith.index_cast %and3A_2540 : i32 to index
      %get3A_2544 = arith.constant 0 : index
      %get3A_2545 = tpu.vector_load %arg7[%get3A_2542, %get3A_2543, %get3A_2544] {strides = array<i32>} : memref<32x8x64xf32, #tpu.memory_space<vmem>>, vector<16xf32>,
      %add3A_2546 = arith.constant 26 : i32
      %add3A_2547 = arith.addi %add3A_11, %add3A_2546 : i32
      %swap3A_2548 = arith.index_cast %add3A_2547 : i32 to index
      %swap3A_2549 = arith.constant 0 : index
      %swap3A_2550 = tpu.vector_load %arg8[%swap3A_2548, %swap3A_2549] {strides = array<i32>} : memref<512x64xf32, #tpu.memory_space<vmem>>, vector<16xf32>,
      tpu.vector_store %arg8[%swap3A_2548, %swap3A_2549], %get3A_2545 {strides = array<i32>} : memref<512x64xf32, #tpu.memory_space<vmem>>, vector<16xf32>,
      %get3A_2551 = arith.constant 26 : i32
      %get3A_2552 = arith.index_cast %get3A_2551 : i32 to index
      %get3A_2553 = arith.index_cast %and3A_2540 : i32 to index
      %get3A_2554 = arith.constant 16 : index
      %get3A_2555 = tpu.vector_load %arg7[%get3A_2552, %get3A_2553, %get3A_2554] {strides = array<i32>} : memref<32x8x64xf32, #tpu.memory_space<vmem>>, vector<16xf32>,
      %add3A_2556 = arith.constant 26 : i32
      %add3A_2557 = arith.addi %add3A_11, %add3A_2556 : i32
      %swap3A_2558 = arith.index_cast %add3A_2557 : i32 to index
      %swap3A_2559 = arith.constant 16 : index
      %swap3A_2560 = tpu.vector_load %arg8[%swap3A_2558, %swap3A_2559] {strides = array<i32>} : memref<512x64xf32, #tpu.memory_space<vmem>>, vector<16xf32>,
      tpu.vector_store %arg8[%swap3A_2558, %swap3A_2559], %get3A_2555 {strides = array<i32>} : memref<512x64xf32, #tpu.memory_space<vmem>>, vector<16xf32>,
      %get3A_2561 = arith.constant 26 : i32
      %get3A_2562 = arith.index_cast %get3A_2561 : i32 to index
      %get3A_2563 = arith.index_cast %and3A_2540 : i32 to index
      %get3A_2564 = arith.constant 32 : index
      %get3A_2565 = tpu.vector_load %arg7[%get3A_2562, %get3A_2563, %get3A_2564] {strides = array<i32>} : memref<32x8x64xf32, #tpu.memory_space<vmem>>, vector<16xf32>,
      %add3A_2566 = arith.constant 26 : i32
      %add3A_2567 = arith.addi %add3A_11, %add3A_2566 : i32
      %swap3A_2568 = arith.index_cast %add3A_2567 : i32 to index
      %swap3A_2569 = arith.constant 32 : index
      %swap3A_2570 = tpu.vector_load %arg8[%swap3A_2568, %swap3A_2569] {strides = array<i32>} : memref<512x64xf32, #tpu.memory_space<vmem>>, vector<16xf32>,
      tpu.vector_store %arg8[%swap3A_2568, %swap3A_2569], %get3A_2565 {strides = array<i32>} : memref<512x64xf32, #tpu.memory_space<vmem>>, vector<16xf32>,
      %get3A_2571 = arith.constant 26 : i32
      %get3A_2572 = arith.index_cast %get3A_2571 : i32 to index
      %get3A_2573 = arith.index_cast %and3A_2540 : i32 to index
      %get3A_2574 = arith.constant 48 : index
      %get3A_2575 = tpu.vector_load %arg7[%get3A_2572, %get3A_2573, %get3A_2574] {strides = array<i32>} : memref<32x8x64xf32, #tpu.memory_space<vmem>>, vector<16xf32>,
      %add3A_2576 = arith.constant 26 : i32
      %add3A_2577 = arith.addi %add3A_11, %add3A_2576 : i32
      %swap3A_2578 = arith.index_cast %add3A_2577 : i32 to index
      %swap3A_2579 = arith.constant 48 : index
      %swap3A_2580 = tpu.vector_load %arg8[%swap3A_2578, %swap3A_2579] {strides = array<i32>} : memref<512x64xf32, #tpu.memory_space<vmem>>, vector<16xf32>,
      tpu.vector_store %arg8[%swap3A_2578, %swap3A_2579], %get3A_2575 {strides = array<i32>} : memref<512x64xf32, #tpu.memory_space<vmem>>, vector<16xf32>,
      %and3A_2581 = arith.constant 7 : i32
      %and3A_2582 = arith.andi %reduce_max3A_887, %and3A_2581 : i32
      %get3A_2583 = arith.constant 27 : i32
      %get3A_2584 = arith.index_cast %get3A_2583 : i32 to index
      %get3A_2585 = arith.index_cast %and3A_2582 : i32 to index
      %get3A_2586 = arith.constant 0 : index
      %get3A_2587 = tpu.vector_load %arg7[%get3A_2584, %get3A_2585, %get3A_2586] {strides = array<i32>} : memref<32x8x64xf32, #tpu.memory_space<vmem>>, vector<16xf32>,
      %add3A_2588 = arith.constant 27 : i32
      %add3A_2589 = arith.addi %add3A_11, %add3A_2588 : i32
      %swap3A_2590 = arith.index_cast %add3A_2589 : i32 to index
      %swap3A_2591 = arith.constant 0 : index
      %swap3A_2592 = tpu.vector_load %arg8[%swap3A_2590, %swap3A_2591] {strides = array<i32>} : memref<512x64xf32, #tpu.memory_space<vmem>>, vector<16xf32>,
      tpu.vector_store %arg8[%swap3A_2590, %swap3A_2591], %get3A_2587 {strides = array<i32>} : memref<512x64xf32, #tpu.memory_space<vmem>>, vector<16xf32>,
      %get3A_2593 = arith.constant 27 : i32
      %get3A_2594 = arith.index_cast %get3A_2593 : i32 to index
      %get3A_2595 = arith.index_cast %and3A_2582 : i32 to index
      %get3A_2596 = arith.constant 16 : index
      %get3A_2597 = tpu.vector_load %arg7[%get3A_2594, %get3A_2595, %get3A_2596] {strides = array<i32>} : memref<32x8x64xf32, #tpu.memory_space<vmem>>, vector<16xf32>,
      %add3A_2598 = arith.constant 27 : i32
      %add3A_2599 = arith.addi %add3A_11, %add3A_2598 : i32
      %swap3A_2600 = arith.index_cast %add3A_2599 : i32 to index
      %swap3A_2601 = arith.constant 16 : index
      %swap3A_2602 = tpu.vector_load %arg8[%swap3A_2600, %swap3A_2601] {strides = array<i32>} : memref<512x64xf32, #tpu.memory_space<vmem>>, vector<16xf32>,
      tpu.vector_store %arg8[%swap3A_2600, %swap3A_2601], %get3A_2597 {strides = array<i32>} : memref<512x64xf32, #tpu.memory_space<vmem>>, vector<16xf32>,
      %get3A_2603 = arith.constant 27 : i32
      %get3A_2604 = arith.index_cast %get3A_2603 : i32 to index
      %get3A_2605 = arith.index_cast %and3A_2582 : i32 to index
      %get3A_2606 = arith.constant 32 : index
      %get3A_2607 = tpu.vector_load %arg7[%get3A_2604, %get3A_2605, %get3A_2606] {strides = array<i32>} : memref<32x8x64xf32, #tpu.memory_space<vmem>>, vector<16xf32>,
      %add3A_2608 = arith.constant 27 : i32
      %add3A_2609 = arith.addi %add3A_11, %add3A_2608 : i32
      %swap3A_2610 = arith.index_cast %add3A_2609 : i32 to index
      %swap3A_2611 = arith.constant 32 : index
      %swap3A_2612 = tpu.vector_load %arg8[%swap3A_2610, %swap3A_2611] {strides = array<i32>} : memref<512x64xf32, #tpu.memory_space<vmem>>, vector<16xf32>,
      tpu.vector_store %arg8[%swap3A_2610, %swap3A_2611], %get3A_2607 {strides = array<i32>} : memref<512x64xf32, #tpu.memory_space<vmem>>, vector<16xf32>,
      %get3A_2613 = arith.constant 27 : i32
      %get3A_2614 = arith.index_cast %get3A_2613 : i32 to index
      %get3A_2615 = arith.index_cast %and3A_2582 : i32 to index
      %get3A_2616 = arith.constant 48 : index
      %get3A_2617 = tpu.vector_load %arg7[%get3A_2614, %get3A_2615, %get3A_2616] {strides = array<i32>} : memref<32x8x64xf32, #tpu.memory_space<vmem>>, vector<16xf32>,
      %add3A_2618 = arith.constant 27 : i32
      %add3A_2619 = arith.addi %add3A_11, %add3A_2618 : i32
      %swap3A_2620 = arith.index_cast %add3A_2619 : i32 to index
      %swap3A_2621 = arith.constant 48 : index
      %swap3A_2622 = tpu.vector_load %arg8[%swap3A_2620, %swap3A_2621] {strides = array<i32>} : memref<512x64xf32, #tpu.memory_space<vmem>>, vector<16xf32>,
      tpu.vector_store %arg8[%swap3A_2620, %swap3A_2621], %get3A_2617 {strides = array<i32>} : memref<512x64xf32, #tpu.memory_space<vmem>>, vector<16xf32>,
      %and3A_2623 = arith.constant 7 : i32
      %and3A_2624 = arith.andi %reduce_max3A_919, %and3A_2623 : i32
      %get3A_2625 = arith.constant 28 : i32
      %get3A_2626 = arith.index_cast %get3A_2625 : i32 to index
      %get3A_2627 = arith.index_cast %and3A_2624 : i32 to index
      %get3A_2628 = arith.constant 0 : index
      %get3A_2629 = tpu.vector_load %arg7[%get3A_2626, %get3A_2627, %get3A_2628] {strides = array<i32>} : memref<32x8x64xf32, #tpu.memory_space<vmem>>, vector<16xf32>,
      %add3A_2630 = arith.constant 28 : i32
      %add3A_2631 = arith.addi %add3A_11, %add3A_2630 : i32
      %swap3A_2632 = arith.index_cast %add3A_2631 : i32 to index
      %swap3A_2633 = arith.constant 0 : index
      %swap3A_2634 = tpu.vector_load %arg8[%swap3A_2632, %swap3A_2633] {strides = array<i32>} : memref<512x64xf32, #tpu.memory_space<vmem>>, vector<16xf32>,
      tpu.vector_store %arg8[%swap3A_2632, %swap3A_2633], %get3A_2629 {strides = array<i32>} : memref<512x64xf32, #tpu.memory_space<vmem>>, vector<16xf32>,
      %get3A_2635 = arith.constant 28 : i32
      %get3A_2636 = arith.index_cast %get3A_2635 : i32 to index
      %get3A_2637 = arith.index_cast %and3A_2624 : i32 to index
      %get3A_2638 = arith.constant 16 : index
      %get3A_2639 = tpu.vector_load %arg7[%get3A_2636, %get3A_2637, %get3A_2638] {strides = array<i32>} : memref<32x8x64xf32, #tpu.memory_space<vmem>>, vector<16xf32>,
      %add3A_2640 = arith.constant 28 : i32
      %add3A_2641 = arith.addi %add3A_11, %add3A_2640 : i32
      %swap3A_2642 = arith.index_cast %add3A_2641 : i32 to index
      %swap3A_2643 = arith.constant 16 : index
      %swap3A_2644 = tpu.vector_load %arg8[%swap3A_2642, %swap3A_2643] {strides = array<i32>} : memref<512x64xf32, #tpu.memory_space<vmem>>, vector<16xf32>,
      tpu.vector_store %arg8[%swap3A_2642, %swap3A_2643], %get3A_2639 {strides = array<i32>} : memref<512x64xf32, #tpu.memory_space<vmem>>, vector<16xf32>,
      %get3A_2645 = arith.constant 28 : i32
      %get3A_2646 = arith.index_cast %get3A_2645 : i32 to index
      %get3A_2647 = arith.index_cast %and3A_2624 : i32 to index
      %get3A_2648 = arith.constant 32 : index
      %get3A_2649 = tpu.vector_load %arg7[%get3A_2646, %get3A_2647, %get3A_2648] {strides = array<i32>} : memref<32x8x64xf32, #tpu.memory_space<vmem>>, vector<16xf32>,
      %add3A_2650 = arith.constant 28 : i32
      %add3A_2651 = arith.addi %add3A_11, %add3A_2650 : i32
      %swap3A_2652 = arith.index_cast %add3A_2651 : i32 to index
      %swap3A_2653 = arith.constant 32 : index
      %swap3A_2654 = tpu.vector_load %arg8[%swap3A_2652, %swap3A_2653] {strides = array<i32>} : memref<512x64xf32, #tpu.memory_space<vmem>>, vector<16xf32>,
      tpu.vector_store %arg8[%swap3A_2652, %swap3A_2653], %get3A_2649 {strides = array<i32>} : memref<512x64xf32, #tpu.memory_space<vmem>>, vector<16xf32>,
      %get3A_2655 = arith.constant 28 : i32
      %get3A_2656 = arith.index_cast %get3A_2655 : i32 to index
      %get3A_2657 = arith.index_cast %and3A_2624 : i32 to index
      %get3A_2658 = arith.constant 48 : index
      %get3A_2659 = tpu.vector_load %arg7[%get3A_2656, %get3A_2657, %get3A_2658] {strides = array<i32>} : memref<32x8x64xf32, #tpu.memory_space<vmem>>, vector<16xf32>,
      %add3A_2660 = arith.constant 28 : i32
      %add3A_2661 = arith.addi %add3A_11, %add3A_2660 : i32
      %swap3A_2662 = arith.index_cast %add3A_2661 : i32 to index
      %swap3A_2663 = arith.constant 48 : index
      %swap3A_2664 = tpu.vector_load %arg8[%swap3A_2662, %swap3A_2663] {strides = array<i32>} : memref<512x64xf32, #tpu.memory_space<vmem>>, vector<16xf32>,
      tpu.vector_store %arg8[%swap3A_2662, %swap3A_2663], %get3A_2659 {strides = array<i32>} : memref<512x64xf32, #tpu.memory_space<vmem>>, vector<16xf32>,
      %and3A_2665 = arith.constant 7 : i32
      %and3A_2666 = arith.andi %reduce_max3A_951, %and3A_2665 : i32
      %get3A_2667 = arith.constant 29 : i32
      %get3A_2668 = arith.index_cast %get3A_2667 : i32 to index
      %get3A_2669 = arith.index_cast %and3A_2666 : i32 to index
      %get3A_2670 = arith.constant 0 : index
      %get3A_2671 = tpu.vector_load %arg7[%get3A_2668, %get3A_2669, %get3A_2670] {strides = array<i32>} : memref<32x8x64xf32, #tpu.memory_space<vmem>>, vector<16xf32>,
      %add3A_2672 = arith.constant 29 : i32
      %add3A_2673 = arith.addi %add3A_11, %add3A_2672 : i32
      %swap3A_2674 = arith.index_cast %add3A_2673 : i32 to index
      %swap3A_2675 = arith.constant 0 : index
      %swap3A_2676 = tpu.vector_load %arg8[%swap3A_2674, %swap3A_2675] {strides = array<i32>} : memref<512x64xf32, #tpu.memory_space<vmem>>, vector<16xf32>,
      tpu.vector_store %arg8[%swap3A_2674, %swap3A_2675], %get3A_2671 {strides = array<i32>} : memref<512x64xf32, #tpu.memory_space<vmem>>, vector<16xf32>,
      %get3A_2677 = arith.constant 29 : i32
      %get3A_2678 = arith.index_cast %get3A_2677 : i32 to index
      %get3A_2679 = arith.index_cast %and3A_2666 : i32 to index
      %get3A_2680 = arith.constant 16 : index
      %get3A_2681 = tpu.vector_load %arg7[%get3A_2678, %get3A_2679, %get3A_2680] {strides = array<i32>} : memref<32x8x64xf32, #tpu.memory_space<vmem>>, vector<16xf32>,
      %add3A_2682 = arith.constant 29 : i32
      %add3A_2683 = arith.addi %add3A_11, %add3A_2682 : i32
      %swap3A_2684 = arith.index_cast %add3A_2683 : i32 to index
      %swap3A_2685 = arith.constant 16 : index
      %swap3A_2686 = tpu.vector_load %arg8[%swap3A_2684, %swap3A_2685] {strides = array<i32>} : memref<512x64xf32, #tpu.memory_space<vmem>>, vector<16xf32>,
      tpu.vector_store %arg8[%swap3A_2684, %swap3A_2685], %get3A_2681 {strides = array<i32>} : memref<512x64xf32, #tpu.memory_space<vmem>>, vector<16xf32>,
      %get3A_2687 = arith.constant 29 : i32
      %get3A_2688 = arith.index_cast %get3A_2687 : i32 to index
      %get3A_2689 = arith.index_cast %and3A_2666 : i32 to index
      %get3A_2690 = arith.constant 32 : index
      %get3A_2691 = tpu.vector_load %arg7[%get3A_2688, %get3A_2689, %get3A_2690] {strides = array<i32>} : memref<32x8x64xf32, #tpu.memory_space<vmem>>, vector<16xf32>,
      %add3A_2692 = arith.constant 29 : i32
      %add3A_2693 = arith.addi %add3A_11, %add3A_2692 : i32
      %swap3A_2694 = arith.index_cast %add3A_2693 : i32 to index
      %swap3A_2695 = arith.constant 32 : index
      %swap3A_2696 = tpu.vector_load %arg8[%swap3A_2694, %swap3A_2695] {strides = array<i32>} : memref<512x64xf32, #tpu.memory_space<vmem>>, vector<16xf32>,
      tpu.vector_store %arg8[%swap3A_2694, %swap3A_2695], %get3A_2691 {strides = array<i32>} : memref<512x64xf32, #tpu.memory_space<vmem>>, vector<16xf32>,
      %get3A_2697 = arith.constant 29 : i32
      %get3A_2698 = arith.index_cast %get3A_2697 : i32 to index
      %get3A_2699 = arith.index_cast %and3A_2666 : i32 to index
      %get3A_2700 = arith.constant 48 : index
      %get3A_2701 = tpu.vector_load %arg7[%get3A_2698, %get3A_2699, %get3A_2700] {strides = array<i32>} : memref<32x8x64xf32, #tpu.memory_space<vmem>>, vector<16xf32>,
      %add3A_2702 = arith.constant 29 : i32
      %add3A_2703 = arith.addi %add3A_11, %add3A_2702 : i32
      %swap3A_2704 = arith.index_cast %add3A_2703 : i32 to index
      %swap3A_2705 = arith.constant 48 : index
      %swap3A_2706 = tpu.vector_load %arg8[%swap3A_2704, %swap3A_2705] {strides = array<i32>} : memref<512x64xf32, #tpu.memory_space<vmem>>, vector<16xf32>,
      tpu.vector_store %arg8[%swap3A_2704, %swap3A_2705], %get3A_2701 {strides = array<i32>} : memref<512x64xf32, #tpu.memory_space<vmem>>, vector<16xf32>,
      %and3A_2707 = arith.constant 7 : i32
      %and3A_2708 = arith.andi %reduce_max3A_983, %and3A_2707 : i32
      %get3A_2709 = arith.constant 30 : i32
      %get3A_2710 = arith.index_cast %get3A_2709 : i32 to index
      %get3A_2711 = arith.index_cast %and3A_2708 : i32 to index
      %get3A_2712 = arith.constant 0 : index
      %get3A_2713 = tpu.vector_load %arg7[%get3A_2710, %get3A_2711, %get3A_2712] {strides = array<i32>} : memref<32x8x64xf32, #tpu.memory_space<vmem>>, vector<16xf32>,
      %add3A_2714 = arith.constant 30 : i32
      %add3A_2715 = arith.addi %add3A_11, %add3A_2714 : i32
      %swap3A_2716 = arith.index_cast %add3A_2715 : i32 to index
      %swap3A_2717 = arith.constant 0 : index
      %swap3A_2718 = tpu.vector_load %arg8[%swap3A_2716, %swap3A_2717] {strides = array<i32>} : memref<512x64xf32, #tpu.memory_space<vmem>>, vector<16xf32>,
      tpu.vector_store %arg8[%swap3A_2716, %swap3A_2717], %get3A_2713 {strides = array<i32>} : memref<512x64xf32, #tpu.memory_space<vmem>>, vector<16xf32>,
      %get3A_2719 = arith.constant 30 : i32
      %get3A_2720 = arith.index_cast %get3A_2719 : i32 to index
      %get3A_2721 = arith.index_cast %and3A_2708 : i32 to index
      %get3A_2722 = arith.constant 16 : index
      %get3A_2723 = tpu.vector_load %arg7[%get3A_2720, %get3A_2721, %get3A_2722] {strides = array<i32>} : memref<32x8x64xf32, #tpu.memory_space<vmem>>, vector<16xf32>,
      %add3A_2724 = arith.constant 30 : i32
      %add3A_2725 = arith.addi %add3A_11, %add3A_2724 : i32
      %swap3A_2726 = arith.index_cast %add3A_2725 : i32 to index
      %swap3A_2727 = arith.constant 16 : index
      %swap3A_2728 = tpu.vector_load %arg8[%swap3A_2726, %swap3A_2727] {strides = array<i32>} : memref<512x64xf32, #tpu.memory_space<vmem>>, vector<16xf32>,
      tpu.vector_store %arg8[%swap3A_2726, %swap3A_2727], %get3A_2723 {strides = array<i32>} : memref<512x64xf32, #tpu.memory_space<vmem>>, vector<16xf32>,
      %get3A_2729 = arith.constant 30 : i32
      %get3A_2730 = arith.index_cast %get3A_2729 : i32 to index
      %get3A_2731 = arith.index_cast %and3A_2708 : i32 to index
      %get3A_2732 = arith.constant 32 : index
      %get3A_2733 = tpu.vector_load %arg7[%get3A_2730, %get3A_2731, %get3A_2732] {strides = array<i32>} : memref<32x8x64xf32, #tpu.memory_space<vmem>>, vector<16xf32>,
      %add3A_2734 = arith.constant 30 : i32
      %add3A_2735 = arith.addi %add3A_11, %add3A_2734 : i32
      %swap3A_2736 = arith.index_cast %add3A_2735 : i32 to index
      %swap3A_2737 = arith.constant 32 : index
      %swap3A_2738 = tpu.vector_load %arg8[%swap3A_2736, %swap3A_2737] {strides = array<i32>} : memref<512x64xf32, #tpu.memory_space<vmem>>, vector<16xf32>,
      tpu.vector_store %arg8[%swap3A_2736, %swap3A_2737], %get3A_2733 {strides = array<i32>} : memref<512x64xf32, #tpu.memory_space<vmem>>, vector<16xf32>,
      %get3A_2739 = arith.constant 30 : i32
      %get3A_2740 = arith.index_cast %get3A_2739 : i32 to index
      %get3A_2741 = arith.index_cast %and3A_2708 : i32 to index
      %get3A_2742 = arith.constant 48 : index
      %get3A_2743 = tpu.vector_load %arg7[%get3A_2740, %get3A_2741, %get3A_2742] {strides = array<i32>} : memref<32x8x64xf32, #tpu.memory_space<vmem>>, vector<16xf32>,
      %add3A_2744 = arith.constant 30 : i32
      %add3A_2745 = arith.addi %add3A_11, %add3A_2744 : i32
      %swap3A_2746 = arith.index_cast %add3A_2745 : i32 to index
      %swap3A_2747 = arith.constant 48 : index
      %swap3A_2748 = tpu.vector_load %arg8[%swap3A_2746, %swap3A_2747] {strides = array<i32>} : memref<512x64xf32, #tpu.memory_space<vmem>>, vector<16xf32>,
      tpu.vector_store %arg8[%swap3A_2746, %swap3A_2747], %get3A_2743 {strides = array<i32>} : memref<512x64xf32, #tpu.memory_space<vmem>>, vector<16xf32>,
      %and3A_2749 = arith.constant 7 : i32
      %and3A_2750 = arith.andi %reduce_max3A_1015, %and3A_2749 : i32
      %get3A_2751 = arith.constant 31 : i32
      %get3A_2752 = arith.index_cast %get3A_2751 : i32 to index
      %get3A_2753 = arith.index_cast %and3A_2750 : i32 to index
      %get3A_2754 = arith.constant 0 : index
      %get3A_2755 = tpu.vector_load %arg7[%get3A_2752, %get3A_2753, %get3A_2754] {strides = array<i32>} : memref<32x8x64xf32, #tpu.memory_space<vmem>>, vector<16xf32>,
      %add3A_2756 = arith.constant 31 : i32
      %add3A_2757 = arith.addi %add3A_11, %add3A_2756 : i32
      %swap3A_2758 = arith.index_cast %add3A_2757 : i32 to index
      %swap3A_2759 = arith.constant 0 : index
      %swap3A_2760 = tpu.vector_load %arg8[%swap3A_2758, %swap3A_2759] {strides = array<i32>} : memref<512x64xf32, #tpu.memory_space<vmem>>, vector<16xf32>,
      tpu.vector_store %arg8[%swap3A_2758, %swap3A_2759], %get3A_2755 {strides = array<i32>} : memref<512x64xf32, #tpu.memory_space<vmem>>, vector<16xf32>,
      %get3A_2761 = arith.constant 31 : i32
      %get3A_2762 = arith.index_cast %get3A_2761 : i32 to index
      %get3A_2763 = arith.index_cast %and3A_2750 : i32 to index
      %get3A_2764 = arith.constant 16 : index
      %get3A_2765 = tpu.vector_load %arg7[%get3A_2762, %get3A_2763, %get3A_2764] {strides = array<i32>} : memref<32x8x64xf32, #tpu.memory_space<vmem>>, vector<16xf32>,
      %add3A_2766 = arith.constant 31 : i32
      %add3A_2767 = arith.addi %add3A_11, %add3A_2766 : i32
      %swap3A_2768 = arith.index_cast %add3A_2767 : i32 to index
      %swap3A_2769 = arith.constant 16 : index
      %swap3A_2770 = tpu.vector_load %arg8[%swap3A_2768, %swap3A_2769] {strides = array<i32>} : memref<512x64xf32, #tpu.memory_space<vmem>>, vector<16xf32>,
      tpu.vector_store %arg8[%swap3A_2768, %swap3A_2769], %get3A_2765 {strides = array<i32>} : memref<512x64xf32, #tpu.memory_space<vmem>>, vector<16xf32>,
      %get3A_2771 = arith.constant 31 : i32
      %get3A_2772 = arith.index_cast %get3A_2771 : i32 to index
      %get3A_2773 = arith.index_cast %and3A_2750 : i32 to index
      %get3A_2774 = arith.constant 32 : index
      %get3A_2775 = tpu.vector_load %arg7[%get3A_2772, %get3A_2773, %get3A_2774] {strides = array<i32>} : memref<32x8x64xf32, #tpu.memory_space<vmem>>, vector<16xf32>,
      %add3A_2776 = arith.constant 31 : i32
      %add3A_2777 = arith.addi %add3A_11, %add3A_2776 : i32
      %swap3A_2778 = arith.index_cast %add3A_2777 : i32 to index
      %swap3A_2779 = arith.constant 32 : index
      %swap3A_2780 = tpu.vector_load %arg8[%swap3A_2778, %swap3A_2779] {strides = array<i32>} : memref<512x64xf32, #tpu.memory_space<vmem>>, vector<16xf32>,
      tpu.vector_store %arg8[%swap3A_2778, %swap3A_2779], %get3A_2775 {strides = array<i32>} : memref<512x64xf32, #tpu.memory_space<vmem>>, vector<16xf32>,
      %get3A_2781 = arith.constant 31 : i32
      %get3A_2782 = arith.index_cast %get3A_2781 : i32 to index
      %get3A_2783 = arith.index_cast %and3A_2750 : i32 to index
      %get3A_2784 = arith.constant 48 : index
      %get3A_2785 = tpu.vector_load %arg7[%get3A_2782, %get3A_2783, %get3A_2784] {strides = array<i32>} : memref<32x8x64xf32, #tpu.memory_space<vmem>>, vector<16xf32>,
      %add3A_2786 = arith.constant 31 : i32
      %add3A_2787 = arith.addi %add3A_11, %add3A_2786 : i32
      %swap3A_2788 = arith.index_cast %add3A_2787 : i32 to index
      %swap3A_2789 = arith.constant 48 : index
      %swap3A_2790 = tpu.vector_load %arg8[%swap3A_2788, %swap3A_2789] {strides = array<i32>} : memref<512x64xf32, #tpu.memory_space<vmem>>, vector<16xf32>,
      tpu.vector_store %arg8[%swap3A_2788, %swap3A_2789], %get3A_2785 {strides = array<i32>} : memref<512x64xf32, #tpu.memory_space<vmem>>, vector<16xf32>,
    }
    %scan3A_6 = arith.constant 16 : i32
    "tpu.region"() ({
      %run_scoped3A = tpu.sem_alloc : memref<!tpu.dma_semaphore, #tpu.memory_space<semaphore_mem>>
      %dma_start3A = arith.constant 0 : i32
      %dma_start3A_7 = tpu.memref_slice %arg5[%mul3A_2, %dma_start3A] : memref<16384x64xf32, #tpu.memory_space<hbm>> -> memref<512x64xf32, #tpu.memory_space<hbm>>
      %dma_start3A_8 = arith.constant 0 : i32
      %dma_start3A_9 = tpu.memref_slice %arg5[%mul3A_2, %dma_start3A_8] : memref<16384x64xf32, #tpu.memory_space<hbm>> -> memref<512x64xf32, #tpu.memory_space<hbm>>
      tpu.enqueue_dma source(%arg8 : memref<512x64xf32, #tpu.memory_space<vmem>>) target(%dma_start3A_9 : memref<512x64xf32, #tpu.memory_space<hbm>>) target_semaphore(%run_scoped3A : memref<!tpu.dma_semaphore, #tpu.memory_space<semaphore_mem>>)
      %dma_wait3A = arith.constant 0 : i32
      %dma_wait3A_10 = tpu.memref_slice %arg5[%mul3A_2, %dma_wait3A] : memref<16384x64xf32, #tpu.memory_space<hbm>> -> memref<512x64xf32, #tpu.memory_space<hbm>>
      %dma_wait3A_11 = arith.constant 0 : i32
      %dma_wait3A_12 = tpu.memref_slice %arg5[%mul3A_2, %dma_wait3A_11] : memref<16384x64xf32, #tpu.memory_space<hbm>> -> memref<512x64xf32, #tpu.memory_space<hbm>>
      tpu.wait_dma2 semaphore(%run_scoped3A : memref<!tpu.dma_semaphore, #tpu.memory_space<semaphore_mem>>) src(%arg8 : memref<512x64xf32, #tpu.memory_space<vmem>>) dst(%dma_wait3A_12 : memref<512x64xf32, #tpu.memory_space<hbm>>)
      tpu.yield
    }) : () -> ()
    return
  }
}

#map = affine_map<(d0, d1) -> (0, 0)>
module attributes {stable_mosaic.version = 14 : i64} {
  func.func @k(%arg0: i32, %arg1: i32, %arg2: memref<16384x112xi32, #tpu.memory_space<hbm>>, %arg3: memref<16384x128xf32, #tpu.memory_space<hbm>>, %arg4: memref<128x112xi32, #tpu.memory_space<vmem>>, %arg5: memref<128x128xf32, #tpu.memory_space<vmem>>, %arg6: memref<!tpu.dma_semaphore, #tpu.memory_space<semaphore_mem>>) attributes {dimension_semantics = [#tpu.dimension_semantics<core_parallel>, #tpu.dimension_semantics<subcore_parallel>], iteration_bounds = array<i64: 2, 16>, scalar_prefetch = 0 : i64, scratch_operands = 3 : i64, tpu.core_type = #tpu.core_type<sc_vector_subcore>, window_params = [{transform_indices = #map}, {transform_indices = #map}]} {
    %mul3A = arith.constant 2 : i32
    %mul3A_0 = arith.muli %arg1, %mul3A : i32
    %add3A = arith.addi %mul3A_0, %arg0 : i32
    %broadcast_in_dim3A = arith.constant 1.000000e+00 : f32
    %broadcast_in_dim3A_1 = vector.broadcast %broadcast_in_dim3A : f32 to vector<16xf32>
    %broadcast_in_dim3A_2 = arith.constant 0.000000e+00 : f32
    %broadcast_in_dim3A_3 = vector.broadcast %broadcast_in_dim3A_2 : f32 to vector<16xf32>
    %iota3A = tpu.iota {dimensions = array<i32: 0>} : vector<16xi32>
    %lt3A = arith.constant 4 : i32
    %lt3A_4 = vector.broadcast %lt3A : i32 to vector<16xi32>
    %lt3A_5 = arith.cmpi slt, %iota3A, %lt3A_4 : vector<16xi32>
    %mul3A_6 = arith.constant 512 : i32
    %mul3A_7 = arith.muli %add3A, %mul3A_6 : i32
    %add3A_8 = arith.constant 0 : i32
    %add3A_9 = arith.addi %mul3A_7, %add3A_8 : i32
    %dma_start3A = arith.constant 0 : i32
    %dma_start3A_10 = tpu.memref_slice %arg2[%add3A_9, %dma_start3A] : memref<16384x112xi32, #tpu.memory_space<hbm>> -> memref<128x112xi32, #tpu.memory_space<hbm>>
    %dma_start3A_11 = arith.constant 0 : i32
    %dma_start3A_12 = tpu.memref_slice %arg2[%add3A_9, %dma_start3A_11] : memref<16384x112xi32, #tpu.memory_space<hbm>> -> memref<128x112xi32, #tpu.memory_space<hbm>>
    tpu.enqueue_dma source(%dma_start3A_12 : memref<128x112xi32, #tpu.memory_space<hbm>>) target(%arg4 : memref<128x112xi32, #tpu.memory_space<vmem>>) target_semaphore(%arg6 : memref<!tpu.dma_semaphore, #tpu.memory_space<semaphore_mem>>)
    %scan3A = arith.constant 0 : i32
    %scan3A_13 = arith.constant 128 : i32
    %scan3A_14 = arith.addi %scan3A, %scan3A_13 : i32
    %scan3A_15 = arith.constant 1 : i32
    scf.for %scan3A_91 = %scan3A to %scan3A_14 step %scan3A_15  : i32 {
      %mul3A_92 = arith.constant 1 : i32
      %mul3A_93 = arith.muli %scan3A_91, %mul3A_92 : i32
      %add3A_94 = arith.constant 0 : i32
      %add3A_95 = arith.addi %add3A_94, %mul3A_93 : i32
      %swap3A = arith.index_cast %add3A_95 : i32 to index
      %swap3A_96 = arith.constant 0 : index
      %swap3A_97 = tpu.vector_load %arg5[%swap3A, %swap3A_96] {strides = array<i32>} : memref<128x128xf32, #tpu.memory_space<vmem>>, vector<16xf32>,
      tpu.vector_store %arg5[%swap3A, %swap3A_96], %broadcast_in_dim3A_3 {strides = array<i32>} : memref<128x128xf32, #tpu.memory_space<vmem>>, vector<16xf32>,
      %swap3A_98 = arith.index_cast %add3A_95 : i32 to index
      %swap3A_99 = arith.constant 16 : index
      %swap3A_100 = tpu.vector_load %arg5[%swap3A_98, %swap3A_99] {strides = array<i32>} : memref<128x128xf32, #tpu.memory_space<vmem>>, vector<16xf32>,
      tpu.vector_store %arg5[%swap3A_98, %swap3A_99], %broadcast_in_dim3A_3 {strides = array<i32>} : memref<128x128xf32, #tpu.memory_space<vmem>>, vector<16xf32>,
      %swap3A_101 = arith.index_cast %add3A_95 : i32 to index
      %swap3A_102 = arith.constant 32 : index
      %swap3A_103 = tpu.vector_load %arg5[%swap3A_101, %swap3A_102] {strides = array<i32>} : memref<128x128xf32, #tpu.memory_space<vmem>>, vector<16xf32>,
      tpu.vector_store %arg5[%swap3A_101, %swap3A_102], %broadcast_in_dim3A_3 {strides = array<i32>} : memref<128x128xf32, #tpu.memory_space<vmem>>, vector<16xf32>,
      %swap3A_104 = arith.index_cast %add3A_95 : i32 to index
      %swap3A_105 = arith.constant 48 : index
      %swap3A_106 = tpu.vector_load %arg5[%swap3A_104, %swap3A_105] {strides = array<i32>} : memref<128x128xf32, #tpu.memory_space<vmem>>, vector<16xf32>,
      tpu.vector_store %arg5[%swap3A_104, %swap3A_105], %broadcast_in_dim3A_3 {strides = array<i32>} : memref<128x128xf32, #tpu.memory_space<vmem>>, vector<16xf32>,
      %swap3A_107 = arith.index_cast %add3A_95 : i32 to index
      %swap3A_108 = arith.constant 64 : index
      %swap3A_109 = tpu.vector_load %arg5[%swap3A_107, %swap3A_108] {strides = array<i32>} : memref<128x128xf32, #tpu.memory_space<vmem>>, vector<16xf32>,
      tpu.vector_store %arg5[%swap3A_107, %swap3A_108], %broadcast_in_dim3A_3 {strides = array<i32>} : memref<128x128xf32, #tpu.memory_space<vmem>>, vector<16xf32>,
      %swap3A_110 = arith.index_cast %add3A_95 : i32 to index
      %swap3A_111 = arith.constant 80 : index
      %swap3A_112 = tpu.vector_load %arg5[%swap3A_110, %swap3A_111] {strides = array<i32>} : memref<128x128xf32, #tpu.memory_space<vmem>>, vector<16xf32>,
      tpu.vector_store %arg5[%swap3A_110, %swap3A_111], %broadcast_in_dim3A_3 {strides = array<i32>} : memref<128x128xf32, #tpu.memory_space<vmem>>, vector<16xf32>,
      %swap3A_113 = arith.index_cast %add3A_95 : i32 to index
      %swap3A_114 = arith.constant 96 : index
      %swap3A_115 = tpu.vector_load %arg5[%swap3A_113, %swap3A_114] {strides = array<i32>} : memref<128x128xf32, #tpu.memory_space<vmem>>, vector<16xf32>,
      tpu.vector_store %arg5[%swap3A_113, %swap3A_114], %broadcast_in_dim3A_3 {strides = array<i32>} : memref<128x128xf32, #tpu.memory_space<vmem>>, vector<16xf32>,
      %swap3A_116 = arith.index_cast %add3A_95 : i32 to index
      %swap3A_117 = arith.constant 112 : index
      %swap3A_118 = tpu.vector_load %arg5[%swap3A_116, %swap3A_117] {strides = array<i32>} : memref<128x128xf32, #tpu.memory_space<vmem>>, vector<16xf32>,
      tpu.vector_store %arg5[%swap3A_116, %swap3A_117], %broadcast_in_dim3A_3 {strides = array<i32>} : memref<128x128xf32, #tpu.memory_space<vmem>>, vector<16xf32>,
    }
    %scan3A_16 = arith.constant 128 : i32
    %dma_wait3A = arith.constant 0 : i32
    %dma_wait3A_17 = tpu.memref_slice %arg2[%add3A_9, %dma_wait3A] : memref<16384x112xi32, #tpu.memory_space<hbm>> -> memref<128x112xi32, #tpu.memory_space<hbm>>
    %dma_wait3A_18 = arith.constant 0 : i32
    %dma_wait3A_19 = tpu.memref_slice %arg2[%add3A_9, %dma_wait3A_18] : memref<16384x112xi32, #tpu.memory_space<hbm>> -> memref<128x112xi32, #tpu.memory_space<hbm>>
    tpu.wait_dma2 semaphore(%arg6 : memref<!tpu.dma_semaphore, #tpu.memory_space<semaphore_mem>>) src(%dma_wait3A_19 : memref<128x112xi32, #tpu.memory_space<hbm>>) dst(%arg4 : memref<128x112xi32, #tpu.memory_space<vmem>>)
    %scan3A_20 = arith.constant 0 : i32
    %scan3A_21 = arith.constant 128 : i32
    %scan3A_22 = arith.addi %scan3A_20, %scan3A_21 : i32
    %scan3A_23 = arith.constant 1 : i32
    scf.for %scan3A_91 = %scan3A_20 to %scan3A_22 step %scan3A_23  : i32 {
      %mul3A_92 = arith.constant 1 : i32
      %mul3A_93 = arith.muli %scan3A_91, %mul3A_92 : i32
      %add3A_94 = arith.constant 0 : i32
      %add3A_95 = arith.addi %add3A_94, %mul3A_93 : i32
      %broadcast_in_dim3A_96 = vector.broadcast %add3A_95 : i32 to vector<16xi32>
      %get3A = arith.index_cast %add3A_95 : i32 to index
      %get3A_97 = arith.constant 0 : index
      %get3A_98 = tpu.vector_load %arg4[%get3A, %get3A_97] {strides = array<i32>} : memref<128x112xi32, #tpu.memory_space<vmem>>, vector<16xi32>,
      tpu.vector_store_idx %arg5[%broadcast_in_dim3A_96, %get3A_98], %broadcast_in_dim3A_1 {add = true} : memref<128x128xf32, #tpu.memory_space<vmem>>[vector<16xi32>, vector<16xi32>], vector<16xf32>,
      %get3A_99 = arith.index_cast %add3A_95 : i32 to index
      %get3A_100 = arith.constant 16 : index
      %get3A_101 = tpu.vector_load %arg4[%get3A_99, %get3A_100] {strides = array<i32>} : memref<128x112xi32, #tpu.memory_space<vmem>>, vector<16xi32>,
      tpu.vector_store_idx %arg5[%broadcast_in_dim3A_96, %get3A_101], %broadcast_in_dim3A_1 {add = true} : memref<128x128xf32, #tpu.memory_space<vmem>>[vector<16xi32>, vector<16xi32>], vector<16xf32>,
      %get3A_102 = arith.index_cast %add3A_95 : i32 to index
      %get3A_103 = arith.constant 32 : index
      %get3A_104 = tpu.vector_load %arg4[%get3A_102, %get3A_103] {strides = array<i32>} : memref<128x112xi32, #tpu.memory_space<vmem>>, vector<16xi32>,
      tpu.vector_store_idx %arg5[%broadcast_in_dim3A_96, %get3A_104], %broadcast_in_dim3A_1 {add = true} : memref<128x128xf32, #tpu.memory_space<vmem>>[vector<16xi32>, vector<16xi32>], vector<16xf32>,
      %get3A_105 = arith.index_cast %add3A_95 : i32 to index
      %get3A_106 = arith.constant 48 : index
      %get3A_107 = tpu.vector_load %arg4[%get3A_105, %get3A_106] {strides = array<i32>} : memref<128x112xi32, #tpu.memory_space<vmem>>, vector<16xi32>,
      tpu.vector_store_idx %arg5[%broadcast_in_dim3A_96, %get3A_107], %broadcast_in_dim3A_1 {add = true} : memref<128x128xf32, #tpu.memory_space<vmem>>[vector<16xi32>, vector<16xi32>], vector<16xf32>,
      %get3A_108 = arith.index_cast %add3A_95 : i32 to index
      %get3A_109 = arith.constant 64 : index
      %get3A_110 = tpu.vector_load %arg4[%get3A_108, %get3A_109] {strides = array<i32>} : memref<128x112xi32, #tpu.memory_space<vmem>>, vector<16xi32>,
      tpu.vector_store_idx %arg5[%broadcast_in_dim3A_96, %get3A_110], %broadcast_in_dim3A_1 {add = true} : memref<128x128xf32, #tpu.memory_space<vmem>>[vector<16xi32>, vector<16xi32>], vector<16xf32>,
      %get3A_111 = arith.index_cast %add3A_95 : i32 to index
      %get3A_112 = arith.constant 80 : index
      %get3A_113 = tpu.vector_load %arg4[%get3A_111, %get3A_112] {strides = array<i32>} : memref<128x112xi32, #tpu.memory_space<vmem>>, vector<16xi32>,
      tpu.vector_store_idx %arg5[%broadcast_in_dim3A_96, %get3A_113], %broadcast_in_dim3A_1 {add = true} : memref<128x128xf32, #tpu.memory_space<vmem>>[vector<16xi32>, vector<16xi32>], vector<16xf32>,
      %get3A_114 = arith.index_cast %add3A_95 : i32 to index
      %get3A_115 = arith.constant 96 : index
      %get3A_116 = tpu.vector_load %arg4[%get3A_114, %get3A_115] {strides = array<i32>} : memref<128x112xi32, #tpu.memory_space<vmem>>, vector<16xi32>,
      tpu.vector_store_idx %arg5[%broadcast_in_dim3A_96, %get3A_116], %broadcast_in_dim3A_1 masked %lt3A_5 {add = true} : memref<128x128xf32, #tpu.memory_space<vmem>>[vector<16xi32>, vector<16xi32>], vector<16xf32>, vector<16xi1>
    }
    %scan3A_24 = arith.constant 128 : i32
    "tpu.region"() ({
      %run_scoped3A = tpu.sem_alloc : memref<!tpu.dma_semaphore, #tpu.memory_space<semaphore_mem>>
      %dma_start3A_91 = arith.constant 0 : i32
      %dma_start3A_92 = tpu.memref_slice %arg3[%add3A_9, %dma_start3A_91] : memref<16384x128xf32, #tpu.memory_space<hbm>> -> memref<128x128xf32, #tpu.memory_space<hbm>>
      %dma_start3A_93 = arith.constant 0 : i32
      %dma_start3A_94 = tpu.memref_slice %arg3[%add3A_9, %dma_start3A_93] : memref<16384x128xf32, #tpu.memory_space<hbm>> -> memref<128x128xf32, #tpu.memory_space<hbm>>
      tpu.enqueue_dma source(%arg5 : memref<128x128xf32, #tpu.memory_space<vmem>>) target(%dma_start3A_94 : memref<128x128xf32, #tpu.memory_space<hbm>>) target_semaphore(%run_scoped3A : memref<!tpu.dma_semaphore, #tpu.memory_space<semaphore_mem>>)
      %dma_wait3A_95 = arith.constant 0 : i32
      %dma_wait3A_96 = tpu.memref_slice %arg3[%add3A_9, %dma_wait3A_95] : memref<16384x128xf32, #tpu.memory_space<hbm>> -> memref<128x128xf32, #tpu.memory_space<hbm>>
      %dma_wait3A_97 = arith.constant 0 : i32
      %dma_wait3A_98 = tpu.memref_slice %arg3[%add3A_9, %dma_wait3A_97] : memref<16384x128xf32, #tpu.memory_space<hbm>> -> memref<128x128xf32, #tpu.memory_space<hbm>>
      tpu.wait_dma2 semaphore(%run_scoped3A : memref<!tpu.dma_semaphore, #tpu.memory_space<semaphore_mem>>) src(%arg5 : memref<128x128xf32, #tpu.memory_space<vmem>>) dst(%dma_wait3A_98 : memref<128x128xf32, #tpu.memory_space<hbm>>)
      tpu.yield
    }) : () -> ()
    %mul3A_25 = arith.constant 512 : i32
    %mul3A_26 = arith.muli %add3A, %mul3A_25 : i32
    %add3A_27 = arith.constant 128 : i32
    %add3A_28 = arith.addi %mul3A_26, %add3A_27 : i32
    %dma_start3A_29 = arith.constant 0 : i32
    %dma_start3A_30 = tpu.memref_slice %arg2[%add3A_28, %dma_start3A_29] : memref<16384x112xi32, #tpu.memory_space<hbm>> -> memref<128x112xi32, #tpu.memory_space<hbm>>
    %dma_start3A_31 = arith.constant 0 : i32
    %dma_start3A_32 = tpu.memref_slice %arg2[%add3A_28, %dma_start3A_31] : memref<16384x112xi32, #tpu.memory_space<hbm>> -> memref<128x112xi32, #tpu.memory_space<hbm>>
    tpu.enqueue_dma source(%dma_start3A_32 : memref<128x112xi32, #tpu.memory_space<hbm>>) target(%arg4 : memref<128x112xi32, #tpu.memory_space<vmem>>) target_semaphore(%arg6 : memref<!tpu.dma_semaphore, #tpu.memory_space<semaphore_mem>>)
    %scan3A_33 = arith.constant 0 : i32
    %scan3A_34 = arith.constant 128 : i32
    %scan3A_35 = arith.addi %scan3A_33, %scan3A_34 : i32
    %scan3A_36 = arith.constant 1 : i32
    scf.for %scan3A_91 = %scan3A_33 to %scan3A_35 step %scan3A_36  : i32 {
      %mul3A_92 = arith.constant 1 : i32
      %mul3A_93 = arith.muli %scan3A_91, %mul3A_92 : i32
      %add3A_94 = arith.constant 0 : i32
      %add3A_95 = arith.addi %add3A_94, %mul3A_93 : i32
      %swap3A = arith.index_cast %add3A_95 : i32 to index
      %swap3A_96 = arith.constant 0 : index
      %swap3A_97 = tpu.vector_load %arg5[%swap3A, %swap3A_96] {strides = array<i32>} : memref<128x128xf32, #tpu.memory_space<vmem>>, vector<16xf32>,
      tpu.vector_store %arg5[%swap3A, %swap3A_96], %broadcast_in_dim3A_3 {strides = array<i32>} : memref<128x128xf32, #tpu.memory_space<vmem>>, vector<16xf32>,
      %swap3A_98 = arith.index_cast %add3A_95 : i32 to index
      %swap3A_99 = arith.constant 16 : index
      %swap3A_100 = tpu.vector_load %arg5[%swap3A_98, %swap3A_99] {strides = array<i32>} : memref<128x128xf32, #tpu.memory_space<vmem>>, vector<16xf32>,
      tpu.vector_store %arg5[%swap3A_98, %swap3A_99], %broadcast_in_dim3A_3 {strides = array<i32>} : memref<128x128xf32, #tpu.memory_space<vmem>>, vector<16xf32>,
      %swap3A_101 = arith.index_cast %add3A_95 : i32 to index
      %swap3A_102 = arith.constant 32 : index
      %swap3A_103 = tpu.vector_load %arg5[%swap3A_101, %swap3A_102] {strides = array<i32>} : memref<128x128xf32, #tpu.memory_space<vmem>>, vector<16xf32>,
      tpu.vector_store %arg5[%swap3A_101, %swap3A_102], %broadcast_in_dim3A_3 {strides = array<i32>} : memref<128x128xf32, #tpu.memory_space<vmem>>, vector<16xf32>,
      %swap3A_104 = arith.index_cast %add3A_95 : i32 to index
      %swap3A_105 = arith.constant 48 : index
      %swap3A_106 = tpu.vector_load %arg5[%swap3A_104, %swap3A_105] {strides = array<i32>} : memref<128x128xf32, #tpu.memory_space<vmem>>, vector<16xf32>,
      tpu.vector_store %arg5[%swap3A_104, %swap3A_105], %broadcast_in_dim3A_3 {strides = array<i32>} : memref<128x128xf32, #tpu.memory_space<vmem>>, vector<16xf32>,
      %swap3A_107 = arith.index_cast %add3A_95 : i32 to index
      %swap3A_108 = arith.constant 64 : index
      %swap3A_109 = tpu.vector_load %arg5[%swap3A_107, %swap3A_108] {strides = array<i32>} : memref<128x128xf32, #tpu.memory_space<vmem>>, vector<16xf32>,
      tpu.vector_store %arg5[%swap3A_107, %swap3A_108], %broadcast_in_dim3A_3 {strides = array<i32>} : memref<128x128xf32, #tpu.memory_space<vmem>>, vector<16xf32>,
      %swap3A_110 = arith.index_cast %add3A_95 : i32 to index
      %swap3A_111 = arith.constant 80 : index
      %swap3A_112 = tpu.vector_load %arg5[%swap3A_110, %swap3A_111] {strides = array<i32>} : memref<128x128xf32, #tpu.memory_space<vmem>>, vector<16xf32>,
      tpu.vector_store %arg5[%swap3A_110, %swap3A_111], %broadcast_in_dim3A_3 {strides = array<i32>} : memref<128x128xf32, #tpu.memory_space<vmem>>, vector<16xf32>,
      %swap3A_113 = arith.index_cast %add3A_95 : i32 to index
      %swap3A_114 = arith.constant 96 : index
      %swap3A_115 = tpu.vector_load %arg5[%swap3A_113, %swap3A_114] {strides = array<i32>} : memref<128x128xf32, #tpu.memory_space<vmem>>, vector<16xf32>,
      tpu.vector_store %arg5[%swap3A_113, %swap3A_114], %broadcast_in_dim3A_3 {strides = array<i32>} : memref<128x128xf32, #tpu.memory_space<vmem>>, vector<16xf32>,
      %swap3A_116 = arith.index_cast %add3A_95 : i32 to index
      %swap3A_117 = arith.constant 112 : index
      %swap3A_118 = tpu.vector_load %arg5[%swap3A_116, %swap3A_117] {strides = array<i32>} : memref<128x128xf32, #tpu.memory_space<vmem>>, vector<16xf32>,
      tpu.vector_store %arg5[%swap3A_116, %swap3A_117], %broadcast_in_dim3A_3 {strides = array<i32>} : memref<128x128xf32, #tpu.memory_space<vmem>>, vector<16xf32>,
    }
    %scan3A_37 = arith.constant 128 : i32
    %dma_wait3A_38 = arith.constant 0 : i32
    %dma_wait3A_39 = tpu.memref_slice %arg2[%add3A_28, %dma_wait3A_38] : memref<16384x112xi32, #tpu.memory_space<hbm>> -> memref<128x112xi32, #tpu.memory_space<hbm>>
    %dma_wait3A_40 = arith.constant 0 : i32
    %dma_wait3A_41 = tpu.memref_slice %arg2[%add3A_28, %dma_wait3A_40] : memref<16384x112xi32, #tpu.memory_space<hbm>> -> memref<128x112xi32, #tpu.memory_space<hbm>>
    tpu.wait_dma2 semaphore(%arg6 : memref<!tpu.dma_semaphore, #tpu.memory_space<semaphore_mem>>) src(%dma_wait3A_41 : memref<128x112xi32, #tpu.memory_space<hbm>>) dst(%arg4 : memref<128x112xi32, #tpu.memory_space<vmem>>)
    %scan3A_42 = arith.constant 0 : i32
    %scan3A_43 = arith.constant 128 : i32
    %scan3A_44 = arith.addi %scan3A_42, %scan3A_43 : i32
    %scan3A_45 = arith.constant 1 : i32
    scf.for %scan3A_91 = %scan3A_42 to %scan3A_44 step %scan3A_45  : i32 {
      %mul3A_92 = arith.constant 1 : i32
      %mul3A_93 = arith.muli %scan3A_91, %mul3A_92 : i32
      %add3A_94 = arith.constant 0 : i32
      %add3A_95 = arith.addi %add3A_94, %mul3A_93 : i32
      %broadcast_in_dim3A_96 = vector.broadcast %add3A_95 : i32 to vector<16xi32>
      %get3A = arith.index_cast %add3A_95 : i32 to index
      %get3A_97 = arith.constant 0 : index
      %get3A_98 = tpu.vector_load %arg4[%get3A, %get3A_97] {strides = array<i32>} : memref<128x112xi32, #tpu.memory_space<vmem>>, vector<16xi32>,
      tpu.vector_store_idx %arg5[%broadcast_in_dim3A_96, %get3A_98], %broadcast_in_dim3A_1 {add = true} : memref<128x128xf32, #tpu.memory_space<vmem>>[vector<16xi32>, vector<16xi32>], vector<16xf32>,
      %get3A_99 = arith.index_cast %add3A_95 : i32 to index
      %get3A_100 = arith.constant 16 : index
      %get3A_101 = tpu.vector_load %arg4[%get3A_99, %get3A_100] {strides = array<i32>} : memref<128x112xi32, #tpu.memory_space<vmem>>, vector<16xi32>,
      tpu.vector_store_idx %arg5[%broadcast_in_dim3A_96, %get3A_101], %broadcast_in_dim3A_1 {add = true} : memref<128x128xf32, #tpu.memory_space<vmem>>[vector<16xi32>, vector<16xi32>], vector<16xf32>,
      %get3A_102 = arith.index_cast %add3A_95 : i32 to index
      %get3A_103 = arith.constant 32 : index
      %get3A_104 = tpu.vector_load %arg4[%get3A_102, %get3A_103] {strides = array<i32>} : memref<128x112xi32, #tpu.memory_space<vmem>>, vector<16xi32>,
      tpu.vector_store_idx %arg5[%broadcast_in_dim3A_96, %get3A_104], %broadcast_in_dim3A_1 {add = true} : memref<128x128xf32, #tpu.memory_space<vmem>>[vector<16xi32>, vector<16xi32>], vector<16xf32>,
      %get3A_105 = arith.index_cast %add3A_95 : i32 to index
      %get3A_106 = arith.constant 48 : index
      %get3A_107 = tpu.vector_load %arg4[%get3A_105, %get3A_106] {strides = array<i32>} : memref<128x112xi32, #tpu.memory_space<vmem>>, vector<16xi32>,
      tpu.vector_store_idx %arg5[%broadcast_in_dim3A_96, %get3A_107], %broadcast_in_dim3A_1 {add = true} : memref<128x128xf32, #tpu.memory_space<vmem>>[vector<16xi32>, vector<16xi32>], vector<16xf32>,
      %get3A_108 = arith.index_cast %add3A_95 : i32 to index
      %get3A_109 = arith.constant 64 : index
      %get3A_110 = tpu.vector_load %arg4[%get3A_108, %get3A_109] {strides = array<i32>} : memref<128x112xi32, #tpu.memory_space<vmem>>, vector<16xi32>,
      tpu.vector_store_idx %arg5[%broadcast_in_dim3A_96, %get3A_110], %broadcast_in_dim3A_1 {add = true} : memref<128x128xf32, #tpu.memory_space<vmem>>[vector<16xi32>, vector<16xi32>], vector<16xf32>,
      %get3A_111 = arith.index_cast %add3A_95 : i32 to index
      %get3A_112 = arith.constant 80 : index
      %get3A_113 = tpu.vector_load %arg4[%get3A_111, %get3A_112] {strides = array<i32>} : memref<128x112xi32, #tpu.memory_space<vmem>>, vector<16xi32>,
      tpu.vector_store_idx %arg5[%broadcast_in_dim3A_96, %get3A_113], %broadcast_in_dim3A_1 {add = true} : memref<128x128xf32, #tpu.memory_space<vmem>>[vector<16xi32>, vector<16xi32>], vector<16xf32>,
      %get3A_114 = arith.index_cast %add3A_95 : i32 to index
      %get3A_115 = arith.constant 96 : index
      %get3A_116 = tpu.vector_load %arg4[%get3A_114, %get3A_115] {strides = array<i32>} : memref<128x112xi32, #tpu.memory_space<vmem>>, vector<16xi32>,
      tpu.vector_store_idx %arg5[%broadcast_in_dim3A_96, %get3A_116], %broadcast_in_dim3A_1 masked %lt3A_5 {add = true} : memref<128x128xf32, #tpu.memory_space<vmem>>[vector<16xi32>, vector<16xi32>], vector<16xf32>, vector<16xi1>
    }
    %scan3A_46 = arith.constant 128 : i32
    "tpu.region"() ({
      %run_scoped3A = tpu.sem_alloc : memref<!tpu.dma_semaphore, #tpu.memory_space<semaphore_mem>>
      %dma_start3A_91 = arith.constant 0 : i32
      %dma_start3A_92 = tpu.memref_slice %arg3[%add3A_28, %dma_start3A_91] : memref<16384x128xf32, #tpu.memory_space<hbm>> -> memref<128x128xf32, #tpu.memory_space<hbm>>
      %dma_start3A_93 = arith.constant 0 : i32
      %dma_start3A_94 = tpu.memref_slice %arg3[%add3A_28, %dma_start3A_93] : memref<16384x128xf32, #tpu.memory_space<hbm>> -> memref<128x128xf32, #tpu.memory_space<hbm>>
      tpu.enqueue_dma source(%arg5 : memref<128x128xf32, #tpu.memory_space<vmem>>) target(%dma_start3A_94 : memref<128x128xf32, #tpu.memory_space<hbm>>) target_semaphore(%run_scoped3A : memref<!tpu.dma_semaphore, #tpu.memory_space<semaphore_mem>>)
      %dma_wait3A_95 = arith.constant 0 : i32
      %dma_wait3A_96 = tpu.memref_slice %arg3[%add3A_28, %dma_wait3A_95] : memref<16384x128xf32, #tpu.memory_space<hbm>> -> memref<128x128xf32, #tpu.memory_space<hbm>>
      %dma_wait3A_97 = arith.constant 0 : i32
      %dma_wait3A_98 = tpu.memref_slice %arg3[%add3A_28, %dma_wait3A_97] : memref<16384x128xf32, #tpu.memory_space<hbm>> -> memref<128x128xf32, #tpu.memory_space<hbm>>
      tpu.wait_dma2 semaphore(%run_scoped3A : memref<!tpu.dma_semaphore, #tpu.memory_space<semaphore_mem>>) src(%arg5 : memref<128x128xf32, #tpu.memory_space<vmem>>) dst(%dma_wait3A_98 : memref<128x128xf32, #tpu.memory_space<hbm>>)
      tpu.yield
    }) : () -> ()
    %mul3A_47 = arith.constant 512 : i32
    %mul3A_48 = arith.muli %add3A, %mul3A_47 : i32
    %add3A_49 = arith.constant 256 : i32
    %add3A_50 = arith.addi %mul3A_48, %add3A_49 : i32
    %dma_start3A_51 = arith.constant 0 : i32
    %dma_start3A_52 = tpu.memref_slice %arg2[%add3A_50, %dma_start3A_51] : memref<16384x112xi32, #tpu.memory_space<hbm>> -> memref<128x112xi32, #tpu.memory_space<hbm>>
    %dma_start3A_53 = arith.constant 0 : i32
    %dma_start3A_54 = tpu.memref_slice %arg2[%add3A_50, %dma_start3A_53] : memref<16384x112xi32, #tpu.memory_space<hbm>> -> memref<128x112xi32, #tpu.memory_space<hbm>>
    tpu.enqueue_dma source(%dma_start3A_54 : memref<128x112xi32, #tpu.memory_space<hbm>>) target(%arg4 : memref<128x112xi32, #tpu.memory_space<vmem>>) target_semaphore(%arg6 : memref<!tpu.dma_semaphore, #tpu.memory_space<semaphore_mem>>)
    %scan3A_55 = arith.constant 0 : i32
    %scan3A_56 = arith.constant 128 : i32
    %scan3A_57 = arith.addi %scan3A_55, %scan3A_56 : i32
    %scan3A_58 = arith.constant 1 : i32
    scf.for %scan3A_91 = %scan3A_55 to %scan3A_57 step %scan3A_58  : i32 {
      %mul3A_92 = arith.constant 1 : i32
      %mul3A_93 = arith.muli %scan3A_91, %mul3A_92 : i32
      %add3A_94 = arith.constant 0 : i32
      %add3A_95 = arith.addi %add3A_94, %mul3A_93 : i32
      %swap3A = arith.index_cast %add3A_95 : i32 to index
      %swap3A_96 = arith.constant 0 : index
      %swap3A_97 = tpu.vector_load %arg5[%swap3A, %swap3A_96] {strides = array<i32>} : memref<128x128xf32, #tpu.memory_space<vmem>>, vector<16xf32>,
      tpu.vector_store %arg5[%swap3A, %swap3A_96], %broadcast_in_dim3A_3 {strides = array<i32>} : memref<128x128xf32, #tpu.memory_space<vmem>>, vector<16xf32>,
      %swap3A_98 = arith.index_cast %add3A_95 : i32 to index
      %swap3A_99 = arith.constant 16 : index
      %swap3A_100 = tpu.vector_load %arg5[%swap3A_98, %swap3A_99] {strides = array<i32>} : memref<128x128xf32, #tpu.memory_space<vmem>>, vector<16xf32>,
      tpu.vector_store %arg5[%swap3A_98, %swap3A_99], %broadcast_in_dim3A_3 {strides = array<i32>} : memref<128x128xf32, #tpu.memory_space<vmem>>, vector<16xf32>,
      %swap3A_101 = arith.index_cast %add3A_95 : i32 to index
      %swap3A_102 = arith.constant 32 : index
      %swap3A_103 = tpu.vector_load %arg5[%swap3A_101, %swap3A_102] {strides = array<i32>} : memref<128x128xf32, #tpu.memory_space<vmem>>, vector<16xf32>,
      tpu.vector_store %arg5[%swap3A_101, %swap3A_102], %broadcast_in_dim3A_3 {strides = array<i32>} : memref<128x128xf32, #tpu.memory_space<vmem>>, vector<16xf32>,
      %swap3A_104 = arith.index_cast %add3A_95 : i32 to index
      %swap3A_105 = arith.constant 48 : index
      %swap3A_106 = tpu.vector_load %arg5[%swap3A_104, %swap3A_105] {strides = array<i32>} : memref<128x128xf32, #tpu.memory_space<vmem>>, vector<16xf32>,
      tpu.vector_store %arg5[%swap3A_104, %swap3A_105], %broadcast_in_dim3A_3 {strides = array<i32>} : memref<128x128xf32, #tpu.memory_space<vmem>>, vector<16xf32>,
      %swap3A_107 = arith.index_cast %add3A_95 : i32 to index
      %swap3A_108 = arith.constant 64 : index
      %swap3A_109 = tpu.vector_load %arg5[%swap3A_107, %swap3A_108] {strides = array<i32>} : memref<128x128xf32, #tpu.memory_space<vmem>>, vector<16xf32>,
      tpu.vector_store %arg5[%swap3A_107, %swap3A_108], %broadcast_in_dim3A_3 {strides = array<i32>} : memref<128x128xf32, #tpu.memory_space<vmem>>, vector<16xf32>,
      %swap3A_110 = arith.index_cast %add3A_95 : i32 to index
      %swap3A_111 = arith.constant 80 : index
      %swap3A_112 = tpu.vector_load %arg5[%swap3A_110, %swap3A_111] {strides = array<i32>} : memref<128x128xf32, #tpu.memory_space<vmem>>, vector<16xf32>,
      tpu.vector_store %arg5[%swap3A_110, %swap3A_111], %broadcast_in_dim3A_3 {strides = array<i32>} : memref<128x128xf32, #tpu.memory_space<vmem>>, vector<16xf32>,
      %swap3A_113 = arith.index_cast %add3A_95 : i32 to index
      %swap3A_114 = arith.constant 96 : index
      %swap3A_115 = tpu.vector_load %arg5[%swap3A_113, %swap3A_114] {strides = array<i32>} : memref<128x128xf32, #tpu.memory_space<vmem>>, vector<16xf32>,
      tpu.vector_store %arg5[%swap3A_113, %swap3A_114], %broadcast_in_dim3A_3 {strides = array<i32>} : memref<128x128xf32, #tpu.memory_space<vmem>>, vector<16xf32>,
      %swap3A_116 = arith.index_cast %add3A_95 : i32 to index
      %swap3A_117 = arith.constant 112 : index
      %swap3A_118 = tpu.vector_load %arg5[%swap3A_116, %swap3A_117] {strides = array<i32>} : memref<128x128xf32, #tpu.memory_space<vmem>>, vector<16xf32>,
      tpu.vector_store %arg5[%swap3A_116, %swap3A_117], %broadcast_in_dim3A_3 {strides = array<i32>} : memref<128x128xf32, #tpu.memory_space<vmem>>, vector<16xf32>,
    }
    %scan3A_59 = arith.constant 128 : i32
    %dma_wait3A_60 = arith.constant 0 : i32
    %dma_wait3A_61 = tpu.memref_slice %arg2[%add3A_50, %dma_wait3A_60] : memref<16384x112xi32, #tpu.memory_space<hbm>> -> memref<128x112xi32, #tpu.memory_space<hbm>>
    %dma_wait3A_62 = arith.constant 0 : i32
    %dma_wait3A_63 = tpu.memref_slice %arg2[%add3A_50, %dma_wait3A_62] : memref<16384x112xi32, #tpu.memory_space<hbm>> -> memref<128x112xi32, #tpu.memory_space<hbm>>
    tpu.wait_dma2 semaphore(%arg6 : memref<!tpu.dma_semaphore, #tpu.memory_space<semaphore_mem>>) src(%dma_wait3A_63 : memref<128x112xi32, #tpu.memory_space<hbm>>) dst(%arg4 : memref<128x112xi32, #tpu.memory_space<vmem>>)
    %scan3A_64 = arith.constant 0 : i32
    %scan3A_65 = arith.constant 128 : i32
    %scan3A_66 = arith.addi %scan3A_64, %scan3A_65 : i32
    %scan3A_67 = arith.constant 1 : i32
    scf.for %scan3A_91 = %scan3A_64 to %scan3A_66 step %scan3A_67  : i32 {
      %mul3A_92 = arith.constant 1 : i32
      %mul3A_93 = arith.muli %scan3A_91, %mul3A_92 : i32
      %add3A_94 = arith.constant 0 : i32
      %add3A_95 = arith.addi %add3A_94, %mul3A_93 : i32
      %broadcast_in_dim3A_96 = vector.broadcast %add3A_95 : i32 to vector<16xi32>
      %get3A = arith.index_cast %add3A_95 : i32 to index
      %get3A_97 = arith.constant 0 : index
      %get3A_98 = tpu.vector_load %arg4[%get3A, %get3A_97] {strides = array<i32>} : memref<128x112xi32, #tpu.memory_space<vmem>>, vector<16xi32>,
      tpu.vector_store_idx %arg5[%broadcast_in_dim3A_96, %get3A_98], %broadcast_in_dim3A_1 {add = true} : memref<128x128xf32, #tpu.memory_space<vmem>>[vector<16xi32>, vector<16xi32>], vector<16xf32>,
      %get3A_99 = arith.index_cast %add3A_95 : i32 to index
      %get3A_100 = arith.constant 16 : index
      %get3A_101 = tpu.vector_load %arg4[%get3A_99, %get3A_100] {strides = array<i32>} : memref<128x112xi32, #tpu.memory_space<vmem>>, vector<16xi32>,
      tpu.vector_store_idx %arg5[%broadcast_in_dim3A_96, %get3A_101], %broadcast_in_dim3A_1 {add = true} : memref<128x128xf32, #tpu.memory_space<vmem>>[vector<16xi32>, vector<16xi32>], vector<16xf32>,
      %get3A_102 = arith.index_cast %add3A_95 : i32 to index
      %get3A_103 = arith.constant 32 : index
      %get3A_104 = tpu.vector_load %arg4[%get3A_102, %get3A_103] {strides = array<i32>} : memref<128x112xi32, #tpu.memory_space<vmem>>, vector<16xi32>,
      tpu.vector_store_idx %arg5[%broadcast_in_dim3A_96, %get3A_104], %broadcast_in_dim3A_1 {add = true} : memref<128x128xf32, #tpu.memory_space<vmem>>[vector<16xi32>, vector<16xi32>], vector<16xf32>,
      %get3A_105 = arith.index_cast %add3A_95 : i32 to index
      %get3A_106 = arith.constant 48 : index
      %get3A_107 = tpu.vector_load %arg4[%get3A_105, %get3A_106] {strides = array<i32>} : memref<128x112xi32, #tpu.memory_space<vmem>>, vector<16xi32>,
      tpu.vector_store_idx %arg5[%broadcast_in_dim3A_96, %get3A_107], %broadcast_in_dim3A_1 {add = true} : memref<128x128xf32, #tpu.memory_space<vmem>>[vector<16xi32>, vector<16xi32>], vector<16xf32>,
      %get3A_108 = arith.index_cast %add3A_95 : i32 to index
      %get3A_109 = arith.constant 64 : index
      %get3A_110 = tpu.vector_load %arg4[%get3A_108, %get3A_109] {strides = array<i32>} : memref<128x112xi32, #tpu.memory_space<vmem>>, vector<16xi32>,
      tpu.vector_store_idx %arg5[%broadcast_in_dim3A_96, %get3A_110], %broadcast_in_dim3A_1 {add = true} : memref<128x128xf32, #tpu.memory_space<vmem>>[vector<16xi32>, vector<16xi32>], vector<16xf32>,
      %get3A_111 = arith.index_cast %add3A_95 : i32 to index
      %get3A_112 = arith.constant 80 : index
      %get3A_113 = tpu.vector_load %arg4[%get3A_111, %get3A_112] {strides = array<i32>} : memref<128x112xi32, #tpu.memory_space<vmem>>, vector<16xi32>,
      tpu.vector_store_idx %arg5[%broadcast_in_dim3A_96, %get3A_113], %broadcast_in_dim3A_1 {add = true} : memref<128x128xf32, #tpu.memory_space<vmem>>[vector<16xi32>, vector<16xi32>], vector<16xf32>,
      %get3A_114 = arith.index_cast %add3A_95 : i32 to index
      %get3A_115 = arith.constant 96 : index
      %get3A_116 = tpu.vector_load %arg4[%get3A_114, %get3A_115] {strides = array<i32>} : memref<128x112xi32, #tpu.memory_space<vmem>>, vector<16xi32>,
      tpu.vector_store_idx %arg5[%broadcast_in_dim3A_96, %get3A_116], %broadcast_in_dim3A_1 masked %lt3A_5 {add = true} : memref<128x128xf32, #tpu.memory_space<vmem>>[vector<16xi32>, vector<16xi32>], vector<16xf32>, vector<16xi1>
    }
    %scan3A_68 = arith.constant 128 : i32
    "tpu.region"() ({
      %run_scoped3A = tpu.sem_alloc : memref<!tpu.dma_semaphore, #tpu.memory_space<semaphore_mem>>
      %dma_start3A_91 = arith.constant 0 : i32
      %dma_start3A_92 = tpu.memref_slice %arg3[%add3A_50, %dma_start3A_91] : memref<16384x128xf32, #tpu.memory_space<hbm>> -> memref<128x128xf32, #tpu.memory_space<hbm>>
      %dma_start3A_93 = arith.constant 0 : i32
      %dma_start3A_94 = tpu.memref_slice %arg3[%add3A_50, %dma_start3A_93] : memref<16384x128xf32, #tpu.memory_space<hbm>> -> memref<128x128xf32, #tpu.memory_space<hbm>>
      tpu.enqueue_dma source(%arg5 : memref<128x128xf32, #tpu.memory_space<vmem>>) target(%dma_start3A_94 : memref<128x128xf32, #tpu.memory_space<hbm>>) target_semaphore(%run_scoped3A : memref<!tpu.dma_semaphore, #tpu.memory_space<semaphore_mem>>)
      %dma_wait3A_95 = arith.constant 0 : i32
      %dma_wait3A_96 = tpu.memref_slice %arg3[%add3A_50, %dma_wait3A_95] : memref<16384x128xf32, #tpu.memory_space<hbm>> -> memref<128x128xf32, #tpu.memory_space<hbm>>
      %dma_wait3A_97 = arith.constant 0 : i32
      %dma_wait3A_98 = tpu.memref_slice %arg3[%add3A_50, %dma_wait3A_97] : memref<16384x128xf32, #tpu.memory_space<hbm>> -> memref<128x128xf32, #tpu.memory_space<hbm>>
      tpu.wait_dma2 semaphore(%run_scoped3A : memref<!tpu.dma_semaphore, #tpu.memory_space<semaphore_mem>>) src(%arg5 : memref<128x128xf32, #tpu.memory_space<vmem>>) dst(%dma_wait3A_98 : memref<128x128xf32, #tpu.memory_space<hbm>>)
      tpu.yield
    }) : () -> ()
    %mul3A_69 = arith.constant 512 : i32
    %mul3A_70 = arith.muli %add3A, %mul3A_69 : i32
    %add3A_71 = arith.constant 384 : i32
    %add3A_72 = arith.addi %mul3A_70, %add3A_71 : i32
    %dma_start3A_73 = arith.constant 0 : i32
    %dma_start3A_74 = tpu.memref_slice %arg2[%add3A_72, %dma_start3A_73] : memref<16384x112xi32, #tpu.memory_space<hbm>> -> memref<128x112xi32, #tpu.memory_space<hbm>>
    %dma_start3A_75 = arith.constant 0 : i32
    %dma_start3A_76 = tpu.memref_slice %arg2[%add3A_72, %dma_start3A_75] : memref<16384x112xi32, #tpu.memory_space<hbm>> -> memref<128x112xi32, #tpu.memory_space<hbm>>
    tpu.enqueue_dma source(%dma_start3A_76 : memref<128x112xi32, #tpu.memory_space<hbm>>) target(%arg4 : memref<128x112xi32, #tpu.memory_space<vmem>>) target_semaphore(%arg6 : memref<!tpu.dma_semaphore, #tpu.memory_space<semaphore_mem>>)
    %scan3A_77 = arith.constant 0 : i32
    %scan3A_78 = arith.constant 128 : i32
    %scan3A_79 = arith.addi %scan3A_77, %scan3A_78 : i32
    %scan3A_80 = arith.constant 1 : i32
    scf.for %scan3A_91 = %scan3A_77 to %scan3A_79 step %scan3A_80  : i32 {
      %mul3A_92 = arith.constant 1 : i32
      %mul3A_93 = arith.muli %scan3A_91, %mul3A_92 : i32
      %add3A_94 = arith.constant 0 : i32
      %add3A_95 = arith.addi %add3A_94, %mul3A_93 : i32
      %swap3A = arith.index_cast %add3A_95 : i32 to index
      %swap3A_96 = arith.constant 0 : index
      %swap3A_97 = tpu.vector_load %arg5[%swap3A, %swap3A_96] {strides = array<i32>} : memref<128x128xf32, #tpu.memory_space<vmem>>, vector<16xf32>,
      tpu.vector_store %arg5[%swap3A, %swap3A_96], %broadcast_in_dim3A_3 {strides = array<i32>} : memref<128x128xf32, #tpu.memory_space<vmem>>, vector<16xf32>,
      %swap3A_98 = arith.index_cast %add3A_95 : i32 to index
      %swap3A_99 = arith.constant 16 : index
      %swap3A_100 = tpu.vector_load %arg5[%swap3A_98, %swap3A_99] {strides = array<i32>} : memref<128x128xf32, #tpu.memory_space<vmem>>, vector<16xf32>,
      tpu.vector_store %arg5[%swap3A_98, %swap3A_99], %broadcast_in_dim3A_3 {strides = array<i32>} : memref<128x128xf32, #tpu.memory_space<vmem>>, vector<16xf32>,
      %swap3A_101 = arith.index_cast %add3A_95 : i32 to index
      %swap3A_102 = arith.constant 32 : index
      %swap3A_103 = tpu.vector_load %arg5[%swap3A_101, %swap3A_102] {strides = array<i32>} : memref<128x128xf32, #tpu.memory_space<vmem>>, vector<16xf32>,
      tpu.vector_store %arg5[%swap3A_101, %swap3A_102], %broadcast_in_dim3A_3 {strides = array<i32>} : memref<128x128xf32, #tpu.memory_space<vmem>>, vector<16xf32>,
      %swap3A_104 = arith.index_cast %add3A_95 : i32 to index
      %swap3A_105 = arith.constant 48 : index
      %swap3A_106 = tpu.vector_load %arg5[%swap3A_104, %swap3A_105] {strides = array<i32>} : memref<128x128xf32, #tpu.memory_space<vmem>>, vector<16xf32>,
      tpu.vector_store %arg5[%swap3A_104, %swap3A_105], %broadcast_in_dim3A_3 {strides = array<i32>} : memref<128x128xf32, #tpu.memory_space<vmem>>, vector<16xf32>,
      %swap3A_107 = arith.index_cast %add3A_95 : i32 to index
      %swap3A_108 = arith.constant 64 : index
      %swap3A_109 = tpu.vector_load %arg5[%swap3A_107, %swap3A_108] {strides = array<i32>} : memref<128x128xf32, #tpu.memory_space<vmem>>, vector<16xf32>,
      tpu.vector_store %arg5[%swap3A_107, %swap3A_108], %broadcast_in_dim3A_3 {strides = array<i32>} : memref<128x128xf32, #tpu.memory_space<vmem>>, vector<16xf32>,
      %swap3A_110 = arith.index_cast %add3A_95 : i32 to index
      %swap3A_111 = arith.constant 80 : index
      %swap3A_112 = tpu.vector_load %arg5[%swap3A_110, %swap3A_111] {strides = array<i32>} : memref<128x128xf32, #tpu.memory_space<vmem>>, vector<16xf32>,
      tpu.vector_store %arg5[%swap3A_110, %swap3A_111], %broadcast_in_dim3A_3 {strides = array<i32>} : memref<128x128xf32, #tpu.memory_space<vmem>>, vector<16xf32>,
      %swap3A_113 = arith.index_cast %add3A_95 : i32 to index
      %swap3A_114 = arith.constant 96 : index
      %swap3A_115 = tpu.vector_load %arg5[%swap3A_113, %swap3A_114] {strides = array<i32>} : memref<128x128xf32, #tpu.memory_space<vmem>>, vector<16xf32>,
      tpu.vector_store %arg5[%swap3A_113, %swap3A_114], %broadcast_in_dim3A_3 {strides = array<i32>} : memref<128x128xf32, #tpu.memory_space<vmem>>, vector<16xf32>,
      %swap3A_116 = arith.index_cast %add3A_95 : i32 to index
      %swap3A_117 = arith.constant 112 : index
      %swap3A_118 = tpu.vector_load %arg5[%swap3A_116, %swap3A_117] {strides = array<i32>} : memref<128x128xf32, #tpu.memory_space<vmem>>, vector<16xf32>,
      tpu.vector_store %arg5[%swap3A_116, %swap3A_117], %broadcast_in_dim3A_3 {strides = array<i32>} : memref<128x128xf32, #tpu.memory_space<vmem>>, vector<16xf32>,
    }
    %scan3A_81 = arith.constant 128 : i32
    %dma_wait3A_82 = arith.constant 0 : i32
    %dma_wait3A_83 = tpu.memref_slice %arg2[%add3A_72, %dma_wait3A_82] : memref<16384x112xi32, #tpu.memory_space<hbm>> -> memref<128x112xi32, #tpu.memory_space<hbm>>
    %dma_wait3A_84 = arith.constant 0 : i32
    %dma_wait3A_85 = tpu.memref_slice %arg2[%add3A_72, %dma_wait3A_84] : memref<16384x112xi32, #tpu.memory_space<hbm>> -> memref<128x112xi32, #tpu.memory_space<hbm>>
    tpu.wait_dma2 semaphore(%arg6 : memref<!tpu.dma_semaphore, #tpu.memory_space<semaphore_mem>>) src(%dma_wait3A_85 : memref<128x112xi32, #tpu.memory_space<hbm>>) dst(%arg4 : memref<128x112xi32, #tpu.memory_space<vmem>>)
    %scan3A_86 = arith.constant 0 : i32
    %scan3A_87 = arith.constant 128 : i32
    %scan3A_88 = arith.addi %scan3A_86, %scan3A_87 : i32
    %scan3A_89 = arith.constant 1 : i32
    scf.for %scan3A_91 = %scan3A_86 to %scan3A_88 step %scan3A_89  : i32 {
      %mul3A_92 = arith.constant 1 : i32
      %mul3A_93 = arith.muli %scan3A_91, %mul3A_92 : i32
      %add3A_94 = arith.constant 0 : i32
      %add3A_95 = arith.addi %add3A_94, %mul3A_93 : i32
      %broadcast_in_dim3A_96 = vector.broadcast %add3A_95 : i32 to vector<16xi32>
      %get3A = arith.index_cast %add3A_95 : i32 to index
      %get3A_97 = arith.constant 0 : index
      %get3A_98 = tpu.vector_load %arg4[%get3A, %get3A_97] {strides = array<i32>} : memref<128x112xi32, #tpu.memory_space<vmem>>, vector<16xi32>,
      tpu.vector_store_idx %arg5[%broadcast_in_dim3A_96, %get3A_98], %broadcast_in_dim3A_1 {add = true} : memref<128x128xf32, #tpu.memory_space<vmem>>[vector<16xi32>, vector<16xi32>], vector<16xf32>,
      %get3A_99 = arith.index_cast %add3A_95 : i32 to index
      %get3A_100 = arith.constant 16 : index
      %get3A_101 = tpu.vector_load %arg4[%get3A_99, %get3A_100] {strides = array<i32>} : memref<128x112xi32, #tpu.memory_space<vmem>>, vector<16xi32>,
      tpu.vector_store_idx %arg5[%broadcast_in_dim3A_96, %get3A_101], %broadcast_in_dim3A_1 {add = true} : memref<128x128xf32, #tpu.memory_space<vmem>>[vector<16xi32>, vector<16xi32>], vector<16xf32>,
      %get3A_102 = arith.index_cast %add3A_95 : i32 to index
      %get3A_103 = arith.constant 32 : index
      %get3A_104 = tpu.vector_load %arg4[%get3A_102, %get3A_103] {strides = array<i32>} : memref<128x112xi32, #tpu.memory_space<vmem>>, vector<16xi32>,
      tpu.vector_store_idx %arg5[%broadcast_in_dim3A_96, %get3A_104], %broadcast_in_dim3A_1 {add = true} : memref<128x128xf32, #tpu.memory_space<vmem>>[vector<16xi32>, vector<16xi32>], vector<16xf32>,
      %get3A_105 = arith.index_cast %add3A_95 : i32 to index
      %get3A_106 = arith.constant 48 : index
      %get3A_107 = tpu.vector_load %arg4[%get3A_105, %get3A_106] {strides = array<i32>} : memref<128x112xi32, #tpu.memory_space<vmem>>, vector<16xi32>,
      tpu.vector_store_idx %arg5[%broadcast_in_dim3A_96, %get3A_107], %broadcast_in_dim3A_1 {add = true} : memref<128x128xf32, #tpu.memory_space<vmem>>[vector<16xi32>, vector<16xi32>], vector<16xf32>,
      %get3A_108 = arith.index_cast %add3A_95 : i32 to index
      %get3A_109 = arith.constant 64 : index
      %get3A_110 = tpu.vector_load %arg4[%get3A_108, %get3A_109] {strides = array<i32>} : memref<128x112xi32, #tpu.memory_space<vmem>>, vector<16xi32>,
      tpu.vector_store_idx %arg5[%broadcast_in_dim3A_96, %get3A_110], %broadcast_in_dim3A_1 {add = true} : memref<128x128xf32, #tpu.memory_space<vmem>>[vector<16xi32>, vector<16xi32>], vector<16xf32>,
      %get3A_111 = arith.index_cast %add3A_95 : i32 to index
      %get3A_112 = arith.constant 80 : index
      %get3A_113 = tpu.vector_load %arg4[%get3A_111, %get3A_112] {strides = array<i32>} : memref<128x112xi32, #tpu.memory_space<vmem>>, vector<16xi32>,
      tpu.vector_store_idx %arg5[%broadcast_in_dim3A_96, %get3A_113], %broadcast_in_dim3A_1 {add = true} : memref<128x128xf32, #tpu.memory_space<vmem>>[vector<16xi32>, vector<16xi32>], vector<16xf32>,
      %get3A_114 = arith.index_cast %add3A_95 : i32 to index
      %get3A_115 = arith.constant 96 : index
      %get3A_116 = tpu.vector_load %arg4[%get3A_114, %get3A_115] {strides = array<i32>} : memref<128x112xi32, #tpu.memory_space<vmem>>, vector<16xi32>,
      tpu.vector_store_idx %arg5[%broadcast_in_dim3A_96, %get3A_116], %broadcast_in_dim3A_1 masked %lt3A_5 {add = true} : memref<128x128xf32, #tpu.memory_space<vmem>>[vector<16xi32>, vector<16xi32>], vector<16xf32>, vector<16xi1>
    }
    %scan3A_90 = arith.constant 128 : i32
    "tpu.region"() ({
      %run_scoped3A = tpu.sem_alloc : memref<!tpu.dma_semaphore, #tpu.memory_space<semaphore_mem>>
      %dma_start3A_91 = arith.constant 0 : i32
      %dma_start3A_92 = tpu.memref_slice %arg3[%add3A_72, %dma_start3A_91] : memref<16384x128xf32, #tpu.memory_space<hbm>> -> memref<128x128xf32, #tpu.memory_space<hbm>>
      %dma_start3A_93 = arith.constant 0 : i32
      %dma_start3A_94 = tpu.memref_slice %arg3[%add3A_72, %dma_start3A_93] : memref<16384x128xf32, #tpu.memory_space<hbm>> -> memref<128x128xf32, #tpu.memory_space<hbm>>
      tpu.enqueue_dma source(%arg5 : memref<128x128xf32, #tpu.memory_space<vmem>>) target(%dma_start3A_94 : memref<128x128xf32, #tpu.memory_space<hbm>>) target_semaphore(%run_scoped3A : memref<!tpu.dma_semaphore, #tpu.memory_space<semaphore_mem>>)
      %dma_wait3A_95 = arith.constant 0 : i32
      %dma_wait3A_96 = tpu.memref_slice %arg3[%add3A_72, %dma_wait3A_95] : memref<16384x128xf32, #tpu.memory_space<hbm>> -> memref<128x128xf32, #tpu.memory_space<hbm>>
      %dma_wait3A_97 = arith.constant 0 : i32
      %dma_wait3A_98 = tpu.memref_slice %arg3[%add3A_72, %dma_wait3A_97] : memref<16384x128xf32, #tpu.memory_space<hbm>> -> memref<128x128xf32, #tpu.memory_space<hbm>>
      tpu.wait_dma2 semaphore(%run_scoped3A : memref<!tpu.dma_semaphore, #tpu.memory_space<semaphore_mem>>) src(%arg5 : memref<128x128xf32, #tpu.memory_space<vmem>>) dst(%dma_wait3A_98 : memref<128x128xf32, #tpu.memory_space<hbm>>)
      tpu.yield
    }) : () -> ()
    return
  }
}

module attributes {stable_mosaic.version = 14 : i64} {
  func.func @_tc_loss_body(%arg0: i32, %arg1: memref<1024x128xf32, #tpu.memory_space<vmem>>, %arg2: memref<1024x64xf32, #tpu.memory_space<vmem>>, %arg3: memref<1024x1xi32, #tpu.memory_space<vmem>>, %arg4: memref<128x64xf32, #tpu.memory_space<vmem>>, %arg5: memref<128x64xf32, #tpu.memory_space<vmem>>, %arg6: memref<1x1xf32, #tpu.memory_space<smem>>) attributes {dimension_semantics = [#tpu.dimension_semantics<arbitrary>], iteration_bounds = array<i64: 16>, scalar_prefetch = 0 : i64, scratch_operands = 0 : i64, tpu.core_type = #tpu.core_type<tc>, window_params = [{transform_indices = @transform_0, window_bounds = array<i64: 1024, 128>}, {transform_indices = @transform_1, window_bounds = array<i64: 1024, 64>}, {transform_indices = @transform_2, window_bounds = array<i64: 1024, 1>}, {pipeline_mode = #tpu.pipeline_mode<synchronous>, transform_indices = @transform_3, window_bounds = array<i64: 128, 64>}, {pipeline_mode = #tpu.pipeline_mode<synchronous>, transform_indices = @transform_4, window_bounds = array<i64: 128, 64>}, {transform_indices = @transform_5, window_bounds = array<i64: 1, 1>}]} {
    %get3A = arith.constant 0 : index
    %get3A_0 = arith.constant 0 : index
    %get3A_1 = vector.load %arg1[%get3A, %get3A_0] : memref<1024x128xf32, #tpu.memory_space<vmem>>, vector<1024x128xf32>
    %get3A_2 = arith.constant 0 : index
    %get3A_3 = arith.constant 0 : index
    %get3A_4 = vector.load %arg4[%get3A_2, %get3A_3] : memref<128x64xf32, #tpu.memory_space<vmem>>, vector<128x64xf32>
    %dot_general3A = arith.constant dense<0.000000e+00> : vector<1024x64xf32>
    %dot_general3A_5 = tpu.matmul %get3A_1, %get3A_4, %dot_general3A {dimension_numbers = #tpu.dot_dimension_numbers<[1], [0], [0], [1], [0, 0, 1, 1], [], []>, transpose_lhs_hint = false} : vector<1024x128xf32>, vector<128x64xf32>, vector<1024x64xf32> -> vector<1024x64xf32>
    %get3A_6 = arith.constant 0 : index
    %get3A_7 = arith.constant 0 : index
    %get3A_8 = vector.load %arg3[%get3A_6, %get3A_7] : memref<1024x1xi32, #tpu.memory_space<vmem>>, vector<1024x1xi32>
    %iota3A = tpu.iota {dimensions = array<i32: 1>} : vector<1x128xi32>
    %eq3A = vector.broadcast %get3A_8 : vector<1024x1xi32> to vector<1024x128xi32>
    %eq3A_9 = vector.broadcast %iota3A : vector<1x128xi32> to vector<1024x128xi32>
    %eq3A_10 = arith.cmpi eq, %eq3A, %eq3A_9 : vector<1024x128xi32>
    %convert_element_type3A = arith.extui %eq3A_10 : vector<1024x128xi1> to vector<1024x128xi32>
    %convert_element_type3A_11 = arith.sitofp %convert_element_type3A : vector<1024x128xi32> to vector<1024x128xf32>
    %get3A_12 = arith.constant 0 : index
    %get3A_13 = arith.constant 0 : index
    %get3A_14 = vector.load %arg5[%get3A_12, %get3A_13] : memref<128x64xf32, #tpu.memory_space<vmem>>, vector<128x64xf32>
    %dot_general3A_15 = arith.constant dense<0.000000e+00> : vector<1024x64xf32>
    %dot_general3A_16 = tpu.matmul %convert_element_type3A_11, %get3A_14, %dot_general3A_15 {dimension_numbers = #tpu.dot_dimension_numbers<[1], [0], [0], [1], [0, 0, 1, 1], [], []>, transpose_lhs_hint = false} : vector<1024x128xf32>, vector<128x64xf32>, vector<1024x64xf32> -> vector<1024x64xf32>
    %get3A_17 = arith.constant 0 : index
    %get3A_18 = arith.constant 0 : index
    %get3A_19 = vector.load %arg2[%get3A_17, %get3A_18] : memref<1024x64xf32, #tpu.memory_space<vmem>>, vector<1024x64xf32>
    %add3A = arith.addf %get3A_19, %dot_general3A_16 : vector<1024x64xf32>
    %sub3A = arith.subf %add3A, %dot_general3A_5 : vector<1024x64xf32>
    %abs3A = math.absf %sub3A : vector<1024x64xf32>
    %reduce_sum3A = arith.constant dense<0.000000e+00> : vector<1024xf32>
    %reduce_sum3A_20 = vector.multi_reduction <add>, %abs3A, %reduce_sum3A [1] : vector<1024x64xf32> to vector<1024xf32>
    %add3A_21 = arith.constant 1.000000e+00 : f32
    %add3A_22 = vector.broadcast %add3A_21 : f32 to vector<1024xf32>
    %add3A_23 = arith.addf %reduce_sum3A_20, %add3A_22 : vector<1024xf32>
    %max3A = arith.constant 0.000000e+00 : f32
    %max3A_24 = vector.broadcast %max3A : f32 to vector<1024xf32>
    %max3A_25 = arith.maximumf %add3A_23, %max3A_24 : vector<1024xf32>
    %reduce_sum3A_26 = vector.shape_cast %max3A_25 : vector<1024xf32> to vector<1x1024xf32>
    %reduce_sum3A_27 = arith.constant dense<0.000000e+00> : vector<1xf32>
    %reduce_sum3A_28 = vector.multi_reduction <add>, %reduce_sum3A_26, %reduce_sum3A_27 [1] : vector<1x1024xf32> to vector<1xf32>
    %reduce_sum3A_29 = vector.shape_cast %reduce_sum3A_28 : vector<1xf32> to vector<1x1xf32>
    %reduce_sum3A_30 = vector.extract %reduce_sum3A_29[0, 0] : f32 from vector<1x1xf32>
    %eq3A_31 = arith.constant 0 : i32
    %eq3A_32 = arith.cmpi eq, %arg0, %eq3A_31 : i32
    %convert_element_type3A_33 = arith.extui %eq3A_32 : i1 to i32
    %cond3A = arith.constant 0 : i32
    %cond3A_34 = arith.cmpi ne, %convert_element_type3A_33, %cond3A : i32
    scf.if %cond3A_34 {
      %swap3A = arith.constant 0 : index
      %swap3A_39 = arith.constant 0 : index
      %swap3A_40 = memref.load %arg6[%swap3A, %swap3A_39] : memref<1x1xf32, #tpu.memory_space<smem>>
      memref.store %reduce_sum3A_30, %arg6[%swap3A, %swap3A_39] : memref<1x1xf32, #tpu.memory_space<smem>>
    } else {
    }
    %ne3A = arith.constant 0 : i32
    %ne3A_35 = arith.cmpi ne, %arg0, %ne3A : i32
    %convert_element_type3A_36 = arith.extui %ne3A_35 : i1 to i32
    %cond3A_37 = arith.constant 0 : i32
    %cond3A_38 = arith.cmpi ne, %convert_element_type3A_36, %cond3A_37 : i32
    scf.if %cond3A_38 {
      %get3A_39 = arith.constant 0 : index
      %get3A_40 = arith.constant 0 : index
      %get3A_41 = memref.load %arg6[%get3A_39, %get3A_40] : memref<1x1xf32, #tpu.memory_space<smem>>
      %add3A_42 = arith.addf %get3A_41, %reduce_sum3A_30 : f32
      %swap3A = arith.constant 0 : index
      %swap3A_43 = arith.constant 0 : index
      %swap3A_44 = memref.load %arg6[%swap3A, %swap3A_43] : memref<1x1xf32, #tpu.memory_space<smem>>
      memref.store %add3A_42, %arg6[%swap3A, %swap3A_43] : memref<1x1xf32, #tpu.memory_space<smem>>
    } else {
    }
    return
  }
  func.func @transform_0(%arg0: i32) -> (i32, i32) {
    %c0_i32 = arith.constant 0 : i32
    %c0_i32_0 = arith.constant 0 : i32
    return %arg0, %c0_i32 : i32, i32
  }
  func.func @transform_1(%arg0: i32) -> (i32, i32) {
    %c0_i32 = arith.constant 0 : i32
    %c0_i32_0 = arith.constant 0 : i32
    return %arg0, %c0_i32 : i32, i32
  }
  func.func @transform_2(%arg0: i32) -> (i32, i32) {
    %c0_i32 = arith.constant 0 : i32
    %c0_i32_0 = arith.constant 0 : i32
    return %arg0, %c0_i32 : i32, i32
  }
  func.func @transform_3(%arg0: i32) -> (i32, i32) {
    %c0_i32 = arith.constant 0 : i32
    %c0_i32_0 = arith.constant 0 : i32
    %c0_i32_1 = arith.constant 0 : i32
    return %c0_i32, %c0_i32_0 : i32, i32
  }
  func.func @transform_4(%arg0: i32) -> (i32, i32) {
    %c0_i32 = arith.constant 0 : i32
    %c0_i32_0 = arith.constant 0 : i32
    %c0_i32_1 = arith.constant 0 : i32
    return %c0_i32, %c0_i32_0 : i32, i32
  }
  func.func @transform_5(%arg0: i32) -> (i32, i32) {
    %c0_i32 = arith.constant 0 : i32
    %c0_i32_0 = arith.constant 0 : i32
    %c0_i32_1 = arith.constant 0 : i32
    return %c0_i32, %c0_i32_0 : i32, i32
  }
}

</mosaic_0001>

<sc_bundles>
// kernel: kernel.5.cloned.1.call-start
scs
__scs_entry_jumppad:
0x0: {  	(pc) =	sbr.rel $0x88, $3  }
0x1: {  	(tag) =	ssettag $0x0;
	lr =	simm.s32 $0x1  }
0x2: {  	[smem:$0x3F9B] =	sst lr;
	_ =	strace $0xD0000000  }
0x3: {  	_ = 	snop  }
0x4: {  	_ = 	snop  }
0x5: {  	_ = 	snop  }
0x6: {  	_ = 	snop  }
0x7: {  	_ = 	snop  }
__scs_overlays_trampoline_lowered:
0x8: {  	[smem:$0x3FAA] =	sst s0  }
0x9: {  	[smem:$0x3FAB] =	sst s1  }
0xa: {  	[smem:$0x3FAC] =	sst s2  }
0xb: {  	[smem:$0x3FAD] =	sst s3  }
0xc: {  	[smem:$0x3FAE] =	sst s4  }
0xd: {  	[smem:$0x3FAF] =	sst s5  }
0xe: {  	[smem:$0x3FB0] =	sst s6  }
0xf: {  	[smem:$0x3FB1] =	sst s7  }
0x10: {  	[smem:$0x3FB2] =	sst s8  }
0x11: {  	[smem:$0x3FB3] =	sst s9;
	s0 =	simm.s32 @!p0 $0x0  }
0x12: {  	s1 =	sld [smem:$0x3F99];
	s0 =	simm.s32 @p0 $0x1  }
0x13: {  	[smem:$0x3FB4] =	sst s0;
	s0 =	simm.s32 @!p1 $0x0  }
0x14: {  	s2 =	sld [smem:$0x3F98];
	s0 =	simm.s32 @p1 $0x1  }
0x15: {  	[smem:$0x3FB5] =	sst s0;
	s0 =	simm.s32 @!p2 $0x0  }
0x16: {  	s3 =	sld [smem:$0x3FDB];
	s0 =	simm.s32 @p2 $0x1  }
0x17: {  	s4 =	simm.s32 $0x1BF5;
	[smem:$0x3FB7] =	sst s0  }
0x18: {  	s0 =	sld [smem:$0x3F9A];
	_ =	swait.ge [sflag:s4], $0x0  }
0x19: {  	s7 =	sld [smem:$0x3F9B]  }
0x1a: {  	s8 =	sadd.s32 $0xFFFFE003, lr  }
0x1b: {  	s9 =	sadd.s32 $0xFFFFFEF7, lr;
	s5 =	simm.s32 $0xFFFFFFFF;
	p2 =	slt.u32 s8, $0xFFFFF086  }
0x1c: {  	p1 =	slt.u32 s9, $0xF7A;
	s5 =	simm.s32 @!p2 $0x0  }
0x1d: {  	s5 =	simm.s32 @p1 $0x1;
	p0 =	seq.s32 s7, s2  }
0x1e: {  	s7 =	smul.u32 @!p0 $0xF7A, s2;
	p2 =	seq.s32 @!p0 s5, $0x0  }
0x1f: {  	s9 =	smul.u32 $0xF7A, s1;
	s8 =	simm.s32 @!p0 $0x1BF5;
	p2 =	por !p2, p0  }
0x20: {  	[sflag:s8] =	ssyncset.s32 @!p0 $0xFFFFF086;
	s6 =	sadd.s32 @!p0 s3, s7;
	s7 =	simm.s32 @!p0 $0x108  }
0x21: {  	s3 =	sadd.s32 s3, s9;
	s6 =	sadd.s32 @!p0 $0x88, s6;
	s7 =	simm.s32 @p2 $0x1082  }
0x22: {  	[simem:s7], [sflag:s8] =	dma.local @!p0 [hbm:s6], $0xF7A  }
0x23: {  	s9 =	sor.u32 $0xD0000000, s2;
	s6 =	simm.s32 $0x108;
	_ =	swait.ge @!p0 [sflag:s8], $0x0  }
0x24: {  	s3 =	sadd.s32 $0x88, s3;
	s6 =	simm.s32 @!p1 $0x1082;
	[sflag:s4] =	ssyncset.s32 $0xFFFFF086  }
0x25: {  	[simem:s6], [sflag:s4] =	dma.local [hbm:s3], $0xF7A  }
0x26: {  	[smem:$0x3F9B] =	sst s1;
	(tag) =	ssettag s2;
	_ =	strace s9  }
0x27: {  	s1 =	sld [smem:$0x3FAB]  }
0x28: {  	s2 =	sld [smem:$0x3FAC]  }
0x29: {  	s4 =	sld [smem:$0x3FAE]  }
0x2a: {  	p0 =	seq.s32 s5, $0x0;
	s5 =	sld [smem:$0x3FAF]  }
0x2b: {  	s6 =	sld [smem:$0x3FB0]  }
0x2c: {  	s7 =	sld [smem:$0x3FB1]  }
0x2d: {  	s3 =	simm.s32 $0x108;
	s8 =	sld [smem:$0x3FB2]  }
0x2e: {  	s3 =	simm.s32 @!p0 $0x1082;
	s9 =	sld [smem:$0x3FB3]  }
0x2f: {  	lr =	sadd.s32 s0, s3;
	s0 =	sld [smem:$0x3FAA]  }
0x30: {  	s3 =	sld [smem:$0x3FAD]  }
0x31: {  	[smem:$0x3FB6] =	sst s10  }
0x32: {  	s10 =	sld [smem:$0x3FB4];
	_ =	sdelay $0x3  }
0x33: {  	p0 =	seq.s32 s10, $0x1;
	s10 =	sld [smem:$0x3FB6];
	_ =	sdelay $0x3  }
0x34: {  	[smem:$0x3FB6] =	sst s10  }
0x35: {  	s10 =	sld [smem:$0x3FB5];
	_ =	sdelay $0x3  }
0x36: {  	p1 =	seq.s32 s10, $0x1;
	s10 =	sld [smem:$0x3FB6];
	_ =	sdelay $0x3  }
0x37: {  	[smem:$0x3FB6] =	sst s10  }
0x38: {  	s10 =	sld [smem:$0x3FB7]  }
0x39: {  	_ = 	snop;
	(pc) =	sbr.ind lr, $3  }
0x3a: {  	_ = 	snop  }
0x3b: {  	_ = 	snop  }
0x3c: {  	p2 =	seq.s32 s10, $0x1;
	s10 =	sld [smem:$0x3FB6]  }
0x3d: {  	_ =	shalt  }
0x3e: {  	_ =	shalt  }
0x3f: {  	_ =	shalt  }
0x40: {  	_ =	shalt  }
0x41: {  	_ =	shalt  }
0x42: {  	_ =	shalt  }
0x43: {  	_ =	shalt  }
0x44: {  	_ =	shalt  }
0x45: {  	_ =	shalt  }
0x46: {  	_ =	shalt  }
0x47: {  	_ =	shalt  }
0x48: {  	_ =	shalt  }
0x49: {  	_ =	shalt  }
0x4a: {  	_ =	shalt  }
0x4b: {  	_ =	shalt  }
0x4c: {  	_ =	shalt  }
0x4d: {  	_ =	shalt  }
0x4e: {  	_ =	shalt  }
0x4f: {  	_ =	shalt  }
0x50: {  	_ =	shalt  }
0x51: {  	_ =	shalt  }
0x52: {  	_ =	shalt  }
0x53: {  	_ =	shalt  }
0x54: {  	_ =	shalt  }
0x55: {  	_ =	shalt  }
0x56: {  	_ =	shalt  }
0x57: {  	_ =	shalt  }
0x58: {  	_ =	shalt  }
0x59: {  	_ =	shalt  }
0x5a: {  	_ =	shalt  }
0x5b: {  	_ =	shalt  }
0x5c: {  	_ =	shalt  }
0x5d: {  	_ =	shalt  }
0x5e: {  	_ =	shalt  }
0x5f: {  	_ =	shalt  }
0x60: {  	_ =	shalt  }
0x61: {  	_ =	shalt  }
0x62: {  	_ =	shalt  }
0x63: {  	_ =	shalt  }
0x64: {  	_ =	shalt  }
0x65: {  	_ =	shalt  }
0x66: {  	_ =	shalt  }
0x67: {  	_ =	shalt  }
0x68: {  	_ =	shalt  }
0x69: {  	_ =	shalt  }
0x6a: {  	_ =	shalt  }
0x6b: {  	_ =	shalt  }
0x6c: {  	_ =	shalt  }
0x6d: {  	_ =	shalt  }
0x6e: {  	_ =	shalt  }
0x6f: {  	_ =	shalt  }
0x70: {  	_ =	shalt  }
0x71: {  	_ =	shalt  }
0x72: {  	_ =	shalt  }
0x73: {  	_ =	shalt  }
0x74: {  	_ =	shalt  }
0x75: {  	_ =	shalt  }
0x76: {  	_ =	shalt  }
0x77: {  	_ =	shalt  }
0x78: {  	_ =	shalt  }
0x79: {  	_ =	shalt  }
0x7a: {  	_ =	shalt  }
0x7b: {  	_ =	shalt  }
0x7c: {  	_ =	shalt  }
0x7d: {  	_ =	shalt  }
0x7e: {  	_ =	shalt  }
0x7f: {  	_ =	shalt  }
0x80: {  	_ =	shalt  }
0x81: {  	_ =	shalt  }
0x82: {  	_ =	shalt  }
0x83: {  	_ =	shalt  }
0x84: {  	_ =	shalt  }
0x85: {  	_ =	shalt  }
0x86: {  	_ =	shalt  }
0x87: {  	_ =	shalt  }
.Lfunc_end0:
.L_simem_size_0:
called_computation_lowered:
.L_overlay_start_0:
0x88: {  	s2 =	sld [smem:$0x3FD9]  }
0x89: {  	s3 =	sld [smem:$0x3FFE];
	_ =	sdelay $0x1  }
0x8a: {  	s1 =	srdreg.scid  }
0x8b: {  	s0 =	sand.u32 $0x1, s1  }
0x8c: {  	s16 =	sshll.u32 s0, $0xA;
	s2 =	sadd.s32 s3, s2  }
0x8d: {  	s2 =	sadd.s32 s2, s16  }
0x8e: {  	[smem:$0x3FC2] =	sst s2  }
0x8f: {  	_ = 	snop  }
0x90: {  	(tm) =	ssettm $0x1  }
0x91: {  	s17 =	sld [smem:$0x3FFB];
	_ =	sdelay $0x3  }
0x92: {  	_ =	strace s17  }
0x93: {  	s2 =	sld [smem:$0x3FFC];
	_ =	sdelay $0x3  }
0x94: {  	_ =	strace s2  }
0x95: {  	s2 =	sld [smem:$0x3FFD];
	_ =	sdelay $0x3  }
0x96: {  	_ =	strace s2  }
0x97: {  	_ =	strace $0x8FFFFFFF  }
0x98: {  	s18 =	sld [smem:$0x3FDB];
	_ =	sdelay $0x1  }
0x99: {  	s19 =	simm.s32 $_scs_section_size  }
0x9a: {  	s4 =	simm.s32 $_size__tile_overlayer_lowered;
	s5 =	simm.s32 $_tile_overlayer_lowered  }
0x9b: {  	s22 =	simm.s32 $0x1BFF;
	s21 =	sshll.u32 s5, $0x1;
	s2 =	sadd.s32 s19, s18  }
0x9c: {  	s6 =	simm.s32 $0x0;
	s20 =	sshll.u32 s4, $0x1;
	s4 =	sadd.s32 s21, s2  }
0x9d: {  	[timem:s6], [sflag:s22] =	dma.local [hbm:s4], s20  }
0x9e: {  	_ =	swait.ge [sflag:s22], s20  }
0x9f: {  	s3 =	ssub.s32 $0x0, s20;
	[sflag:s22] =	ssyncset.done $0x0  }
0xa0: {  	[sflag:s22] =	ssyncadd.s32 s3;
	_ =	sdelay $0x1  }
0xa1: {  	s23 =	simm.s32 $0x1B8B  }
0xa2: {  	_ =	swait.ge [sflag:s23], $0x1  }
0xa3: {  	[sflag:s23] =	ssyncset.done $0x0  }
0xa4: {  	s25 =	simm.s32 $0x1B8E;
	s24 =	sld [smem:$0x3FFE];
	[sflag:s23] =	ssyncadd.s32 $0xFFFFFFFF  }
0xa5: {  	s26 =	simm.s32 $execute0_lowered;
	[smem:$0x3FD2] =	sst s25  }
0xa6: {  	s4 =	sshll.u32 s26, $0x1;
	_ =	strace $0x80000046;
	[dreg:$0x1] =	wrdreg $0xFFFFFFFF  }
0xa7: {  	s28 =	simm.s32 $_size_execute0_lowered;
	s2 =	sadd.s32 s2, s4;
	[dreg:$0x0] =	wrdreg $0x0  }
0xa8: {  	s4 =	sshll.u32 s28, $0x1;
	[dreg:$0x2] =	wrdreg s2  }
0xa9: {  	[dreg:$0x3] =	wrdreg s4  }
0xaa: {  	[dreg:$0x4] =	wrdreg $0xC0  }
0xab: {  	_ =	task [dreg:s6], $0x5FFFF  }
0xac: {  	[dreg:$0x1] =	wrdreg $0xFFFFFFFF  }
0xad: {  	[dreg:$0x0] =	wrdreg $0x60  }
0xae: {  	[dreg:$0x2] =	wrdreg s24  }
0xaf: {  	[dreg:$0x3] =	wrdreg $0x9  }
0xb0: {  	_ =	task.clear_ibuf [dreg:s6], $0x4FFFF;
	_ =	strace $0x90000046  }
0xb1: {  	s29 =	simm.s32 $0x9;
	_ =	strace $0x80000048  }
0xb2: {  	_ =	swait.ge [sflag:s29], $0x1  }
0xb3: {  	[sflag:s29] =	ssyncadd.s32 $0xFFFFFFFF  }
0xb4: {  	_ =	strace $0x90000048  }
0xb5: {  	_ =	sfence  }
0xb6: {  	s30 =	sld [smem:$0x0];
	_ =	sdelay $0x2  }
0xb7: {  	s31 =	sshll.u32 s1, $0xD;
	s1 =	sshrl.u32 s1, $0x2  }
0xb8: {  	s3 =	sand.u32 $0x4000, s31;
	s1 =	sadd.s32 s1, s30  }
0xb9: {  	s0 =	sor.u32 s3, s0;
	s1 =	sshll.u32 s1, $0x11  }
0xba: {  	s0 =	sor.u32 s1, s0  }
0xbb: {  	s0 =	sadd.s32 $0x8F2B, s0  }
0xbc: {  	[sflag:s0] =	ssyncadd.remote.s32 $0x1  }
0xbd: {  	_ =	sfence.sel $0xFFFF  }
0xbe: {  	[dreg:$0x0] =	wrdreg $0xFFFFFFFF;
	(pc) =	sbr.abs _section_cstart, $3  }
0xbf: {  	[dreg:$0x1] =	wrdreg $0xFFFFFFFF  }
0xc0: {  	_ =	task.clear_ibuf [dreg:s6], $0x2FFFF;
	_ =	strace $0x9FFFFFFF  }
0xc1: {  	(tm) =	ssettm $0x7FFFFFFF  }
tec
execute0_lowered:
.L_overlay_start_1:
0x0: {  	(tag) =	ssettag $0x1  }
0x1: {  	s3 =	rddreg [dreg:$0x0]  }
0x2: {  	s0 =	rddreg [dreg:$0x1]  }
0x3: {  	s2 =	simm.s32 $0x0;
	s4 =	srdreg.scid;
	s1 =	stileid.u32  }
0x4: {  	s14 =	simm.s32 $0x2;
	s15 =	simm.s32 $0x0;
	[smem:$0x7FF] =	sst s2  }
0x5: {  	s4 =	sand.u32 $0x1, s4;
	s6 =	sshll.u32 s1, $0xE;
	s9 =	sadd.s32 $0x1200, s3  }
0x6: {  	s10 =	sadd.s32 $0x41200, s3;
	s5 =	ssub.s32 $0x2, s4;
	s4 =	sshll.u32 s4, $0xD  }
0x7: {  	_ =	strace $0x80000047;
	s7 =	sshrl.u32 s5, $0x1;
	s8 =	sor.u32 s4, s6  }
0x8: {  	s11 =	ssub.s32 s5, s7;
	s6 =	sor.u32 $0x800, s8;
	s3 =	sadd.s32 s9, s8  }
0x9: {  	s4 =	sadd.s32 s10, s8;
	s12 =	sor.u32 $0x1000, s8;
	s13 =	sor.u32 $0x1800, s8  }
0xa: {  	s5 =	sadd.s32 s9, s6;
	s6 =	sadd.s32 s10, s6;
	s7 =	sadd.s32 s9, s12  }
0xb: {  	s8 =	sadd.s32 s10, s12;
	s9 =	sadd.s32 s9, s13;
	s10 =	sadd.s32 s10, s13  }
0xc: {  	v0 =	vimm.f32 $0.0e+00;
	v1 =	vimm.f32 $1.000000000e+00;
	s11 =	smax.u32 s11, $0x1;
	s12 =	simm.s32 $0x1;
	s13 =	simm.s32 $0x4000  }
.LBB2_1:
0xd: {  	[tilespmem:s2], [sflag:$0x1] =	stream.linear.gather [hbm4b:s3+s2], $0x4000, $0x38;
	[tilespmem:$0x8000] =	vst v63  }
0xe: {  	s16 =	simm.s32 $0x0;
	s17 =	simm.s32 $0x200  }
.LBB2_2:
0xf: {  	p0 =	sne.s32 s17, $0xFE00;
	[tilespmem:s16+$0x4070] =	vst v0  }
0x10: {  	[tilespmem:s16+$0x4000] =	vst v0  }
0x11: {  	[tilespmem:s16+$0x4010] =	vst v0  }
.Ltmp0:
0x12: {  	[tilespmem:s16+$0x4020] =	vst v0;
	(pc) =	sbr.rel @p0 .LBB2_2-.Ltmp0, $4  }
0x13: {  	[tilespmem:s16+$0x4030] =	vst v0  }
0x14: {  	[tilespmem:s16+$0x4040] =	vst v0  }
0x15: {  	[tilespmem:s16+$0x4050] =	vst v0  }
0x16: {  	[tilespmem:s16+$0x4060] =	vst v0;
	s16 =	sshra.s32 s17, $0x2;
	s17 =	sadd.s32 $0x200, s17  }
0x17: {  	[tilespmem:s16+$0x4070] =	vst v0  }
0x18: {  	[tilespmem:s16+$0x4000] =	vst v0  }
0x19: {  	[tilespmem:s16+$0x4010] =	vst v0  }
0x1a: {  	[tilespmem:s16+$0x4020] =	vst v0  }
0x1b: {  	[tilespmem:s16+$0x4030] =	vst v0  }
0x1c: {  	[tilespmem:s16+$0x4040] =	vst v0  }
0x1d: {  	[tilespmem:s16+$0x4050] =	vst v0  }
0x1e: {  	[tilespmem:s16+$0x4060] =	vst v0  }
0x1f: {  	_ =	swait.ge [sflag:s12], $0x4000  }
0x20: {  	[sflag:s12] =	ssyncset.done $0x0  }
0x21: {  	s16 =	simm.s32 $0x0;
	s17 =	simm.s32 $0x30;
	[sflag:s12] =	ssyncadd.s32 $0xFFFFC000  }
.LBB2_4:
0x22: {  	v2 =	vld [tilespmem:s17+$0xFFFFFFD0];
	_ =	sdelay $0x4  }
0x23: {  	s18 =	sshll.u32 s16, $0x7;
	v3 =	vand.u32 $0xFFFFFF80, v2  }
0x24: {  	v2 =	vand.u32 $0x7F, v2;
	v3 =	vadd.s32 s18, v3  }
0x25: {  	v2 =	vor.u32 v2, v3;
	_ =	sdelay $0x4  }
0x26: {  	[tilespmem:v2+s13+$0x0] =	vst.idx.add.f32.msk $0xffff, v1  }
0x27: {  	v2 =	vld [tilespmem:s17+$0xFFFFFFE0];
	_ =	sdelay $0x4  }
0x28: {  	v3 =	vand.u32 $0xFFFFFF80, v2  }
0x29: {  	v2 =	vand.u32 $0x7F, v2;
	v3 =	vadd.s32 s18, v3  }
0x2a: {  	v2 =	vor.u32 v2, v3;
	_ =	sdelay $0x4  }
0x2b: {  	[tilespmem:v2+s13+$0x0] =	vst.idx.add.f32.msk $0xffff, v1  }
0x2c: {  	v2 =	vld [tilespmem:s17+$0xFFFFFFF0];
	_ =	sdelay $0x4  }
0x2d: {  	v3 =	vand.u32 $0xFFFFFF80, v2  }
0x2e: {  	v2 =	vand.u32 $0x7F, v2;
	v3 =	vadd.s32 s18, v3  }
0x2f: {  	v2 =	vor.u32 v2, v3;
	_ =	sdelay $0x4  }
0x30: {  	[tilespmem:v2+s13+$0x0] =	vst.idx.add.f32.msk $0xffff, v1  }
0x31: {  	v2 =	vld [tilespmem:s17+$0x0];
	_ =	sdelay $0x4  }
0x32: {  	v3 =	vand.u32 $0xFFFFFF80, v2  }
0x33: {  	v2 =	vand.u32 $0x7F, v2;
	v3 =	vadd.s32 s18, v3  }
0x34: {  	v2 =	vor.u32 v2, v3;
	_ =	sdelay $0x4  }
0x35: {  	[tilespmem:v2+s13+$0x0] =	vst.idx.add.f32.msk $0xffff, v1  }
0x36: {  	v2 =	vld [tilespmem:s17+$0x10];
	_ =	sdelay $0x4  }
0x37: {  	v3 =	vand.u32 $0xFFFFFF80, v2  }
0x38: {  	v2 =	vand.u32 $0x7F, v2;
	v3 =	vadd.s32 s18, v3  }
0x39: {  	v2 =	vor.u32 v2, v3;
	_ =	sdelay $0x4  }
0x3a: {  	[tilespmem:v2+s13+$0x0] =	vst.idx.add.f32.msk $0xffff, v1  }
0x3b: {  	v2 =	vld [tilespmem:s17+$0x20];
	_ =	sdelay $0x4  }
0x3c: {  	v3 =	vand.u32 $0xFFFFFF80, v2  }
0x3d: {  	v2 =	vand.u32 $0x7F, v2;
	v3 =	vadd.s32 s18, v3  }
0x3e: {  	v2 =	vor.u32 v2, v3;
	_ =	sdelay $0x4  }
0x3f: {  	[tilespmem:v2+s13+$0x0] =	vst.idx.add.f32.msk $0xffff, v1  }
0x40: {  	v2 =	vld [tilespmem:s17+$0x30];
	_ =	sdelay $0x4  }
0x41: {  	v3 =	vand.u32 $0xFFFFFF80, v2  }
0x42: {  	v2 =	vand.u32 $0x7F, v2;
	v3 =	vadd.s32 s18, v3  }
0x43: {  	p0 =	sne.s32 s16, $0x7F;
	v2 =	vor.u32 v2, v3  }
.Ltmp1:
0x44: {  	_ = 	snop;
	(pc) =	sbr.rel @p0 .LBB2_4-.Ltmp1, $2  }
0x45: {  	_ =	sdelay $0x2  }
0x46: {  	s16 =	sadd.s32 $0x1, s16;
	s17 =	sadd.s32 $0x80, s17;
	[tilespmem:v2+s13+$0x0] =	vst.idx.add.f32.msk $0xf, v1  }
0x47: {  	s16 =	simm.s32 $0x0  }
0x48: {  	[hbm4b:s4+s16] =	stream.linear.scatter [tilespmem:s13], [sflag:$0x2], $0x4000, $0x38;
	[tilespmem:$0x8000] =	vst v63  }
0x49: {  	_ =	swait.ge [sflag:s14], $0x4000  }
0x4a: {  	[sflag:s14] =	ssyncset.done $0x0  }
0x4b: {  	[sflag:s14] =	ssyncadd.s32 $0xFFFFC000  }
0x4c: {  	[tilespmem:s16], [sflag:$0x1] =	stream.linear.gather [hbm4b:s5+s16], $0x4000, $0x38;
	[tilespmem:$0x8000] =	vst v63  }
0x4d: {  	s17 =	simm.s32 $0x200;
	s16 =	simm.s32 $0x0  }
.LBB2_6:
0x4e: {  	p0 =	sne.s32 s17, $0xFE00;
	[tilespmem:s16+$0x4070] =	vst v0  }
0x4f: {  	[tilespmem:s16+$0x4000] =	vst v0  }
0x50: {  	[tilespmem:s16+$0x4010] =	vst v0  }
.Ltmp2:
0x51: {  	[tilespmem:s16+$0x4020] =	vst v0;
	(pc) =	sbr.rel @p0 .LBB2_6-.Ltmp2, $4  }
0x52: {  	[tilespmem:s16+$0x4030] =	vst v0  }
0x53: {  	[tilespmem:s16+$0x4040] =	vst v0  }
0x54: {  	[tilespmem:s16+$0x4050] =	vst v0  }
0x55: {  	[tilespmem:s16+$0x4060] =	vst v0;
	s16 =	sshra.s32 s17, $0x2;
	s17 =	sadd.s32 $0x200, s17  }
0x56: {  	[tilespmem:s16+$0x4070] =	vst v0  }
0x57: {  	[tilespmem:s16+$0x4000] =	vst v0  }
0x58: {  	[tilespmem:s16+$0x4010] =	vst v0  }
0x59: {  	[tilespmem:s16+$0x4020] =	vst v0  }
0x5a: {  	[tilespmem:s16+$0x4030] =	vst v0  }
0x5b: {  	[tilespmem:s16+$0x4040] =	vst v0  }
0x5c: {  	[tilespmem:s16+$0x4050] =	vst v0  }
0x5d: {  	[tilespmem:s16+$0x4060] =	vst v0  }
0x5e: {  	_ =	swait.ge [sflag:s12], $0x4000  }
0x5f: {  	[sflag:s12] =	ssyncset.done $0x0  }
0x60: {  	s16 =	simm.s32 $0x0;
	s17 =	simm.s32 $0x30;
	[sflag:s12] =	ssyncadd.s32 $0xFFFFC000  }
.LBB2_8:
0x61: {  	v2 =	vld [tilespmem:s17+$0xFFFFFFD0];
	_ =	sdelay $0x4  }
0x62: {  	s18 =	sshll.u32 s16, $0x7;
	v3 =	vand.u32 $0xFFFFFF80, v2  }
0x63: {  	v2 =	vand.u32 $0x7F, v2;
	v3 =	vadd.s32 s18, v3  }
0x64: {  	v2 =	vor.u32 v2, v3;
	_ =	sdelay $0x4  }
0x65: {  	[tilespmem:v2+s13+$0x0] =	vst.idx.add.f32.msk $0xffff, v1  }
0x66: {  	v2 =	vld [tilespmem:s17+$0xFFFFFFE0];
	_ =	sdelay $0x4  }
0x67: {  	v3 =	vand.u32 $0xFFFFFF80, v2  }
0x68: {  	v2 =	vand.u32 $0x7F, v2;
	v3 =	vadd.s32 s18, v3  }
0x69: {  	v2 =	vor.u32 v2, v3;
	_ =	sdelay $0x4  }
0x6a: {  	[tilespmem:v2+s13+$0x0] =	vst.idx.add.f32.msk $0xffff, v1  }
0x6b: {  	v2 =	vld [tilespmem:s17+$0xFFFFFFF0];
	_ =	sdelay $0x4  }
0x6c: {  	v3 =	vand.u32 $0xFFFFFF80, v2  }
0x6d: {  	v2 =	vand.u32 $0x7F, v2;
	v3 =	vadd.s32 s18, v3  }
0x6e: {  	v2 =	vor.u32 v2, v3;
	_ =	sdelay $0x4  }
0x6f: {  	[tilespmem:v2+s13+$0x0] =	vst.idx.add.f32.msk $0xffff, v1  }
0x70: {  	v2 =	vld [tilespmem:s17+$0x0];
	_ =	sdelay $0x4  }
0x71: {  	v3 =	vand.u32 $0xFFFFFF80, v2  }
0x72: {  	v2 =	vand.u32 $0x7F, v2;
	v3 =	vadd.s32 s18, v3  }
0x73: {  	v2 =	vor.u32 v2, v3;
	_ =	sdelay $0x4  }
0x74: {  	[tilespmem:v2+s13+$0x0] =	vst.idx.add.f32.msk $0xffff, v1  }
0x75: {  	v2 =	vld [tilespmem:s17+$0x10];
	_ =	sdelay $0x4  }
0x76: {  	v3 =	vand.u32 $0xFFFFFF80, v2  }
0x77: {  	v2 =	vand.u32 $0x7F, v2;
	v3 =	vadd.s32 s18, v3  }
0x78: {  	v2 =	vor.u32 v2, v3;
	_ =	sdelay $0x4  }
0x79: {  	[tilespmem:v2+s13+$0x0] =	vst.idx.add.f32.msk $0xffff, v1  }
0x7a: {  	v2 =	vld [tilespmem:s17+$0x20];
	_ =	sdelay $0x4  }
0x7b: {  	v3 =	vand.u32 $0xFFFFFF80, v2  }
0x7c: {  	v2 =	vand.u32 $0x7F, v2;
	v3 =	vadd.s32 s18, v3  }
0x7d: {  	v2 =	vor.u32 v2, v3;
	_ =	sdelay $0x4  }
0x7e: {  	[tilespmem:v2+s13+$0x0] =	vst.idx.add.f32.msk $0xffff, v1  }
0x7f: {  	v2 =	vld [tilespmem:s17+$0x30];
	_ =	sdelay $0x4  }
0x80: {  	v3 =	vand.u32 $0xFFFFFF80, v2  }
0x81: {  	v2 =	vand.u32 $0x7F, v2;
	v3 =	vadd.s32 s18, v3  }
0x82: {  	p0 =	sne.s32 s16, $0x7F;
	v2 =	vor.u32 v2, v3  }
.Ltmp3:
0x83: {  	_ = 	snop;
	(pc) =	sbr.rel @p0 .LBB2_8-.Ltmp3, $2  }
0x84: {  	_ =	sdelay $0x2  }
0x85: {  	s16 =	sadd.s32 $0x1, s16;
	s17 =	sadd.s32 $0x80, s17;
	[tilespmem:v2+s13+$0x0] =	vst.idx.add.f32.msk $0xf, v1  }
0x86: {  	s16 =	simm.s32 $0x0  }
0x87: {  	[hbm4b:s6+s16] =	stream.linear.scatter [tilespmem:s13], [sflag:$0x2], $0x4000, $0x38;
	[tilespmem:$0x8000] =	vst v63  }
0x88: {  	_ =	swait.ge [sflag:s14], $0x4000  }
0x89: {  	[sflag:s14] =	ssyncset.done $0x0  }
0x8a: {  	[sflag:s14] =	ssyncadd.s32 $0xFFFFC000  }
0x8b: {  	[tilespmem:s16], [sflag:$0x1] =	stream.linear.gather [hbm4b:s7+s16], $0x4000, $0x38;
	[tilespmem:$0x8000] =	vst v63  }
0x8c: {  	s17 =	simm.s32 $0x200;
	s16 =	simm.s32 $0x0  }
.LBB2_10:
0x8d: {  	p0 =	sne.s32 s17, $0xFE00;
	[tilespmem:s16+$0x4070] =	vst v0  }
0x8e: {  	[tilespmem:s16+$0x4000] =	vst v0  }
0x8f: {  	[tilespmem:s16+$0x4010] =	vst v0  }
.Ltmp4:
0x90: {  	[tilespmem:s16+$0x4020] =	vst v0;
	(pc) =	sbr.rel @p0 .LBB2_10-.Ltmp4, $4  }
0x91: {  	[tilespmem:s16+$0x4030] =	vst v0  }
0x92: {  	[tilespmem:s16+$0x4040] =	vst v0  }
0x93: {  	[tilespmem:s16+$0x4050] =	vst v0  }
0x94: {  	[tilespmem:s16+$0x4060] =	vst v0;
	s16 =	sshra.s32 s17, $0x2;
	s17 =	sadd.s32 $0x200, s17  }
0x95: {  	[tilespmem:s16+$0x4070] =	vst v0  }
0x96: {  	[tilespmem:s16+$0x4000] =	vst v0  }
0x97: {  	[tilespmem:s16+$0x4010] =	vst v0  }
0x98: {  	[tilespmem:s16+$0x4020] =	vst v0  }
0x99: {  	[tilespmem:s16+$0x4030] =	vst v0  }
0x9a: {  	[tilespmem:s16+$0x4040] =	vst v0  }
0x9b: {  	[tilespmem:s16+$0x4050] =	vst v0  }
0x9c: {  	[tilespmem:s16+$0x4060] =	vst v0  }
0x9d: {  	_ =	swait.ge [sflag:s12], $0x4000  }
0x9e: {  	[sflag:s12] =	ssyncset.done $0x0  }
0x9f: {  	s16 =	simm.s32 $0x0;
	s17 =	simm.s32 $0x30;
	[sflag:s12] =	ssyncadd.s32 $0xFFFFC000  }
.LBB2_12:
0xa0: {  	v2 =	vld [tilespmem:s17+$0xFFFFFFD0];
	_ =	sdelay $0x4  }
0xa1: {  	s18 =	sshll.u32 s16, $0x7;
	v3 =	vand.u32 $0xFFFFFF80, v2  }
0xa2: {  	v2 =	vand.u32 $0x7F, v2;
	v3 =	vadd.s32 s18, v3  }
0xa3: {  	v2 =	vor.u32 v2, v3;
	_ =	sdelay $0x4  }
0xa4: {  	[tilespmem:v2+s13+$0x0] =	vst.idx.add.f32.msk $0xffff, v1  }
0xa5: {  	v2 =	vld [tilespmem:s17+$0xFFFFFFE0];
	_ =	sdelay $0x4  }
0xa6: {  	v3 =	vand.u32 $0xFFFFFF80, v2  }
0xa7: {  	v2 =	vand.u32 $0x7F, v2;
	v3 =	vadd.s32 s18, v3  }
0xa8: {  	v2 =	vor.u32 v2, v3;
	_ =	sdelay $0x4  }
0xa9: {  	[tilespmem:v2+s13+$0x0] =	vst.idx.add.f32.msk $0xffff, v1  }
0xaa: {  	v2 =	vld [tilespmem:s17+$0xFFFFFFF0];
	_ =	sdelay $0x4  }
0xab: {  	v3 =	vand.u32 $0xFFFFFF80, v2  }
0xac: {  	v2 =	vand.u32 $0x7F, v2;
	v3 =	vadd.s32 s18, v3  }
0xad: {  	v2 =	vor.u32 v2, v3;
	_ =	sdelay $0x4  }
0xae: {  	[tilespmem:v2+s13+$0x0] =	vst.idx.add.f32.msk $0xffff, v1  }
0xaf: {  	v2 =	vld [tilespmem:s17+$0x0];
	_ =	sdelay $0x4  }
0xb0: {  	v3 =	vand.u32 $0xFFFFFF80, v2  }
0xb1: {  	v2 =	vand.u32 $0x7F, v2;
	v3 =	vadd.s32 s18, v3  }
0xb2: {  	v2 =	vor.u32 v2, v3;
	_ =	sdelay $0x4  }
0xb3: {  	[tilespmem:v2+s13+$0x0] =	vst.idx.add.f32.msk $0xffff, v1  }
0xb4: {  	v2 =	vld [tilespmem:s17+$0x10];
	_ =	sdelay $0x4  }
0xb5: {  	v3 =	vand.u32 $0xFFFFFF80, v2  }
0xb6: {  	v2 =	vand.u32 $0x7F, v2;
	v3 =	vadd.s32 s18, v3  }
0xb7: {  	v2 =	vor.u32 v2, v3;
	_ =	sdelay $0x4  }
0xb8: {  	[tilespmem:v2+s13+$0x0] =	vst.idx.add.f32.msk $0xffff, v1  }
0xb9: {  	v2 =	vld [tilespmem:s17+$0x20];
	_ =	sdelay $0x4  }
0xba: {  	v3 =	vand.u32 $0xFFFFFF80, v2  }
0xbb: {  	v2 =	vand.u32 $0x7F, v2;
	v3 =	vadd.s32 s18, v3  }
0xbc: {  	v2 =	vor.u32 v2, v3;
	_ =	sdelay $0x4  }
0xbd: {  	[tilespmem:v2+s13+$0x0] =	vst.idx.add.f32.msk $0xffff, v1  }
0xbe: {  	v2 =	vld [tilespmem:s17+$0x30];
	_ =	sdelay $0x4  }
0xbf: {  	v3 =	vand.u32 $0xFFFFFF80, v2  }
0xc0: {  	v2 =	vand.u32 $0x7F, v2;
	v3 =	vadd.s32 s18, v3  }
0xc1: {  	p0 =	sne.s32 s16, $0x7F;
	v2 =	vor.u32 v2, v3  }
.Ltmp5:
0xc2: {  	_ = 	snop;
	(pc) =	sbr.rel @p0 .LBB2_12-.Ltmp5, $2  }
0xc3: {  	_ =	sdelay $0x2  }
0xc4: {  	s16 =	sadd.s32 $0x1, s16;
	s17 =	sadd.s32 $0x80, s17;
	[tilespmem:v2+s13+$0x0] =	vst.idx.add.f32.msk $0xf, v1  }
0xc5: {  	s16 =	simm.s32 $0x0  }
0xc6: {  	[hbm4b:s8+s16] =	stream.linear.scatter [tilespmem:s13], [sflag:$0x2], $0x4000, $0x38;
	[tilespmem:$0x8000] =	vst v63  }
0xc7: {  	_ =	swait.ge [sflag:s14], $0x4000  }
0xc8: {  	[sflag:s14] =	ssyncset.done $0x0  }
0xc9: {  	[sflag:s14] =	ssyncadd.s32 $0xFFFFC000  }
0xca: {  	[tilespmem:s16], [sflag:$0x1] =	stream.linear.gather [hbm4b:s9+s16], $0x4000, $0x38;
	[tilespmem:$0x8000] =	vst v63  }
0xcb: {  	s17 =	simm.s32 $0x200;
	s16 =	simm.s32 $0x0  }
.LBB2_14:
0xcc: {  	p0 =	sne.s32 s17, $0xFE00;
	[tilespmem:s16+$0x4070] =	vst v0  }
0xcd: {  	[tilespmem:s16+$0x4000] =	vst v0  }
0xce: {  	[tilespmem:s16+$0x4010] =	vst v0  }
.Ltmp6:
0xcf: {  	[tilespmem:s16+$0x4020] =	vst v0;
	(pc) =	sbr.rel @p0 .LBB2_14-.Ltmp6, $4  }
0xd0: {  	[tilespmem:s16+$0x4030] =	vst v0  }
0xd1: {  	[tilespmem:s16+$0x4040] =	vst v0  }
0xd2: {  	[tilespmem:s16+$0x4050] =	vst v0  }
0xd3: {  	[tilespmem:s16+$0x4060] =	vst v0;
	s16 =	sshra.s32 s17, $0x2;
	s17 =	sadd.s32 $0x200, s17  }
0xd4: {  	[tilespmem:s16+$0x4070] =	vst v0  }
0xd5: {  	[tilespmem:s16+$0x4000] =	vst v0  }
0xd6: {  	[tilespmem:s16+$0x4010] =	vst v0  }
0xd7: {  	[tilespmem:s16+$0x4020] =	vst v0  }
0xd8: {  	[tilespmem:s16+$0x4030] =	vst v0  }
0xd9: {  	[tilespmem:s16+$0x4040] =	vst v0  }
0xda: {  	[tilespmem:s16+$0x4050] =	vst v0  }
0xdb: {  	[tilespmem:s16+$0x4060] =	vst v0  }
0xdc: {  	_ =	swait.ge [sflag:s12], $0x4000  }
0xdd: {  	[sflag:s12] =	ssyncset.done $0x0  }
0xde: {  	s16 =	simm.s32 $0x0;
	s17 =	simm.s32 $0x30;
	[sflag:s12] =	ssyncadd.s32 $0xFFFFC000  }
.LBB2_16:
0xdf: {  	v2 =	vld [tilespmem:s17+$0xFFFFFFD0];
	_ =	sdelay $0x4  }
0xe0: {  	s18 =	sshll.u32 s16, $0x7;
	v3 =	vand.u32 $0xFFFFFF80, v2  }
0xe1: {  	v2 =	vand.u32 $0x7F, v2;
	v3 =	vadd.s32 s18, v3  }
0xe2: {  	v2 =	vor.u32 v2, v3;
	_ =	sdelay $0x4  }
0xe3: {  	[tilespmem:v2+s13+$0x0] =	vst.idx.add.f32.msk $0xffff, v1  }
0xe4: {  	v2 =	vld [tilespmem:s17+$0xFFFFFFE0];
	_ =	sdelay $0x4  }
0xe5: {  	v3 =	vand.u32 $0xFFFFFF80, v2  }
0xe6: {  	v2 =	vand.u32 $0x7F, v2;
	v3 =	vadd.s32 s18, v3  }
0xe7: {  	v2 =	vor.u32 v2, v3;
	_ =	sdelay $0x4  }
0xe8: {  	[tilespmem:v2+s13+$0x0] =	vst.idx.add.f32.msk $0xffff, v1  }
0xe9: {  	v2 =	vld [tilespmem:s17+$0xFFFFFFF0];
	_ =	sdelay $0x4  }
0xea: {  	v3 =	vand.u32 $0xFFFFFF80, v2  }
0xeb: {  	v2 =	vand.u32 $0x7F, v2;
	v3 =	vadd.s32 s18, v3  }
0xec: {  	v2 =	vor.u32 v2, v3;
	_ =	sdelay $0x4  }
0xed: {  	[tilespmem:v2+s13+$0x0] =	vst.idx.add.f32.msk $0xffff, v1  }
0xee: {  	v2 =	vld [tilespmem:s17+$0x0];
	_ =	sdelay $0x4  }
0xef: {  	v3 =	vand.u32 $0xFFFFFF80, v2  }
0xf0: {  	v2 =	vand.u32 $0x7F, v2;
	v3 =	vadd.s32 s18, v3  }
0xf1: {  	v2 =	vor.u32 v2, v3;
	_ =	sdelay $0x4  }
0xf2: {  	[tilespmem:v2+s13+$0x0] =	vst.idx.add.f32.msk $0xffff, v1  }
0xf3: {  	v2 =	vld [tilespmem:s17+$0x10];
	_ =	sdelay $0x4  }
0xf4: {  	v3 =	vand.u32 $0xFFFFFF80, v2  }
0xf5: {  	v2 =	vand.u32 $0x7F, v2;
	v3 =	vadd.s32 s18, v3  }
0xf6: {  	v2 =	vor.u32 v2, v3;
	_ =	sdelay $0x4  }
0xf7: {  	[tilespmem:v2+s13+$0x0] =	vst.idx.add.f32.msk $0xffff, v1  }
0xf8: {  	v2 =	vld [tilespmem:s17+$0x20];
	_ =	sdelay $0x4  }
0xf9: {  	v3 =	vand.u32 $0xFFFFFF80, v2  }
0xfa: {  	v2 =	vand.u32 $0x7F, v2;
	v3 =	vadd.s32 s18, v3  }
0xfb: {  	v2 =	vor.u32 v2, v3;
	_ =	sdelay $0x4  }
0xfc: {  	[tilespmem:v2+s13+$0x0] =	vst.idx.add.f32.msk $0xffff, v1  }
0xfd: {  	v2 =	vld [tilespmem:s17+$0x30];
	_ =	sdelay $0x4  }
0xfe: {  	v3 =	vand.u32 $0xFFFFFF80, v2  }
0xff: {  	v2 =	vand.u32 $0x7F, v2;
	v3 =	vadd.s32 s18, v3  }
0x100: {  	p0 =	sne.s32 s16, $0x7F;
	v2 =	vor.u32 v2, v3  }
.Ltmp7:
0x101: {  	_ = 	snop;
	(pc) =	sbr.rel @p0 .LBB2_16-.Ltmp7, $2  }
0x102: {  	_ =	sdelay $0x2  }
0x103: {  	s16 =	sadd.s32 $0x1, s16;
	s17 =	sadd.s32 $0x80, s17;
	[tilespmem:v2+s13+$0x0] =	vst.idx.add.f32.msk $0xf, v1  }
0x104: {  	s15 =	sadd.s32 $0x1, s15  }
0x105: {  	p0 =	sne.s32 s15, s11  }
.Ltmp8:
0x106: {  	_ = 	snop;
	(pc) =	sbr.rel @p0 .LBB2_1-.Ltmp8, $4  }
0x107: {  	[hbm4b:s10+s2] =	stream.linear.scatter [tilespmem:s13], [sflag:$0x2], $0x4000, $0x38;
	[tilespmem:$0x8000] =	vst v63  }
0x108: {  	_ =	swait.ge [sflag:s14], $0x4000  }
0x109: {  	[sflag:s14] =	ssyncset.done $0x0  }
0x10a: {  	[sflag:s14] =	ssyncadd.s32 $0xFFFFC000  }
0x10b: {  	_ =	sfence.sel $0x180000  }
0x10c: {  	[bflag:$0x0] =	sbarrier.arrive $0xFFFF  }
0x10d: {  	p0 =	sne.s32 s1, $0x0;
	_ =	strace $0x90000047  }
0x10e: {  	s0 =	sadd.s32 @!p0 $0x100000, s0;
	[bflag:$0x2] =	sbarrier.arrive $0xFFFF  }
0x10f: {  	[sflag:s0] =	ssyncadd.tile.s32 @!p0 $0x1;
	_ =	shalt  }
.Lfunc_end2:
_tile_overlayer_lowered:
.L_overlay_start_2:
0x110: {  	(tag) =	ssettag $0x2  }
0x111: {  	s0 =	rddreg [dreg:$0x0];
	s2 =	stileid.u32  }
0x112: {  	s1 =	rddreg [dreg:$0x1];
	p0 =	sne.s32 s2, $0x0  }
0x113: {  	s3 =	rddreg [dreg:$0x2];
	[bflag:$0x3] =	sbarrier.arrive $0xFFFF;
	s2 =	simm.s32 @!p0 $0x1C02  }
0x114: {  	[timem:s3], [sflag:s2] =	dma.local @!p0 [hbm:s0], s1  }
0x115: {  	s0 =	simm.s32 @!p0 $0x2  }
0x116: {  	_ =	swait.ge @!p0 [sflag:s0], s1  }
0x117: {  	s1 =	ssub.s32 @!p0 $0x0, s1;
	[sflag:s0] =	ssyncset.done @!p0 $0x0  }
0x118: {  	[sflag:s0] =	ssyncadd.s32 @!p0 s1  }
0x119: {  	[bflag:$0x3] =	sbarrier.arrive $0xFFFF  }
0x11a: {  	_ =	shalt  }

// kernel: kernel.8.cloned.1.call-start
scs
__scs_entry_jumppad:
0x0: {  	(pc) =	sbr.rel $0x88, $3  }
0x1: {  	(tag) =	ssettag $0x0;
	lr =	simm.s32 $0x1  }
0x2: {  	[smem:$0x3F9B] =	sst lr;
	_ =	strace $0xD0000000  }
0x3: {  	_ = 	snop  }
0x4: {  	_ = 	snop  }
0x5: {  	_ = 	snop  }
0x6: {  	_ = 	snop  }
0x7: {  	_ = 	snop  }
__scs_overlays_trampoline_lowered:
0x8: {  	[smem:$0x3FAA] =	sst s0  }
0x9: {  	[smem:$0x3FAB] =	sst s1  }
0xa: {  	[smem:$0x3FAC] =	sst s2  }
0xb: {  	[smem:$0x3FAD] =	sst s3  }
0xc: {  	[smem:$0x3FAE] =	sst s4  }
0xd: {  	[smem:$0x3FAF] =	sst s5  }
0xe: {  	[smem:$0x3FB0] =	sst s6  }
0xf: {  	[smem:$0x3FB1] =	sst s7  }
0x10: {  	[smem:$0x3FB2] =	sst s8  }
0x11: {  	[smem:$0x3FB3] =	sst s9;
	s0 =	simm.s32 @!p0 $0x0  }
0x12: {  	s1 =	sld [smem:$0x3F99];
	s0 =	simm.s32 @p0 $0x1  }
0x13: {  	[smem:$0x3FB4] =	sst s0;
	s0 =	simm.s32 @!p1 $0x0  }
0x14: {  	s2 =	sld [smem:$0x3F98];
	s0 =	simm.s32 @p1 $0x1  }
0x15: {  	[smem:$0x3FB5] =	sst s0;
	s0 =	simm.s32 @!p2 $0x0  }
0x16: {  	s3 =	sld [smem:$0x3FDB];
	s0 =	simm.s32 @p2 $0x1  }
0x17: {  	s4 =	simm.s32 $0x1BF5;
	[smem:$0x3FB7] =	sst s0  }
0x18: {  	s0 =	sld [smem:$0x3F9A];
	_ =	swait.ge [sflag:s4], $0x0  }
0x19: {  	s7 =	sld [smem:$0x3F9B]  }
0x1a: {  	s8 =	sadd.s32 $0xFFFFE003, lr  }
0x1b: {  	s9 =	sadd.s32 $0xFFFFFEF7, lr;
	s5 =	simm.s32 $0xFFFFFFFF;
	p2 =	slt.u32 s8, $0xFFFFF086  }
0x1c: {  	p1 =	slt.u32 s9, $0xF7A;
	s5 =	simm.s32 @!p2 $0x0  }
0x1d: {  	s5 =	simm.s32 @p1 $0x1;
	p0 =	seq.s32 s7, s2  }
0x1e: {  	s7 =	smul.u32 @!p0 $0xF7A, s2;
	p2 =	seq.s32 @!p0 s5, $0x0  }
0x1f: {  	s9 =	smul.u32 $0xF7A, s1;
	s8 =	simm.s32 @!p0 $0x1BF5;
	p2 =	por !p2, p0  }
0x20: {  	[sflag:s8] =	ssyncset.s32 @!p0 $0xFFFFF086;
	s6 =	sadd.s32 @!p0 s3, s7;
	s7 =	simm.s32 @!p0 $0x108  }
0x21: {  	s3 =	sadd.s32 s3, s9;
	s6 =	sadd.s32 @!p0 $0x88, s6;
	s7 =	simm.s32 @p2 $0x1082  }
0x22: {  	[simem:s7], [sflag:s8] =	dma.local @!p0 [hbm:s6], $0xF7A  }
0x23: {  	s9 =	sor.u32 $0xD0000000, s2;
	s6 =	simm.s32 $0x108;
	_ =	swait.ge @!p0 [sflag:s8], $0x0  }
0x24: {  	s3 =	sadd.s32 $0x88, s3;
	s6 =	simm.s32 @!p1 $0x1082;
	[sflag:s4] =	ssyncset.s32 $0xFFFFF086  }
0x25: {  	[simem:s6], [sflag:s4] =	dma.local [hbm:s3], $0xF7A  }
0x26: {  	[smem:$0x3F9B] =	sst s1;
	(tag) =	ssettag s2;
	_ =	strace s9  }
0x27: {  	s1 =	sld [smem:$0x3FAB]  }
0x28: {  	s2 =	sld [smem:$0x3FAC]  }
0x29: {  	s4 =	sld [smem:$0x3FAE]  }
0x2a: {  	p0 =	seq.s32 s5, $0x0;
	s5 =	sld [smem:$0x3FAF]  }
0x2b: {  	s6 =	sld [smem:$0x3FB0]  }
0x2c: {  	s7 =	sld [smem:$0x3FB1]  }
0x2d: {  	s3 =	simm.s32 $0x108;
	s8 =	sld [smem:$0x3FB2]  }
0x2e: {  	s3 =	simm.s32 @!p0 $0x1082;
	s9 =	sld [smem:$0x3FB3]  }
0x2f: {  	lr =	sadd.s32 s0, s3;
	s0 =	sld [smem:$0x3FAA]  }
0x30: {  	s3 =	sld [smem:$0x3FAD]  }
0x31: {  	[smem:$0x3FB6] =	sst s10  }
0x32: {  	s10 =	sld [smem:$0x3FB4];
	_ =	sdelay $0x3  }
0x33: {  	p0 =	seq.s32 s10, $0x1;
	s10 =	sld [smem:$0x3FB6];
	_ =	sdelay $0x3  }
0x34: {  	[smem:$0x3FB6] =	sst s10  }
0x35: {  	s10 =	sld [smem:$0x3FB5];
	_ =	sdelay $0x3  }
0x36: {  	p1 =	seq.s32 s10, $0x1;
	s10 =	sld [smem:$0x3FB6];
	_ =	sdelay $0x3  }
0x37: {  	[smem:$0x3FB6] =	sst s10  }
0x38: {  	s10 =	sld [smem:$0x3FB7]  }
0x39: {  	_ = 	snop;
	(pc) =	sbr.ind lr, $3  }
0x3a: {  	_ = 	snop  }
0x3b: {  	_ = 	snop  }
0x3c: {  	p2 =	seq.s32 s10, $0x1;
	s10 =	sld [smem:$0x3FB6]  }
0x3d: {  	_ =	shalt  }
0x3e: {  	_ =	shalt  }
0x3f: {  	_ =	shalt  }
0x40: {  	_ =	shalt  }
0x41: {  	_ =	shalt  }
0x42: {  	_ =	shalt  }
0x43: {  	_ =	shalt  }
0x44: {  	_ =	shalt  }
0x45: {  	_ =	shalt  }
0x46: {  	_ =	shalt  }
0x47: {  	_ =	shalt  }
0x48: {  	_ =	shalt  }
0x49: {  	_ =	shalt  }
0x4a: {  	_ =	shalt  }
0x4b: {  	_ =	shalt  }
0x4c: {  	_ =	shalt  }
0x4d: {  	_ =	shalt  }
0x4e: {  	_ =	shalt  }
0x4f: {  	_ =	shalt  }
0x50: {  	_ =	shalt  }
0x51: {  	_ =	shalt  }
0x52: {  	_ =	shalt  }
0x53: {  	_ =	shalt  }
0x54: {  	_ =	shalt  }
0x55: {  	_ =	shalt  }
0x56: {  	_ =	shalt  }
0x57: {  	_ =	shalt  }
0x58: {  	_ =	shalt  }
0x59: {  	_ =	shalt  }
0x5a: {  	_ =	shalt  }
0x5b: {  	_ =	shalt  }
0x5c: {  	_ =	shalt  }
0x5d: {  	_ =	shalt  }
0x5e: {  	_ =	shalt  }
0x5f: {  	_ =	shalt  }
0x60: {  	_ =	shalt  }
0x61: {  	_ =	shalt  }
0x62: {  	_ =	shalt  }
0x63: {  	_ =	shalt  }
0x64: {  	_ =	shalt  }
0x65: {  	_ =	shalt  }
0x66: {  	_ =	shalt  }
0x67: {  	_ =	shalt  }
0x68: {  	_ =	shalt  }
0x69: {  	_ =	shalt  }
0x6a: {  	_ =	shalt  }
0x6b: {  	_ =	shalt  }
0x6c: {  	_ =	shalt  }
0x6d: {  	_ =	shalt  }
0x6e: {  	_ =	shalt  }
0x6f: {  	_ =	shalt  }
0x70: {  	_ =	shalt  }
0x71: {  	_ =	shalt  }
0x72: {  	_ =	shalt  }
0x73: {  	_ =	shalt  }
0x74: {  	_ =	shalt  }
0x75: {  	_ =	shalt  }
0x76: {  	_ =	shalt  }
0x77: {  	_ =	shalt  }
0x78: {  	_ =	shalt  }
0x79: {  	_ =	shalt  }
0x7a: {  	_ =	shalt  }
0x7b: {  	_ =	shalt  }
0x7c: {  	_ =	shalt  }
0x7d: {  	_ =	shalt  }
0x7e: {  	_ =	shalt  }
0x7f: {  	_ =	shalt  }
0x80: {  	_ =	shalt  }
0x81: {  	_ =	shalt  }
0x82: {  	_ =	shalt  }
0x83: {  	_ =	shalt  }
0x84: {  	_ =	shalt  }
0x85: {  	_ =	shalt  }
0x86: {  	_ =	shalt  }
0x87: {  	_ =	shalt  }
.Lfunc_end0:
.L_simem_size_0:
called_computation.1_lowered:
.L_overlay_start_0:
0x88: {  	s2 =	sld [smem:$0x3FD9]  }
0x89: {  	s3 =	sld [smem:$0x3FFE];
	_ =	sdelay $0x1  }
0x8a: {  	s1 =	srdreg.scid  }
0x8b: {  	s0 =	sand.u32 $0x1, s1  }
0x8c: {  	s17 =	sshll.u32 s0, $0xA;
	s2 =	sadd.s32 s3, s2  }
0x8d: {  	s2 =	sadd.s32 s2, s17  }
0x8e: {  	[smem:$0x3FC2] =	sst s2  }
0x8f: {  	_ = 	snop  }
0x90: {  	s2 =	sld [smem:$0x3FC6];
	(tm) =	ssettm $0x1  }
0x91: {  	s18 =	sld [smem:$0x3FFB];
	_ =	sdelay $0x3  }
0x92: {  	_ =	strace s18  }
0x93: {  	s3 =	sld [smem:$0x3FFC];
	_ =	sdelay $0x3  }
0x94: {  	_ =	strace s3  }
0x95: {  	s3 =	sld [smem:$0x3FFD];
	_ =	sdelay $0x3  }
0x96: {  	_ =	strace s3  }
0x97: {  	_ =	strace $0x8FFFFFFF  }
0x98: {  	s19 =	sld [smem:$0x3FDB];
	_ =	sdelay $0x1  }
0x99: {  	s4 =	simm.s32 $_scs_section_size  }
0x9a: {  	s5 =	simm.s32 $_size__tile_overlayer_lowered;
	s6 =	simm.s32 $_tile_overlayer_lowered  }
0x9b: {  	s22 =	simm.s32 $0x1BFF;
	s21 =	sshll.u32 s6, $0x1;
	s3 =	sadd.s32 s4, s19  }
0x9c: {  	s7 =	simm.s32 $0x0;
	s20 =	sshll.u32 s5, $0x1;
	s5 =	sadd.s32 s21, s3  }
0x9d: {  	[timem:s7], [sflag:s22] =	dma.local [hbm:s5], s20  }
0x9e: {  	_ =	swait.ge [sflag:s22], s20  }
0x9f: {  	s4 =	ssub.s32 $0x0, s20;
	[sflag:s22] =	ssyncset.done $0x0  }
0xa0: {  	[sflag:s22] =	ssyncadd.s32 s4;
	_ =	sdelay $0x1  }
0xa1: {  	s23 =	simm.s32 $0x1B8B  }
0xa2: {  	_ =	swait.ge [sflag:s23], $0x1  }
0xa3: {  	[sflag:s23] =	ssyncset.done $0x0  }
0xa4: {  	s25 =	simm.s32 $0x1B8E;
	s24 =	sld [smem:$0x3FFE];
	[sflag:s23] =	ssyncadd.s32 $0xFFFFFFFF  }
0xa5: {  	s26 =	simm.s32 $execute0_lowered;
	[smem:$0x3FD2] =	sst s25  }
0xa6: {  	s5 =	sshll.u32 s26, $0x1;
	_ =	strace $0x80000049;
	[dreg:$0x1] =	wrdreg $0xFFFFFFFF  }
0xa7: {  	s28 =	simm.s32 $_size_execute0_lowered;
	s3 =	sadd.s32 s3, s5;
	[dreg:$0x0] =	wrdreg $0x0  }
0xa8: {  	s5 =	sshll.u32 s28, $0x1;
	[dreg:$0x2] =	wrdreg s3  }
0xa9: {  	[dreg:$0x3] =	wrdreg s5  }
0xaa: {  	[dreg:$0x4] =	wrdreg $0xC0  }
0xab: {  	_ =	task [dreg:s7], $0x5FFFF  }
0xac: {  	[dreg:$0x1] =	wrdreg $0xFFFFFFFF  }
0xad: {  	[dreg:$0x0] =	wrdreg $0x60  }
0xae: {  	[dreg:$0x2] =	wrdreg s24  }
0xaf: {  	[dreg:$0x3] =	wrdreg s2  }
0xb0: {  	[dreg:$0x4] =	wrdreg $0x9  }
0xb1: {  	_ =	task.clear_ibuf [dreg:s7], $0x5FFFF;
	_ =	strace $0x90000049  }
0xb2: {  	s29 =	simm.s32 $0x9;
	_ =	strace $0x8000004B  }
0xb3: {  	_ =	swait.ge [sflag:s29], $0x1  }
0xb4: {  	[sflag:s29] =	ssyncadd.s32 $0xFFFFFFFF  }
0xb5: {  	_ =	strace $0x9000004B  }
0xb6: {  	_ =	sfence  }
0xb7: {  	s30 =	sld [smem:$0x0];
	_ =	sdelay $0x2  }
0xb8: {  	s31 =	sshll.u32 s1, $0xD;
	s1 =	sshrl.u32 s1, $0x2  }
0xb9: {  	s3 =	sand.u32 $0x4000, s31;
	s1 =	sadd.s32 s1, s30  }
0xba: {  	s0 =	sor.u32 s3, s0;
	s1 =	sshll.u32 s1, $0x11  }
0xbb: {  	s0 =	sor.u32 s1, s0  }
0xbc: {  	s0 =	sadd.s32 $0x8F2B, s0  }
0xbd: {  	[sflag:s0] =	ssyncadd.remote.s32 $0x1  }
0xbe: {  	_ =	sfence.sel $0xFFFF  }
0xbf: {  	[dreg:$0x0] =	wrdreg $0xFFFFFFFF;
	(pc) =	sbr.abs _section_cstart, $3  }
0xc0: {  	[dreg:$0x1] =	wrdreg $0xFFFFFFFF  }
0xc1: {  	_ =	task.clear_ibuf [dreg:s7], $0x2FFFF;
	_ =	strace $0x9FFFFFFF  }
0xc2: {  	(tm) =	ssettm $0x7FFFFFFF  }
0xc3: {  	_ =	shalt  }
tec
execute0_lowered:
.L_overlay_start_1:
0x0: {  	(tag) =	ssettag $0x1  }
0x1: {  	s3 =	rddreg [dreg:$0x0]  }
0x2: {  	s0 =	rddreg [dreg:$0x1];
	s1 =	simm.s32 $0x0  }
0x3: {  	s2 =	simm.s32 $0x200;
	[smem:$0x7FF] =	sst s1  }
0x4: {  	s26 =	simm.s32 $0x600;
	_ =	strace $0x8000004A;
	[dreg:$0x3] =	wrdreg s2  }
0x5: {  	s28 =	simm.s32 $0xA00;
	[dreg:$0x4] =	wrdreg s26  }
0x6: {  	s29 =	simm.s32 $0xE00;
	[dreg:$0x5] =	wrdreg s28  }
0x7: {  	s30 =	simm.s32 $0x1200;
	[dreg:$0x6] =	wrdreg s29  }
0x8: {  	s31 =	simm.s32 $0x1600;
	[dreg:$0x7] =	wrdreg s30  }
0x9: {  	s4 =	simm.s32 $0x1A00;
	[dreg:$0x8] =	wrdreg s31  }
0xa: {  	s5 =	simm.s32 $0x1E00;
	[dreg:$0x9] =	wrdreg s4  }
0xb: {  	s6 =	simm.s32 $0x2200;
	[dreg:$0xa] =	wrdreg s5  }
0xc: {  	s7 =	simm.s32 $0x2600;
	[dreg:$0xb] =	wrdreg s6  }
0xd: {  	s8 =	simm.s32 $0x2A00;
	[dreg:$0xc] =	wrdreg s7  }
0xe: {  	s9 =	simm.s32 $0x2E00;
	[dreg:$0xd] =	wrdreg s8  }
0xf: {  	s10 =	simm.s32 $0x3200;
	[dreg:$0xe] =	wrdreg s9  }
0x10: {  	s11 =	simm.s32 $0x3600;
	[dreg:$0xf] =	wrdreg s10  }
0x11: {  	s12 =	simm.s32 $0x3A00;
	[dreg:$0x10] =	wrdreg s11  }
0x12: {  	s13 =	simm.s32 $0x3E00;
	[dreg:$0x11] =	wrdreg s12  }
0x13: {  	s14 =	simm.s32 $0x4600;
	[dreg:$0x12] =	wrdreg s13  }
0x14: {  	s15 =	simm.s32 $0x4A00;
	[dreg:$0x14] =	wrdreg s14  }
0x15: {  	s16 =	simm.s32 $0x4E00;
	[dreg:$0x15] =	wrdreg s15  }
0x16: {  	s17 =	simm.s32 $0x5200;
	[dreg:$0x16] =	wrdreg s16  }
0x17: {  	s18 =	simm.s32 $0x5600;
	[dreg:$0x17] =	wrdreg s17  }
0x18: {  	s19 =	simm.s32 $0x5A00;
	[dreg:$0x18] =	wrdreg s18  }
0x19: {  	s20 =	simm.s32 $0x5E00;
	[dreg:$0x19] =	wrdreg s19  }
0x1a: {  	s21 =	simm.s32 $0x6200;
	[dreg:$0x1a] =	wrdreg s20  }
0x1b: {  	s22 =	simm.s32 $0x6600;
	s23 =	simm.s32 $0x6A00;
	[dreg:$0x1b] =	wrdreg s21  }
0x1c: {  	s25 =	simm.s32 $0x6E00;
	s4 =	simm.s32 $0x4200;
	[dreg:$0x1c] =	wrdreg s22  }
0x1d: {  	s2 =	sadd.s32 $0x81200, s3;
	s5 =	srdreg.scid;
	[dreg:$0x1d] =	wrdreg s23  }
0x1e: {  	s6 =	stileid.u32;
	[dreg:$0x1e] =	wrdreg s25;
	s26 =	simm.s32 $0x7200  }
0x1f: {  	s28 =	simm.s32 $0x7600;
	s29 =	simm.s32 $0x7A00;
	[dreg:$0x13] =	wrdreg s4  }
0x20: {  	s30 =	simm.s32 $0x7E00;
	s5 =	sand.u32 $0x1, s5;
	[dreg:$0x1f] =	wrdreg s26  }
0x21: {  	s6 =	sshll.u32 s6, $0xA;
	[smem:$0x7F9] =	sst s28;
	s7 =	sshll.u32 s5, $0x9  }
0x22: {  	vm0 =	vmmov $0x1;
	[smem:$0x7FB] =	sst s29;
	s5 =	ssub.s32 $0x2, s5;
	s6 =	sor.u32 s7, s6  }
0x23: {  	vm1 =	vcmask $0x308;
	vm2 =	vcmask $0x70C;
	vm3 =	vcmask $0xB10;
	s24 =	sshrl.u32 s5, $0x1;
	s7 =	sshll.u32 s6, $0x4;
	s6 =	sshrl.u32 s6, $0x3  }
0x24: {  	vm4 =	vcmask $0xF14;
	vm5 =	vcmask $0x1318;
	vm6 =	vcmask $0x171C;
	[smem:$0x7FD] =	sst s30;
	s5 =	ssub.s32 s5, s24;
	s0 =	sadd.s32 s0, s6  }
0x25: {  	vm7 =	vcmask $0x1B20;
	vm8 =	vcmask $0x1F24;
	vm9 =	vcmask $0x2328;
	s3 =	sadd.s32 s7, s3;
	s31 =	smax.u32 s5, $0x1;
	[smem:$0x7F8] =	sst s0  }
0x26: {  	vm10 =	vcmask $0x272C;
	vm11 =	vcmask $0x2B30;
	vm12 =	vcmask $0x2F34;
	s8 =	simm.s32 $0x1;
	s3 =	sadd.s32 $0x1200, s3;
	[smem:$0x7FC] =	sst s31  }
0x27: {  	vm13 =	vcmask $0x3338;
	vm14 =	vcmask $0x373C;
	vm15 =	vmmov $0x7fff;
	s4 =	simm.s32 $0x0;
	[smem:$0x7FA] =	sst s3;
	s3 =	simm.s32 $0x2  }
.LBB2_1:
0x28: {  	s0 =	sld [smem:$0x7F8];
	_ =	sdelay $0x1  }
0x29: {  	[smem:$0x7F7] =	sst s4  }
0x2a: {  	[tilespmem:s1], [sflag:$0x2] =	stream.linear.gather [hbm4b:s0+s1], $0x200, $0x38;
	[tilespmem:$0x18200] =	vst v63  }
0x2b: {  	_ =	swait.ge [sflag:s3], $0x200  }
0x2c: {  	[sflag:s3] =	ssyncset.done $0x0  }
0x2d: {  	s11 =	simm.s32 $0x8A00;
	s20 =	simm.s32 $0x0;
	[sflag:s3] =	ssyncadd.s32 $0xFFFFFE00  }
.LBB2_2:
0x2e: {  	s0 =	sshra.s32 s20, $0x2  }
0x2f: {  	v0 =	vld [tilespmem:s0+$0x0];
	_ =	sdelay $0x4  }
0x30: {  	v1 =	vnsel vm0, $0x0, v0  }
0x31: {  	v63 =	vsel vm1, $0x0, v0;
	v1 =	vxor.u32 $0x80000000, v1  }
0x32: {  	(xrf0) =	vmax.scan.msk.u32 $0xffff, v1;
	v1 =	vxor.u32 $0x80000000, v63  }
0x33: {  	(xrf0) =	vmax.scan.msk.u32 $0xffff, v1;
	_ =	sdelay $0x4  }
0x34: {  	v2, _, _ =	vpop (xrf0)  }
0x35: {  	(v2sf) =	vpush v2, $0xF;
	v1, _, _ =	vpop (xrf0)  }
0x36: {  	(v2sf) =	vpush v1, $0xF;
	_ =	sdelay $0x5  }
0x37: {  	v4 =	vsel vm2, $0x0, v0  }
0x38: {  	v1 =	vxor.u32 $0x80000000, v4  }
0x39: {  	(xrf0) =	vmax.scan.msk.u32 $0xffff, v1  }
0x3a: {  	v5 =	vsel vm3, $0x0, v0  }
0x3b: {  	v1 =	vxor.u32 $0x80000000, v5  }
0x3c: {  	(xrf0) =	vmax.scan.msk.u32 $0xffff, v1;
	_ =	sdelay $0x2  }
0x3d: {  	v6, _, _ =	vpop (xrf0);
	s3 =	spop (v2sf)  }
0x3e: {  	v7 =	vsel vm4, $0x0, v0;
	s26 =	spop (v2sf);
	(v2sf) =	vpush v6, $0xF  }
0x3f: {  	v1 =	vxor.u32 $0x80000000, v7  }
0x40: {  	(xrf0) =	vmax.scan.msk.u32 $0xffff, v1;
	v8, _, _ =	vpop (xrf0)  }
0x41: {  	v9 =	vsel vm5, $0x0, v0;
	(v2sf) =	vpush v8, $0xF  }
0x42: {  	v1 =	vxor.u32 $0x80000000, v9  }
0x43: {  	(xrf0) =	vmax.scan.msk.u32 $0xffff, v1;
	_ =	sdelay $0x1  }
0x44: {  	[smem:$0x7EF] =	sst s3;
	s3 =	sshll.u32 s3, $0x4  }
0x45: {  	v10, _, _ =	vpop (xrf0);
	s3 =	sand.u32 $0xFFFFF80, s3  }
0x46: {  	s4 =	rddreg [dreg:$0x3];
	v11 =	vsel vm6, $0x0, v0;
	s3 =	sadd.s32 s2, s3;
	(v2sf) =	vpush v10, $0xF  }
0x47: {  	v1 =	vxor.u32 $0x80000000, v11;
	[tilespmem:s4], [sflag:$0x1] =	stream.linear.gather [hbm4b:s3+s1], $0x400, $0x38;
	[tilespmem:$0x18200] =	vst v63  }
0x48: {  	(xrf0) =	vmax.scan.msk.u32 $0xffff, v1;
	v12, _, _ =	vpop (xrf0);
	s3 =	sshll.u32 s26, $0x4  }
0x49: {  	(v2sf) =	vpush v12, $0xF;
	s3 =	sand.u32 $0xFFFFF80, s3  }
0x4a: {  	s28 =	rddreg [dreg:$0x4];
	s3 =	sadd.s32 s2, s3  }
0x4b: {  	[tilespmem:s28], [sflag:$0x1] =	stream.linear.gather [hbm4b:s3+s1], $0x400, $0x38;
	[tilespmem:$0x18200] =	vst v63  }
0x4c: {  	v13 =	vsel vm7, $0x0, v0;
	[smem:$0x7F0] =	sst s26;
	s29 =	spop (v2sf)  }
0x4d: {  	v1 =	vxor.u32 $0x80000000, v13;
	[smem:$0x7F1] =	sst s29  }
0x4e: {  	s4 =	rddreg [dreg:$0x5];
	(xrf0) =	vmax.scan.msk.u32 $0xffff, v1;
	v14, _, _ =	vpop (xrf0)  }
0x4f: {  	v15 =	vsel vm8, $0x0, v0;
	s30 =	spop (v2sf);
	(v2sf) =	vpush v14, $0xF  }
0x50: {  	v1 =	vxor.u32 $0x80000000, v15  }
0x51: {  	s3 =	sshll.u32 s29, $0x4;
	(xrf0) =	vmax.scan.msk.u32 $0xffff, v1  }
0x52: {  	s3 =	sand.u32 $0xFFFFF80, s3  }
0x53: {  	s3 =	sadd.s32 s2, s3  }
0x54: {  	[tilespmem:s4], [sflag:$0x1] =	stream.linear.gather [hbm4b:s3+s1], $0x400, $0x38;
	v16, _, _ =	vpop (xrf0);
	[tilespmem:$0x18200] =	vst v63  }
0x55: {  	v17 =	vsel vm9, $0x0, v0;
	s4 =	spop (v2sf);
	(v2sf) =	vpush v16, $0xF  }
0x56: {  	v1 =	vxor.u32 $0x80000000, v17  }
0x57: {  	(xrf0) =	vmax.scan.msk.u32 $0xffff, v1;
	v18, _, _ =	vpop (xrf0)  }
0x58: {  	s3 =	sshll.u32 s30, $0x4;
	s6 =	spop (v2sf);
	(v2sf) =	vpush v18, $0xF  }
0x59: {  	s3 =	sand.u32 $0xFFFFF80, s3  }
0x5a: {  	s31 =	rddreg [dreg:$0x6];
	s3 =	sadd.s32 s2, s3  }
0x5b: {  	v19 =	vsel vm10, $0x0, v0;
	[tilespmem:s31], [sflag:$0x1] =	stream.linear.gather [hbm4b:s3+s1], $0x400, $0x38;
	[tilespmem:$0x18200] =	vst v63  }
0x5c: {  	s3 =	sshll.u32 s4, $0x4;
	v1 =	vxor.u32 $0x80000000, v19  }
0x5d: {  	s3 =	sand.u32 $0xFFFFF80, s3;
	(xrf0) =	vmax.scan.msk.u32 $0xffff, v1;
	v20, _, _ =	vpop (xrf0)  }
0x5e: {  	v21 =	vsel vm11, $0x0, v0;
	s5 =	rddreg [dreg:$0x7];
	s3 =	sadd.s32 s2, s3;
	s21 =	spop (v2sf);
	(v2sf) =	vpush v20, $0xF  }
0x5f: {  	v1 =	vxor.u32 $0x80000000, v21;
	[tilespmem:s5], [sflag:$0x1] =	stream.linear.gather [hbm4b:s3+s1], $0x400, $0x38;
	[tilespmem:$0x18200] =	vst v63  }
0x60: {  	s3 =	sshll.u32 s6, $0x4;
	(xrf0) =	vmax.scan.msk.u32 $0xffff, v1  }
0x61: {  	s3 =	sand.u32 $0xFFFFF80, s3  }
0x62: {  	s7 =	rddreg [dreg:$0x8];
	s3 =	sadd.s32 s2, s3  }
0x63: {  	[tilespmem:s7], [sflag:$0x1] =	stream.linear.gather [hbm4b:s3+s1], $0x400, $0x38;
	v22, _, _ =	vpop (xrf0);
	[tilespmem:$0x18200] =	vst v63  }
0x64: {  	v23 =	vsel vm12, $0x0, v0;
	s23 =	spop (v2sf);
	(v2sf) =	vpush v22, $0xF  }
0x65: {  	v1 =	vxor.u32 $0x80000000, v23;
	s9 =	sshll.u32 s21, $0x4  }
0x66: {  	(xrf0) =	vmax.scan.msk.u32 $0xffff, v1;
	s3 =	sand.u32 $0xFFFFF80, s9;
	v24, _, _ =	vpop (xrf0)  }
0x67: {  	s10 =	rddreg [dreg:$0x9];
	s3 =	sadd.s32 s2, s3;
	s24 =	spop (v2sf);
	(v2sf) =	vpush v24, $0xF  }
0x68: {  	[tilespmem:s10], [sflag:$0x1] =	stream.linear.gather [hbm4b:s3+s1], $0x400, $0x38;
	[tilespmem:$0x18200] =	vst v63  }
0x69: {  	v25 =	vsel vm13, $0x0, v0;
	s12 =	sshll.u32 s23, $0x4  }
0x6a: {  	v1 =	vxor.u32 $0x80000000, v25;
	s3 =	sand.u32 $0xFFFFF80, s12  }
0x6b: {  	s13 =	rddreg [dreg:$0xa];
	(xrf0) =	vmax.scan.msk.u32 $0xffff, v1;
	s3 =	sadd.s32 s2, s3  }
0x6c: {  	v26, _, _ =	vpop (xrf0);
	[tilespmem:s13], [sflag:$0x1] =	stream.linear.gather [hbm4b:s3+s1], $0x400, $0x38;
	[tilespmem:$0x18200] =	vst v63  }
0x6d: {  	v27 =	vsel vm14, $0x0, v0;
	s14 =	sshll.u32 s24, $0x4;
	s25 =	spop (v2sf);
	(v2sf) =	vpush v26, $0xF  }
0x6e: {  	v1 =	vxor.u32 $0x80000000, v27;
	s3 =	sand.u32 $0xFFFFF80, s14  }
0x6f: {  	s15 =	rddreg [dreg:$0xb];
	(xrf0) =	vmax.scan.msk.u32 $0xffff, v1;
	s3 =	sadd.s32 s2, s3  }
0x70: {  	[tilespmem:s15], [sflag:$0x1] =	stream.linear.gather [hbm4b:s3+s1], $0x400, $0x38;
	[tilespmem:$0x18200] =	vst v63  }
0x71: {  	s16 =	sshll.u32 s25, $0x4  }
0x72: {  	v28, _, _ =	vpop (xrf0);
	s3 =	sand.u32 $0xFFFFF80, s16  }
0x73: {  	v0 =	vsel vm15, $0x0, v0;
	s17 =	rddreg [dreg:$0xc];
	s3 =	sadd.s32 s2, s3;
	s28 =	spop (v2sf);
	(v2sf) =	vpush v28, $0xF  }
0x74: {  	v0 =	vxor.u32 $0x80000000, v0;
	[tilespmem:s17], [sflag:$0x1] =	stream.linear.gather [hbm4b:s3+s1], $0x400, $0x38;
	[tilespmem:$0x18200] =	vst v63  }
0x75: {  	(xrf0) =	vmax.scan.msk.u32 $0xffff, v0;
	v29, _, _ =	vpop (xrf0);
	s18 =	sshll.u32 s28, $0x4  }
0x76: {  	s29 =	spop (v2sf);
	(v2sf) =	vpush v29, $0xF;
	s3 =	sand.u32 $0xFFFFF80, s18  }
0x77: {  	s19 =	rddreg [dreg:$0xd];
	s22 =	sshll.u32 s29, $0x4;
	s3 =	sadd.s32 s2, s3  }
0x78: {  	[tilespmem:s19], [sflag:$0x1] =	stream.linear.gather [hbm4b:s3+s1], $0x400, $0x38;
	[tilespmem:$0x18200] =	vst v63  }
0x79: {  	s3 =	sand.u32 $0xFFFFF80, s22  }
0x7a: {  	s26 =	rddreg [dreg:$0xe];
	s3 =	sadd.s32 s2, s3  }
0x7b: {  	v30, _, _ =	vpop (xrf0);
	[tilespmem:s26], [sflag:$0x1] =	stream.linear.gather [hbm4b:s3+s1], $0x400, $0x38;
	[tilespmem:$0x18200] =	vst v63  }
0x7c: {  	s26 =	spop (v2sf);
	(v2sf) =	vpush v30, $0xF;
	_ =	sdelay $0x1  }
0x7d: {  	[smem:$0x7F2] =	sst s30;
	s30 =	sshll.u32 s26, $0x4  }
0x7e: {  	s3 =	sand.u32 $0xFFFFF80, s30  }
0x7f: {  	s31 =	rddreg [dreg:$0xf];
	s3 =	sadd.s32 s2, s3  }
0x80: {  	[tilespmem:s31], [sflag:$0x1] =	stream.linear.gather [hbm4b:s3+s1], $0x400, $0x38;
	[tilespmem:$0x18200] =	vst v63  }
0x81: {  	s22 =	spop (v2sf)  }
0x82: {  	s5 =	sshll.u32 s22, $0x4  }
0x83: {  	[smem:$0x7F4] =	sst s6;
	s3 =	sand.u32 $0xFFFFF80, s5  }
0x84: {  	s6 =	rddreg [dreg:$0x10];
	s7 =	spop (v2sf);
	s3 =	sadd.s32 s2, s3  }
0x85: {  	[tilespmem:s6], [sflag:$0x1] =	stream.linear.gather [hbm4b:s3+s1], $0x400, $0x38;
	[tilespmem:$0x18200] =	vst v63  }
0x86: {  	s3 =	sshll.u32 s7, $0x4  }
0x87: {  	s3 =	sand.u32 $0xFFFFF80, s3  }
0x88: {  	s9 =	rddreg [dreg:$0x11];
	s3 =	sadd.s32 s2, s3  }
0x89: {  	[tilespmem:s9], [sflag:$0x1] =	stream.linear.gather [hbm4b:s3+s1], $0x400, $0x38;
	[tilespmem:$0x18200] =	vst v63  }
0x8a: {  	s10 =	spop (v2sf)  }
0x8b: {  	s3 =	sshll.u32 s10, $0x4  }
0x8c: {  	s3 =	sand.u32 $0xFFFFF80, s3  }
0x8d: {  	s12 =	rddreg [dreg:$0x12];
	s3 =	sadd.s32 s2, s3  }
0x8e: {  	[tilespmem:s12], [sflag:$0x1] =	stream.linear.gather [hbm4b:s3+s1], $0x400, $0x38;
	[tilespmem:$0x18200] =	vst v63  }
0x8f: {  	v31 =	vld [tilespmem:s0+$0x10];
	_ =	sdelay $0x4  }
0x90: {  	v32 =	vnsel vm0, $0x0, v31  }
0x91: {  	v1 =	vxor.u32 $0x80000000, v32  }
0x92: {  	v33 =	vsel vm1, $0x0, v31;
	(xrf0) =	vmax.scan.msk.u32 $0xffff, v1  }
0x93: {  	v1 =	vxor.u32 $0x80000000, v33  }
0x94: {  	(xrf0) =	vmax.scan.msk.u32 $0xffff, v1;
	_ =	sdelay $0x3  }
0x95: {  	v35 =	vsel vm2, $0x0, v31;
	v34, _, _ =	vpop (xrf0)  }
0x96: {  	v1 =	vxor.u32 $0x80000000, v35;
	(v2sf) =	vpush v34, $0xF  }
0x97: {  	(xrf0) =	vmax.scan.msk.u32 $0xffff, v1;
	v36, _, _ =	vpop (xrf0)  }
0x98: {  	(v2sf) =	vpush v36, $0xF;
	_ =	sdelay $0x3  }
0x99: {  	v37 =	vsel vm3, $0x0, v31  }
0x9a: {  	v1 =	vxor.u32 $0x80000000, v37;
	v38, _, _ =	vpop (xrf0)  }
0x9b: {  	v39 =	vsel vm4, $0x0, v31;
	(xrf0) =	vmax.scan.msk.u32 $0xffff, v1;
	(v2sf) =	vpush v38, $0xF  }
0x9c: {  	v1 =	vxor.u32 $0x80000000, v39  }
0x9d: {  	(xrf0) =	vmax.scan.msk.u32 $0xffff, v1;
	_ =	sdelay $0x3  }
0x9e: {  	v41 =	vsel vm5, $0x0, v31;
	v40, _, _ =	vpop (xrf0)  }
0x9f: {  	v1 =	vxor.u32 $0x80000000, v41;
	s31 =	spop (v2sf);
	(v2sf) =	vpush v40, $0xF  }
0xa0: {  	(xrf0) =	vmax.scan.msk.u32 $0xffff, v1;
	v42, _, _ =	vpop (xrf0)  }
0xa1: {  	s19 =	spop (v2sf);
	(v2sf) =	vpush v42, $0xF;
	_ =	sdelay $0x3  }
0xa2: {  	v43 =	vsel vm6, $0x0, v31  }
0xa3: {  	v45 =	vsel vm7, $0x0, v31;
	v1 =	vxor.u32 $0x80000000, v43;
	v44, _, _ =	vpop (xrf0);
	s13 =	sshll.u32 s31, $0x4  }
0xa4: {  	(xrf0) =	vmax.scan.msk.u32 $0xffff, v1;
	v1 =	vxor.u32 $0x80000000, v45;
	s0 =	sand.u32 $0xFFFFF80, s13;
	s18 =	spop (v2sf);
	(v2sf) =	vpush v44, $0xF  }
0xa5: {  	s14 =	rddreg [dreg:$0x13];
	(xrf0) =	vmax.scan.msk.u32 $0xffff, v1;
	s15 =	sshll.u32 s19, $0x4;
	s0 =	sadd.s32 s2, s0  }
0xa6: {  	[tilespmem:s14], [sflag:$0x1] =	stream.linear.gather [hbm4b:s0+s1], $0x400, $0x38;
	[tilespmem:$0x18200] =	vst v63  }
0xa7: {  	s0 =	sand.u32 $0xFFFFF80, s15  }
0xa8: {  	s16 =	rddreg [dreg:$0x14];
	s0 =	sadd.s32 s2, s0  }
0xa9: {  	[tilespmem:s16], [sflag:$0x1] =	stream.linear.gather [hbm4b:s0+s1], $0x400, $0x38;
	[tilespmem:$0x18200] =	vst v63  }
0xaa: {  	v47 =	vsel vm8, $0x0, v31;
	v46, _, _ =	vpop (xrf0);
	s17 =	sshll.u32 s18, $0x4  }
0xab: {  	v1 =	vxor.u32 $0x80000000, v47;
	s0 =	sand.u32 $0xFFFFF80, s17;
	s17 =	spop (v2sf);
	(v2sf) =	vpush v46, $0xF  }
0xac: {  	(xrf0) =	vmax.scan.msk.u32 $0xffff, v1;
	v48, _, _ =	vpop (xrf0)  }
0xad: {  	s15 =	spop (v2sf);
	(v2sf) =	vpush v48, $0xF;
	_ =	sdelay $0x1  }
0xae: {  	s30 =	rddreg [dreg:$0x15];
	s0 =	sadd.s32 s2, s0  }
0xaf: {  	[tilespmem:s30], [sflag:$0x1] =	stream.linear.gather [hbm4b:s0+s1], $0x400, $0x38;
	[tilespmem:$0x18200] =	vst v63  }
0xb0: {  	[smem:$0x7F3] =	sst s4;
	v49 =	vsel vm9, $0x0, v31;
	s3 =	sshll.u32 s17, $0x4  }
0xb1: {  	s4 =	rddreg [dreg:$0x16];
	v1 =	vxor.u32 $0x80000000, v49;
	v50, _, _ =	vpop (xrf0);
	s0 =	sand.u32 $0xFFFFF80, s3  }
0xb2: {  	v51 =	vsel vm10, $0x0, v31;
	(xrf0) =	vmax.scan.msk.u32 $0xffff, v1;
	s5 =	sshll.u32 s15, $0x4;
	s0 =	sadd.s32 s2, s0;
	s14 =	spop (v2sf);
	(v2sf) =	vpush v50, $0xF  }
0xb3: {  	v1 =	vxor.u32 $0x80000000, v51;
	[tilespmem:s4], [sflag:$0x1] =	stream.linear.gather [hbm4b:s0+s1], $0x400, $0x38;
	[tilespmem:$0x18200] =	vst v63  }
0xb4: {  	(xrf0) =	vmax.scan.msk.u32 $0xffff, v1;
	s0 =	sand.u32 $0xFFFFF80, s5  }
0xb5: {  	s6 =	rddreg [dreg:$0x17];
	s0 =	sadd.s32 s2, s0  }
0xb6: {  	[tilespmem:s6], [sflag:$0x1] =	stream.linear.gather [hbm4b:s0+s1], $0x400, $0x38;
	[tilespmem:$0x18200] =	vst v63  }
0xb7: {  	[smem:$0x7F5] =	sst s7;
	v53 =	vsel vm11, $0x0, v31;
	s7 =	sshll.u32 s14, $0x4  }
0xb8: {  	v1 =	vxor.u32 $0x80000000, v53;
	v52, _, _ =	vpop (xrf0);
	s0 =	sand.u32 $0xFFFFF80, s7  }
0xb9: {  	s9 =	rddreg [dreg:$0x18];
	(xrf0) =	vmax.scan.msk.u32 $0xffff, v1;
	s0 =	sadd.s32 s2, s0;
	s13 =	spop (v2sf);
	(v2sf) =	vpush v52, $0xF  }
0xba: {  	v54, _, _ =	vpop (xrf0);
	[tilespmem:s9], [sflag:$0x1] =	stream.linear.gather [hbm4b:s0+s1], $0x400, $0x38;
	[tilespmem:$0x18200] =	vst v63  }
0xbb: {  	s9 =	spop (v2sf);
	(v2sf) =	vpush v54, $0xF;
	_ =	sdelay $0x1  }
0xbc: {  	[smem:$0x7F6] =	sst s10;
	v55 =	vsel vm12, $0x0, v31;
	s10 =	sshll.u32 s13, $0x4  }
0xbd: {  	v1 =	vxor.u32 $0x80000000, v55;
	s0 =	sand.u32 $0xFFFFF80, s10  }
0xbe: {  	s12 =	rddreg [dreg:$0x19];
	(xrf0) =	vmax.scan.msk.u32 $0xffff, v1;
	s16 =	sshll.u32 s9, $0x4;
	s0 =	sadd.s32 s2, s0  }
0xbf: {  	v56, _, _ =	vpop (xrf0);
	[tilespmem:s12], [sflag:$0x1] =	stream.linear.gather [hbm4b:s0+s1], $0x400, $0x38;
	[tilespmem:$0x18200] =	vst v63  }
0xc0: {  	s0 =	sand.u32 $0xFFFFF80, s16;
	s7 =	spop (v2sf);
	(v2sf) =	vpush v56, $0xF  }
0xc1: {  	v57 =	vsel vm13, $0x0, v31;
	s30 =	rddreg [dreg:$0x1a];
	s0 =	sadd.s32 s2, s0  }
0xc2: {  	v1 =	vxor.u32 $0x80000000, v57;
	[tilespmem:s30], [sflag:$0x1] =	stream.linear.gather [hbm4b:s0+s1], $0x400, $0x38;
	[tilespmem:$0x18200] =	vst v63  }
0xc3: {  	(xrf0) =	vmax.scan.msk.u32 $0xffff, v1;
	s3 =	sshll.u32 s7, $0x4  }
0xc4: {  	v58, _, _ =	vpop (xrf0);
	s0 =	sand.u32 $0xFFFFF80, s3  }
0xc5: {  	s4 =	rddreg [dreg:$0x1b];
	(v2sf) =	vpush v58, $0xF;
	s0 =	sadd.s32 s2, s0  }
0xc6: {  	v59 =	vsel vm14, $0x0, v31;
	[tilespmem:s4], [sflag:$0x1] =	stream.linear.gather [hbm4b:s0+s1], $0x400, $0x38;
	[tilespmem:$0x18200] =	vst v63  }
0xc7: {  	v1 =	vxor.u32 $0x80000000, v59;
	s6 =	spop (v2sf)  }
0xc8: {  	(xrf0) =	vmax.scan.msk.u32 $0xffff, v1;
	s5 =	sshll.u32 s6, $0x4  }
0xc9: {  	v60, _, _ =	vpop (xrf0);
	s0 =	sand.u32 $0xFFFFF80, s5;
	s5 =	spop (v2sf)  }
0xca: {  	s10 =	rddreg [dreg:$0x1c];
	(v2sf) =	vpush v60, $0xF;
	s0 =	sadd.s32 s2, s0;
	s12 =	sshll.u32 s5, $0x4  }
0xcb: {  	v0 =	vsel vm15, $0x0, v31;
	[tilespmem:s10], [sflag:$0x1] =	stream.linear.gather [hbm4b:s0+s1], $0x400, $0x38;
	[tilespmem:$0x18200] =	vst v63  }
0xcc: {  	v0 =	vxor.u32 $0x80000000, v0;
	s0 =	sand.u32 $0xFFFFF80, s12  }
0xcd: {  	(xrf0) =	vmax.scan.msk.u32 $0xffff, v0;
	s16 =	rddreg [dreg:$0x1d];
	s0 =	sadd.s32 s2, s0  }
0xce: {  	v61, _, _ =	vpop (xrf0);
	[tilespmem:s16], [sflag:$0x1] =	stream.linear.gather [hbm4b:s0+s1], $0x400, $0x38;
	[tilespmem:$0x18200] =	vst v63  }
0xcf: {  	(v2sf) =	vpush v61, $0xF;
	s3 =	spop (v2sf)  }
0xd0: {  	s30 =	sshll.u32 s3, $0x4  }
0xd1: {  	s4 =	sand.u32 $0xFFFFF80, s30  }
0xd2: {  	s10 =	rddreg [dreg:$0x1e];
	s4 =	sadd.s32 s2, s4  }
0xd3: {  	v62, _, _ =	vpop (xrf0);
	[tilespmem:s10], [sflag:$0x1] =	stream.linear.gather [hbm4b:s4+s1], $0x400, $0x38;
	[tilespmem:$0x18200] =	vst v63  }
0xd4: {  	(v2sf) =	vpush v62, $0xF;
	s4 =	spop (v2sf)  }
0xd5: {  	s0 =	sshll.u32 s4, $0x4  }
0xd6: {  	s10 =	sand.u32 $0xFFFFF80, s0  }
0xd7: {  	s16 =	rddreg [dreg:$0x1f];
	s10 =	sadd.s32 s2, s10  }
0xd8: {  	[tilespmem:s16], [sflag:$0x1] =	stream.linear.gather [hbm4b:s10+s1], $0x400, $0x38;
	[tilespmem:$0x18200] =	vst v63  }
0xd9: {  	s10 =	spop (v2sf)  }
0xda: {  	s30 =	sld [smem:$0x7F9];
	s12 =	sshll.u32 s10, $0x4  }
0xdb: {  	s16 =	sand.u32 $0xFFFFF80, s12  }
0xdc: {  	s16 =	sadd.s32 s2, s16  }
0xdd: {  	[tilespmem:s30], [sflag:$0x1] =	stream.linear.gather [hbm4b:s16+s1], $0x400, $0x38;
	[tilespmem:$0x18200] =	vst v63  }
0xde: {  	s16 =	spop (v2sf)  }
0xdf: {  	s12 =	sld [smem:$0x7FB];
	s0 =	sshll.u32 s16, $0x4  }
0xe0: {  	s30 =	sand.u32 $0xFFFFF80, s0  }
0xe1: {  	s30 =	sadd.s32 s2, s30  }
0xe2: {  	[tilespmem:s12], [sflag:$0x1] =	stream.linear.gather [hbm4b:s30+s1], $0x400, $0x38;
	[tilespmem:$0x18200] =	vst v63  }
0xe3: {  	s30 =	spop (v2sf)  }
0xe4: {  	s12 =	sld [smem:$0x7FD];
	s0 =	sshll.u32 s30, $0x4  }
0xe5: {  	s0 =	sand.u32 $0xFFFFF80, s0  }
0xe6: {  	s0 =	sadd.s32 s2, s0  }
0xe7: {  	[tilespmem:s12], [sflag:$0x1] =	stream.linear.gather [hbm4b:s0+s1], $0x400, $0x38;
	[tilespmem:$0x18200] =	vst v63  }
0xe8: {  	_ =	swait.ge [sflag:s8], $0x400  }
0xe9: {  	[sflag:s8] =	ssyncset.done $0x0  }
0xea: {  	[sflag:s8] =	ssyncadd.s32 $0xFFFFFC00  }
0xeb: {  	_ =	swait.ge [sflag:s8], $0x400  }
0xec: {  	[sflag:s8] =	ssyncset.done $0x0  }
0xed: {  	[sflag:s8] =	ssyncadd.s32 $0xFFFFFC00  }
0xee: {  	_ =	swait.ge [sflag:s8], $0x400  }
0xef: {  	[sflag:s8] =	ssyncset.done $0x0  }
0xf0: {  	[sflag:s8] =	ssyncadd.s32 $0xFFFFFC00  }
0xf1: {  	_ =	swait.ge [sflag:s8], $0x400  }
0xf2: {  	[sflag:s8] =	ssyncset.done $0x0  }
0xf3: {  	[sflag:s8] =	ssyncadd.s32 $0xFFFFFC00  }
0xf4: {  	_ =	swait.ge [sflag:s8], $0x400  }
0xf5: {  	[sflag:s8] =	ssyncset.done $0x0  }
0xf6: {  	[sflag:s8] =	ssyncadd.s32 $0xFFFFFC00  }
0xf7: {  	_ =	swait.ge [sflag:s8], $0x400  }
0xf8: {  	[sflag:s8] =	ssyncset.done $0x0  }
0xf9: {  	[sflag:s8] =	ssyncadd.s32 $0xFFFFFC00  }
0xfa: {  	_ =	swait.ge [sflag:s8], $0x400  }
0xfb: {  	[sflag:s8] =	ssyncset.done $0x0  }
0xfc: {  	[sflag:s8] =	ssyncadd.s32 $0xFFFFFC00  }
0xfd: {  	_ =	swait.ge [sflag:s8], $0x400  }
0xfe: {  	[sflag:s8] =	ssyncset.done $0x0  }
0xff: {  	[sflag:s8] =	ssyncadd.s32 $0xFFFFFC00  }
0x100: {  	_ =	swait.ge [sflag:s8], $0x400  }
0x101: {  	[sflag:s8] =	ssyncset.done $0x0  }
0x102: {  	[sflag:s8] =	ssyncadd.s32 $0xFFFFFC00  }
0x103: {  	_ =	swait.ge [sflag:s8], $0x400  }
0x104: {  	[sflag:s8] =	ssyncset.done $0x0  }
0x105: {  	[sflag:s8] =	ssyncadd.s32 $0xFFFFFC00  }
0x106: {  	_ =	swait.ge [sflag:s8], $0x400  }
0x107: {  	[sflag:s8] =	ssyncset.done $0x0  }
0x108: {  	[sflag:s8] =	ssyncadd.s32 $0xFFFFFC00  }
0x109: {  	_ =	swait.ge [sflag:s8], $0x400  }
0x10a: {  	[sflag:s8] =	ssyncset.done $0x0  }
0x10b: {  	[sflag:s8] =	ssyncadd.s32 $0xFFFFFC00  }
0x10c: {  	_ =	swait.ge [sflag:s8], $0x400  }
0x10d: {  	[sflag:s8] =	ssyncset.done $0x0  }
0x10e: {  	[sflag:s8] =	ssyncadd.s32 $0xFFFFFC00  }
0x10f: {  	_ =	swait.ge [sflag:s8], $0x400  }
0x110: {  	[sflag:s8] =	ssyncset.done $0x0  }
0x111: {  	[sflag:s8] =	ssyncadd.s32 $0xFFFFFC00  }
0x112: {  	_ =	swait.ge [sflag:s8], $0x400  }
0x113: {  	[sflag:s8] =	ssyncset.done $0x0  }
0x114: {  	[sflag:s8] =	ssyncadd.s32 $0xFFFFFC00  }
0x115: {  	_ =	swait.ge [sflag:s8], $0x400  }
0x116: {  	[sflag:s8] =	ssyncset.done $0x0  }
0x117: {  	[sflag:s8] =	ssyncadd.s32 $0xFFFFFC00  }
0x118: {  	_ =	swait.ge [sflag:s8], $0x400  }
0x119: {  	[sflag:s8] =	ssyncset.done $0x0  }
0x11a: {  	[sflag:s8] =	ssyncadd.s32 $0xFFFFFC00  }
0x11b: {  	_ =	swait.ge [sflag:s8], $0x400  }
0x11c: {  	[sflag:s8] =	ssyncset.done $0x0  }
0x11d: {  	[sflag:s8] =	ssyncadd.s32 $0xFFFFFC00  }
0x11e: {  	_ =	swait.ge [sflag:s8], $0x400  }
0x11f: {  	[sflag:s8] =	ssyncset.done $0x0  }
0x120: {  	[sflag:s8] =	ssyncadd.s32 $0xFFFFFC00  }
0x121: {  	_ =	swait.ge [sflag:s8], $0x400  }
0x122: {  	[sflag:s8] =	ssyncset.done $0x0  }
0x123: {  	[sflag:s8] =	ssyncadd.s32 $0xFFFFFC00  }
0x124: {  	_ =	swait.ge [sflag:s8], $0x400  }
0x125: {  	[sflag:s8] =	ssyncset.done $0x0  }
0x126: {  	[sflag:s8] =	ssyncadd.s32 $0xFFFFFC00  }
0x127: {  	_ =	swait.ge [sflag:s8], $0x400  }
0x128: {  	[sflag:s8] =	ssyncset.done $0x0  }
0x129: {  	[sflag:s8] =	ssyncadd.s32 $0xFFFFFC00  }
0x12a: {  	_ =	swait.ge [sflag:s8], $0x400  }
0x12b: {  	[sflag:s8] =	ssyncset.done $0x0  }
0x12c: {  	[sflag:s8] =	ssyncadd.s32 $0xFFFFFC00  }
0x12d: {  	_ =	swait.ge [sflag:s8], $0x400  }
0x12e: {  	[sflag:s8] =	ssyncset.done $0x0  }
0x12f: {  	[sflag:s8] =	ssyncadd.s32 $0xFFFFFC00  }
0x130: {  	_ =	swait.ge [sflag:s8], $0x400  }
0x131: {  	[sflag:s8] =	ssyncset.done $0x0  }
0x132: {  	[sflag:s8] =	ssyncadd.s32 $0xFFFFFC00  }
0x133: {  	_ =	swait.ge [sflag:s8], $0x400  }
0x134: {  	[sflag:s8] =	ssyncset.done $0x0  }
0x135: {  	[sflag:s8] =	ssyncadd.s32 $0xFFFFFC00  }
0x136: {  	_ =	swait.ge [sflag:s8], $0x400  }
0x137: {  	[sflag:s8] =	ssyncset.done $0x0  }
0x138: {  	[sflag:s8] =	ssyncadd.s32 $0xFFFFFC00  }
0x139: {  	_ =	swait.ge [sflag:s8], $0x400  }
0x13a: {  	[sflag:s8] =	ssyncset.done $0x0  }
0x13b: {  	[sflag:s8] =	ssyncadd.s32 $0xFFFFFC00  }
0x13c: {  	_ =	swait.ge [sflag:s8], $0x400  }
0x13d: {  	[sflag:s8] =	ssyncset.done $0x0  }
0x13e: {  	[sflag:s8] =	ssyncadd.s32 $0xFFFFFC00  }
0x13f: {  	_ =	swait.ge [sflag:s8], $0x400  }
0x140: {  	[sflag:s8] =	ssyncset.done $0x0  }
0x141: {  	[sflag:s8] =	ssyncadd.s32 $0xFFFFFC00  }
0x142: {  	_ =	swait.ge [sflag:s8], $0x400  }
0x143: {  	[sflag:s8] =	ssyncset.done $0x0  }
0x144: {  	[sflag:s8] =	ssyncadd.s32 $0xFFFFFC00  }
0x145: {  	_ =	swait.ge [sflag:s8], $0x400  }
0x146: {  	s12 =	sld [smem:$0x7EF];
	_ =	sdelay $0x2  }
0x147: {  	[sflag:s8] =	ssyncset.done $0x0;
	s0 =	sshll.u32 s12, $0x7  }
0x148: {  	[sflag:s8] =	ssyncadd.s32 $0xFFFFFC00;
	s0 =	sand.u32 $0x380, s0  }
0x149: {  	v63 =	vld [tilespmem:s0+$0x200];
	_ =	sdelay $0x4  }
0x14a: {  	[tilespmem:s11+$0xFFFFF800] =	vst v63  }
0x14b: {  	v0 =	vld [tilespmem:s0+$0x210];
	_ =	sdelay $0x4  }
0x14c: {  	[tilespmem:s11+$0xFFFFF810] =	vst v0  }
0x14d: {  	v0 =	vld [tilespmem:s0+$0x220];
	_ =	sdelay $0x4  }
0x14e: {  	[tilespmem:s11+$0xFFFFF820] =	vst v0  }
0x14f: {  	v0 =	vld [tilespmem:s0+$0x230]  }
0x150: {  	s12 =	sld [smem:$0x7F0];
	_ =	sdelay $0x2  }
0x151: {  	s0 =	sshll.u32 s12, $0x7  }
0x152: {  	s0 =	sand.u32 $0x380, s0;
	[tilespmem:s11+$0xFFFFF830] =	vst v0  }
0x153: {  	v0 =	vld [tilespmem:s0+$0x600];
	_ =	sdelay $0x4  }
0x154: {  	[tilespmem:s11+$0xFFFFF880] =	vst v0  }
0x155: {  	v0 =	vld [tilespmem:s0+$0x610];
	_ =	sdelay $0x4  }
0x156: {  	[tilespmem:s11+$0xFFFFF890] =	vst v0  }
0x157: {  	v0 =	vld [tilespmem:s0+$0x620];
	_ =	sdelay $0x4  }
0x158: {  	[tilespmem:s11+$0xFFFFF8A0] =	vst v0  }
0x159: {  	v0 =	vld [tilespmem:s0+$0x630]  }
0x15a: {  	s12 =	sld [smem:$0x7F1];
	_ =	sdelay $0x2  }
0x15b: {  	s0 =	sshll.u32 s12, $0x7  }
0x15c: {  	s0 =	sand.u32 $0x380, s0;
	[tilespmem:s11+$0xFFFFF8B0] =	vst v0  }
0x15d: {  	v0 =	vld [tilespmem:s0+$0xA00];
	_ =	sdelay $0x4  }
0x15e: {  	[tilespmem:s11+$0xFFFFF900] =	vst v0  }
0x15f: {  	v0 =	vld [tilespmem:s0+$0xA10];
	_ =	sdelay $0x4  }
0x160: {  	[tilespmem:s11+$0xFFFFF910] =	vst v0  }
0x161: {  	v0 =	vld [tilespmem:s0+$0xA20];
	_ =	sdelay $0x4  }
0x162: {  	[tilespmem:s11+$0xFFFFF920] =	vst v0  }
0x163: {  	v0 =	vld [tilespmem:s0+$0xA30]  }
0x164: {  	s12 =	sld [smem:$0x7F2];
	_ =	sdelay $0x2  }
0x165: {  	s0 =	sshll.u32 s12, $0x7  }
0x166: {  	s0 =	sand.u32 $0x380, s0;
	[tilespmem:s11+$0xFFFFF930] =	vst v0  }
0x167: {  	v0 =	vld [tilespmem:s0+$0xE00];
	_ =	sdelay $0x4  }
0x168: {  	[tilespmem:s11+$0xFFFFF980] =	vst v0  }
0x169: {  	v0 =	vld [tilespmem:s0+$0xE10];
	_ =	sdelay $0x4  }
0x16a: {  	[tilespmem:s11+$0xFFFFF990] =	vst v0  }
0x16b: {  	v0 =	vld [tilespmem:s0+$0xE20];
	_ =	sdelay $0x4  }
0x16c: {  	[tilespmem:s11+$0xFFFFF9A0] =	vst v0  }
0x16d: {  	v0 =	vld [tilespmem:s0+$0xE30]  }
0x16e: {  	s12 =	sld [smem:$0x7F3];
	_ =	sdelay $0x2  }
0x16f: {  	s0 =	sshll.u32 s12, $0x7  }
0x170: {  	s0 =	sand.u32 $0x380, s0;
	[tilespmem:s11+$0xFFFFF9B0] =	vst v0  }
0x171: {  	v0 =	vld [tilespmem:s0+$0x1200];
	_ =	sdelay $0x4  }
0x172: {  	[tilespmem:s11+$0xFFFFFA00] =	vst v0  }
0x173: {  	v0 =	vld [tilespmem:s0+$0x1210];
	_ =	sdelay $0x4  }
0x174: {  	[tilespmem:s11+$0xFFFFFA10] =	vst v0  }
0x175: {  	v0 =	vld [tilespmem:s0+$0x1220];
	_ =	sdelay $0x4  }
0x176: {  	[tilespmem:s11+$0xFFFFFA20] =	vst v0  }
0x177: {  	v0 =	vld [tilespmem:s0+$0x1230]  }
0x178: {  	s12 =	sld [smem:$0x7F4];
	_ =	sdelay $0x2  }
0x179: {  	s0 =	sshll.u32 s12, $0x7  }
0x17a: {  	s0 =	sand.u32 $0x380, s0;
	[tilespmem:s11+$0xFFFFFA30] =	vst v0  }
0x17b: {  	v0 =	vld [tilespmem:s0+$0x1600];
	_ =	sdelay $0x4  }
0x17c: {  	[tilespmem:s11+$0xFFFFFA80] =	vst v0  }
0x17d: {  	v0 =	vld [tilespmem:s0+$0x1610];
	_ =	sdelay $0x4  }
0x17e: {  	[tilespmem:s11+$0xFFFFFA90] =	vst v0  }
0x17f: {  	v0 =	vld [tilespmem:s0+$0x1620];
	_ =	sdelay $0x4  }
0x180: {  	[tilespmem:s11+$0xFFFFFAA0] =	vst v0  }
0x181: {  	v0 =	vld [tilespmem:s0+$0x1630];
	_ =	sdelay $0x3  }
0x182: {  	s21 =	sshll.u32 s21, $0x7  }
0x183: {  	s0 =	sand.u32 $0x380, s21;
	[tilespmem:s11+$0xFFFFFAB0] =	vst v0  }
0x184: {  	v0 =	vld [tilespmem:s0+$0x1A00];
	_ =	sdelay $0x4  }
0x185: {  	[tilespmem:s11+$0xFFFFFB00] =	vst v0  }
0x186: {  	v0 =	vld [tilespmem:s0+$0x1A10];
	_ =	sdelay $0x4  }
0x187: {  	[tilespmem:s11+$0xFFFFFB10] =	vst v0  }
0x188: {  	v0 =	vld [tilespmem:s0+$0x1A20];
	_ =	sdelay $0x4  }
0x189: {  	[tilespmem:s11+$0xFFFFFB20] =	vst v0  }
0x18a: {  	v0 =	vld [tilespmem:s0+$0x1A30];
	_ =	sdelay $0x3  }
0x18b: {  	s23 =	sshll.u32 s23, $0x7  }
0x18c: {  	s0 =	sand.u32 $0x380, s23;
	[tilespmem:s11+$0xFFFFFB30] =	vst v0  }
0x18d: {  	v0 =	vld [tilespmem:s0+$0x1E00];
	_ =	sdelay $0x4  }
0x18e: {  	[tilespmem:s11+$0xFFFFFB80] =	vst v0  }
0x18f: {  	v0 =	vld [tilespmem:s0+$0x1E10];
	_ =	sdelay $0x4  }
0x190: {  	[tilespmem:s11+$0xFFFFFB90] =	vst v0  }
0x191: {  	v0 =	vld [tilespmem:s0+$0x1E20];
	_ =	sdelay $0x4  }
0x192: {  	[tilespmem:s11+$0xFFFFFBA0] =	vst v0  }
0x193: {  	v0 =	vld [tilespmem:s0+$0x1E30];
	_ =	sdelay $0x3  }
0x194: {  	s24 =	sshll.u32 s24, $0x7  }
0x195: {  	s0 =	sand.u32 $0x380, s24;
	[tilespmem:s11+$0xFFFFFBB0] =	vst v0  }
0x196: {  	v0 =	vld [tilespmem:s0+$0x2200];
	_ =	sdelay $0x4  }
0x197: {  	[tilespmem:s11+$0xFFFFFC00] =	vst v0  }
0x198: {  	v0 =	vld [tilespmem:s0+$0x2210];
	_ =	sdelay $0x4  }
0x199: {  	[tilespmem:s11+$0xFFFFFC10] =	vst v0  }
0x19a: {  	v0 =	vld [tilespmem:s0+$0x2220];
	_ =	sdelay $0x4  }
0x19b: {  	[tilespmem:s11+$0xFFFFFC20] =	vst v0  }
0x19c: {  	v0 =	vld [tilespmem:s0+$0x2230];
	_ =	sdelay $0x3  }
0x19d: {  	s25 =	sshll.u32 s25, $0x7  }
0x19e: {  	s0 =	sand.u32 $0x380, s25;
	[tilespmem:s11+$0xFFFFFC30] =	vst v0  }
0x19f: {  	v0 =	vld [tilespmem:s0+$0x2600];
	_ =	sdelay $0x4  }
0x1a0: {  	[tilespmem:s11+$0xFFFFFC80] =	vst v0  }
0x1a1: {  	v0 =	vld [tilespmem:s0+$0x2610];
	_ =	sdelay $0x4  }
0x1a2: {  	[tilespmem:s11+$0xFFFFFC90] =	vst v0  }
0x1a3: {  	v0 =	vld [tilespmem:s0+$0x2620];
	_ =	sdelay $0x4  }
0x1a4: {  	[tilespmem:s11+$0xFFFFFCA0] =	vst v0  }
0x1a5: {  	v0 =	vld [tilespmem:s0+$0x2630];
	_ =	sdelay $0x3  }
0x1a6: {  	s12 =	sshll.u32 s28, $0x7  }
0x1a7: {  	s0 =	sand.u32 $0x380, s12;
	[tilespmem:s11+$0xFFFFFCB0] =	vst v0  }
0x1a8: {  	v0 =	vld [tilespmem:s0+$0x2A00];
	_ =	sdelay $0x4  }
0x1a9: {  	[tilespmem:s11+$0xFFFFFD00] =	vst v0  }
0x1aa: {  	v0 =	vld [tilespmem:s0+$0x2A10];
	_ =	sdelay $0x4  }
0x1ab: {  	[tilespmem:s11+$0xFFFFFD10] =	vst v0  }
0x1ac: {  	v0 =	vld [tilespmem:s0+$0x2A20];
	_ =	sdelay $0x4  }
0x1ad: {  	[tilespmem:s11+$0xFFFFFD20] =	vst v0  }
0x1ae: {  	v0 =	vld [tilespmem:s0+$0x2A30];
	_ =	sdelay $0x3  }
0x1af: {  	s21 =	sshll.u32 s29, $0x7  }
0x1b0: {  	s0 =	sand.u32 $0x380, s21;
	[tilespmem:s11+$0xFFFFFD30] =	vst v0  }
0x1b1: {  	v0 =	vld [tilespmem:s0+$0x2E00];
	_ =	sdelay $0x4  }
0x1b2: {  	[tilespmem:s11+$0xFFFFFD80] =	vst v0  }
0x1b3: {  	v0 =	vld [tilespmem:s0+$0x2E10];
	_ =	sdelay $0x4  }
0x1b4: {  	[tilespmem:s11+$0xFFFFFD90] =	vst v0  }
0x1b5: {  	v0 =	vld [tilespmem:s0+$0x2E20];
	_ =	sdelay $0x4  }
0x1b6: {  	[tilespmem:s11+$0xFFFFFDA0] =	vst v0  }
0x1b7: {  	v0 =	vld [tilespmem:s0+$0x2E30];
	_ =	sdelay $0x3  }
0x1b8: {  	s23 =	sshll.u32 s26, $0x7  }
0x1b9: {  	s0 =	sand.u32 $0x380, s23;
	[tilespmem:s11+$0xFFFFFDB0] =	vst v0  }
0x1ba: {  	v0 =	vld [tilespmem:s0+$0x3200];
	_ =	sdelay $0x4  }
0x1bb: {  	[tilespmem:s11+$0xFFFFFE00] =	vst v0  }
0x1bc: {  	v0 =	vld [tilespmem:s0+$0x3210];
	_ =	sdelay $0x4  }
0x1bd: {  	[tilespmem:s11+$0xFFFFFE10] =	vst v0  }
0x1be: {  	v0 =	vld [tilespmem:s0+$0x3220];
	_ =	sdelay $0x4  }
0x1bf: {  	[tilespmem:s11+$0xFFFFFE20] =	vst v0  }
0x1c0: {  	v0 =	vld [tilespmem:s0+$0x3230];
	_ =	sdelay $0x3  }
0x1c1: {  	s24 =	sshll.u32 s22, $0x7  }
0x1c2: {  	s0 =	sand.u32 $0x380, s24;
	[tilespmem:s11+$0xFFFFFE30] =	vst v0  }
0x1c3: {  	v0 =	vld [tilespmem:s0+$0x3600];
	_ =	sdelay $0x4  }
0x1c4: {  	[tilespmem:s11+$0xFFFFFE80] =	vst v0  }
0x1c5: {  	v0 =	vld [tilespmem:s0+$0x3610];
	_ =	sdelay $0x4  }
0x1c6: {  	[tilespmem:s11+$0xFFFFFE90] =	vst v0  }
0x1c7: {  	v0 =	vld [tilespmem:s0+$0x3620];
	_ =	sdelay $0x4  }
0x1c8: {  	[tilespmem:s11+$0xFFFFFEA0] =	vst v0  }
0x1c9: {  	v0 =	vld [tilespmem:s0+$0x3630]  }
0x1ca: {  	s25 =	sld [smem:$0x7F5];
	_ =	sdelay $0x2  }
0x1cb: {  	s0 =	sshll.u32 s25, $0x7  }
0x1cc: {  	s0 =	sand.u32 $0x380, s0;
	[tilespmem:s11+$0xFFFFFEB0] =	vst v0  }
0x1cd: {  	v0 =	vld [tilespmem:s0+$0x3A00];
	_ =	sdelay $0x4  }
0x1ce: {  	[tilespmem:s11+$0xFFFFFF00] =	vst v0  }
0x1cf: {  	v0 =	vld [tilespmem:s0+$0x3A10];
	_ =	sdelay $0x4  }
0x1d0: {  	[tilespmem:s11+$0xFFFFFF10] =	vst v0  }
0x1d1: {  	v0 =	vld [tilespmem:s0+$0x3A20];
	_ =	sdelay $0x4  }
0x1d2: {  	[tilespmem:s11+$0xFFFFFF20] =	vst v0  }
0x1d3: {  	v0 =	vld [tilespmem:s0+$0x3A30]  }
0x1d4: {  	s26 =	sld [smem:$0x7F6];
	_ =	sdelay $0x2  }
0x1d5: {  	s0 =	sshll.u32 s26, $0x7  }
0x1d6: {  	s0 =	sand.u32 $0x380, s0;
	[tilespmem:s11+$0xFFFFFF30] =	vst v0  }
0x1d7: {  	v0 =	vld [tilespmem:s0+$0x3E00];
	_ =	sdelay $0x4  }
0x1d8: {  	[tilespmem:s11+$0xFFFFFF80] =	vst v0  }
0x1d9: {  	v0 =	vld [tilespmem:s0+$0x3E10];
	_ =	sdelay $0x4  }
0x1da: {  	[tilespmem:s11+$0xFFFFFF90] =	vst v0  }
0x1db: {  	v0 =	vld [tilespmem:s0+$0x3E20];
	_ =	sdelay $0x4  }
0x1dc: {  	[tilespmem:s11+$0xFFFFFFA0] =	vst v0  }
0x1dd: {  	v0 =	vld [tilespmem:s0+$0x3E30];
	_ =	sdelay $0x3  }
0x1de: {  	s28 =	sshll.u32 s31, $0x7  }
0x1df: {  	s0 =	sand.u32 $0x380, s28;
	[tilespmem:s11+$0xFFFFFFB0] =	vst v0  }
0x1e0: {  	v0 =	vld [tilespmem:s0+$0x4200];
	_ =	sdelay $0x4  }
0x1e1: {  	[tilespmem:s11+$0x0] =	vst v0  }
0x1e2: {  	v0 =	vld [tilespmem:s0+$0x4210];
	_ =	sdelay $0x4  }
0x1e3: {  	[tilespmem:s11+$0x10] =	vst v0  }
0x1e4: {  	v0 =	vld [tilespmem:s0+$0x4220];
	_ =	sdelay $0x4  }
0x1e5: {  	[tilespmem:s11+$0x20] =	vst v0  }
0x1e6: {  	v0 =	vld [tilespmem:s0+$0x4230];
	_ =	sdelay $0x3  }
0x1e7: {  	s29 =	sshll.u32 s19, $0x7  }
0x1e8: {  	s0 =	sand.u32 $0x380, s29;
	[tilespmem:s11+$0x30] =	vst v0  }
0x1e9: {  	v0 =	vld [tilespmem:s0+$0x4600];
	_ =	sdelay $0x4  }
0x1ea: {  	[tilespmem:s11+$0x80] =	vst v0  }
0x1eb: {  	v0 =	vld [tilespmem:s0+$0x4610];
	_ =	sdelay $0x4  }
0x1ec: {  	[tilespmem:s11+$0x90] =	vst v0  }
0x1ed: {  	v0 =	vld [tilespmem:s0+$0x4620];
	_ =	sdelay $0x4  }
0x1ee: {  	[tilespmem:s11+$0xA0] =	vst v0  }
0x1ef: {  	v0 =	vld [tilespmem:s0+$0x4630];
	_ =	sdelay $0x3  }
0x1f0: {  	s31 =	sshll.u32 s18, $0x7  }
0x1f1: {  	s0 =	sand.u32 $0x380, s31;
	[tilespmem:s11+$0xB0] =	vst v0  }
0x1f2: {  	v0 =	vld [tilespmem:s0+$0x4A00];
	_ =	sdelay $0x4  }
0x1f3: {  	[tilespmem:s11+$0x100] =	vst v0  }
0x1f4: {  	v0 =	vld [tilespmem:s0+$0x4A10];
	_ =	sdelay $0x4  }
0x1f5: {  	[tilespmem:s11+$0x110] =	vst v0  }
0x1f6: {  	v0 =	vld [tilespmem:s0+$0x4A20];
	_ =	sdelay $0x4  }
0x1f7: {  	[tilespmem:s11+$0x120] =	vst v0  }
0x1f8: {  	v0 =	vld [tilespmem:s0+$0x4A30];
	_ =	sdelay $0x3  }
0x1f9: {  	s12 =	sshll.u32 s17, $0x7  }
0x1fa: {  	s0 =	sand.u32 $0x380, s12;
	[tilespmem:s11+$0x130] =	vst v0  }
0x1fb: {  	v0 =	vld [tilespmem:s0+$0x4E00];
	_ =	sdelay $0x4  }
0x1fc: {  	[tilespmem:s11+$0x180] =	vst v0  }
0x1fd: {  	v0 =	vld [tilespmem:s0+$0x4E10];
	_ =	sdelay $0x4  }
0x1fe: {  	[tilespmem:s11+$0x190] =	vst v0  }
0x1ff: {  	v0 =	vld [tilespmem:s0+$0x4E20];
	_ =	sdelay $0x4  }
0x200: {  	[tilespmem:s11+$0x1A0] =	vst v0  }
0x201: {  	v0 =	vld [tilespmem:s0+$0x4E30];
	_ =	sdelay $0x3  }
0x202: {  	s17 =	sshll.u32 s15, $0x7  }
0x203: {  	s0 =	sand.u32 $0x380, s17;
	[tilespmem:s11+$0x1B0] =	vst v0  }
0x204: {  	v0 =	vld [tilespmem:s0+$0x5200];
	_ =	sdelay $0x4  }
0x205: {  	[tilespmem:s11+$0x200] =	vst v0  }
0x206: {  	v0 =	vld [tilespmem:s0+$0x5210];
	_ =	sdelay $0x4  }
0x207: {  	[tilespmem:s11+$0x210] =	vst v0  }
0x208: {  	v0 =	vld [tilespmem:s0+$0x5220];
	_ =	sdelay $0x4  }
0x209: {  	[tilespmem:s11+$0x220] =	vst v0  }
0x20a: {  	v0 =	vld [tilespmem:s0+$0x5230];
	_ =	sdelay $0x3  }
0x20b: {  	s18 =	sshll.u32 s14, $0x7  }
0x20c: {  	s0 =	sand.u32 $0x380, s18;
	[tilespmem:s11+$0x230] =	vst v0  }
0x20d: {  	v0 =	vld [tilespmem:s0+$0x5600];
	_ =	sdelay $0x4  }
0x20e: {  	[tilespmem:s11+$0x280] =	vst v0  }
0x20f: {  	v0 =	vld [tilespmem:s0+$0x5610];
	_ =	sdelay $0x4  }
0x210: {  	[tilespmem:s11+$0x290] =	vst v0  }
0x211: {  	v0 =	vld [tilespmem:s0+$0x5620];
	_ =	sdelay $0x4  }
0x212: {  	[tilespmem:s11+$0x2A0] =	vst v0  }
0x213: {  	v0 =	vld [tilespmem:s0+$0x5630];
	_ =	sdelay $0x3  }
0x214: {  	s19 =	sshll.u32 s13, $0x7  }
0x215: {  	s0 =	sand.u32 $0x380, s19;
	[tilespmem:s11+$0x2B0] =	vst v0  }
0x216: {  	v0 =	vld [tilespmem:s0+$0x5A00];
	_ =	sdelay $0x4  }
0x217: {  	[tilespmem:s11+$0x300] =	vst v0  }
0x218: {  	v0 =	vld [tilespmem:s0+$0x5A10];
	_ =	sdelay $0x4  }
0x219: {  	[tilespmem:s11+$0x310] =	vst v0  }
0x21a: {  	v0 =	vld [tilespmem:s0+$0x5A20];
	_ =	sdelay $0x4  }
0x21b: {  	[tilespmem:s11+$0x320] =	vst v0  }
0x21c: {  	v0 =	vld [tilespmem:s0+$0x5A30];
	_ =	sdelay $0x3  }
0x21d: {  	s21 =	sshll.u32 s9, $0x7  }
0x21e: {  	s0 =	sand.u32 $0x380, s21;
	[tilespmem:s11+$0x330] =	vst v0  }
0x21f: {  	v0 =	vld [tilespmem:s0+$0x5E00];
	_ =	sdelay $0x4  }
0x220: {  	[tilespmem:s11+$0x380] =	vst v0  }
0x221: {  	v0 =	vld [tilespmem:s0+$0x5E10];
	_ =	sdelay $0x4  }
0x222: {  	[tilespmem:s11+$0x390] =	vst v0  }
0x223: {  	v0 =	vld [tilespmem:s0+$0x5E20];
	_ =	sdelay $0x4  }
0x224: {  	[tilespmem:s11+$0x3A0] =	vst v0  }
0x225: {  	v0 =	vld [tilespmem:s0+$0x5E30];
	_ =	sdelay $0x3  }
0x226: {  	s22 =	sshll.u32 s7, $0x7  }
0x227: {  	s0 =	sand.u32 $0x380, s22;
	[tilespmem:s11+$0x3B0] =	vst v0  }
0x228: {  	v0 =	vld [tilespmem:s0+$0x6200];
	_ =	sdelay $0x4  }
0x229: {  	[tilespmem:s11+$0x400] =	vst v0  }
0x22a: {  	v0 =	vld [tilespmem:s0+$0x6210];
	_ =	sdelay $0x4  }
0x22b: {  	[tilespmem:s11+$0x410] =	vst v0  }
0x22c: {  	v0 =	vld [tilespmem:s0+$0x6220];
	_ =	sdelay $0x4  }
0x22d: {  	[tilespmem:s11+$0x420] =	vst v0  }
0x22e: {  	v0 =	vld [tilespmem:s0+$0x6230];
	_ =	sdelay $0x3  }
0x22f: {  	s23 =	sshll.u32 s6, $0x7  }
0x230: {  	s0 =	sand.u32 $0x380, s23;
	[tilespmem:s11+$0x430] =	vst v0  }
0x231: {  	v0 =	vld [tilespmem:s0+$0x6600];
	_ =	sdelay $0x4  }
0x232: {  	[tilespmem:s11+$0x480] =	vst v0  }
0x233: {  	v0 =	vld [tilespmem:s0+$0x6610];
	_ =	sdelay $0x4  }
0x234: {  	[tilespmem:s11+$0x490] =	vst v0  }
0x235: {  	v0 =	vld [tilespmem:s0+$0x6620];
	_ =	sdelay $0x4  }
0x236: {  	[tilespmem:s11+$0x4A0] =	vst v0  }
0x237: {  	v0 =	vld [tilespmem:s0+$0x6630];
	_ =	sdelay $0x3  }
0x238: {  	s24 =	sshll.u32 s5, $0x7  }
0x239: {  	s0 =	sand.u32 $0x380, s24;
	[tilespmem:s11+$0x4B0] =	vst v0  }
0x23a: {  	v0 =	vld [tilespmem:s0+$0x6A00];
	_ =	sdelay $0x4  }
0x23b: {  	[tilespmem:s11+$0x500] =	vst v0  }
0x23c: {  	v0 =	vld [tilespmem:s0+$0x6A10];
	_ =	sdelay $0x4  }
0x23d: {  	[tilespmem:s11+$0x510] =	vst v0  }
0x23e: {  	v0 =	vld [tilespmem:s0+$0x6A20];
	_ =	sdelay $0x4  }
0x23f: {  	[tilespmem:s11+$0x520] =	vst v0  }
0x240: {  	v0 =	vld [tilespmem:s0+$0x6A30];
	_ =	sdelay $0x3  }
0x241: {  	s25 =	sshll.u32 s3, $0x7  }
0x242: {  	s0 =	sand.u32 $0x380, s25;
	[tilespmem:s11+$0x530] =	vst v0  }
0x243: {  	v0 =	vld [tilespmem:s0+$0x6E00];
	_ =	sdelay $0x4  }
0x244: {  	[tilespmem:s11+$0x580] =	vst v0  }
0x245: {  	v0 =	vld [tilespmem:s0+$0x6E10];
	_ =	sdelay $0x4  }
0x246: {  	[tilespmem:s11+$0x590] =	vst v0  }
0x247: {  	v0 =	vld [tilespmem:s0+$0x6E20];
	_ =	sdelay $0x4  }
0x248: {  	[tilespmem:s11+$0x5A0] =	vst v0  }
0x249: {  	v0 =	vld [tilespmem:s0+$0x6E30];
	_ =	sdelay $0x3  }
0x24a: {  	s26 =	sshll.u32 s4, $0x7  }
0x24b: {  	s0 =	sand.u32 $0x380, s26;
	[tilespmem:s11+$0x5B0] =	vst v0  }
0x24c: {  	v0 =	vld [tilespmem:s0+$0x7200];
	_ =	sdelay $0x4  }
0x24d: {  	[tilespmem:s11+$0x600] =	vst v0  }
0x24e: {  	v0 =	vld [tilespmem:s0+$0x7210];
	_ =	sdelay $0x4  }
0x24f: {  	[tilespmem:s11+$0x610] =	vst v0  }
0x250: {  	v0 =	vld [tilespmem:s0+$0x7220];
	_ =	sdelay $0x4  }
0x251: {  	[tilespmem:s11+$0x620] =	vst v0  }
0x252: {  	v0 =	vld [tilespmem:s0+$0x7230];
	_ =	sdelay $0x3  }
0x253: {  	s28 =	sshll.u32 s10, $0x7  }
0x254: {  	s0 =	sand.u32 $0x380, s28;
	[tilespmem:s11+$0x630] =	vst v0  }
0x255: {  	v0 =	vld [tilespmem:s0+$0x7600];
	_ =	sdelay $0x4  }
0x256: {  	[tilespmem:s11+$0x680] =	vst v0  }
0x257: {  	v0 =	vld [tilespmem:s0+$0x7610];
	_ =	sdelay $0x4  }
0x258: {  	[tilespmem:s11+$0x690] =	vst v0  }
0x259: {  	v0 =	vld [tilespmem:s0+$0x7620];
	_ =	sdelay $0x4  }
0x25a: {  	[tilespmem:s11+$0x6A0] =	vst v0  }
0x25b: {  	v0 =	vld [tilespmem:s0+$0x7630];
	_ =	sdelay $0x3  }
0x25c: {  	s29 =	sshll.u32 s16, $0x7  }
0x25d: {  	s0 =	sand.u32 $0x380, s29;
	[tilespmem:s11+$0x6B0] =	vst v0  }
0x25e: {  	v0 =	vld [tilespmem:s0+$0x7A00];
	_ =	sdelay $0x4  }
0x25f: {  	[tilespmem:s11+$0x700] =	vst v0  }
0x260: {  	v0 =	vld [tilespmem:s0+$0x7A10];
	_ =	sdelay $0x4  }
0x261: {  	[tilespmem:s11+$0x710] =	vst v0  }
0x262: {  	v0 =	vld [tilespmem:s0+$0x7A20];
	_ =	sdelay $0x4  }
0x263: {  	[tilespmem:s11+$0x720] =	vst v0  }
0x264: {  	v0 =	vld [tilespmem:s0+$0x7A30];
	_ =	sdelay $0x3  }
0x265: {  	s31 =	sshll.u32 s30, $0x7  }
0x266: {  	s0 =	sand.u32 $0x380, s31;
	[tilespmem:s11+$0x730] =	vst v0  }
0x267: {  	v0 =	vld [tilespmem:s0+$0x7E00];
	_ =	sdelay $0x4  }
0x268: {  	[tilespmem:s11+$0x780] =	vst v0  }
0x269: {  	v0 =	vld [tilespmem:s0+$0x7E10];
	_ =	sdelay $0x4  }
0x26a: {  	[tilespmem:s11+$0x790] =	vst v0  }
0x26b: {  	v0 =	vld [tilespmem:s0+$0x7E20];
	_ =	sdelay $0x4  }
0x26c: {  	[tilespmem:s11+$0x7A0] =	vst v0  }
0x26d: {  	p0 =	sne.s32 s20, $0x780;
	v0 =	vld [tilespmem:s0+$0x7E30]  }
.Ltmp0:
0x26e: {  	_ = 	snop;
	(pc) =	sbr.rel @p0 .LBB2_2-.Ltmp0, $2  }
0x26f: {  	_ =	sdelay $0x2  }
0x270: {  	s20 =	sadd.s32 $0x80, s20;
	[tilespmem:s11+$0x7B0] =	vst v0;
	s11 =	sadd.s32 $0x1000, s11  }
0x271: {  	s0 =	sld [smem:$0x7FA];
	_ =	sdelay $0x1  }
0x272: {  	s3 =	simm.s32 $0x8200  }
0x273: {  	[hbm4b:s0+s1] =	stream.linear.scatter [tilespmem:s3], [sflag:$0x2], $0x10000, $0x38;
	[tilespmem:$0x18200] =	vst v63  }
0x274: {  	s3 =	simm.s32 $0x2  }
0x275: {  	_ =	swait.ge [sflag:s3], $0x10000  }
0x276: {  	s4 =	sld [smem:$0x7F7]  }
0x277: {  	s31 =	sld [smem:$0x7FC];
	_ =	sdelay $0x1  }
0x278: {  	s4 =	sadd.s32 $0x1, s4  }
0x279: {  	p0 =	sne.s32 s4, s31  }
.Ltmp1:
0x27a: {  	_ = 	snop;
	(pc) =	sbr.rel @p0 .LBB2_1-.Ltmp1, $3  }
0x27b: {  	_ =	sdelay $0x1  }
0x27c: {  	[sflag:s3] =	ssyncset.done $0x0  }
0x27d: {  	[sflag:s3] =	ssyncadd.s32 $0xFFFF0000  }
0x27e: {  	_ =	sfence.sel $0x180000  }
0x27f: {  	[bflag:$0x0] =	sbarrier.arrive $0xFFFF  }
0x280: {  	_ =	strace $0x9000004A  }
0x281: {  	s0 =	stileid.u32;
	[bflag:$0x2] =	sbarrier.arrive $0xFFFF  }
0x282: {  	p0 =	sne.s32 s0, $0x0;
	s0 =	rddreg [dreg:$0x2]  }
0x283: {  	s0 =	sadd.s32 @!p0 $0x100000, s0  }
0x284: {  	[sflag:s0] =	ssyncadd.tile.s32 @!p0 $0x1;
	_ =	shalt  }
.Lfunc_end2:
_tile_overlayer_lowered:
.L_overlay_start_2:
0x285: {  	(tag) =	ssettag $0x2  }
0x286: {  	s0 =	rddreg [dreg:$0x0];
	s2 =	stileid.u32  }
0x287: {  	s1 =	rddreg [dreg:$0x1];
	p0 =	sne.s32 s2, $0x0  }
0x288: {  	s3 =	rddreg [dreg:$0x2];
	[bflag:$0x3] =	sbarrier.arrive $0xFFFF;
	s2 =	simm.s32 @!p0 $0x1C02  }
0x289: {  	[timem:s3], [sflag:s2] =	dma.local @!p0 [hbm:s0], s1  }
0x28a: {  	s0 =	simm.s32 @!p0 $0x2  }
0x28b: {  	_ =	swait.ge @!p0 [sflag:s0], s1  }
0x28c: {  	s1 =	ssub.s32 @!p0 $0x0, s1;
	[sflag:s0] =	ssyncset.done @!p0 $0x0  }
0x28d: {  	[sflag:s0] =	ssyncadd.s32 @!p0 s1  }
0x28e: {  	[bflag:$0x3] =	sbarrier.arrive $0xFFFF  }
0x28f: {  	_ =	shalt  }

</sc_bundles>
